<compile_context>
chip_gen: v7x
topology: tpu7x:2x2x1
jax: 0.10.2.dev20260603
libtpu: 0.0.44.dev20260713+nightly
codegen_flags: <defaults>
</compile_context>

<pallas_src>
import functools

import jax
import jax.numpy as jnp
from jax import lax
from jax.experimental import pallas as pl
from jax.experimental.pallas import tpu as pltpu
from jax.experimental.pallas import tpu_sc as plsc

N = 320000
F = 128
P = 10000
PP = 10240
NC = 2
NT = 16
NW = NC * NT
RPW = N // NW
CR = 80
NCHUNK = RPW // CR
GR = CR // 16
TPP = PP // NT
L = 16


def _g16(x, idx):
    return jnp.take_along_axis(x, idx, axis=0, mode="promise_in_bounds")


def _sc_body(i_hbm, w_hbm, out_hbm, xbuf, xbuf1, w_s, c_loc,
             shared, mbuf, res_v, sem0, sem1):
    cid = lax.axis_index("c")
    sid = lax.axis_index("s")
    wid = sid * NC + cid
    pltpu.sync_copy(w_hbm, w_s)

    zeros16 = jnp.zeros((L,), jnp.float32)

    def zero_body(k, c):
        c_loc[pl.ds(k * L, L)] = zeros16
        return c

    lax.fori_loop(0, PP // L, zero_body, 0)


    iota = lax.broadcasted_iota(jnp.int32, (L,), 0)
    nxt = jnp.minimum(iota + 1, L - 1)
    shift_idx = [jnp.maximum(iota - d, 0) for d in (1, 2, 4, 8)]
    last = iota == (L - 1)
    zcol = jnp.zeros((L,), jnp.int32)
    lane = [jnp.full((L,), k, jnp.int32) for k in range(L)]
    wv = [w_s[pl.ds(j * L, L)] for j in range(9)]
    bias = _g16(w_s[pl.ds(144, L)], zcol)
    w127 = _g16(wv[8], zcol)
    lane128 = zcol + (F + 1 - 1)
    row0 = wid * RPW

    def _start(ck, buf, sem):
        pltpu.async_copy(i_hbm.at[pl.ds(row0 + ck * CR, CR), :], buf, sem)

    def _wait(ck, buf, sem):
        pltpu.make_async_copy(
            i_hbm.at[pl.ds(row0 + ck * CR, CR), :], buf, sem
        ).wait()

    def _consume(ck, buf):
        def group_body(g, c2):
            segf = plsc.load_gather(buf, [g * L + iota, zcol])
            s = segf.astype(jnp.int32)
            v = jnp.zeros((L,), jnp.float32)
            for t in range(L):
                row = g * L + t
                prods = [buf[row, pl.ds(L * j, L)] * wv[j]
                         for j in range(8)]
                p0 = (prods[0] + prods[1]) + (prods[2] + prods[3])
                p1 = (prods[4] + prods[5]) + (prods[6] + prods[7])
                tot = p0 + p1
                for idx in shift_idx:
                    tot = tot + _g16(tot, idx)
                v = jnp.where(iota == t, _g16(tot, lane[L - 1]), v)
            rows = g * L + iota
            x127 = plsc.load_gather(buf, [rows, lane128])
            v = jnp.maximum(v + x127 * w127 + bias, 0.0)
            for idx in shift_idx:
                sv = _g16(v, idx)
                ss = _g16(s, idx)
                v = jnp.where(ss == s, jnp.maximum(v, sv), v)
            m = (s != _g16(s, nxt)) | last
            old = plsc.load_gather(c_loc, [s], mask=m)
            plsc.store_scatter(c_loc, [s], jnp.maximum(old, v), mask=m)
            return c2

        lax.fori_loop(0, GR, group_body, 0)

    _start(0, xbuf, sem0)

    def pair_body(m, carry):
        _start(2 * m + 1, xbuf1, sem1)
        _wait(2 * m, xbuf, sem0)
        _consume(2 * m, xbuf)
        _start(2 * m + 2, xbuf, sem0)
        _wait(2 * m + 1, xbuf1, sem1)
        _consume(2 * m + 1, xbuf1)
        return carry

    lax.fori_loop(0, (NCHUNK - 1) // 2, pair_body, 0)
    _wait(NCHUNK - 1, xbuf, sem0)
    _consume(NCHUNK - 1, xbuf)

    pltpu.sync_copy(c_loc, shared.at[sid])
    plsc.subcore_barrier()
    pltpu.sync_copy(shared.at[:, pl.ds(sid * TPP, TPP)], mbuf)

    def merge_body(j, c):
        acc = mbuf[0, pl.ds(j * L, L)]
        for t in range(1, NT):
            acc = jnp.maximum(acc, mbuf[t, pl.ds(j * L, L)])
        res_v[pl.ds(j * L, L)] = acc
        return c

    lax.fori_loop(0, TPP // L, merge_body, 0)
    pltpu.sync_copy(res_v, out_hbm.at[cid, pl.ds(sid * TPP, TPP)])


_sc_segmax = functools.partial(
    pl.kernel,
    out_type=jax.ShapeDtypeStruct((NC, PP), jnp.float32),
    mesh=plsc.VectorSubcoreMesh(core_axis_name="c", subcore_axis_name="s"),
    compiler_params=pltpu.CompilerParams(
        needs_layout_passes=False, use_tc_tiling_on_sc=True),
    scratch_types=[
        pltpu.VMEM((CR, F + 1), jnp.float32),
        pltpu.VMEM((CR, F + 1), jnp.float32),
        pltpu.VMEM((160,), jnp.float32),
        pltpu.VMEM((PP,), jnp.float32),
        pltpu.VMEM_SHARED((NT, PP), jnp.float32),
        pltpu.VMEM((NT, TPP), jnp.float32),
        pltpu.VMEM((TPP,), jnp.float32),
        pltpu.SemaphoreType.DMA,
        pltpu.SemaphoreType.DMA,
    ],
)(_sc_body)



def _merge_body(a_ref, p_ref, o_ref):
    mx = jnp.max(a_ref[...], axis=0, keepdims=True)
    idx = lax.broadcasted_iota(jnp.int32, (1, PP), 1)
    o_ref[...] = jnp.where(idx < p_ref[0], mx, 0.0)


def _tc_merge(parts, p):
    return pl.pallas_call(
        _merge_body,
        in_specs=[
            pl.BlockSpec(memory_space=pltpu.VMEM),
            pl.BlockSpec(memory_space=pltpu.SMEM),
        ],
        out_specs=pl.BlockSpec(memory_space=pltpu.VMEM),
        out_shape=jax.ShapeDtypeStruct((1, PP), jnp.float32),
    )(parts, p)


def kernel(_, i, p, W, b):
    w_all = jnp.concatenate([
        jnp.zeros((1,), jnp.float32), W.reshape(F),
        jnp.zeros((15,), jnp.float32), b, jnp.zeros((15,), jnp.float32),
    ])
    parts = _sc_segmax(i, w_all)
    p_arr = jnp.asarray(p, jnp.int32).reshape(1)
    c = _tc_merge(parts, p_arr)
    return c[0, :P]

# --- scband reference (transcript-rebuilt; emitter-appended) ---
"""Pipeline reference for scband-mini-nn-29944511988290 (READ-ONLY COPY).

The authoritative reference and input builder live on the scoring server;
editing this copy changes nothing except your own understanding.
"""

import jax, jax.numpy as jnp
import numpy as np

N = 320000
F = 128
P = 10000


def setup_inputs(seed: int = 0) -> dict:
    key = jax.random.key(seed)
    kf, ks, kw = jax.random.split(key, 3)
    feats = jax.random.normal(kf, (N, F), dtype=jnp.float32)
    seg = jnp.sort(jax.random.randint(ks, (N,), 0, P)).astype(jnp.float32)
    # column 0 = segment id, columns 1: = features (matches x[0], x[1:] in torch loop)
    i = jnp.concatenate([seg[:, None], feats], axis=1)
    W = jax.random.normal(kw, (F, 1), dtype=jnp.float32) * 0.05
    b = jnp.zeros((1,), dtype=jnp.float32)
    return {"_": jnp.zeros((1,), dtype=jnp.float32), "i": i, "p": P, "W": W, "b": b}


def reference(_, i, p, W, b):
    # Faithful vectorization of the torch loop:
    #   c = zeros(p); for each row: t = x[0]; r = Linear(x[1:]); if r >= c[t]: c[t] = r
    # Since c starts at 0 and only ever increases via >=, the final value is
    #   c[t] = max(0, max_{rows with seg==t} r)
    # which is exactly a scatter-max into a zero-initialized buffer.
    seg = i[:, 0].astype(jnp.int32)
    d = i[:, 1:]
    r = (d @ W + b)[:, 0]  # per-row scalar from nn.Linear(num_feature, 1)
    c = jnp.zeros((P,), dtype=i.dtype).at[seg].max(r)
    c = jnp.where(jnp.arange(P) < p, c, jnp.zeros((), dtype=i.dtype))
    return c

if __name__ == "__main__":
    import jax
    _d = setup_inputs()
    print(jax.jit(kernel)(*tuple(_d.values())))

</pallas_src>

<mosaic_0001>
#map = affine_map<(d0, d1) -> (0, 0)>
#map1 = affine_map<(d0, d1) -> (0)>
module attributes {stable_mosaic.version = 14 : i64} {
  func.func @_sc_body(%arg0: i32, %arg1: i32, %arg2: memref<320000x129xf32, #tpu.memory_space<hbm>>, %arg3: memref<160xf32, #tpu.memory_space<hbm>>, %arg4: memref<2x10240xf32, #tpu.memory_space<hbm>>, %arg5: memref<80x129xf32, #tpu.memory_space<vmem>>, %arg6: memref<80x129xf32, #tpu.memory_space<vmem>>, %arg7: memref<160xf32, #tpu.memory_space<vmem>>, %arg8: memref<10240xf32, #tpu.memory_space<vmem>>, %arg9: memref<16x10240xf32, #tpu.memory_space<vmem_shared>>, %arg10: memref<16x640xf32, #tpu.memory_space<vmem>>, %arg11: memref<640xf32, #tpu.memory_space<vmem>>, %arg12: memref<!tpu.dma_semaphore, #tpu.memory_space<semaphore_mem>>, %arg13: memref<!tpu.dma_semaphore, #tpu.memory_space<semaphore_mem>>) attributes {dimension_semantics = [#tpu.dimension_semantics<core_parallel>, #tpu.dimension_semantics<subcore_parallel>], iteration_bounds = array<i64: 2, 16>, scalar_prefetch = 0 : i64, scratch_operands = 9 : i64, tpu.core_type = #tpu.core_type<sc_vector_subcore>, window_params = [{transform_indices = #map}, {transform_indices = #map1}, {transform_indices = #map}]} {
    %mul3A = arith.constant 2 : i32
    %mul3A_0 = arith.muli %arg1, %mul3A : i32
    %add3A = arith.addi %mul3A_0, %arg0 : i32
    "tpu.region"() ({
      %run_scoped3A = tpu.sem_alloc : memref<!tpu.dma_semaphore, #tpu.memory_space<semaphore_mem>>
      tpu.enqueue_dma source(%arg3 : memref<160xf32, #tpu.memory_space<hbm>>) target(%arg7 : memref<160xf32, #tpu.memory_space<vmem>>) target_semaphore(%run_scoped3A : memref<!tpu.dma_semaphore, #tpu.memory_space<semaphore_mem>>)
      tpu.wait_dma2 semaphore(%run_scoped3A : memref<!tpu.dma_semaphore, #tpu.memory_space<semaphore_mem>>) src(%arg3 : memref<160xf32, #tpu.memory_space<hbm>>) dst(%arg7 : memref<160xf32, #tpu.memory_space<vmem>>)
      tpu.yield
    }) : () -> ()
    %broadcast_in_dim3A = arith.constant 0.000000e+00 : f32
    %broadcast_in_dim3A_1 = vector.broadcast %broadcast_in_dim3A : f32 to vector<16xf32>
    %scan3A = arith.constant 0 : i32
    %scan3A_2 = arith.constant 0 : i32
    %scan3A_3 = arith.constant 640 : i32
    %scan3A_4 = arith.addi %scan3A_2, %scan3A_3 : i32
    %scan3A_5 = arith.constant 1 : i32
    scf.for %scan3A_130 = %scan3A_2 to %scan3A_4 step %scan3A_5  : i32 {
      %mul3A_131 = arith.constant 16 : i32
      %mul3A_132 = arith.muli %scan3A_130, %mul3A_131 : i32
      %swap3A = arith.index_cast %mul3A_132 : i32 to index
      %swap3A_133 = tpu.vector_load %arg8[%swap3A] {strides = array<i32>} : memref<10240xf32, #tpu.memory_space<vmem>>, vector<16xf32>,
      tpu.vector_store %arg8[%swap3A], %broadcast_in_dim3A_1 {strides = array<i32>} : memref<10240xf32, #tpu.memory_space<vmem>>, vector<16xf32>,
    }
    %scan3A_6 = arith.constant 640 : i32
    %iota3A = tpu.iota {dimensions = array<i32: 0>} : vector<16xi32>
    %add3A_7 = arith.constant 1 : i32
    %add3A_8 = vector.broadcast %add3A_7 : i32 to vector<16xi32>
    %add3A_9 = arith.addi %iota3A, %add3A_8 : vector<16xi32>
    %min3A = arith.constant 15 : i32
    %min3A_10 = vector.broadcast %min3A : i32 to vector<16xi32>
    %min3A_11 = arith.minsi %add3A_9, %min3A_10 : vector<16xi32>
    %sub3A = arith.constant 1 : i32
    %sub3A_12 = vector.broadcast %sub3A : i32 to vector<16xi32>
    %sub3A_13 = arith.subi %iota3A, %sub3A_12 : vector<16xi32>
    %max3A = arith.constant 0 : i32
    %max3A_14 = vector.broadcast %max3A : i32 to vector<16xi32>
    %max3A_15 = arith.maxsi %sub3A_13, %max3A_14 : vector<16xi32>
    %sub3A_16 = arith.constant 2 : i32
    %sub3A_17 = vector.broadcast %sub3A_16 : i32 to vector<16xi32>
    %sub3A_18 = arith.subi %iota3A, %sub3A_17 : vector<16xi32>
    %max3A_19 = arith.constant 0 : i32
    %max3A_20 = vector.broadcast %max3A_19 : i32 to vector<16xi32>
    %max3A_21 = arith.maxsi %sub3A_18, %max3A_20 : vector<16xi32>
    %sub3A_22 = arith.constant 4 : i32
    %sub3A_23 = vector.broadcast %sub3A_22 : i32 to vector<16xi32>
    %sub3A_24 = arith.subi %iota3A, %sub3A_23 : vector<16xi32>
    %max3A_25 = arith.constant 0 : i32
    %max3A_26 = vector.broadcast %max3A_25 : i32 to vector<16xi32>
    %max3A_27 = arith.maxsi %sub3A_24, %max3A_26 : vector<16xi32>
    %sub3A_28 = arith.constant 8 : i32
    %sub3A_29 = vector.broadcast %sub3A_28 : i32 to vector<16xi32>
    %sub3A_30 = arith.subi %iota3A, %sub3A_29 : vector<16xi32>
    %max3A_31 = arith.constant 0 : i32
    %max3A_32 = vector.broadcast %max3A_31 : i32 to vector<16xi32>
    %max3A_33 = arith.maxsi %sub3A_30, %max3A_32 : vector<16xi32>
    %eq3A = arith.constant 15 : i32
    %eq3A_34 = vector.broadcast %eq3A : i32 to vector<16xi32>
    %eq3A_35 = arith.cmpi eq, %iota3A, %eq3A_34 : vector<16xi32>
    %broadcast_in_dim3A_36 = arith.constant 0 : i32
    %broadcast_in_dim3A_37 = vector.broadcast %broadcast_in_dim3A_36 : i32 to vector<16xi32>
    %broadcast_in_dim3A_38 = arith.constant 0 : i32
    %broadcast_in_dim3A_39 = vector.broadcast %broadcast_in_dim3A_38 : i32 to vector<16xi32>
    %broadcast_in_dim3A_40 = arith.constant 1 : i32
    %broadcast_in_dim3A_41 = vector.broadcast %broadcast_in_dim3A_40 : i32 to vector<16xi32>
    %broadcast_in_dim3A_42 = arith.constant 2 : i32
    %broadcast_in_dim3A_43 = vector.broadcast %broadcast_in_dim3A_42 : i32 to vector<16xi32>
    %broadcast_in_dim3A_44 = arith.constant 3 : i32
    %broadcast_in_dim3A_45 = vector.broadcast %broadcast_in_dim3A_44 : i32 to vector<16xi32>
    %broadcast_in_dim3A_46 = arith.constant 4 : i32
    %broadcast_in_dim3A_47 = vector.broadcast %broadcast_in_dim3A_46 : i32 to vector<16xi32>
    %broadcast_in_dim3A_48 = arith.constant 5 : i32
    %broadcast_in_dim3A_49 = vector.broadcast %broadcast_in_dim3A_48 : i32 to vector<16xi32>
    %broadcast_in_dim3A_50 = arith.constant 6 : i32
    %broadcast_in_dim3A_51 = vector.broadcast %broadcast_in_dim3A_50 : i32 to vector<16xi32>
    %broadcast_in_dim3A_52 = arith.constant 7 : i32
    %broadcast_in_dim3A_53 = vector.broadcast %broadcast_in_dim3A_52 : i32 to vector<16xi32>
    %broadcast_in_dim3A_54 = arith.constant 8 : i32
    %broadcast_in_dim3A_55 = vector.broadcast %broadcast_in_dim3A_54 : i32 to vector<16xi32>
    %broadcast_in_dim3A_56 = arith.constant 9 : i32
    %broadcast_in_dim3A_57 = vector.broadcast %broadcast_in_dim3A_56 : i32 to vector<16xi32>
    %broadcast_in_dim3A_58 = arith.constant 10 : i32
    %broadcast_in_dim3A_59 = vector.broadcast %broadcast_in_dim3A_58 : i32 to vector<16xi32>
    %broadcast_in_dim3A_60 = arith.constant 11 : i32
    %broadcast_in_dim3A_61 = vector.broadcast %broadcast_in_dim3A_60 : i32 to vector<16xi32>
    %broadcast_in_dim3A_62 = arith.constant 12 : i32
    %broadcast_in_dim3A_63 = vector.broadcast %broadcast_in_dim3A_62 : i32 to vector<16xi32>
    %broadcast_in_dim3A_64 = arith.constant 13 : i32
    %broadcast_in_dim3A_65 = vector.broadcast %broadcast_in_dim3A_64 : i32 to vector<16xi32>
    %broadcast_in_dim3A_66 = arith.constant 14 : i32
    %broadcast_in_dim3A_67 = vector.broadcast %broadcast_in_dim3A_66 : i32 to vector<16xi32>
    %broadcast_in_dim3A_68 = arith.constant 15 : i32
    %broadcast_in_dim3A_69 = vector.broadcast %broadcast_in_dim3A_68 : i32 to vector<16xi32>
    %get3A = arith.constant 0 : index
    %get3A_70 = tpu.vector_load %arg7[%get3A] {strides = array<i32>} : memref<160xf32, #tpu.memory_space<vmem>>, vector<16xf32>,
    %get3A_71 = arith.constant 16 : index
    %get3A_72 = tpu.vector_load %arg7[%get3A_71] {strides = array<i32>} : memref<160xf32, #tpu.memory_space<vmem>>, vector<16xf32>,
    %get3A_73 = arith.constant 32 : index
    %get3A_74 = tpu.vector_load %arg7[%get3A_73] {strides = array<i32>} : memref<160xf32, #tpu.memory_space<vmem>>, vector<16xf32>,
    %get3A_75 = arith.constant 48 : index
    %get3A_76 = tpu.vector_load %arg7[%get3A_75] {strides = array<i32>} : memref<160xf32, #tpu.memory_space<vmem>>, vector<16xf32>,
    %get3A_77 = arith.constant 64 : index
    %get3A_78 = tpu.vector_load %arg7[%get3A_77] {strides = array<i32>} : memref<160xf32, #tpu.memory_space<vmem>>, vector<16xf32>,
    %get3A_79 = arith.constant 80 : index
    %get3A_80 = tpu.vector_load %arg7[%get3A_79] {strides = array<i32>} : memref<160xf32, #tpu.memory_space<vmem>>, vector<16xf32>,
    %get3A_81 = arith.constant 96 : index
    %get3A_82 = tpu.vector_load %arg7[%get3A_81] {strides = array<i32>} : memref<160xf32, #tpu.memory_space<vmem>>, vector<16xf32>,
    %get3A_83 = arith.constant 112 : index
    %get3A_84 = tpu.vector_load %arg7[%get3A_83] {strides = array<i32>} : memref<160xf32, #tpu.memory_space<vmem>>, vector<16xf32>,
    %get3A_85 = arith.constant 128 : index
    %get3A_86 = tpu.vector_load %arg7[%get3A_85] {strides = array<i32>} : memref<160xf32, #tpu.memory_space<vmem>>, vector<16xf32>,
    %get3A_87 = arith.constant 144 : index
    %get3A_88 = tpu.vector_load %arg7[%get3A_87] {strides = array<i32>} : memref<160xf32, #tpu.memory_space<vmem>>, vector<16xf32>,
    %reshape3A = vector.shape_cast %broadcast_in_dim3A_37 : vector<16xi32> to vector<16x1xi32>
    %gather3A = vector.shape_cast %reshape3A : vector<16x1xi32> to vector<16xi32>
    %gather3A_89 = tpu.dynamic_gather %get3A_88[%gather3A] in [0] : vector<16xf32>, vector<16xi32> -> vector<16xf32>
    %reshape3A_90 = vector.shape_cast %broadcast_in_dim3A_37 : vector<16xi32> to vector<16x1xi32>
    %gather3A_91 = vector.shape_cast %reshape3A_90 : vector<16x1xi32> to vector<16xi32>
    %gather3A_92 = tpu.dynamic_gather %get3A_86[%gather3A_91] in [0] : vector<16xf32>, vector<16xi32> -> vector<16xf32>
    %add3A_93 = arith.constant 128 : i32
    %add3A_94 = vector.broadcast %add3A_93 : i32 to vector<16xi32>
    %add3A_95 = arith.addi %broadcast_in_dim3A_37, %add3A_94 : vector<16xi32>
    %mul3A_96 = arith.constant 10000 : i32
    %mul3A_97 = arith.muli %add3A, %mul3A_96 : i32
    %add3A_98 = arith.constant 0 : i32
    %add3A_99 = arith.addi %mul3A_97, %add3A_98 : i32
    %dma_start3A = arith.constant 0 : i32
    %dma_start3A_100 = tpu.memref_slice %arg2[%add3A_99, %dma_start3A] : memref<320000x129xf32, #tpu.memory_space<hbm>> -> memref<80x129xf32, #tpu.memory_space<hbm>>
    %dma_start3A_101 = arith.constant 0 : i32
    %dma_start3A_102 = tpu.memref_slice %arg2[%add3A_99, %dma_start3A_101] : memref<320000x129xf32, #tpu.memory_space<hbm>> -> memref<80x129xf32, #tpu.memory_space<hbm>>
    tpu.enqueue_dma source(%dma_start3A_102 : memref<80x129xf32, #tpu.memory_space<hbm>>) target(%arg5 : memref<80x129xf32, #tpu.memory_space<vmem>>) target_semaphore(%arg12 : memref<!tpu.dma_semaphore, #tpu.memory_space<semaphore_mem>>)
    %scan3A_103 = arith.constant 0 : i32
    %scan3A_104 = arith.constant 0 : i32
    %scan3A_105 = arith.constant 62 : i32
    %scan3A_106 = arith.addi %scan3A_104, %scan3A_105 : i32
    %scan3A_107 = arith.constant 1 : i32
    scf.for %scan3A_130 = %scan3A_104 to %scan3A_106 step %scan3A_107  : i32 {
      %mul3A_131 = arith.constant 2 : i32
      %mul3A_132 = arith.muli %mul3A_131, %scan3A_130 : i32
      %add3A_133 = arith.constant 1 : i32
      %add3A_134 = arith.addi %mul3A_132, %add3A_133 : i32
      %mul3A_135 = arith.constant 80 : i32
      %mul3A_136 = arith.muli %add3A_134, %mul3A_135 : i32
      %add3A_137 = arith.addi %mul3A_97, %mul3A_136 : i32
      %dma_start3A_138 = arith.constant 0 : i32
      %dma_start3A_139 = tpu.memref_slice %arg2[%add3A_137, %dma_start3A_138] : memref<320000x129xf32, #tpu.memory_space<hbm>> -> memref<80x129xf32, #tpu.memory_space<hbm>>
      %dma_start3A_140 = arith.constant 0 : i32
      %dma_start3A_141 = tpu.memref_slice %arg2[%add3A_137, %dma_start3A_140] : memref<320000x129xf32, #tpu.memory_space<hbm>> -> memref<80x129xf32, #tpu.memory_space<hbm>>
      tpu.enqueue_dma source(%dma_start3A_141 : memref<80x129xf32, #tpu.memory_space<hbm>>) target(%arg6 : memref<80x129xf32, #tpu.memory_space<vmem>>) target_semaphore(%arg13 : memref<!tpu.dma_semaphore, #tpu.memory_space<semaphore_mem>>)
      %mul3A_142 = arith.constant 2 : i32
      %mul3A_143 = arith.muli %mul3A_142, %scan3A_130 : i32
      %mul3A_144 = arith.constant 80 : i32
      %mul3A_145 = arith.muli %mul3A_143, %mul3A_144 : i32
      %add3A_146 = arith.addi %mul3A_97, %mul3A_145 : i32
      %dma_wait3A_147 = arith.constant 0 : i32
      %dma_wait3A_148 = tpu.memref_slice %arg2[%add3A_146, %dma_wait3A_147] : memref<320000x129xf32, #tpu.memory_space<hbm>> -> memref<80x129xf32, #tpu.memory_space<hbm>>
      %dma_wait3A_149 = arith.constant 0 : i32
      %dma_wait3A_150 = tpu.memref_slice %arg2[%add3A_146, %dma_wait3A_149] : memref<320000x129xf32, #tpu.memory_space<hbm>> -> memref<80x129xf32, #tpu.memory_space<hbm>>
      tpu.wait_dma2 semaphore(%arg12 : memref<!tpu.dma_semaphore, #tpu.memory_space<semaphore_mem>>) src(%dma_wait3A_150 : memref<80x129xf32, #tpu.memory_space<hbm>>) dst(%arg5 : memref<80x129xf32, #tpu.memory_space<vmem>>)
      %mul3A_151 = arith.constant 2 : i32
      %mul3A_152 = arith.muli %mul3A_151, %scan3A_130 : i32
      %scan3A_153 = arith.constant 0 : i32
      %scan3A_154 = arith.constant 0 : i32
      %scan3A_155 = arith.constant 5 : i32
      %scan3A_156 = arith.addi %scan3A_154, %scan3A_155 : i32
      %scan3A_157 = arith.constant 1 : i32
      scf.for %scan3A_191 = %scan3A_154 to %scan3A_156 step %scan3A_157  : i32 {
        %mul3A_192 = arith.constant 16 : i32
        %mul3A_193 = arith.muli %scan3A_191, %mul3A_192 : i32
        %add3A_194 = vector.broadcast %mul3A_193 : i32 to vector<16xi32>
        %add3A_195 = arith.addi %add3A_194, %iota3A : vector<16xi32>
        %gather3A_196 = tpu.vector_load_idx %arg5[%add3A_195, %broadcast_in_dim3A_37] : memref<80x129xf32, #tpu.memory_space<vmem>>[vector<16xi32>, vector<16xi32>], vector<16xf32>,
        %convert_element_type3A = arith.fptosi %gather3A_196 : vector<16xf32> to vector<16xi32>
        %broadcast_in_dim3A_197 = arith.constant 0.000000e+00 : f32
        %broadcast_in_dim3A_198 = vector.broadcast %broadcast_in_dim3A_197 : f32 to vector<16xf32>
        %mul3A_199 = arith.constant 16 : i32
        %mul3A_200 = arith.muli %scan3A_191, %mul3A_199 : i32
        %add3A_201 = arith.constant 0 : i32
        %add3A_202 = arith.addi %mul3A_200, %add3A_201 : i32
        %get3A_203 = arith.index_cast %add3A_202 : i32 to index
        %get3A_204 = arith.constant 0 : index
        %get3A_205 = tpu.vector_load %arg5[%get3A_203, %get3A_204] {strides = array<i32>} : memref<80x129xf32, #tpu.memory_space<vmem>>, vector<16xf32>,
        %mul3A_206 = arith.mulf %get3A_205, %get3A_70 : vector<16xf32>
        %get3A_207 = arith.index_cast %add3A_202 : i32 to index
        %get3A_208 = arith.constant 16 : index
        %get3A_209 = tpu.vector_load %arg5[%get3A_207, %get3A_208] {strides = array<i32>} : memref<80x129xf32, #tpu.memory_space<vmem>>, vector<16xf32>,
        %mul3A_210 = arith.mulf %get3A_209, %get3A_72 : vector<16xf32>
        %get3A_211 = arith.index_cast %add3A_202 : i32 to index
        %get3A_212 = arith.constant 32 : index
        %get3A_213 = tpu.vector_load %arg5[%get3A_211, %get3A_212] {strides = array<i32>} : memref<80x129xf32, #tpu.memory_space<vmem>>, vector<16xf32>,
        %mul3A_214 = arith.mulf %get3A_213, %get3A_74 : vector<16xf32>
        %get3A_215 = arith.index_cast %add3A_202 : i32 to index
        %get3A_216 = arith.constant 48 : index
        %get3A_217 = tpu.vector_load %arg5[%get3A_215, %get3A_216] {strides = array<i32>} : memref<80x129xf32, #tpu.memory_space<vmem>>, vector<16xf32>,
        %mul3A_218 = arith.mulf %get3A_217, %get3A_76 : vector<16xf32>
        %get3A_219 = arith.index_cast %add3A_202 : i32 to index
        %get3A_220 = arith.constant 64 : index
        %get3A_221 = tpu.vector_load %arg5[%get3A_219, %get3A_220] {strides = array<i32>} : memref<80x129xf32, #tpu.memory_space<vmem>>, vector<16xf32>,
        %mul3A_222 = arith.mulf %get3A_221, %get3A_78 : vector<16xf32>
        %get3A_223 = arith.index_cast %add3A_202 : i32 to index
        %get3A_224 = arith.constant 80 : index
        %get3A_225 = tpu.vector_load %arg5[%get3A_223, %get3A_224] {strides = array<i32>} : memref<80x129xf32, #tpu.memory_space<vmem>>, vector<16xf32>,
        %mul3A_226 = arith.mulf %get3A_225, %get3A_80 : vector<16xf32>
        %get3A_227 = arith.index_cast %add3A_202 : i32 to index
        %get3A_228 = arith.constant 96 : index
        %get3A_229 = tpu.vector_load %arg5[%get3A_227, %get3A_228] {strides = array<i32>} : memref<80x129xf32, #tpu.memory_space<vmem>>, vector<16xf32>,
        %mul3A_230 = arith.mulf %get3A_229, %get3A_82 : vector<16xf32>
        %get3A_231 = arith.index_cast %add3A_202 : i32 to index
        %get3A_232 = arith.constant 112 : index
        %get3A_233 = tpu.vector_load %arg5[%get3A_231, %get3A_232] {strides = array<i32>} : memref<80x129xf32, #tpu.memory_space<vmem>>, vector<16xf32>,
        %mul3A_234 = arith.mulf %get3A_233, %get3A_84 : vector<16xf32>
        %add3A_235 = arith.addf %mul3A_206, %mul3A_210 : vector<16xf32>
        %add3A_236 = arith.addf %mul3A_214, %mul3A_218 : vector<16xf32>
        %add3A_237 = arith.addf %add3A_235, %add3A_236 : vector<16xf32>
        %add3A_238 = arith.addf %mul3A_222, %mul3A_226 : vector<16xf32>
        %add3A_239 = arith.addf %mul3A_230, %mul3A_234 : vector<16xf32>
        %add3A_240 = arith.addf %add3A_238, %add3A_239 : vector<16xf32>
        %add3A_241 = arith.addf %add3A_237, %add3A_240 : vector<16xf32>
        %reshape3A_242 = vector.shape_cast %max3A_15 : vector<16xi32> to vector<16x1xi32>
        %gather3A_243 = vector.shape_cast %reshape3A_242 : vector<16x1xi32> to vector<16xi32>
        %gather3A_244 = tpu.dynamic_gather %add3A_241[%gather3A_243] in [0] : vector<16xf32>, vector<16xi32> -> vector<16xf32>
        %add3A_245 = arith.addf %add3A_241, %gather3A_244 : vector<16xf32>
        %reshape3A_246 = vector.shape_cast %max3A_21 : vector<16xi32> to vector<16x1xi32>
        %gather3A_247 = vector.shape_cast %reshape3A_246 : vector<16x1xi32> to vector<16xi32>
        %gather3A_248 = tpu.dynamic_gather %add3A_245[%gather3A_247] in [0] : vector<16xf32>, vector<16xi32> -> vector<16xf32>
        %add3A_249 = arith.addf %add3A_245, %gather3A_248 : vector<16xf32>
        %reshape3A_250 = vector.shape_cast %max3A_27 : vector<16xi32> to vector<16x1xi32>
        %gather3A_251 = vector.shape_cast %reshape3A_250 : vector<16x1xi32> to vector<16xi32>
        %gather3A_252 = tpu.dynamic_gather %add3A_249[%gather3A_251] in [0] : vector<16xf32>, vector<16xi32> -> vector<16xf32>
        %add3A_253 = arith.addf %add3A_249, %gather3A_252 : vector<16xf32>
        %reshape3A_254 = vector.shape_cast %max3A_33 : vector<16xi32> to vector<16x1xi32>
        %gather3A_255 = vector.shape_cast %reshape3A_254 : vector<16x1xi32> to vector<16xi32>
        %gather3A_256 = tpu.dynamic_gather %add3A_253[%gather3A_255] in [0] : vector<16xf32>, vector<16xi32> -> vector<16xf32>
        %add3A_257 = arith.addf %add3A_253, %gather3A_256 : vector<16xf32>
        %eq3A_258 = arith.constant 0 : i32
        %eq3A_259 = vector.broadcast %eq3A_258 : i32 to vector<16xi32>
        %eq3A_260 = arith.cmpi eq, %iota3A, %eq3A_259 : vector<16xi32>
        %reshape3A_261 = vector.shape_cast %broadcast_in_dim3A_69 : vector<16xi32> to vector<16x1xi32>
        %gather3A_262 = vector.shape_cast %reshape3A_261 : vector<16x1xi32> to vector<16xi32>
        %gather3A_263 = tpu.dynamic_gather %add3A_257[%gather3A_262] in [0] : vector<16xf32>, vector<16xi32> -> vector<16xf32>
        %select_n3A = arith.select %eq3A_260, %gather3A_263, %broadcast_in_dim3A_198 : vector<16xi1>, vector<16xf32>
        %mul3A_264 = arith.constant 16 : i32
        %mul3A_265 = arith.muli %scan3A_191, %mul3A_264 : i32
        %add3A_266 = arith.constant 1 : i32
        %add3A_267 = arith.addi %mul3A_265, %add3A_266 : i32
        %get3A_268 = arith.index_cast %add3A_267 : i32 to index
        %get3A_269 = arith.constant 0 : index
        %get3A_270 = tpu.vector_load %arg5[%get3A_268, %get3A_269] {strides = array<i32>} : memref<80x129xf32, #tpu.memory_space<vmem>>, vector<16xf32>,
        %mul3A_271 = arith.mulf %get3A_270, %get3A_70 : vector<16xf32>
        %get3A_272 = arith.index_cast %add3A_267 : i32 to index
        %get3A_273 = arith.constant 16 : index
        %get3A_274 = tpu.vector_load %arg5[%get3A_272, %get3A_273] {strides = array<i32>} : memref<80x129xf32, #tpu.memory_space<vmem>>, vector<16xf32>,
        %mul3A_275 = arith.mulf %get3A_274, %get3A_72 : vector<16xf32>
        %get3A_276 = arith.index_cast %add3A_267 : i32 to index
        %get3A_277 = arith.constant 32 : index
        %get3A_278 = tpu.vector_load %arg5[%get3A_276, %get3A_277] {strides = array<i32>} : memref<80x129xf32, #tpu.memory_space<vmem>>, vector<16xf32>,
        %mul3A_279 = arith.mulf %get3A_278, %get3A_74 : vector<16xf32>
        %get3A_280 = arith.index_cast %add3A_267 : i32 to index
        %get3A_281 = arith.constant 48 : index
        %get3A_282 = tpu.vector_load %arg5[%get3A_280, %get3A_281] {strides = array<i32>} : memref<80x129xf32, #tpu.memory_space<vmem>>, vector<16xf32>,
        %mul3A_283 = arith.mulf %get3A_282, %get3A_76 : vector<16xf32>
        %get3A_284 = arith.index_cast %add3A_267 : i32 to index
        %get3A_285 = arith.constant 64 : index
        %get3A_286 = tpu.vector_load %arg5[%get3A_284, %get3A_285] {strides = array<i32>} : memref<80x129xf32, #tpu.memory_space<vmem>>, vector<16xf32>,
        %mul3A_287 = arith.mulf %get3A_286, %get3A_78 : vector<16xf32>
        %get3A_288 = arith.index_cast %add3A_267 : i32 to index
        %get3A_289 = arith.constant 80 : index
        %get3A_290 = tpu.vector_load %arg5[%get3A_288, %get3A_289] {strides = array<i32>} : memref<80x129xf32, #tpu.memory_space<vmem>>, vector<16xf32>,
        %mul3A_291 = arith.mulf %get3A_290, %get3A_80 : vector<16xf32>
        %get3A_292 = arith.index_cast %add3A_267 : i32 to index
        %get3A_293 = arith.constant 96 : index
        %get3A_294 = tpu.vector_load %arg5[%get3A_292, %get3A_293] {strides = array<i32>} : memref<80x129xf32, #tpu.memory_space<vmem>>, vector<16xf32>,
        %mul3A_295 = arith.mulf %get3A_294, %get3A_82 : vector<16xf32>
        %get3A_296 = arith.index_cast %add3A_267 : i32 to index
        %get3A_297 = arith.constant 112 : index
        %get3A_298 = tpu.vector_load %arg5[%get3A_296, %get3A_297] {strides = array<i32>} : memref<80x129xf32, #tpu.memory_space<vmem>>, vector<16xf32>,
        %mul3A_299 = arith.mulf %get3A_298, %get3A_84 : vector<16xf32>
        %add3A_300 = arith.addf %mul3A_271, %mul3A_275 : vector<16xf32>
        %add3A_301 = arith.addf %mul3A_279, %mul3A_283 : vector<16xf32>
        %add3A_302 = arith.addf %add3A_300, %add3A_301 : vector<16xf32>
        %add3A_303 = arith.addf %mul3A_287, %mul3A_291 : vector<16xf32>
        %add3A_304 = arith.addf %mul3A_295, %mul3A_299 : vector<16xf32>
        %add3A_305 = arith.addf %add3A_303, %add3A_304 : vector<16xf32>
        %add3A_306 = arith.addf %add3A_302, %add3A_305 : vector<16xf32>
        %reshape3A_307 = vector.shape_cast %max3A_15 : vector<16xi32> to vector<16x1xi32>
        %gather3A_308 = vector.shape_cast %reshape3A_307 : vector<16x1xi32> to vector<16xi32>
        %gather3A_309 = tpu.dynamic_gather %add3A_306[%gather3A_308] in [0] : vector<16xf32>, vector<16xi32> -> vector<16xf32>
        %add3A_310 = arith.addf %add3A_306, %gather3A_309 : vector<16xf32>
        %reshape3A_311 = vector.shape_cast %max3A_21 : vector<16xi32> to vector<16x1xi32>
        %gather3A_312 = vector.shape_cast %reshape3A_311 : vector<16x1xi32> to vector<16xi32>
        %gather3A_313 = tpu.dynamic_gather %add3A_310[%gather3A_312] in [0] : vector<16xf32>, vector<16xi32> -> vector<16xf32>
        %add3A_314 = arith.addf %add3A_310, %gather3A_313 : vector<16xf32>
        %reshape3A_315 = vector.shape_cast %max3A_27 : vector<16xi32> to vector<16x1xi32>
        %gather3A_316 = vector.shape_cast %reshape3A_315 : vector<16x1xi32> to vector<16xi32>
        %gather3A_317 = tpu.dynamic_gather %add3A_314[%gather3A_316] in [0] : vector<16xf32>, vector<16xi32> -> vector<16xf32>
        %add3A_318 = arith.addf %add3A_314, %gather3A_317 : vector<16xf32>
        %reshape3A_319 = vector.shape_cast %max3A_33 : vector<16xi32> to vector<16x1xi32>
        %gather3A_320 = vector.shape_cast %reshape3A_319 : vector<16x1xi32> to vector<16xi32>
        %gather3A_321 = tpu.dynamic_gather %add3A_318[%gather3A_320] in [0] : vector<16xf32>, vector<16xi32> -> vector<16xf32>
        %add3A_322 = arith.addf %add3A_318, %gather3A_321 : vector<16xf32>
        %eq3A_323 = arith.constant 1 : i32
        %eq3A_324 = vector.broadcast %eq3A_323 : i32 to vector<16xi32>
        %eq3A_325 = arith.cmpi eq, %iota3A, %eq3A_324 : vector<16xi32>
        %reshape3A_326 = vector.shape_cast %broadcast_in_dim3A_69 : vector<16xi32> to vector<16x1xi32>
        %gather3A_327 = vector.shape_cast %reshape3A_326 : vector<16x1xi32> to vector<16xi32>
        %gather3A_328 = tpu.dynamic_gather %add3A_322[%gather3A_327] in [0] : vector<16xf32>, vector<16xi32> -> vector<16xf32>
        %select_n3A_329 = arith.select %eq3A_325, %gather3A_328, %select_n3A : vector<16xi1>, vector<16xf32>
        %mul3A_330 = arith.constant 16 : i32
        %mul3A_331 = arith.muli %scan3A_191, %mul3A_330 : i32
        %add3A_332 = arith.constant 2 : i32
        %add3A_333 = arith.addi %mul3A_331, %add3A_332 : i32
        %get3A_334 = arith.index_cast %add3A_333 : i32 to index
        %get3A_335 = arith.constant 0 : index
        %get3A_336 = tpu.vector_load %arg5[%get3A_334, %get3A_335] {strides = array<i32>} : memref<80x129xf32, #tpu.memory_space<vmem>>, vector<16xf32>,
        %mul3A_337 = arith.mulf %get3A_336, %get3A_70 : vector<16xf32>
        %get3A_338 = arith.index_cast %add3A_333 : i32 to index
        %get3A_339 = arith.constant 16 : index
        %get3A_340 = tpu.vector_load %arg5[%get3A_338, %get3A_339] {strides = array<i32>} : memref<80x129xf32, #tpu.memory_space<vmem>>, vector<16xf32>,
        %mul3A_341 = arith.mulf %get3A_340, %get3A_72 : vector<16xf32>
        %get3A_342 = arith.index_cast %add3A_333 : i32 to index
        %get3A_343 = arith.constant 32 : index
        %get3A_344 = tpu.vector_load %arg5[%get3A_342, %get3A_343] {strides = array<i32>} : memref<80x129xf32, #tpu.memory_space<vmem>>, vector<16xf32>,
        %mul3A_345 = arith.mulf %get3A_344, %get3A_74 : vector<16xf32>
        %get3A_346 = arith.index_cast %add3A_333 : i32 to index
        %get3A_347 = arith.constant 48 : index
        %get3A_348 = tpu.vector_load %arg5[%get3A_346, %get3A_347] {strides = array<i32>} : memref<80x129xf32, #tpu.memory_space<vmem>>, vector<16xf32>,
        %mul3A_349 = arith.mulf %get3A_348, %get3A_76 : vector<16xf32>
        %get3A_350 = arith.index_cast %add3A_333 : i32 to index
        %get3A_351 = arith.constant 64 : index
        %get3A_352 = tpu.vector_load %arg5[%get3A_350, %get3A_351] {strides = array<i32>} : memref<80x129xf32, #tpu.memory_space<vmem>>, vector<16xf32>,
        %mul3A_353 = arith.mulf %get3A_352, %get3A_78 : vector<16xf32>
        %get3A_354 = arith.index_cast %add3A_333 : i32 to index
        %get3A_355 = arith.constant 80 : index
        %get3A_356 = tpu.vector_load %arg5[%get3A_354, %get3A_355] {strides = array<i32>} : memref<80x129xf32, #tpu.memory_space<vmem>>, vector<16xf32>,
        %mul3A_357 = arith.mulf %get3A_356, %get3A_80 : vector<16xf32>
        %get3A_358 = arith.index_cast %add3A_333 : i32 to index
        %get3A_359 = arith.constant 96 : index
        %get3A_360 = tpu.vector_load %arg5[%get3A_358, %get3A_359] {strides = array<i32>} : memref<80x129xf32, #tpu.memory_space<vmem>>, vector<16xf32>,
        %mul3A_361 = arith.mulf %get3A_360, %get3A_82 : vector<16xf32>
        %get3A_362 = arith.index_cast %add3A_333 : i32 to index
        %get3A_363 = arith.constant 112 : index
        %get3A_364 = tpu.vector_load %arg5[%get3A_362, %get3A_363] {strides = array<i32>} : memref<80x129xf32, #tpu.memory_space<vmem>>, vector<16xf32>,
        %mul3A_365 = arith.mulf %get3A_364, %get3A_84 : vector<16xf32>
        %add3A_366 = arith.addf %mul3A_337, %mul3A_341 : vector<16xf32>
        %add3A_367 = arith.addf %mul3A_345, %mul3A_349 : vector<16xf32>
        %add3A_368 = arith.addf %add3A_366, %add3A_367 : vector<16xf32>
        %add3A_369 = arith.addf %mul3A_353, %mul3A_357 : vector<16xf32>
        %add3A_370 = arith.addf %mul3A_361, %mul3A_365 : vector<16xf32>
        %add3A_371 = arith.addf %add3A_369, %add3A_370 : vector<16xf32>
        %add3A_372 = arith.addf %add3A_368, %add3A_371 : vector<16xf32>
        %reshape3A_373 = vector.shape_cast %max3A_15 : vector<16xi32> to vector<16x1xi32>
        %gather3A_374 = vector.shape_cast %reshape3A_373 : vector<16x1xi32> to vector<16xi32>
        %gather3A_375 = tpu.dynamic_gather %add3A_372[%gather3A_374] in [0] : vector<16xf32>, vector<16xi32> -> vector<16xf32>
        %add3A_376 = arith.addf %add3A_372, %gather3A_375 : vector<16xf32>
        %reshape3A_377 = vector.shape_cast %max3A_21 : vector<16xi32> to vector<16x1xi32>
        %gather3A_378 = vector.shape_cast %reshape3A_377 : vector<16x1xi32> to vector<16xi32>
        %gather3A_379 = tpu.dynamic_gather %add3A_376[%gather3A_378] in [0] : vector<16xf32>, vector<16xi32> -> vector<16xf32>
        %add3A_380 = arith.addf %add3A_376, %gather3A_379 : vector<16xf32>
        %reshape3A_381 = vector.shape_cast %max3A_27 : vector<16xi32> to vector<16x1xi32>
        %gather3A_382 = vector.shape_cast %reshape3A_381 : vector<16x1xi32> to vector<16xi32>
        %gather3A_383 = tpu.dynamic_gather %add3A_380[%gather3A_382] in [0] : vector<16xf32>, vector<16xi32> -> vector<16xf32>
        %add3A_384 = arith.addf %add3A_380, %gather3A_383 : vector<16xf32>
        %reshape3A_385 = vector.shape_cast %max3A_33 : vector<16xi32> to vector<16x1xi32>
        %gather3A_386 = vector.shape_cast %reshape3A_385 : vector<16x1xi32> to vector<16xi32>
        %gather3A_387 = tpu.dynamic_gather %add3A_384[%gather3A_386] in [0] : vector<16xf32>, vector<16xi32> -> vector<16xf32>
        %add3A_388 = arith.addf %add3A_384, %gather3A_387 : vector<16xf32>
        %eq3A_389 = arith.constant 2 : i32
        %eq3A_390 = vector.broadcast %eq3A_389 : i32 to vector<16xi32>
        %eq3A_391 = arith.cmpi eq, %iota3A, %eq3A_390 : vector<16xi32>
        %reshape3A_392 = vector.shape_cast %broadcast_in_dim3A_69 : vector<16xi32> to vector<16x1xi32>
        %gather3A_393 = vector.shape_cast %reshape3A_392 : vector<16x1xi32> to vector<16xi32>
        %gather3A_394 = tpu.dynamic_gather %add3A_388[%gather3A_393] in [0] : vector<16xf32>, vector<16xi32> -> vector<16xf32>
        %select_n3A_395 = arith.select %eq3A_391, %gather3A_394, %select_n3A_329 : vector<16xi1>, vector<16xf32>
        %mul3A_396 = arith.constant 16 : i32
        %mul3A_397 = arith.muli %scan3A_191, %mul3A_396 : i32
        %add3A_398 = arith.constant 3 : i32
        %add3A_399 = arith.addi %mul3A_397, %add3A_398 : i32
        %get3A_400 = arith.index_cast %add3A_399 : i32 to index
        %get3A_401 = arith.constant 0 : index
        %get3A_402 = tpu.vector_load %arg5[%get3A_400, %get3A_401] {strides = array<i32>} : memref<80x129xf32, #tpu.memory_space<vmem>>, vector<16xf32>,
        %mul3A_403 = arith.mulf %get3A_402, %get3A_70 : vector<16xf32>
        %get3A_404 = arith.index_cast %add3A_399 : i32 to index
        %get3A_405 = arith.constant 16 : index
        %get3A_406 = tpu.vector_load %arg5[%get3A_404, %get3A_405] {strides = array<i32>} : memref<80x129xf32, #tpu.memory_space<vmem>>, vector<16xf32>,
        %mul3A_407 = arith.mulf %get3A_406, %get3A_72 : vector<16xf32>
        %get3A_408 = arith.index_cast %add3A_399 : i32 to index
        %get3A_409 = arith.constant 32 : index
        %get3A_410 = tpu.vector_load %arg5[%get3A_408, %get3A_409] {strides = array<i32>} : memref<80x129xf32, #tpu.memory_space<vmem>>, vector<16xf32>,
        %mul3A_411 = arith.mulf %get3A_410, %get3A_74 : vector<16xf32>
        %get3A_412 = arith.index_cast %add3A_399 : i32 to index
        %get3A_413 = arith.constant 48 : index
        %get3A_414 = tpu.vector_load %arg5[%get3A_412, %get3A_413] {strides = array<i32>} : memref<80x129xf32, #tpu.memory_space<vmem>>, vector<16xf32>,
        %mul3A_415 = arith.mulf %get3A_414, %get3A_76 : vector<16xf32>
        %get3A_416 = arith.index_cast %add3A_399 : i32 to index
        %get3A_417 = arith.constant 64 : index
        %get3A_418 = tpu.vector_load %arg5[%get3A_416, %get3A_417] {strides = array<i32>} : memref<80x129xf32, #tpu.memory_space<vmem>>, vector<16xf32>,
        %mul3A_419 = arith.mulf %get3A_418, %get3A_78 : vector<16xf32>
        %get3A_420 = arith.index_cast %add3A_399 : i32 to index
        %get3A_421 = arith.constant 80 : index
        %get3A_422 = tpu.vector_load %arg5[%get3A_420, %get3A_421] {strides = array<i32>} : memref<80x129xf32, #tpu.memory_space<vmem>>, vector<16xf32>,
        %mul3A_423 = arith.mulf %get3A_422, %get3A_80 : vector<16xf32>
        %get3A_424 = arith.index_cast %add3A_399 : i32 to index
        %get3A_425 = arith.constant 96 : index
        %get3A_426 = tpu.vector_load %arg5[%get3A_424, %get3A_425] {strides = array<i32>} : memref<80x129xf32, #tpu.memory_space<vmem>>, vector<16xf32>,
        %mul3A_427 = arith.mulf %get3A_426, %get3A_82 : vector<16xf32>
        %get3A_428 = arith.index_cast %add3A_399 : i32 to index
        %get3A_429 = arith.constant 112 : index
        %get3A_430 = tpu.vector_load %arg5[%get3A_428, %get3A_429] {strides = array<i32>} : memref<80x129xf32, #tpu.memory_space<vmem>>, vector<16xf32>,
        %mul3A_431 = arith.mulf %get3A_430, %get3A_84 : vector<16xf32>
        %add3A_432 = arith.addf %mul3A_403, %mul3A_407 : vector<16xf32>
        %add3A_433 = arith.addf %mul3A_411, %mul3A_415 : vector<16xf32>
        %add3A_434 = arith.addf %add3A_432, %add3A_433 : vector<16xf32>
        %add3A_435 = arith.addf %mul3A_419, %mul3A_423 : vector<16xf32>
        %add3A_436 = arith.addf %mul3A_427, %mul3A_431 : vector<16xf32>
        %add3A_437 = arith.addf %add3A_435, %add3A_436 : vector<16xf32>
        %add3A_438 = arith.addf %add3A_434, %add3A_437 : vector<16xf32>
        %reshape3A_439 = vector.shape_cast %max3A_15 : vector<16xi32> to vector<16x1xi32>
        %gather3A_440 = vector.shape_cast %reshape3A_439 : vector<16x1xi32> to vector<16xi32>
        %gather3A_441 = tpu.dynamic_gather %add3A_438[%gather3A_440] in [0] : vector<16xf32>, vector<16xi32> -> vector<16xf32>
        %add3A_442 = arith.addf %add3A_438, %gather3A_441 : vector<16xf32>
        %reshape3A_443 = vector.shape_cast %max3A_21 : vector<16xi32> to vector<16x1xi32>
        %gather3A_444 = vector.shape_cast %reshape3A_443 : vector<16x1xi32> to vector<16xi32>
        %gather3A_445 = tpu.dynamic_gather %add3A_442[%gather3A_444] in [0] : vector<16xf32>, vector<16xi32> -> vector<16xf32>
        %add3A_446 = arith.addf %add3A_442, %gather3A_445 : vector<16xf32>
        %reshape3A_447 = vector.shape_cast %max3A_27 : vector<16xi32> to vector<16x1xi32>
        %gather3A_448 = vector.shape_cast %reshape3A_447 : vector<16x1xi32> to vector<16xi32>
        %gather3A_449 = tpu.dynamic_gather %add3A_446[%gather3A_448] in [0] : vector<16xf32>, vector<16xi32> -> vector<16xf32>
        %add3A_450 = arith.addf %add3A_446, %gather3A_449 : vector<16xf32>
        %reshape3A_451 = vector.shape_cast %max3A_33 : vector<16xi32> to vector<16x1xi32>
        %gather3A_452 = vector.shape_cast %reshape3A_451 : vector<16x1xi32> to vector<16xi32>
        %gather3A_453 = tpu.dynamic_gather %add3A_450[%gather3A_452] in [0] : vector<16xf32>, vector<16xi32> -> vector<16xf32>
        %add3A_454 = arith.addf %add3A_450, %gather3A_453 : vector<16xf32>
        %eq3A_455 = arith.constant 3 : i32
        %eq3A_456 = vector.broadcast %eq3A_455 : i32 to vector<16xi32>
        %eq3A_457 = arith.cmpi eq, %iota3A, %eq3A_456 : vector<16xi32>
        %reshape3A_458 = vector.shape_cast %broadcast_in_dim3A_69 : vector<16xi32> to vector<16x1xi32>
        %gather3A_459 = vector.shape_cast %reshape3A_458 : vector<16x1xi32> to vector<16xi32>
        %gather3A_460 = tpu.dynamic_gather %add3A_454[%gather3A_459] in [0] : vector<16xf32>, vector<16xi32> -> vector<16xf32>
        %select_n3A_461 = arith.select %eq3A_457, %gather3A_460, %select_n3A_395 : vector<16xi1>, vector<16xf32>
        %mul3A_462 = arith.constant 16 : i32
        %mul3A_463 = arith.muli %scan3A_191, %mul3A_462 : i32
        %add3A_464 = arith.constant 4 : i32
        %add3A_465 = arith.addi %mul3A_463, %add3A_464 : i32
        %get3A_466 = arith.index_cast %add3A_465 : i32 to index
        %get3A_467 = arith.constant 0 : index
        %get3A_468 = tpu.vector_load %arg5[%get3A_466, %get3A_467] {strides = array<i32>} : memref<80x129xf32, #tpu.memory_space<vmem>>, vector<16xf32>,
        %mul3A_469 = arith.mulf %get3A_468, %get3A_70 : vector<16xf32>
        %get3A_470 = arith.index_cast %add3A_465 : i32 to index
        %get3A_471 = arith.constant 16 : index
        %get3A_472 = tpu.vector_load %arg5[%get3A_470, %get3A_471] {strides = array<i32>} : memref<80x129xf32, #tpu.memory_space<vmem>>, vector<16xf32>,
        %mul3A_473 = arith.mulf %get3A_472, %get3A_72 : vector<16xf32>
        %get3A_474 = arith.index_cast %add3A_465 : i32 to index
        %get3A_475 = arith.constant 32 : index
        %get3A_476 = tpu.vector_load %arg5[%get3A_474, %get3A_475] {strides = array<i32>} : memref<80x129xf32, #tpu.memory_space<vmem>>, vector<16xf32>,
        %mul3A_477 = arith.mulf %get3A_476, %get3A_74 : vector<16xf32>
        %get3A_478 = arith.index_cast %add3A_465 : i32 to index
        %get3A_479 = arith.constant 48 : index
        %get3A_480 = tpu.vector_load %arg5[%get3A_478, %get3A_479] {strides = array<i32>} : memref<80x129xf32, #tpu.memory_space<vmem>>, vector<16xf32>,
        %mul3A_481 = arith.mulf %get3A_480, %get3A_76 : vector<16xf32>
        %get3A_482 = arith.index_cast %add3A_465 : i32 to index
        %get3A_483 = arith.constant 64 : index
        %get3A_484 = tpu.vector_load %arg5[%get3A_482, %get3A_483] {strides = array<i32>} : memref<80x129xf32, #tpu.memory_space<vmem>>, vector<16xf32>,
        %mul3A_485 = arith.mulf %get3A_484, %get3A_78 : vector<16xf32>
        %get3A_486 = arith.index_cast %add3A_465 : i32 to index
        %get3A_487 = arith.constant 80 : index
        %get3A_488 = tpu.vector_load %arg5[%get3A_486, %get3A_487] {strides = array<i32>} : memref<80x129xf32, #tpu.memory_space<vmem>>, vector<16xf32>,
        %mul3A_489 = arith.mulf %get3A_488, %get3A_80 : vector<16xf32>
        %get3A_490 = arith.index_cast %add3A_465 : i32 to index
        %get3A_491 = arith.constant 96 : index
        %get3A_492 = tpu.vector_load %arg5[%get3A_490, %get3A_491] {strides = array<i32>} : memref<80x129xf32, #tpu.memory_space<vmem>>, vector<16xf32>,
        %mul3A_493 = arith.mulf %get3A_492, %get3A_82 : vector<16xf32>
        %get3A_494 = arith.index_cast %add3A_465 : i32 to index
        %get3A_495 = arith.constant 112 : index
        %get3A_496 = tpu.vector_load %arg5[%get3A_494, %get3A_495] {strides = array<i32>} : memref<80x129xf32, #tpu.memory_space<vmem>>, vector<16xf32>,
        %mul3A_497 = arith.mulf %get3A_496, %get3A_84 : vector<16xf32>
        %add3A_498 = arith.addf %mul3A_469, %mul3A_473 : vector<16xf32>
        %add3A_499 = arith.addf %mul3A_477, %mul3A_481 : vector<16xf32>
        %add3A_500 = arith.addf %add3A_498, %add3A_499 : vector<16xf32>
        %add3A_501 = arith.addf %mul3A_485, %mul3A_489 : vector<16xf32>
        %add3A_502 = arith.addf %mul3A_493, %mul3A_497 : vector<16xf32>
        %add3A_503 = arith.addf %add3A_501, %add3A_502 : vector<16xf32>
        %add3A_504 = arith.addf %add3A_500, %add3A_503 : vector<16xf32>
        %reshape3A_505 = vector.shape_cast %max3A_15 : vector<16xi32> to vector<16x1xi32>
        %gather3A_506 = vector.shape_cast %reshape3A_505 : vector<16x1xi32> to vector<16xi32>
        %gather3A_507 = tpu.dynamic_gather %add3A_504[%gather3A_506] in [0] : vector<16xf32>, vector<16xi32> -> vector<16xf32>
        %add3A_508 = arith.addf %add3A_504, %gather3A_507 : vector<16xf32>
        %reshape3A_509 = vector.shape_cast %max3A_21 : vector<16xi32> to vector<16x1xi32>
        %gather3A_510 = vector.shape_cast %reshape3A_509 : vector<16x1xi32> to vector<16xi32>
        %gather3A_511 = tpu.dynamic_gather %add3A_508[%gather3A_510] in [0] : vector<16xf32>, vector<16xi32> -> vector<16xf32>
        %add3A_512 = arith.addf %add3A_508, %gather3A_511 : vector<16xf32>
        %reshape3A_513 = vector.shape_cast %max3A_27 : vector<16xi32> to vector<16x1xi32>
        %gather3A_514 = vector.shape_cast %reshape3A_513 : vector<16x1xi32> to vector<16xi32>
        %gather3A_515 = tpu.dynamic_gather %add3A_512[%gather3A_514] in [0] : vector<16xf32>, vector<16xi32> -> vector<16xf32>
        %add3A_516 = arith.addf %add3A_512, %gather3A_515 : vector<16xf32>
        %reshape3A_517 = vector.shape_cast %max3A_33 : vector<16xi32> to vector<16x1xi32>
        %gather3A_518 = vector.shape_cast %reshape3A_517 : vector<16x1xi32> to vector<16xi32>
        %gather3A_519 = tpu.dynamic_gather %add3A_516[%gather3A_518] in [0] : vector<16xf32>, vector<16xi32> -> vector<16xf32>
        %add3A_520 = arith.addf %add3A_516, %gather3A_519 : vector<16xf32>
        %eq3A_521 = arith.constant 4 : i32
        %eq3A_522 = vector.broadcast %eq3A_521 : i32 to vector<16xi32>
        %eq3A_523 = arith.cmpi eq, %iota3A, %eq3A_522 : vector<16xi32>
        %reshape3A_524 = vector.shape_cast %broadcast_in_dim3A_69 : vector<16xi32> to vector<16x1xi32>
        %gather3A_525 = vector.shape_cast %reshape3A_524 : vector<16x1xi32> to vector<16xi32>
        %gather3A_526 = tpu.dynamic_gather %add3A_520[%gather3A_525] in [0] : vector<16xf32>, vector<16xi32> -> vector<16xf32>
        %select_n3A_527 = arith.select %eq3A_523, %gather3A_526, %select_n3A_461 : vector<16xi1>, vector<16xf32>
        %mul3A_528 = arith.constant 16 : i32
        %mul3A_529 = arith.muli %scan3A_191, %mul3A_528 : i32
        %add3A_530 = arith.constant 5 : i32
        %add3A_531 = arith.addi %mul3A_529, %add3A_530 : i32
        %get3A_532 = arith.index_cast %add3A_531 : i32 to index
        %get3A_533 = arith.constant 0 : index
        %get3A_534 = tpu.vector_load %arg5[%get3A_532, %get3A_533] {strides = array<i32>} : memref<80x129xf32, #tpu.memory_space<vmem>>, vector<16xf32>,
        %mul3A_535 = arith.mulf %get3A_534, %get3A_70 : vector<16xf32>
        %get3A_536 = arith.index_cast %add3A_531 : i32 to index
        %get3A_537 = arith.constant 16 : index
        %get3A_538 = tpu.vector_load %arg5[%get3A_536, %get3A_537] {strides = array<i32>} : memref<80x129xf32, #tpu.memory_space<vmem>>, vector<16xf32>,
        %mul3A_539 = arith.mulf %get3A_538, %get3A_72 : vector<16xf32>
        %get3A_540 = arith.index_cast %add3A_531 : i32 to index
        %get3A_541 = arith.constant 32 : index
        %get3A_542 = tpu.vector_load %arg5[%get3A_540, %get3A_541] {strides = array<i32>} : memref<80x129xf32, #tpu.memory_space<vmem>>, vector<16xf32>,
        %mul3A_543 = arith.mulf %get3A_542, %get3A_74 : vector<16xf32>
        %get3A_544 = arith.index_cast %add3A_531 : i32 to index
        %get3A_545 = arith.constant 48 : index
        %get3A_546 = tpu.vector_load %arg5[%get3A_544, %get3A_545] {strides = array<i32>} : memref<80x129xf32, #tpu.memory_space<vmem>>, vector<16xf32>,
        %mul3A_547 = arith.mulf %get3A_546, %get3A_76 : vector<16xf32>
        %get3A_548 = arith.index_cast %add3A_531 : i32 to index
        %get3A_549 = arith.constant 64 : index
        %get3A_550 = tpu.vector_load %arg5[%get3A_548, %get3A_549] {strides = array<i32>} : memref<80x129xf32, #tpu.memory_space<vmem>>, vector<16xf32>,
        %mul3A_551 = arith.mulf %get3A_550, %get3A_78 : vector<16xf32>
        %get3A_552 = arith.index_cast %add3A_531 : i32 to index
        %get3A_553 = arith.constant 80 : index
        %get3A_554 = tpu.vector_load %arg5[%get3A_552, %get3A_553] {strides = array<i32>} : memref<80x129xf32, #tpu.memory_space<vmem>>, vector<16xf32>,
        %mul3A_555 = arith.mulf %get3A_554, %get3A_80 : vector<16xf32>
        %get3A_556 = arith.index_cast %add3A_531 : i32 to index
        %get3A_557 = arith.constant 96 : index
        %get3A_558 = tpu.vector_load %arg5[%get3A_556, %get3A_557] {strides = array<i32>} : memref<80x129xf32, #tpu.memory_space<vmem>>, vector<16xf32>,
        %mul3A_559 = arith.mulf %get3A_558, %get3A_82 : vector<16xf32>
        %get3A_560 = arith.index_cast %add3A_531 : i32 to index
        %get3A_561 = arith.constant 112 : index
        %get3A_562 = tpu.vector_load %arg5[%get3A_560, %get3A_561] {strides = array<i32>} : memref<80x129xf32, #tpu.memory_space<vmem>>, vector<16xf32>,
        %mul3A_563 = arith.mulf %get3A_562, %get3A_84 : vector<16xf32>
        %add3A_564 = arith.addf %mul3A_535, %mul3A_539 : vector<16xf32>
        %add3A_565 = arith.addf %mul3A_543, %mul3A_547 : vector<16xf32>
        %add3A_566 = arith.addf %add3A_564, %add3A_565 : vector<16xf32>
        %add3A_567 = arith.addf %mul3A_551, %mul3A_555 : vector<16xf32>
        %add3A_568 = arith.addf %mul3A_559, %mul3A_563 : vector<16xf32>
        %add3A_569 = arith.addf %add3A_567, %add3A_568 : vector<16xf32>
        %add3A_570 = arith.addf %add3A_566, %add3A_569 : vector<16xf32>
        %reshape3A_571 = vector.shape_cast %max3A_15 : vector<16xi32> to vector<16x1xi32>
        %gather3A_572 = vector.shape_cast %reshape3A_571 : vector<16x1xi32> to vector<16xi32>
        %gather3A_573 = tpu.dynamic_gather %add3A_570[%gather3A_572] in [0] : vector<16xf32>, vector<16xi32> -> vector<16xf32>
        %add3A_574 = arith.addf %add3A_570, %gather3A_573 : vector<16xf32>
        %reshape3A_575 = vector.shape_cast %max3A_21 : vector<16xi32> to vector<16x1xi32>
        %gather3A_576 = vector.shape_cast %reshape3A_575 : vector<16x1xi32> to vector<16xi32>
        %gather3A_577 = tpu.dynamic_gather %add3A_574[%gather3A_576] in [0] : vector<16xf32>, vector<16xi32> -> vector<16xf32>
        %add3A_578 = arith.addf %add3A_574, %gather3A_577 : vector<16xf32>
        %reshape3A_579 = vector.shape_cast %max3A_27 : vector<16xi32> to vector<16x1xi32>
        %gather3A_580 = vector.shape_cast %reshape3A_579 : vector<16x1xi32> to vector<16xi32>
        %gather3A_581 = tpu.dynamic_gather %add3A_578[%gather3A_580] in [0] : vector<16xf32>, vector<16xi32> -> vector<16xf32>
        %add3A_582 = arith.addf %add3A_578, %gather3A_581 : vector<16xf32>
        %reshape3A_583 = vector.shape_cast %max3A_33 : vector<16xi32> to vector<16x1xi32>
        %gather3A_584 = vector.shape_cast %reshape3A_583 : vector<16x1xi32> to vector<16xi32>
        %gather3A_585 = tpu.dynamic_gather %add3A_582[%gather3A_584] in [0] : vector<16xf32>, vector<16xi32> -> vector<16xf32>
        %add3A_586 = arith.addf %add3A_582, %gather3A_585 : vector<16xf32>
        %eq3A_587 = arith.constant 5 : i32
        %eq3A_588 = vector.broadcast %eq3A_587 : i32 to vector<16xi32>
        %eq3A_589 = arith.cmpi eq, %iota3A, %eq3A_588 : vector<16xi32>
        %reshape3A_590 = vector.shape_cast %broadcast_in_dim3A_69 : vector<16xi32> to vector<16x1xi32>
        %gather3A_591 = vector.shape_cast %reshape3A_590 : vector<16x1xi32> to vector<16xi32>
        %gather3A_592 = tpu.dynamic_gather %add3A_586[%gather3A_591] in [0] : vector<16xf32>, vector<16xi32> -> vector<16xf32>
        %select_n3A_593 = arith.select %eq3A_589, %gather3A_592, %select_n3A_527 : vector<16xi1>, vector<16xf32>
        %mul3A_594 = arith.constant 16 : i32
        %mul3A_595 = arith.muli %scan3A_191, %mul3A_594 : i32
        %add3A_596 = arith.constant 6 : i32
        %add3A_597 = arith.addi %mul3A_595, %add3A_596 : i32
        %get3A_598 = arith.index_cast %add3A_597 : i32 to index
        %get3A_599 = arith.constant 0 : index
        %get3A_600 = tpu.vector_load %arg5[%get3A_598, %get3A_599] {strides = array<i32>} : memref<80x129xf32, #tpu.memory_space<vmem>>, vector<16xf32>,
        %mul3A_601 = arith.mulf %get3A_600, %get3A_70 : vector<16xf32>
        %get3A_602 = arith.index_cast %add3A_597 : i32 to index
        %get3A_603 = arith.constant 16 : index
        %get3A_604 = tpu.vector_load %arg5[%get3A_602, %get3A_603] {strides = array<i32>} : memref<80x129xf32, #tpu.memory_space<vmem>>, vector<16xf32>,
        %mul3A_605 = arith.mulf %get3A_604, %get3A_72 : vector<16xf32>
        %get3A_606 = arith.index_cast %add3A_597 : i32 to index
        %get3A_607 = arith.constant 32 : index
        %get3A_608 = tpu.vector_load %arg5[%get3A_606, %get3A_607] {strides = array<i32>} : memref<80x129xf32, #tpu.memory_space<vmem>>, vector<16xf32>,
        %mul3A_609 = arith.mulf %get3A_608, %get3A_74 : vector<16xf32>
        %get3A_610 = arith.index_cast %add3A_597 : i32 to index
        %get3A_611 = arith.constant 48 : index
        %get3A_612 = tpu.vector_load %arg5[%get3A_610, %get3A_611] {strides = array<i32>} : memref<80x129xf32, #tpu.memory_space<vmem>>, vector<16xf32>,
        %mul3A_613 = arith.mulf %get3A_612, %get3A_76 : vector<16xf32>
        %get3A_614 = arith.index_cast %add3A_597 : i32 to index
        %get3A_615 = arith.constant 64 : index
        %get3A_616 = tpu.vector_load %arg5[%get3A_614, %get3A_615] {strides = array<i32>} : memref<80x129xf32, #tpu.memory_space<vmem>>, vector<16xf32>,
        %mul3A_617 = arith.mulf %get3A_616, %get3A_78 : vector<16xf32>
        %get3A_618 = arith.index_cast %add3A_597 : i32 to index
        %get3A_619 = arith.constant 80 : index
        %get3A_620 = tpu.vector_load %arg5[%get3A_618, %get3A_619] {strides = array<i32>} : memref<80x129xf32, #tpu.memory_space<vmem>>, vector<16xf32>,
        %mul3A_621 = arith.mulf %get3A_620, %get3A_80 : vector<16xf32>
        %get3A_622 = arith.index_cast %add3A_597 : i32 to index
        %get3A_623 = arith.constant 96 : index
        %get3A_624 = tpu.vector_load %arg5[%get3A_622, %get3A_623] {strides = array<i32>} : memref<80x129xf32, #tpu.memory_space<vmem>>, vector<16xf32>,
        %mul3A_625 = arith.mulf %get3A_624, %get3A_82 : vector<16xf32>
        %get3A_626 = arith.index_cast %add3A_597 : i32 to index
        %get3A_627 = arith.constant 112 : index
        %get3A_628 = tpu.vector_load %arg5[%get3A_626, %get3A_627] {strides = array<i32>} : memref<80x129xf32, #tpu.memory_space<vmem>>, vector<16xf32>,
        %mul3A_629 = arith.mulf %get3A_628, %get3A_84 : vector<16xf32>
        %add3A_630 = arith.addf %mul3A_601, %mul3A_605 : vector<16xf32>
        %add3A_631 = arith.addf %mul3A_609, %mul3A_613 : vector<16xf32>
        %add3A_632 = arith.addf %add3A_630, %add3A_631 : vector<16xf32>
        %add3A_633 = arith.addf %mul3A_617, %mul3A_621 : vector<16xf32>
        %add3A_634 = arith.addf %mul3A_625, %mul3A_629 : vector<16xf32>
        %add3A_635 = arith.addf %add3A_633, %add3A_634 : vector<16xf32>
        %add3A_636 = arith.addf %add3A_632, %add3A_635 : vector<16xf32>
        %reshape3A_637 = vector.shape_cast %max3A_15 : vector<16xi32> to vector<16x1xi32>
        %gather3A_638 = vector.shape_cast %reshape3A_637 : vector<16x1xi32> to vector<16xi32>
        %gather3A_639 = tpu.dynamic_gather %add3A_636[%gather3A_638] in [0] : vector<16xf32>, vector<16xi32> -> vector<16xf32>
        %add3A_640 = arith.addf %add3A_636, %gather3A_639 : vector<16xf32>
        %reshape3A_641 = vector.shape_cast %max3A_21 : vector<16xi32> to vector<16x1xi32>
        %gather3A_642 = vector.shape_cast %reshape3A_641 : vector<16x1xi32> to vector<16xi32>
        %gather3A_643 = tpu.dynamic_gather %add3A_640[%gather3A_642] in [0] : vector<16xf32>, vector<16xi32> -> vector<16xf32>
        %add3A_644 = arith.addf %add3A_640, %gather3A_643 : vector<16xf32>
        %reshape3A_645 = vector.shape_cast %max3A_27 : vector<16xi32> to vector<16x1xi32>
        %gather3A_646 = vector.shape_cast %reshape3A_645 : vector<16x1xi32> to vector<16xi32>
        %gather3A_647 = tpu.dynamic_gather %add3A_644[%gather3A_646] in [0] : vector<16xf32>, vector<16xi32> -> vector<16xf32>
        %add3A_648 = arith.addf %add3A_644, %gather3A_647 : vector<16xf32>
        %reshape3A_649 = vector.shape_cast %max3A_33 : vector<16xi32> to vector<16x1xi32>
        %gather3A_650 = vector.shape_cast %reshape3A_649 : vector<16x1xi32> to vector<16xi32>
        %gather3A_651 = tpu.dynamic_gather %add3A_648[%gather3A_650] in [0] : vector<16xf32>, vector<16xi32> -> vector<16xf32>
        %add3A_652 = arith.addf %add3A_648, %gather3A_651 : vector<16xf32>
        %eq3A_653 = arith.constant 6 : i32
        %eq3A_654 = vector.broadcast %eq3A_653 : i32 to vector<16xi32>
        %eq3A_655 = arith.cmpi eq, %iota3A, %eq3A_654 : vector<16xi32>
        %reshape3A_656 = vector.shape_cast %broadcast_in_dim3A_69 : vector<16xi32> to vector<16x1xi32>
        %gather3A_657 = vector.shape_cast %reshape3A_656 : vector<16x1xi32> to vector<16xi32>
        %gather3A_658 = tpu.dynamic_gather %add3A_652[%gather3A_657] in [0] : vector<16xf32>, vector<16xi32> -> vector<16xf32>
        %select_n3A_659 = arith.select %eq3A_655, %gather3A_658, %select_n3A_593 : vector<16xi1>, vector<16xf32>
        %mul3A_660 = arith.constant 16 : i32
        %mul3A_661 = arith.muli %scan3A_191, %mul3A_660 : i32
        %add3A_662 = arith.constant 7 : i32
        %add3A_663 = arith.addi %mul3A_661, %add3A_662 : i32
        %get3A_664 = arith.index_cast %add3A_663 : i32 to index
        %get3A_665 = arith.constant 0 : index
        %get3A_666 = tpu.vector_load %arg5[%get3A_664, %get3A_665] {strides = array<i32>} : memref<80x129xf32, #tpu.memory_space<vmem>>, vector<16xf32>,
        %mul3A_667 = arith.mulf %get3A_666, %get3A_70 : vector<16xf32>
        %get3A_668 = arith.index_cast %add3A_663 : i32 to index
        %get3A_669 = arith.constant 16 : index
        %get3A_670 = tpu.vector_load %arg5[%get3A_668, %get3A_669] {strides = array<i32>} : memref<80x129xf32, #tpu.memory_space<vmem>>, vector<16xf32>,
        %mul3A_671 = arith.mulf %get3A_670, %get3A_72 : vector<16xf32>
        %get3A_672 = arith.index_cast %add3A_663 : i32 to index
        %get3A_673 = arith.constant 32 : index
        %get3A_674 = tpu.vector_load %arg5[%get3A_672, %get3A_673] {strides = array<i32>} : memref<80x129xf32, #tpu.memory_space<vmem>>, vector<16xf32>,
        %mul3A_675 = arith.mulf %get3A_674, %get3A_74 : vector<16xf32>
        %get3A_676 = arith.index_cast %add3A_663 : i32 to index
        %get3A_677 = arith.constant 48 : index
        %get3A_678 = tpu.vector_load %arg5[%get3A_676, %get3A_677] {strides = array<i32>} : memref<80x129xf32, #tpu.memory_space<vmem>>, vector<16xf32>,
        %mul3A_679 = arith.mulf %get3A_678, %get3A_76 : vector<16xf32>
        %get3A_680 = arith.index_cast %add3A_663 : i32 to index
        %get3A_681 = arith.constant 64 : index
        %get3A_682 = tpu.vector_load %arg5[%get3A_680, %get3A_681] {strides = array<i32>} : memref<80x129xf32, #tpu.memory_space<vmem>>, vector<16xf32>,
        %mul3A_683 = arith.mulf %get3A_682, %get3A_78 : vector<16xf32>
        %get3A_684 = arith.index_cast %add3A_663 : i32 to index
        %get3A_685 = arith.constant 80 : index
        %get3A_686 = tpu.vector_load %arg5[%get3A_684, %get3A_685] {strides = array<i32>} : memref<80x129xf32, #tpu.memory_space<vmem>>, vector<16xf32>,
        %mul3A_687 = arith.mulf %get3A_686, %get3A_80 : vector<16xf32>
        %get3A_688 = arith.index_cast %add3A_663 : i32 to index
        %get3A_689 = arith.constant 96 : index
        %get3A_690 = tpu.vector_load %arg5[%get3A_688, %get3A_689] {strides = array<i32>} : memref<80x129xf32, #tpu.memory_space<vmem>>, vector<16xf32>,
        %mul3A_691 = arith.mulf %get3A_690, %get3A_82 : vector<16xf32>
        %get3A_692 = arith.index_cast %add3A_663 : i32 to index
        %get3A_693 = arith.constant 112 : index
        %get3A_694 = tpu.vector_load %arg5[%get3A_692, %get3A_693] {strides = array<i32>} : memref<80x129xf32, #tpu.memory_space<vmem>>, vector<16xf32>,
        %mul3A_695 = arith.mulf %get3A_694, %get3A_84 : vector<16xf32>
        %add3A_696 = arith.addf %mul3A_667, %mul3A_671 : vector<16xf32>
        %add3A_697 = arith.addf %mul3A_675, %mul3A_679 : vector<16xf32>
        %add3A_698 = arith.addf %add3A_696, %add3A_697 : vector<16xf32>
        %add3A_699 = arith.addf %mul3A_683, %mul3A_687 : vector<16xf32>
        %add3A_700 = arith.addf %mul3A_691, %mul3A_695 : vector<16xf32>
        %add3A_701 = arith.addf %add3A_699, %add3A_700 : vector<16xf32>
        %add3A_702 = arith.addf %add3A_698, %add3A_701 : vector<16xf32>
        %reshape3A_703 = vector.shape_cast %max3A_15 : vector<16xi32> to vector<16x1xi32>
        %gather3A_704 = vector.shape_cast %reshape3A_703 : vector<16x1xi32> to vector<16xi32>
        %gather3A_705 = tpu.dynamic_gather %add3A_702[%gather3A_704] in [0] : vector<16xf32>, vector<16xi32> -> vector<16xf32>
        %add3A_706 = arith.addf %add3A_702, %gather3A_705 : vector<16xf32>
        %reshape3A_707 = vector.shape_cast %max3A_21 : vector<16xi32> to vector<16x1xi32>
        %gather3A_708 = vector.shape_cast %reshape3A_707 : vector<16x1xi32> to vector<16xi32>
        %gather3A_709 = tpu.dynamic_gather %add3A_706[%gather3A_708] in [0] : vector<16xf32>, vector<16xi32> -> vector<16xf32>
        %add3A_710 = arith.addf %add3A_706, %gather3A_709 : vector<16xf32>
        %reshape3A_711 = vector.shape_cast %max3A_27 : vector<16xi32> to vector<16x1xi32>
        %gather3A_712 = vector.shape_cast %reshape3A_711 : vector<16x1xi32> to vector<16xi32>
        %gather3A_713 = tpu.dynamic_gather %add3A_710[%gather3A_712] in [0] : vector<16xf32>, vector<16xi32> -> vector<16xf32>
        %add3A_714 = arith.addf %add3A_710, %gather3A_713 : vector<16xf32>
        %reshape3A_715 = vector.shape_cast %max3A_33 : vector<16xi32> to vector<16x1xi32>
        %gather3A_716 = vector.shape_cast %reshape3A_715 : vector<16x1xi32> to vector<16xi32>
        %gather3A_717 = tpu.dynamic_gather %add3A_714[%gather3A_716] in [0] : vector<16xf32>, vector<16xi32> -> vector<16xf32>
        %add3A_718 = arith.addf %add3A_714, %gather3A_717 : vector<16xf32>
        %eq3A_719 = arith.constant 7 : i32
        %eq3A_720 = vector.broadcast %eq3A_719 : i32 to vector<16xi32>
        %eq3A_721 = arith.cmpi eq, %iota3A, %eq3A_720 : vector<16xi32>
        %reshape3A_722 = vector.shape_cast %broadcast_in_dim3A_69 : vector<16xi32> to vector<16x1xi32>
        %gather3A_723 = vector.shape_cast %reshape3A_722 : vector<16x1xi32> to vector<16xi32>
        %gather3A_724 = tpu.dynamic_gather %add3A_718[%gather3A_723] in [0] : vector<16xf32>, vector<16xi32> -> vector<16xf32>
        %select_n3A_725 = arith.select %eq3A_721, %gather3A_724, %select_n3A_659 : vector<16xi1>, vector<16xf32>
        %mul3A_726 = arith.constant 16 : i32
        %mul3A_727 = arith.muli %scan3A_191, %mul3A_726 : i32
        %add3A_728 = arith.constant 8 : i32
        %add3A_729 = arith.addi %mul3A_727, %add3A_728 : i32
        %get3A_730 = arith.index_cast %add3A_729 : i32 to index
        %get3A_731 = arith.constant 0 : index
        %get3A_732 = tpu.vector_load %arg5[%get3A_730, %get3A_731] {strides = array<i32>} : memref<80x129xf32, #tpu.memory_space<vmem>>, vector<16xf32>,
        %mul3A_733 = arith.mulf %get3A_732, %get3A_70 : vector<16xf32>
        %get3A_734 = arith.index_cast %add3A_729 : i32 to index
        %get3A_735 = arith.constant 16 : index
        %get3A_736 = tpu.vector_load %arg5[%get3A_734, %get3A_735] {strides = array<i32>} : memref<80x129xf32, #tpu.memory_space<vmem>>, vector<16xf32>,
        %mul3A_737 = arith.mulf %get3A_736, %get3A_72 : vector<16xf32>
        %get3A_738 = arith.index_cast %add3A_729 : i32 to index
        %get3A_739 = arith.constant 32 : index
        %get3A_740 = tpu.vector_load %arg5[%get3A_738, %get3A_739] {strides = array<i32>} : memref<80x129xf32, #tpu.memory_space<vmem>>, vector<16xf32>,
        %mul3A_741 = arith.mulf %get3A_740, %get3A_74 : vector<16xf32>
        %get3A_742 = arith.index_cast %add3A_729 : i32 to index
        %get3A_743 = arith.constant 48 : index
        %get3A_744 = tpu.vector_load %arg5[%get3A_742, %get3A_743] {strides = array<i32>} : memref<80x129xf32, #tpu.memory_space<vmem>>, vector<16xf32>,
        %mul3A_745 = arith.mulf %get3A_744, %get3A_76 : vector<16xf32>
        %get3A_746 = arith.index_cast %add3A_729 : i32 to index
        %get3A_747 = arith.constant 64 : index
        %get3A_748 = tpu.vector_load %arg5[%get3A_746, %get3A_747] {strides = array<i32>} : memref<80x129xf32, #tpu.memory_space<vmem>>, vector<16xf32>,
        %mul3A_749 = arith.mulf %get3A_748, %get3A_78 : vector<16xf32>
        %get3A_750 = arith.index_cast %add3A_729 : i32 to index
        %get3A_751 = arith.constant 80 : index
        %get3A_752 = tpu.vector_load %arg5[%get3A_750, %get3A_751] {strides = array<i32>} : memref<80x129xf32, #tpu.memory_space<vmem>>, vector<16xf32>,
        %mul3A_753 = arith.mulf %get3A_752, %get3A_80 : vector<16xf32>
        %get3A_754 = arith.index_cast %add3A_729 : i32 to index
        %get3A_755 = arith.constant 96 : index
        %get3A_756 = tpu.vector_load %arg5[%get3A_754, %get3A_755] {strides = array<i32>} : memref<80x129xf32, #tpu.memory_space<vmem>>, vector<16xf32>,
        %mul3A_757 = arith.mulf %get3A_756, %get3A_82 : vector<16xf32>
        %get3A_758 = arith.index_cast %add3A_729 : i32 to index
        %get3A_759 = arith.constant 112 : index
        %get3A_760 = tpu.vector_load %arg5[%get3A_758, %get3A_759] {strides = array<i32>} : memref<80x129xf32, #tpu.memory_space<vmem>>, vector<16xf32>,
        %mul3A_761 = arith.mulf %get3A_760, %get3A_84 : vector<16xf32>
        %add3A_762 = arith.addf %mul3A_733, %mul3A_737 : vector<16xf32>
        %add3A_763 = arith.addf %mul3A_741, %mul3A_745 : vector<16xf32>
        %add3A_764 = arith.addf %add3A_762, %add3A_763 : vector<16xf32>
        %add3A_765 = arith.addf %mul3A_749, %mul3A_753 : vector<16xf32>
        %add3A_766 = arith.addf %mul3A_757, %mul3A_761 : vector<16xf32>
        %add3A_767 = arith.addf %add3A_765, %add3A_766 : vector<16xf32>
        %add3A_768 = arith.addf %add3A_764, %add3A_767 : vector<16xf32>
        %reshape3A_769 = vector.shape_cast %max3A_15 : vector<16xi32> to vector<16x1xi32>
        %gather3A_770 = vector.shape_cast %reshape3A_769 : vector<16x1xi32> to vector<16xi32>
        %gather3A_771 = tpu.dynamic_gather %add3A_768[%gather3A_770] in [0] : vector<16xf32>, vector<16xi32> -> vector<16xf32>
        %add3A_772 = arith.addf %add3A_768, %gather3A_771 : vector<16xf32>
        %reshape3A_773 = vector.shape_cast %max3A_21 : vector<16xi32> to vector<16x1xi32>
        %gather3A_774 = vector.shape_cast %reshape3A_773 : vector<16x1xi32> to vector<16xi32>
        %gather3A_775 = tpu.dynamic_gather %add3A_772[%gather3A_774] in [0] : vector<16xf32>, vector<16xi32> -> vector<16xf32>
        %add3A_776 = arith.addf %add3A_772, %gather3A_775 : vector<16xf32>
        %reshape3A_777 = vector.shape_cast %max3A_27 : vector<16xi32> to vector<16x1xi32>
        %gather3A_778 = vector.shape_cast %reshape3A_777 : vector<16x1xi32> to vector<16xi32>
        %gather3A_779 = tpu.dynamic_gather %add3A_776[%gather3A_778] in [0] : vector<16xf32>, vector<16xi32> -> vector<16xf32>
        %add3A_780 = arith.addf %add3A_776, %gather3A_779 : vector<16xf32>
        %reshape3A_781 = vector.shape_cast %max3A_33 : vector<16xi32> to vector<16x1xi32>
        %gather3A_782 = vector.shape_cast %reshape3A_781 : vector<16x1xi32> to vector<16xi32>
        %gather3A_783 = tpu.dynamic_gather %add3A_780[%gather3A_782] in [0] : vector<16xf32>, vector<16xi32> -> vector<16xf32>
        %add3A_784 = arith.addf %add3A_780, %gather3A_783 : vector<16xf32>
        %eq3A_785 = arith.constant 8 : i32
        %eq3A_786 = vector.broadcast %eq3A_785 : i32 to vector<16xi32>
        %eq3A_787 = arith.cmpi eq, %iota3A, %eq3A_786 : vector<16xi32>
        %reshape3A_788 = vector.shape_cast %broadcast_in_dim3A_69 : vector<16xi32> to vector<16x1xi32>
        %gather3A_789 = vector.shape_cast %reshape3A_788 : vector<16x1xi32> to vector<16xi32>
        %gather3A_790 = tpu.dynamic_gather %add3A_784[%gather3A_789] in [0] : vector<16xf32>, vector<16xi32> -> vector<16xf32>
        %select_n3A_791 = arith.select %eq3A_787, %gather3A_790, %select_n3A_725 : vector<16xi1>, vector<16xf32>
        %mul3A_792 = arith.constant 16 : i32
        %mul3A_793 = arith.muli %scan3A_191, %mul3A_792 : i32
        %add3A_794 = arith.constant 9 : i32
        %add3A_795 = arith.addi %mul3A_793, %add3A_794 : i32
        %get3A_796 = arith.index_cast %add3A_795 : i32 to index
        %get3A_797 = arith.constant 0 : index
        %get3A_798 = tpu.vector_load %arg5[%get3A_796, %get3A_797] {strides = array<i32>} : memref<80x129xf32, #tpu.memory_space<vmem>>, vector<16xf32>,
        %mul3A_799 = arith.mulf %get3A_798, %get3A_70 : vector<16xf32>
        %get3A_800 = arith.index_cast %add3A_795 : i32 to index
        %get3A_801 = arith.constant 16 : index
        %get3A_802 = tpu.vector_load %arg5[%get3A_800, %get3A_801] {strides = array<i32>} : memref<80x129xf32, #tpu.memory_space<vmem>>, vector<16xf32>,
        %mul3A_803 = arith.mulf %get3A_802, %get3A_72 : vector<16xf32>
        %get3A_804 = arith.index_cast %add3A_795 : i32 to index
        %get3A_805 = arith.constant 32 : index
        %get3A_806 = tpu.vector_load %arg5[%get3A_804, %get3A_805] {strides = array<i32>} : memref<80x129xf32, #tpu.memory_space<vmem>>, vector<16xf32>,
        %mul3A_807 = arith.mulf %get3A_806, %get3A_74 : vector<16xf32>
        %get3A_808 = arith.index_cast %add3A_795 : i32 to index
        %get3A_809 = arith.constant 48 : index
        %get3A_810 = tpu.vector_load %arg5[%get3A_808, %get3A_809] {strides = array<i32>} : memref<80x129xf32, #tpu.memory_space<vmem>>, vector<16xf32>,
        %mul3A_811 = arith.mulf %get3A_810, %get3A_76 : vector<16xf32>
        %get3A_812 = arith.index_cast %add3A_795 : i32 to index
        %get3A_813 = arith.constant 64 : index
        %get3A_814 = tpu.vector_load %arg5[%get3A_812, %get3A_813] {strides = array<i32>} : memref<80x129xf32, #tpu.memory_space<vmem>>, vector<16xf32>,
        %mul3A_815 = arith.mulf %get3A_814, %get3A_78 : vector<16xf32>
        %get3A_816 = arith.index_cast %add3A_795 : i32 to index
        %get3A_817 = arith.constant 80 : index
        %get3A_818 = tpu.vector_load %arg5[%get3A_816, %get3A_817] {strides = array<i32>} : memref<80x129xf32, #tpu.memory_space<vmem>>, vector<16xf32>,
        %mul3A_819 = arith.mulf %get3A_818, %get3A_80 : vector<16xf32>
        %get3A_820 = arith.index_cast %add3A_795 : i32 to index
        %get3A_821 = arith.constant 96 : index
        %get3A_822 = tpu.vector_load %arg5[%get3A_820, %get3A_821] {strides = array<i32>} : memref<80x129xf32, #tpu.memory_space<vmem>>, vector<16xf32>,
        %mul3A_823 = arith.mulf %get3A_822, %get3A_82 : vector<16xf32>
        %get3A_824 = arith.index_cast %add3A_795 : i32 to index
        %get3A_825 = arith.constant 112 : index
        %get3A_826 = tpu.vector_load %arg5[%get3A_824, %get3A_825] {strides = array<i32>} : memref<80x129xf32, #tpu.memory_space<vmem>>, vector<16xf32>,
        %mul3A_827 = arith.mulf %get3A_826, %get3A_84 : vector<16xf32>
        %add3A_828 = arith.addf %mul3A_799, %mul3A_803 : vector<16xf32>
        %add3A_829 = arith.addf %mul3A_807, %mul3A_811 : vector<16xf32>
        %add3A_830 = arith.addf %add3A_828, %add3A_829 : vector<16xf32>
        %add3A_831 = arith.addf %mul3A_815, %mul3A_819 : vector<16xf32>
        %add3A_832 = arith.addf %mul3A_823, %mul3A_827 : vector<16xf32>
        %add3A_833 = arith.addf %add3A_831, %add3A_832 : vector<16xf32>
        %add3A_834 = arith.addf %add3A_830, %add3A_833 : vector<16xf32>
        %reshape3A_835 = vector.shape_cast %max3A_15 : vector<16xi32> to vector<16x1xi32>
        %gather3A_836 = vector.shape_cast %reshape3A_835 : vector<16x1xi32> to vector<16xi32>
        %gather3A_837 = tpu.dynamic_gather %add3A_834[%gather3A_836] in [0] : vector<16xf32>, vector<16xi32> -> vector<16xf32>
        %add3A_838 = arith.addf %add3A_834, %gather3A_837 : vector<16xf32>
        %reshape3A_839 = vector.shape_cast %max3A_21 : vector<16xi32> to vector<16x1xi32>
        %gather3A_840 = vector.shape_cast %reshape3A_839 : vector<16x1xi32> to vector<16xi32>
        %gather3A_841 = tpu.dynamic_gather %add3A_838[%gather3A_840] in [0] : vector<16xf32>, vector<16xi32> -> vector<16xf32>
        %add3A_842 = arith.addf %add3A_838, %gather3A_841 : vector<16xf32>
        %reshape3A_843 = vector.shape_cast %max3A_27 : vector<16xi32> to vector<16x1xi32>
        %gather3A_844 = vector.shape_cast %reshape3A_843 : vector<16x1xi32> to vector<16xi32>
        %gather3A_845 = tpu.dynamic_gather %add3A_842[%gather3A_844] in [0] : vector<16xf32>, vector<16xi32> -> vector<16xf32>
        %add3A_846 = arith.addf %add3A_842, %gather3A_845 : vector<16xf32>
        %reshape3A_847 = vector.shape_cast %max3A_33 : vector<16xi32> to vector<16x1xi32>
        %gather3A_848 = vector.shape_cast %reshape3A_847 : vector<16x1xi32> to vector<16xi32>
        %gather3A_849 = tpu.dynamic_gather %add3A_846[%gather3A_848] in [0] : vector<16xf32>, vector<16xi32> -> vector<16xf32>
        %add3A_850 = arith.addf %add3A_846, %gather3A_849 : vector<16xf32>
        %eq3A_851 = arith.constant 9 : i32
        %eq3A_852 = vector.broadcast %eq3A_851 : i32 to vector<16xi32>
        %eq3A_853 = arith.cmpi eq, %iota3A, %eq3A_852 : vector<16xi32>
        %reshape3A_854 = vector.shape_cast %broadcast_in_dim3A_69 : vector<16xi32> to vector<16x1xi32>
        %gather3A_855 = vector.shape_cast %reshape3A_854 : vector<16x1xi32> to vector<16xi32>
        %gather3A_856 = tpu.dynamic_gather %add3A_850[%gather3A_855] in [0] : vector<16xf32>, vector<16xi32> -> vector<16xf32>
        %select_n3A_857 = arith.select %eq3A_853, %gather3A_856, %select_n3A_791 : vector<16xi1>, vector<16xf32>
        %mul3A_858 = arith.constant 16 : i32
        %mul3A_859 = arith.muli %scan3A_191, %mul3A_858 : i32
        %add3A_860 = arith.constant 10 : i32
        %add3A_861 = arith.addi %mul3A_859, %add3A_860 : i32
        %get3A_862 = arith.index_cast %add3A_861 : i32 to index
        %get3A_863 = arith.constant 0 : index
        %get3A_864 = tpu.vector_load %arg5[%get3A_862, %get3A_863] {strides = array<i32>} : memref<80x129xf32, #tpu.memory_space<vmem>>, vector<16xf32>,
        %mul3A_865 = arith.mulf %get3A_864, %get3A_70 : vector<16xf32>
        %get3A_866 = arith.index_cast %add3A_861 : i32 to index
        %get3A_867 = arith.constant 16 : index
        %get3A_868 = tpu.vector_load %arg5[%get3A_866, %get3A_867] {strides = array<i32>} : memref<80x129xf32, #tpu.memory_space<vmem>>, vector<16xf32>,
        %mul3A_869 = arith.mulf %get3A_868, %get3A_72 : vector<16xf32>
        %get3A_870 = arith.index_cast %add3A_861 : i32 to index
        %get3A_871 = arith.constant 32 : index
        %get3A_872 = tpu.vector_load %arg5[%get3A_870, %get3A_871] {strides = array<i32>} : memref<80x129xf32, #tpu.memory_space<vmem>>, vector<16xf32>,
        %mul3A_873 = arith.mulf %get3A_872, %get3A_74 : vector<16xf32>
        %get3A_874 = arith.index_cast %add3A_861 : i32 to index
        %get3A_875 = arith.constant 48 : index
        %get3A_876 = tpu.vector_load %arg5[%get3A_874, %get3A_875] {strides = array<i32>} : memref<80x129xf32, #tpu.memory_space<vmem>>, vector<16xf32>,
        %mul3A_877 = arith.mulf %get3A_876, %get3A_76 : vector<16xf32>
        %get3A_878 = arith.index_cast %add3A_861 : i32 to index
        %get3A_879 = arith.constant 64 : index
        %get3A_880 = tpu.vector_load %arg5[%get3A_878, %get3A_879] {strides = array<i32>} : memref<80x129xf32, #tpu.memory_space<vmem>>, vector<16xf32>,
        %mul3A_881 = arith.mulf %get3A_880, %get3A_78 : vector<16xf32>
        %get3A_882 = arith.index_cast %add3A_861 : i32 to index
        %get3A_883 = arith.constant 80 : index
        %get3A_884 = tpu.vector_load %arg5[%get3A_882, %get3A_883] {strides = array<i32>} : memref<80x129xf32, #tpu.memory_space<vmem>>, vector<16xf32>,
        %mul3A_885 = arith.mulf %get3A_884, %get3A_80 : vector<16xf32>
        %get3A_886 = arith.index_cast %add3A_861 : i32 to index
        %get3A_887 = arith.constant 96 : index
        %get3A_888 = tpu.vector_load %arg5[%get3A_886, %get3A_887] {strides = array<i32>} : memref<80x129xf32, #tpu.memory_space<vmem>>, vector<16xf32>,
        %mul3A_889 = arith.mulf %get3A_888, %get3A_82 : vector<16xf32>
        %get3A_890 = arith.index_cast %add3A_861 : i32 to index
        %get3A_891 = arith.constant 112 : index
        %get3A_892 = tpu.vector_load %arg5[%get3A_890, %get3A_891] {strides = array<i32>} : memref<80x129xf32, #tpu.memory_space<vmem>>, vector<16xf32>,
        %mul3A_893 = arith.mulf %get3A_892, %get3A_84 : vector<16xf32>
        %add3A_894 = arith.addf %mul3A_865, %mul3A_869 : vector<16xf32>
        %add3A_895 = arith.addf %mul3A_873, %mul3A_877 : vector<16xf32>
        %add3A_896 = arith.addf %add3A_894, %add3A_895 : vector<16xf32>
        %add3A_897 = arith.addf %mul3A_881, %mul3A_885 : vector<16xf32>
        %add3A_898 = arith.addf %mul3A_889, %mul3A_893 : vector<16xf32>
        %add3A_899 = arith.addf %add3A_897, %add3A_898 : vector<16xf32>
        %add3A_900 = arith.addf %add3A_896, %add3A_899 : vector<16xf32>
        %reshape3A_901 = vector.shape_cast %max3A_15 : vector<16xi32> to vector<16x1xi32>
        %gather3A_902 = vector.shape_cast %reshape3A_901 : vector<16x1xi32> to vector<16xi32>
        %gather3A_903 = tpu.dynamic_gather %add3A_900[%gather3A_902] in [0] : vector<16xf32>, vector<16xi32> -> vector<16xf32>
        %add3A_904 = arith.addf %add3A_900, %gather3A_903 : vector<16xf32>
        %reshape3A_905 = vector.shape_cast %max3A_21 : vector<16xi32> to vector<16x1xi32>
        %gather3A_906 = vector.shape_cast %reshape3A_905 : vector<16x1xi32> to vector<16xi32>
        %gather3A_907 = tpu.dynamic_gather %add3A_904[%gather3A_906] in [0] : vector<16xf32>, vector<16xi32> -> vector<16xf32>
        %add3A_908 = arith.addf %add3A_904, %gather3A_907 : vector<16xf32>
        %reshape3A_909 = vector.shape_cast %max3A_27 : vector<16xi32> to vector<16x1xi32>
        %gather3A_910 = vector.shape_cast %reshape3A_909 : vector<16x1xi32> to vector<16xi32>
        %gather3A_911 = tpu.dynamic_gather %add3A_908[%gather3A_910] in [0] : vector<16xf32>, vector<16xi32> -> vector<16xf32>
        %add3A_912 = arith.addf %add3A_908, %gather3A_911 : vector<16xf32>
        %reshape3A_913 = vector.shape_cast %max3A_33 : vector<16xi32> to vector<16x1xi32>
        %gather3A_914 = vector.shape_cast %reshape3A_913 : vector<16x1xi32> to vector<16xi32>
        %gather3A_915 = tpu.dynamic_gather %add3A_912[%gather3A_914] in [0] : vector<16xf32>, vector<16xi32> -> vector<16xf32>
        %add3A_916 = arith.addf %add3A_912, %gather3A_915 : vector<16xf32>
        %eq3A_917 = arith.constant 10 : i32
        %eq3A_918 = vector.broadcast %eq3A_917 : i32 to vector<16xi32>
        %eq3A_919 = arith.cmpi eq, %iota3A, %eq3A_918 : vector<16xi32>
        %reshape3A_920 = vector.shape_cast %broadcast_in_dim3A_69 : vector<16xi32> to vector<16x1xi32>
        %gather3A_921 = vector.shape_cast %reshape3A_920 : vector<16x1xi32> to vector<16xi32>
        %gather3A_922 = tpu.dynamic_gather %add3A_916[%gather3A_921] in [0] : vector<16xf32>, vector<16xi32> -> vector<16xf32>
        %select_n3A_923 = arith.select %eq3A_919, %gather3A_922, %select_n3A_857 : vector<16xi1>, vector<16xf32>
        %mul3A_924 = arith.constant 16 : i32
        %mul3A_925 = arith.muli %scan3A_191, %mul3A_924 : i32
        %add3A_926 = arith.constant 11 : i32
        %add3A_927 = arith.addi %mul3A_925, %add3A_926 : i32
        %get3A_928 = arith.index_cast %add3A_927 : i32 to index
        %get3A_929 = arith.constant 0 : index
        %get3A_930 = tpu.vector_load %arg5[%get3A_928, %get3A_929] {strides = array<i32>} : memref<80x129xf32, #tpu.memory_space<vmem>>, vector<16xf32>,
        %mul3A_931 = arith.mulf %get3A_930, %get3A_70 : vector<16xf32>
        %get3A_932 = arith.index_cast %add3A_927 : i32 to index
        %get3A_933 = arith.constant 16 : index
        %get3A_934 = tpu.vector_load %arg5[%get3A_932, %get3A_933] {strides = array<i32>} : memref<80x129xf32, #tpu.memory_space<vmem>>, vector<16xf32>,
        %mul3A_935 = arith.mulf %get3A_934, %get3A_72 : vector<16xf32>
        %get3A_936 = arith.index_cast %add3A_927 : i32 to index
        %get3A_937 = arith.constant 32 : index
        %get3A_938 = tpu.vector_load %arg5[%get3A_936, %get3A_937] {strides = array<i32>} : memref<80x129xf32, #tpu.memory_space<vmem>>, vector<16xf32>,
        %mul3A_939 = arith.mulf %get3A_938, %get3A_74 : vector<16xf32>
        %get3A_940 = arith.index_cast %add3A_927 : i32 to index
        %get3A_941 = arith.constant 48 : index
        %get3A_942 = tpu.vector_load %arg5[%get3A_940, %get3A_941] {strides = array<i32>} : memref<80x129xf32, #tpu.memory_space<vmem>>, vector<16xf32>,
        %mul3A_943 = arith.mulf %get3A_942, %get3A_76 : vector<16xf32>
        %get3A_944 = arith.index_cast %add3A_927 : i32 to index
        %get3A_945 = arith.constant 64 : index
        %get3A_946 = tpu.vector_load %arg5[%get3A_944, %get3A_945] {strides = array<i32>} : memref<80x129xf32, #tpu.memory_space<vmem>>, vector<16xf32>,
        %mul3A_947 = arith.mulf %get3A_946, %get3A_78 : vector<16xf32>
        %get3A_948 = arith.index_cast %add3A_927 : i32 to index
        %get3A_949 = arith.constant 80 : index
        %get3A_950 = tpu.vector_load %arg5[%get3A_948, %get3A_949] {strides = array<i32>} : memref<80x129xf32, #tpu.memory_space<vmem>>, vector<16xf32>,
        %mul3A_951 = arith.mulf %get3A_950, %get3A_80 : vector<16xf32>
        %get3A_952 = arith.index_cast %add3A_927 : i32 to index
        %get3A_953 = arith.constant 96 : index
        %get3A_954 = tpu.vector_load %arg5[%get3A_952, %get3A_953] {strides = array<i32>} : memref<80x129xf32, #tpu.memory_space<vmem>>, vector<16xf32>,
        %mul3A_955 = arith.mulf %get3A_954, %get3A_82 : vector<16xf32>
        %get3A_956 = arith.index_cast %add3A_927 : i32 to index
        %get3A_957 = arith.constant 112 : index
        %get3A_958 = tpu.vector_load %arg5[%get3A_956, %get3A_957] {strides = array<i32>} : memref<80x129xf32, #tpu.memory_space<vmem>>, vector<16xf32>,
        %mul3A_959 = arith.mulf %get3A_958, %get3A_84 : vector<16xf32>
        %add3A_960 = arith.addf %mul3A_931, %mul3A_935 : vector<16xf32>
        %add3A_961 = arith.addf %mul3A_939, %mul3A_943 : vector<16xf32>
        %add3A_962 = arith.addf %add3A_960, %add3A_961 : vector<16xf32>
        %add3A_963 = arith.addf %mul3A_947, %mul3A_951 : vector<16xf32>
        %add3A_964 = arith.addf %mul3A_955, %mul3A_959 : vector<16xf32>
        %add3A_965 = arith.addf %add3A_963, %add3A_964 : vector<16xf32>
        %add3A_966 = arith.addf %add3A_962, %add3A_965 : vector<16xf32>
        %reshape3A_967 = vector.shape_cast %max3A_15 : vector<16xi32> to vector<16x1xi32>
        %gather3A_968 = vector.shape_cast %reshape3A_967 : vector<16x1xi32> to vector<16xi32>
        %gather3A_969 = tpu.dynamic_gather %add3A_966[%gather3A_968] in [0] : vector<16xf32>, vector<16xi32> -> vector<16xf32>
        %add3A_970 = arith.addf %add3A_966, %gather3A_969 : vector<16xf32>
        %reshape3A_971 = vector.shape_cast %max3A_21 : vector<16xi32> to vector<16x1xi32>
        %gather3A_972 = vector.shape_cast %reshape3A_971 : vector<16x1xi32> to vector<16xi32>
        %gather3A_973 = tpu.dynamic_gather %add3A_970[%gather3A_972] in [0] : vector<16xf32>, vector<16xi32> -> vector<16xf32>
        %add3A_974 = arith.addf %add3A_970, %gather3A_973 : vector<16xf32>
        %reshape3A_975 = vector.shape_cast %max3A_27 : vector<16xi32> to vector<16x1xi32>
        %gather3A_976 = vector.shape_cast %reshape3A_975 : vector<16x1xi32> to vector<16xi32>
        %gather3A_977 = tpu.dynamic_gather %add3A_974[%gather3A_976] in [0] : vector<16xf32>, vector<16xi32> -> vector<16xf32>
        %add3A_978 = arith.addf %add3A_974, %gather3A_977 : vector<16xf32>
        %reshape3A_979 = vector.shape_cast %max3A_33 : vector<16xi32> to vector<16x1xi32>
        %gather3A_980 = vector.shape_cast %reshape3A_979 : vector<16x1xi32> to vector<16xi32>
        %gather3A_981 = tpu.dynamic_gather %add3A_978[%gather3A_980] in [0] : vector<16xf32>, vector<16xi32> -> vector<16xf32>
        %add3A_982 = arith.addf %add3A_978, %gather3A_981 : vector<16xf32>
        %eq3A_983 = arith.constant 11 : i32
        %eq3A_984 = vector.broadcast %eq3A_983 : i32 to vector<16xi32>
        %eq3A_985 = arith.cmpi eq, %iota3A, %eq3A_984 : vector<16xi32>
        %reshape3A_986 = vector.shape_cast %broadcast_in_dim3A_69 : vector<16xi32> to vector<16x1xi32>
        %gather3A_987 = vector.shape_cast %reshape3A_986 : vector<16x1xi32> to vector<16xi32>
        %gather3A_988 = tpu.dynamic_gather %add3A_982[%gather3A_987] in [0] : vector<16xf32>, vector<16xi32> -> vector<16xf32>
        %select_n3A_989 = arith.select %eq3A_985, %gather3A_988, %select_n3A_923 : vector<16xi1>, vector<16xf32>
        %mul3A_990 = arith.constant 16 : i32
        %mul3A_991 = arith.muli %scan3A_191, %mul3A_990 : i32
        %add3A_992 = arith.constant 12 : i32
        %add3A_993 = arith.addi %mul3A_991, %add3A_992 : i32
        %get3A_994 = arith.index_cast %add3A_993 : i32 to index
        %get3A_995 = arith.constant 0 : index
        %get3A_996 = tpu.vector_load %arg5[%get3A_994, %get3A_995] {strides = array<i32>} : memref<80x129xf32, #tpu.memory_space<vmem>>, vector<16xf32>,
        %mul3A_997 = arith.mulf %get3A_996, %get3A_70 : vector<16xf32>
        %get3A_998 = arith.index_cast %add3A_993 : i32 to index
        %get3A_999 = arith.constant 16 : index
        %get3A_1000 = tpu.vector_load %arg5[%get3A_998, %get3A_999] {strides = array<i32>} : memref<80x129xf32, #tpu.memory_space<vmem>>, vector<16xf32>,
        %mul3A_1001 = arith.mulf %get3A_1000, %get3A_72 : vector<16xf32>
        %get3A_1002 = arith.index_cast %add3A_993 : i32 to index
        %get3A_1003 = arith.constant 32 : index
        %get3A_1004 = tpu.vector_load %arg5[%get3A_1002, %get3A_1003] {strides = array<i32>} : memref<80x129xf32, #tpu.memory_space<vmem>>, vector<16xf32>,
        %mul3A_1005 = arith.mulf %get3A_1004, %get3A_74 : vector<16xf32>
        %get3A_1006 = arith.index_cast %add3A_993 : i32 to index
        %get3A_1007 = arith.constant 48 : index
        %get3A_1008 = tpu.vector_load %arg5[%get3A_1006, %get3A_1007] {strides = array<i32>} : memref<80x129xf32, #tpu.memory_space<vmem>>, vector<16xf32>,
        %mul3A_1009 = arith.mulf %get3A_1008, %get3A_76 : vector<16xf32>
        %get3A_1010 = arith.index_cast %add3A_993 : i32 to index
        %get3A_1011 = arith.constant 64 : index
        %get3A_1012 = tpu.vector_load %arg5[%get3A_1010, %get3A_1011] {strides = array<i32>} : memref<80x129xf32, #tpu.memory_space<vmem>>, vector<16xf32>,
        %mul3A_1013 = arith.mulf %get3A_1012, %get3A_78 : vector<16xf32>
        %get3A_1014 = arith.index_cast %add3A_993 : i32 to index
        %get3A_1015 = arith.constant 80 : index
        %get3A_1016 = tpu.vector_load %arg5[%get3A_1014, %get3A_1015] {strides = array<i32>} : memref<80x129xf32, #tpu.memory_space<vmem>>, vector<16xf32>,
        %mul3A_1017 = arith.mulf %get3A_1016, %get3A_80 : vector<16xf32>
        %get3A_1018 = arith.index_cast %add3A_993 : i32 to index
        %get3A_1019 = arith.constant 96 : index
        %get3A_1020 = tpu.vector_load %arg5[%get3A_1018, %get3A_1019] {strides = array<i32>} : memref<80x129xf32, #tpu.memory_space<vmem>>, vector<16xf32>,
        %mul3A_1021 = arith.mulf %get3A_1020, %get3A_82 : vector<16xf32>
        %get3A_1022 = arith.index_cast %add3A_993 : i32 to index
        %get3A_1023 = arith.constant 112 : index
        %get3A_1024 = tpu.vector_load %arg5[%get3A_1022, %get3A_1023] {strides = array<i32>} : memref<80x129xf32, #tpu.memory_space<vmem>>, vector<16xf32>,
        %mul3A_1025 = arith.mulf %get3A_1024, %get3A_84 : vector<16xf32>
        %add3A_1026 = arith.addf %mul3A_997, %mul3A_1001 : vector<16xf32>
        %add3A_1027 = arith.addf %mul3A_1005, %mul3A_1009 : vector<16xf32>
        %add3A_1028 = arith.addf %add3A_1026, %add3A_1027 : vector<16xf32>
        %add3A_1029 = arith.addf %mul3A_1013, %mul3A_1017 : vector<16xf32>
        %add3A_1030 = arith.addf %mul3A_1021, %mul3A_1025 : vector<16xf32>
        %add3A_1031 = arith.addf %add3A_1029, %add3A_1030 : vector<16xf32>
        %add3A_1032 = arith.addf %add3A_1028, %add3A_1031 : vector<16xf32>
        %reshape3A_1033 = vector.shape_cast %max3A_15 : vector<16xi32> to vector<16x1xi32>
        %gather3A_1034 = vector.shape_cast %reshape3A_1033 : vector<16x1xi32> to vector<16xi32>
        %gather3A_1035 = tpu.dynamic_gather %add3A_1032[%gather3A_1034] in [0] : vector<16xf32>, vector<16xi32> -> vector<16xf32>
        %add3A_1036 = arith.addf %add3A_1032, %gather3A_1035 : vector<16xf32>
        %reshape3A_1037 = vector.shape_cast %max3A_21 : vector<16xi32> to vector<16x1xi32>
        %gather3A_1038 = vector.shape_cast %reshape3A_1037 : vector<16x1xi32> to vector<16xi32>
        %gather3A_1039 = tpu.dynamic_gather %add3A_1036[%gather3A_1038] in [0] : vector<16xf32>, vector<16xi32> -> vector<16xf32>
        %add3A_1040 = arith.addf %add3A_1036, %gather3A_1039 : vector<16xf32>
        %reshape3A_1041 = vector.shape_cast %max3A_27 : vector<16xi32> to vector<16x1xi32>
        %gather3A_1042 = vector.shape_cast %reshape3A_1041 : vector<16x1xi32> to vector<16xi32>
        %gather3A_1043 = tpu.dynamic_gather %add3A_1040[%gather3A_1042] in [0] : vector<16xf32>, vector<16xi32> -> vector<16xf32>
        %add3A_1044 = arith.addf %add3A_1040, %gather3A_1043 : vector<16xf32>
        %reshape3A_1045 = vector.shape_cast %max3A_33 : vector<16xi32> to vector<16x1xi32>
        %gather3A_1046 = vector.shape_cast %reshape3A_1045 : vector<16x1xi32> to vector<16xi32>
        %gather3A_1047 = tpu.dynamic_gather %add3A_1044[%gather3A_1046] in [0] : vector<16xf32>, vector<16xi32> -> vector<16xf32>
        %add3A_1048 = arith.addf %add3A_1044, %gather3A_1047 : vector<16xf32>
        %eq3A_1049 = arith.constant 12 : i32
        %eq3A_1050 = vector.broadcast %eq3A_1049 : i32 to vector<16xi32>
        %eq3A_1051 = arith.cmpi eq, %iota3A, %eq3A_1050 : vector<16xi32>
        %reshape3A_1052 = vector.shape_cast %broadcast_in_dim3A_69 : vector<16xi32> to vector<16x1xi32>
        %gather3A_1053 = vector.shape_cast %reshape3A_1052 : vector<16x1xi32> to vector<16xi32>
        %gather3A_1054 = tpu.dynamic_gather %add3A_1048[%gather3A_1053] in [0] : vector<16xf32>, vector<16xi32> -> vector<16xf32>
        %select_n3A_1055 = arith.select %eq3A_1051, %gather3A_1054, %select_n3A_989 : vector<16xi1>, vector<16xf32>
        %mul3A_1056 = arith.constant 16 : i32
        %mul3A_1057 = arith.muli %scan3A_191, %mul3A_1056 : i32
        %add3A_1058 = arith.constant 13 : i32
        %add3A_1059 = arith.addi %mul3A_1057, %add3A_1058 : i32
        %get3A_1060 = arith.index_cast %add3A_1059 : i32 to index
        %get3A_1061 = arith.constant 0 : index
        %get3A_1062 = tpu.vector_load %arg5[%get3A_1060, %get3A_1061] {strides = array<i32>} : memref<80x129xf32, #tpu.memory_space<vmem>>, vector<16xf32>,
        %mul3A_1063 = arith.mulf %get3A_1062, %get3A_70 : vector<16xf32>
        %get3A_1064 = arith.index_cast %add3A_1059 : i32 to index
        %get3A_1065 = arith.constant 16 : index
        %get3A_1066 = tpu.vector_load %arg5[%get3A_1064, %get3A_1065] {strides = array<i32>} : memref<80x129xf32, #tpu.memory_space<vmem>>, vector<16xf32>,
        %mul3A_1067 = arith.mulf %get3A_1066, %get3A_72 : vector<16xf32>
        %get3A_1068 = arith.index_cast %add3A_1059 : i32 to index
        %get3A_1069 = arith.constant 32 : index
        %get3A_1070 = tpu.vector_load %arg5[%get3A_1068, %get3A_1069] {strides = array<i32>} : memref<80x129xf32, #tpu.memory_space<vmem>>, vector<16xf32>,
        %mul3A_1071 = arith.mulf %get3A_1070, %get3A_74 : vector<16xf32>
        %get3A_1072 = arith.index_cast %add3A_1059 : i32 to index
        %get3A_1073 = arith.constant 48 : index
        %get3A_1074 = tpu.vector_load %arg5[%get3A_1072, %get3A_1073] {strides = array<i32>} : memref<80x129xf32, #tpu.memory_space<vmem>>, vector<16xf32>,
        %mul3A_1075 = arith.mulf %get3A_1074, %get3A_76 : vector<16xf32>
        %get3A_1076 = arith.index_cast %add3A_1059 : i32 to index
        %get3A_1077 = arith.constant 64 : index
        %get3A_1078 = tpu.vector_load %arg5[%get3A_1076, %get3A_1077] {strides = array<i32>} : memref<80x129xf32, #tpu.memory_space<vmem>>, vector<16xf32>,
        %mul3A_1079 = arith.mulf %get3A_1078, %get3A_78 : vector<16xf32>
        %get3A_1080 = arith.index_cast %add3A_1059 : i32 to index
        %get3A_1081 = arith.constant 80 : index
        %get3A_1082 = tpu.vector_load %arg5[%get3A_1080, %get3A_1081] {strides = array<i32>} : memref<80x129xf32, #tpu.memory_space<vmem>>, vector<16xf32>,
        %mul3A_1083 = arith.mulf %get3A_1082, %get3A_80 : vector<16xf32>
        %get3A_1084 = arith.index_cast %add3A_1059 : i32 to index
        %get3A_1085 = arith.constant 96 : index
        %get3A_1086 = tpu.vector_load %arg5[%get3A_1084, %get3A_1085] {strides = array<i32>} : memref<80x129xf32, #tpu.memory_space<vmem>>, vector<16xf32>,
        %mul3A_1087 = arith.mulf %get3A_1086, %get3A_82 : vector<16xf32>
        %get3A_1088 = arith.index_cast %add3A_1059 : i32 to index
        %get3A_1089 = arith.constant 112 : index
        %get3A_1090 = tpu.vector_load %arg5[%get3A_1088, %get3A_1089] {strides = array<i32>} : memref<80x129xf32, #tpu.memory_space<vmem>>, vector<16xf32>,
        %mul3A_1091 = arith.mulf %get3A_1090, %get3A_84 : vector<16xf32>
        %add3A_1092 = arith.addf %mul3A_1063, %mul3A_1067 : vector<16xf32>
        %add3A_1093 = arith.addf %mul3A_1071, %mul3A_1075 : vector<16xf32>
        %add3A_1094 = arith.addf %add3A_1092, %add3A_1093 : vector<16xf32>
        %add3A_1095 = arith.addf %mul3A_1079, %mul3A_1083 : vector<16xf32>
        %add3A_1096 = arith.addf %mul3A_1087, %mul3A_1091 : vector<16xf32>
        %add3A_1097 = arith.addf %add3A_1095, %add3A_1096 : vector<16xf32>
        %add3A_1098 = arith.addf %add3A_1094, %add3A_1097 : vector<16xf32>
        %reshape3A_1099 = vector.shape_cast %max3A_15 : vector<16xi32> to vector<16x1xi32>
        %gather3A_1100 = vector.shape_cast %reshape3A_1099 : vector<16x1xi32> to vector<16xi32>
        %gather3A_1101 = tpu.dynamic_gather %add3A_1098[%gather3A_1100] in [0] : vector<16xf32>, vector<16xi32> -> vector<16xf32>
        %add3A_1102 = arith.addf %add3A_1098, %gather3A_1101 : vector<16xf32>
        %reshape3A_1103 = vector.shape_cast %max3A_21 : vector<16xi32> to vector<16x1xi32>
        %gather3A_1104 = vector.shape_cast %reshape3A_1103 : vector<16x1xi32> to vector<16xi32>
        %gather3A_1105 = tpu.dynamic_gather %add3A_1102[%gather3A_1104] in [0] : vector<16xf32>, vector<16xi32> -> vector<16xf32>
        %add3A_1106 = arith.addf %add3A_1102, %gather3A_1105 : vector<16xf32>
        %reshape3A_1107 = vector.shape_cast %max3A_27 : vector<16xi32> to vector<16x1xi32>
        %gather3A_1108 = vector.shape_cast %reshape3A_1107 : vector<16x1xi32> to vector<16xi32>
        %gather3A_1109 = tpu.dynamic_gather %add3A_1106[%gather3A_1108] in [0] : vector<16xf32>, vector<16xi32> -> vector<16xf32>
        %add3A_1110 = arith.addf %add3A_1106, %gather3A_1109 : vector<16xf32>
        %reshape3A_1111 = vector.shape_cast %max3A_33 : vector<16xi32> to vector<16x1xi32>
        %gather3A_1112 = vector.shape_cast %reshape3A_1111 : vector<16x1xi32> to vector<16xi32>
        %gather3A_1113 = tpu.dynamic_gather %add3A_1110[%gather3A_1112] in [0] : vector<16xf32>, vector<16xi32> -> vector<16xf32>
        %add3A_1114 = arith.addf %add3A_1110, %gather3A_1113 : vector<16xf32>
        %eq3A_1115 = arith.constant 13 : i32
        %eq3A_1116 = vector.broadcast %eq3A_1115 : i32 to vector<16xi32>
        %eq3A_1117 = arith.cmpi eq, %iota3A, %eq3A_1116 : vector<16xi32>
        %reshape3A_1118 = vector.shape_cast %broadcast_in_dim3A_69 : vector<16xi32> to vector<16x1xi32>
        %gather3A_1119 = vector.shape_cast %reshape3A_1118 : vector<16x1xi32> to vector<16xi32>
        %gather3A_1120 = tpu.dynamic_gather %add3A_1114[%gather3A_1119] in [0] : vector<16xf32>, vector<16xi32> -> vector<16xf32>
        %select_n3A_1121 = arith.select %eq3A_1117, %gather3A_1120, %select_n3A_1055 : vector<16xi1>, vector<16xf32>
        %mul3A_1122 = arith.constant 16 : i32
        %mul3A_1123 = arith.muli %scan3A_191, %mul3A_1122 : i32
        %add3A_1124 = arith.constant 14 : i32
        %add3A_1125 = arith.addi %mul3A_1123, %add3A_1124 : i32
        %get3A_1126 = arith.index_cast %add3A_1125 : i32 to index
        %get3A_1127 = arith.constant 0 : index
        %get3A_1128 = tpu.vector_load %arg5[%get3A_1126, %get3A_1127] {strides = array<i32>} : memref<80x129xf32, #tpu.memory_space<vmem>>, vector<16xf32>,
        %mul3A_1129 = arith.mulf %get3A_1128, %get3A_70 : vector<16xf32>
        %get3A_1130 = arith.index_cast %add3A_1125 : i32 to index
        %get3A_1131 = arith.constant 16 : index
        %get3A_1132 = tpu.vector_load %arg5[%get3A_1130, %get3A_1131] {strides = array<i32>} : memref<80x129xf32, #tpu.memory_space<vmem>>, vector<16xf32>,
        %mul3A_1133 = arith.mulf %get3A_1132, %get3A_72 : vector<16xf32>
        %get3A_1134 = arith.index_cast %add3A_1125 : i32 to index
        %get3A_1135 = arith.constant 32 : index
        %get3A_1136 = tpu.vector_load %arg5[%get3A_1134, %get3A_1135] {strides = array<i32>} : memref<80x129xf32, #tpu.memory_space<vmem>>, vector<16xf32>,
        %mul3A_1137 = arith.mulf %get3A_1136, %get3A_74 : vector<16xf32>
        %get3A_1138 = arith.index_cast %add3A_1125 : i32 to index
        %get3A_1139 = arith.constant 48 : index
        %get3A_1140 = tpu.vector_load %arg5[%get3A_1138, %get3A_1139] {strides = array<i32>} : memref<80x129xf32, #tpu.memory_space<vmem>>, vector<16xf32>,
        %mul3A_1141 = arith.mulf %get3A_1140, %get3A_76 : vector<16xf32>
        %get3A_1142 = arith.index_cast %add3A_1125 : i32 to index
        %get3A_1143 = arith.constant 64 : index
        %get3A_1144 = tpu.vector_load %arg5[%get3A_1142, %get3A_1143] {strides = array<i32>} : memref<80x129xf32, #tpu.memory_space<vmem>>, vector<16xf32>,
        %mul3A_1145 = arith.mulf %get3A_1144, %get3A_78 : vector<16xf32>
        %get3A_1146 = arith.index_cast %add3A_1125 : i32 to index
        %get3A_1147 = arith.constant 80 : index
        %get3A_1148 = tpu.vector_load %arg5[%get3A_1146, %get3A_1147] {strides = array<i32>} : memref<80x129xf32, #tpu.memory_space<vmem>>, vector<16xf32>,
        %mul3A_1149 = arith.mulf %get3A_1148, %get3A_80 : vector<16xf32>
        %get3A_1150 = arith.index_cast %add3A_1125 : i32 to index
        %get3A_1151 = arith.constant 96 : index
        %get3A_1152 = tpu.vector_load %arg5[%get3A_1150, %get3A_1151] {strides = array<i32>} : memref<80x129xf32, #tpu.memory_space<vmem>>, vector<16xf32>,
        %mul3A_1153 = arith.mulf %get3A_1152, %get3A_82 : vector<16xf32>
        %get3A_1154 = arith.index_cast %add3A_1125 : i32 to index
        %get3A_1155 = arith.constant 112 : index
        %get3A_1156 = tpu.vector_load %arg5[%get3A_1154, %get3A_1155] {strides = array<i32>} : memref<80x129xf32, #tpu.memory_space<vmem>>, vector<16xf32>,
        %mul3A_1157 = arith.mulf %get3A_1156, %get3A_84 : vector<16xf32>
        %add3A_1158 = arith.addf %mul3A_1129, %mul3A_1133 : vector<16xf32>
        %add3A_1159 = arith.addf %mul3A_1137, %mul3A_1141 : vector<16xf32>
        %add3A_1160 = arith.addf %add3A_1158, %add3A_1159 : vector<16xf32>
        %add3A_1161 = arith.addf %mul3A_1145, %mul3A_1149 : vector<16xf32>
        %add3A_1162 = arith.addf %mul3A_1153, %mul3A_1157 : vector<16xf32>
        %add3A_1163 = arith.addf %add3A_1161, %add3A_1162 : vector<16xf32>
        %add3A_1164 = arith.addf %add3A_1160, %add3A_1163 : vector<16xf32>
        %reshape3A_1165 = vector.shape_cast %max3A_15 : vector<16xi32> to vector<16x1xi32>
        %gather3A_1166 = vector.shape_cast %reshape3A_1165 : vector<16x1xi32> to vector<16xi32>
        %gather3A_1167 = tpu.dynamic_gather %add3A_1164[%gather3A_1166] in [0] : vector<16xf32>, vector<16xi32> -> vector<16xf32>
        %add3A_1168 = arith.addf %add3A_1164, %gather3A_1167 : vector<16xf32>
        %reshape3A_1169 = vector.shape_cast %max3A_21 : vector<16xi32> to vector<16x1xi32>
        %gather3A_1170 = vector.shape_cast %reshape3A_1169 : vector<16x1xi32> to vector<16xi32>
        %gather3A_1171 = tpu.dynamic_gather %add3A_1168[%gather3A_1170] in [0] : vector<16xf32>, vector<16xi32> -> vector<16xf32>
        %add3A_1172 = arith.addf %add3A_1168, %gather3A_1171 : vector<16xf32>
        %reshape3A_1173 = vector.shape_cast %max3A_27 : vector<16xi32> to vector<16x1xi32>
        %gather3A_1174 = vector.shape_cast %reshape3A_1173 : vector<16x1xi32> to vector<16xi32>
        %gather3A_1175 = tpu.dynamic_gather %add3A_1172[%gather3A_1174] in [0] : vector<16xf32>, vector<16xi32> -> vector<16xf32>
        %add3A_1176 = arith.addf %add3A_1172, %gather3A_1175 : vector<16xf32>
        %reshape3A_1177 = vector.shape_cast %max3A_33 : vector<16xi32> to vector<16x1xi32>
        %gather3A_1178 = vector.shape_cast %reshape3A_1177 : vector<16x1xi32> to vector<16xi32>
        %gather3A_1179 = tpu.dynamic_gather %add3A_1176[%gather3A_1178] in [0] : vector<16xf32>, vector<16xi32> -> vector<16xf32>
        %add3A_1180 = arith.addf %add3A_1176, %gather3A_1179 : vector<16xf32>
        %eq3A_1181 = arith.constant 14 : i32
        %eq3A_1182 = vector.broadcast %eq3A_1181 : i32 to vector<16xi32>
        %eq3A_1183 = arith.cmpi eq, %iota3A, %eq3A_1182 : vector<16xi32>
        %reshape3A_1184 = vector.shape_cast %broadcast_in_dim3A_69 : vector<16xi32> to vector<16x1xi32>
        %gather3A_1185 = vector.shape_cast %reshape3A_1184 : vector<16x1xi32> to vector<16xi32>
        %gather3A_1186 = tpu.dynamic_gather %add3A_1180[%gather3A_1185] in [0] : vector<16xf32>, vector<16xi32> -> vector<16xf32>
        %select_n3A_1187 = arith.select %eq3A_1183, %gather3A_1186, %select_n3A_1121 : vector<16xi1>, vector<16xf32>
        %mul3A_1188 = arith.constant 16 : i32
        %mul3A_1189 = arith.muli %scan3A_191, %mul3A_1188 : i32
        %add3A_1190 = arith.constant 15 : i32
        %add3A_1191 = arith.addi %mul3A_1189, %add3A_1190 : i32
        %get3A_1192 = arith.index_cast %add3A_1191 : i32 to index
        %get3A_1193 = arith.constant 0 : index
        %get3A_1194 = tpu.vector_load %arg5[%get3A_1192, %get3A_1193] {strides = array<i32>} : memref<80x129xf32, #tpu.memory_space<vmem>>, vector<16xf32>,
        %mul3A_1195 = arith.mulf %get3A_1194, %get3A_70 : vector<16xf32>
        %get3A_1196 = arith.index_cast %add3A_1191 : i32 to index
        %get3A_1197 = arith.constant 16 : index
        %get3A_1198 = tpu.vector_load %arg5[%get3A_1196, %get3A_1197] {strides = array<i32>} : memref<80x129xf32, #tpu.memory_space<vmem>>, vector<16xf32>,
        %mul3A_1199 = arith.mulf %get3A_1198, %get3A_72 : vector<16xf32>
        %get3A_1200 = arith.index_cast %add3A_1191 : i32 to index
        %get3A_1201 = arith.constant 32 : index
        %get3A_1202 = tpu.vector_load %arg5[%get3A_1200, %get3A_1201] {strides = array<i32>} : memref<80x129xf32, #tpu.memory_space<vmem>>, vector<16xf32>,
        %mul3A_1203 = arith.mulf %get3A_1202, %get3A_74 : vector<16xf32>
        %get3A_1204 = arith.index_cast %add3A_1191 : i32 to index
        %get3A_1205 = arith.constant 48 : index
        %get3A_1206 = tpu.vector_load %arg5[%get3A_1204, %get3A_1205] {strides = array<i32>} : memref<80x129xf32, #tpu.memory_space<vmem>>, vector<16xf32>,
        %mul3A_1207 = arith.mulf %get3A_1206, %get3A_76 : vector<16xf32>
        %get3A_1208 = arith.index_cast %add3A_1191 : i32 to index
        %get3A_1209 = arith.constant 64 : index
        %get3A_1210 = tpu.vector_load %arg5[%get3A_1208, %get3A_1209] {strides = array<i32>} : memref<80x129xf32, #tpu.memory_space<vmem>>, vector<16xf32>,
        %mul3A_1211 = arith.mulf %get3A_1210, %get3A_78 : vector<16xf32>
        %get3A_1212 = arith.index_cast %add3A_1191 : i32 to index
        %get3A_1213 = arith.constant 80 : index
        %get3A_1214 = tpu.vector_load %arg5[%get3A_1212, %get3A_1213] {strides = array<i32>} : memref<80x129xf32, #tpu.memory_space<vmem>>, vector<16xf32>,
        %mul3A_1215 = arith.mulf %get3A_1214, %get3A_80 : vector<16xf32>
        %get3A_1216 = arith.index_cast %add3A_1191 : i32 to index
        %get3A_1217 = arith.constant 96 : index
        %get3A_1218 = tpu.vector_load %arg5[%get3A_1216, %get3A_1217] {strides = array<i32>} : memref<80x129xf32, #tpu.memory_space<vmem>>, vector<16xf32>,
        %mul3A_1219 = arith.mulf %get3A_1218, %get3A_82 : vector<16xf32>
        %get3A_1220 = arith.index_cast %add3A_1191 : i32 to index
        %get3A_1221 = arith.constant 112 : index
        %get3A_1222 = tpu.vector_load %arg5[%get3A_1220, %get3A_1221] {strides = array<i32>} : memref<80x129xf32, #tpu.memory_space<vmem>>, vector<16xf32>,
        %mul3A_1223 = arith.mulf %get3A_1222, %get3A_84 : vector<16xf32>
        %add3A_1224 = arith.addf %mul3A_1195, %mul3A_1199 : vector<16xf32>
        %add3A_1225 = arith.addf %mul3A_1203, %mul3A_1207 : vector<16xf32>
        %add3A_1226 = arith.addf %add3A_1224, %add3A_1225 : vector<16xf32>
        %add3A_1227 = arith.addf %mul3A_1211, %mul3A_1215 : vector<16xf32>
        %add3A_1228 = arith.addf %mul3A_1219, %mul3A_1223 : vector<16xf32>
        %add3A_1229 = arith.addf %add3A_1227, %add3A_1228 : vector<16xf32>
        %add3A_1230 = arith.addf %add3A_1226, %add3A_1229 : vector<16xf32>
        %reshape3A_1231 = vector.shape_cast %max3A_15 : vector<16xi32> to vector<16x1xi32>
        %gather3A_1232 = vector.shape_cast %reshape3A_1231 : vector<16x1xi32> to vector<16xi32>
        %gather3A_1233 = tpu.dynamic_gather %add3A_1230[%gather3A_1232] in [0] : vector<16xf32>, vector<16xi32> -> vector<16xf32>
        %add3A_1234 = arith.addf %add3A_1230, %gather3A_1233 : vector<16xf32>
        %reshape3A_1235 = vector.shape_cast %max3A_21 : vector<16xi32> to vector<16x1xi32>
        %gather3A_1236 = vector.shape_cast %reshape3A_1235 : vector<16x1xi32> to vector<16xi32>
        %gather3A_1237 = tpu.dynamic_gather %add3A_1234[%gather3A_1236] in [0] : vector<16xf32>, vector<16xi32> -> vector<16xf32>
        %add3A_1238 = arith.addf %add3A_1234, %gather3A_1237 : vector<16xf32>
        %reshape3A_1239 = vector.shape_cast %max3A_27 : vector<16xi32> to vector<16x1xi32>
        %gather3A_1240 = vector.shape_cast %reshape3A_1239 : vector<16x1xi32> to vector<16xi32>
        %gather3A_1241 = tpu.dynamic_gather %add3A_1238[%gather3A_1240] in [0] : vector<16xf32>, vector<16xi32> -> vector<16xf32>
        %add3A_1242 = arith.addf %add3A_1238, %gather3A_1241 : vector<16xf32>
        %reshape3A_1243 = vector.shape_cast %max3A_33 : vector<16xi32> to vector<16x1xi32>
        %gather3A_1244 = vector.shape_cast %reshape3A_1243 : vector<16x1xi32> to vector<16xi32>
        %gather3A_1245 = tpu.dynamic_gather %add3A_1242[%gather3A_1244] in [0] : vector<16xf32>, vector<16xi32> -> vector<16xf32>
        %add3A_1246 = arith.addf %add3A_1242, %gather3A_1245 : vector<16xf32>
        %eq3A_1247 = arith.constant 15 : i32
        %eq3A_1248 = vector.broadcast %eq3A_1247 : i32 to vector<16xi32>
        %eq3A_1249 = arith.cmpi eq, %iota3A, %eq3A_1248 : vector<16xi32>
        %reshape3A_1250 = vector.shape_cast %broadcast_in_dim3A_69 : vector<16xi32> to vector<16x1xi32>
        %gather3A_1251 = vector.shape_cast %reshape3A_1250 : vector<16x1xi32> to vector<16xi32>
        %gather3A_1252 = tpu.dynamic_gather %add3A_1246[%gather3A_1251] in [0] : vector<16xf32>, vector<16xi32> -> vector<16xf32>
        %select_n3A_1253 = arith.select %eq3A_1249, %gather3A_1252, %select_n3A_1187 : vector<16xi1>, vector<16xf32>
        %mul3A_1254 = arith.constant 16 : i32
        %mul3A_1255 = arith.muli %scan3A_191, %mul3A_1254 : i32
        %add3A_1256 = vector.broadcast %mul3A_1255 : i32 to vector<16xi32>
        %add3A_1257 = arith.addi %add3A_1256, %iota3A : vector<16xi32>
        %gather3A_1258 = tpu.vector_load_idx %arg5[%add3A_1257, %add3A_95] : memref<80x129xf32, #tpu.memory_space<vmem>>[vector<16xi32>, vector<16xi32>], vector<16xf32>,
        %mul3A_1259 = arith.mulf %gather3A_1258, %gather3A_92 : vector<16xf32>
        %add3A_1260 = arith.addf %select_n3A_1253, %mul3A_1259 : vector<16xf32>
        %add3A_1261 = arith.addf %add3A_1260, %gather3A_89 : vector<16xf32>
        %max3A_1262 = arith.constant 0.000000e+00 : f32
        %max3A_1263 = vector.broadcast %max3A_1262 : f32 to vector<16xf32>
        %max3A_1264 = arith.maximumf %add3A_1261, %max3A_1263 : vector<16xf32>
        %reshape3A_1265 = vector.shape_cast %max3A_15 : vector<16xi32> to vector<16x1xi32>
        %gather3A_1266 = vector.shape_cast %reshape3A_1265 : vector<16x1xi32> to vector<16xi32>
        %gather3A_1267 = tpu.dynamic_gather %max3A_1264[%gather3A_1266] in [0] : vector<16xf32>, vector<16xi32> -> vector<16xf32>
        %reshape3A_1268 = vector.shape_cast %max3A_15 : vector<16xi32> to vector<16x1xi32>
        %gather3A_1269 = vector.shape_cast %reshape3A_1268 : vector<16x1xi32> to vector<16xi32>
        %gather3A_1270 = tpu.dynamic_gather %convert_element_type3A[%gather3A_1269] in [0] : vector<16xi32>, vector<16xi32> -> vector<16xi32>
        %eq3A_1271 = arith.cmpi eq, %gather3A_1270, %convert_element_type3A : vector<16xi32>
        %max3A_1272 = arith.maximumf %max3A_1264, %gather3A_1267 : vector<16xf32>
        %select_n3A_1273 = arith.select %eq3A_1271, %max3A_1272, %max3A_1264 : vector<16xi1>, vector<16xf32>
        %reshape3A_1274 = vector.shape_cast %max3A_21 : vector<16xi32> to vector<16x1xi32>
        %gather3A_1275 = vector.shape_cast %reshape3A_1274 : vector<16x1xi32> to vector<16xi32>
        %gather3A_1276 = tpu.dynamic_gather %select_n3A_1273[%gather3A_1275] in [0] : vector<16xf32>, vector<16xi32> -> vector<16xf32>
        %reshape3A_1277 = vector.shape_cast %max3A_21 : vector<16xi32> to vector<16x1xi32>
        %gather3A_1278 = vector.shape_cast %reshape3A_1277 : vector<16x1xi32> to vector<16xi32>
        %gather3A_1279 = tpu.dynamic_gather %convert_element_type3A[%gather3A_1278] in [0] : vector<16xi32>, vector<16xi32> -> vector<16xi32>
        %eq3A_1280 = arith.cmpi eq, %gather3A_1279, %convert_element_type3A : vector<16xi32>
        %max3A_1281 = arith.maximumf %select_n3A_1273, %gather3A_1276 : vector<16xf32>
        %select_n3A_1282 = arith.select %eq3A_1280, %max3A_1281, %select_n3A_1273 : vector<16xi1>, vector<16xf32>
        %reshape3A_1283 = vector.shape_cast %max3A_27 : vector<16xi32> to vector<16x1xi32>
        %gather3A_1284 = vector.shape_cast %reshape3A_1283 : vector<16x1xi32> to vector<16xi32>
        %gather3A_1285 = tpu.dynamic_gather %select_n3A_1282[%gather3A_1284] in [0] : vector<16xf32>, vector<16xi32> -> vector<16xf32>
        %reshape3A_1286 = vector.shape_cast %max3A_27 : vector<16xi32> to vector<16x1xi32>
        %gather3A_1287 = vector.shape_cast %reshape3A_1286 : vector<16x1xi32> to vector<16xi32>
        %gather3A_1288 = tpu.dynamic_gather %convert_element_type3A[%gather3A_1287] in [0] : vector<16xi32>, vector<16xi32> -> vector<16xi32>
        %eq3A_1289 = arith.cmpi eq, %gather3A_1288, %convert_element_type3A : vector<16xi32>
        %max3A_1290 = arith.maximumf %select_n3A_1282, %gather3A_1285 : vector<16xf32>
        %select_n3A_1291 = arith.select %eq3A_1289, %max3A_1290, %select_n3A_1282 : vector<16xi1>, vector<16xf32>
        %reshape3A_1292 = vector.shape_cast %max3A_33 : vector<16xi32> to vector<16x1xi32>
        %gather3A_1293 = vector.shape_cast %reshape3A_1292 : vector<16x1xi32> to vector<16xi32>
        %gather3A_1294 = tpu.dynamic_gather %select_n3A_1291[%gather3A_1293] in [0] : vector<16xf32>, vector<16xi32> -> vector<16xf32>
        %reshape3A_1295 = vector.shape_cast %max3A_33 : vector<16xi32> to vector<16x1xi32>
        %gather3A_1296 = vector.shape_cast %reshape3A_1295 : vector<16x1xi32> to vector<16xi32>
        %gather3A_1297 = tpu.dynamic_gather %convert_element_type3A[%gather3A_1296] in [0] : vector<16xi32>, vector<16xi32> -> vector<16xi32>
        %eq3A_1298 = arith.cmpi eq, %gather3A_1297, %convert_element_type3A : vector<16xi32>
        %max3A_1299 = arith.maximumf %select_n3A_1291, %gather3A_1294 : vector<16xf32>
        %select_n3A_1300 = arith.select %eq3A_1298, %max3A_1299, %select_n3A_1291 : vector<16xi1>, vector<16xf32>
        %reshape3A_1301 = vector.shape_cast %min3A_11 : vector<16xi32> to vector<16x1xi32>
        %gather3A_1302 = vector.shape_cast %reshape3A_1301 : vector<16x1xi32> to vector<16xi32>
        %gather3A_1303 = tpu.dynamic_gather %convert_element_type3A[%gather3A_1302] in [0] : vector<16xi32>, vector<16xi32> -> vector<16xi32>
        %ne3A = arith.cmpi ne, %convert_element_type3A, %gather3A_1303 : vector<16xi32>
        %or3A = arith.ori %ne3A, %eq3A_35 : vector<16xi1>
        %gather3A_1304 = tpu.vector_load_idx %arg8[%convert_element_type3A] masked %or3A : memref<10240xf32, #tpu.memory_space<vmem>>[vector<16xi32>], vector<16xf32>, vector<16xi1>
        %max3A_1305 = arith.maximumf %gather3A_1304, %select_n3A_1300 : vector<16xf32>
        tpu.vector_store_idx %arg8[%convert_element_type3A], %max3A_1305 masked %or3A : memref<10240xf32, #tpu.memory_space<vmem>>[vector<16xi32>], vector<16xf32>, vector<16xi1>
      }
      %scan3A_158 = arith.constant 5 : i32
      %mul3A_159 = arith.constant 2 : i32
      %mul3A_160 = arith.muli %mul3A_159, %scan3A_130 : i32
      %add3A_161 = arith.constant 2 : i32
      %add3A_162 = arith.addi %mul3A_160, %add3A_161 : i32
      %mul3A_163 = arith.constant 80 : i32
      %mul3A_164 = arith.muli %add3A_162, %mul3A_163 : i32
      %add3A_165 = arith.addi %mul3A_97, %mul3A_164 : i32
      %dma_start3A_166 = arith.constant 0 : i32
      %dma_start3A_167 = tpu.memref_slice %arg2[%add3A_165, %dma_start3A_166] : memref<320000x129xf32, #tpu.memory_space<hbm>> -> memref<80x129xf32, #tpu.memory_space<hbm>>
      %dma_start3A_168 = arith.constant 0 : i32
      %dma_start3A_169 = tpu.memref_slice %arg2[%add3A_165, %dma_start3A_168] : memref<320000x129xf32, #tpu.memory_space<hbm>> -> memref<80x129xf32, #tpu.memory_space<hbm>>
      tpu.enqueue_dma source(%dma_start3A_169 : memref<80x129xf32, #tpu.memory_space<hbm>>) target(%arg5 : memref<80x129xf32, #tpu.memory_space<vmem>>) target_semaphore(%arg12 : memref<!tpu.dma_semaphore, #tpu.memory_space<semaphore_mem>>)
      %mul3A_170 = arith.constant 2 : i32
      %mul3A_171 = arith.muli %mul3A_170, %scan3A_130 : i32
      %add3A_172 = arith.constant 1 : i32
      %add3A_173 = arith.addi %mul3A_171, %add3A_172 : i32
      %mul3A_174 = arith.constant 80 : i32
      %mul3A_175 = arith.muli %add3A_173, %mul3A_174 : i32
      %add3A_176 = arith.addi %mul3A_97, %mul3A_175 : i32
      %dma_wait3A_177 = arith.constant 0 : i32
      %dma_wait3A_178 = tpu.memref_slice %arg2[%add3A_176, %dma_wait3A_177] : memref<320000x129xf32, #tpu.memory_space<hbm>> -> memref<80x129xf32, #tpu.memory_space<hbm>>
      %dma_wait3A_179 = arith.constant 0 : i32
      %dma_wait3A_180 = tpu.memref_slice %arg2[%add3A_176, %dma_wait3A_179] : memref<320000x129xf32, #tpu.memory_space<hbm>> -> memref<80x129xf32, #tpu.memory_space<hbm>>
      tpu.wait_dma2 semaphore(%arg13 : memref<!tpu.dma_semaphore, #tpu.memory_space<semaphore_mem>>) src(%dma_wait3A_180 : memref<80x129xf32, #tpu.memory_space<hbm>>) dst(%arg6 : memref<80x129xf32, #tpu.memory_space<vmem>>)
      %mul3A_181 = arith.constant 2 : i32
      %mul3A_182 = arith.muli %mul3A_181, %scan3A_130 : i32
      %add3A_183 = arith.constant 1 : i32
      %add3A_184 = arith.addi %mul3A_182, %add3A_183 : i32
      %scan3A_185 = arith.constant 0 : i32
      %scan3A_186 = arith.constant 0 : i32
      %scan3A_187 = arith.constant 5 : i32
      %scan3A_188 = arith.addi %scan3A_186, %scan3A_187 : i32
      %scan3A_189 = arith.constant 1 : i32
      scf.for %scan3A_191 = %scan3A_186 to %scan3A_188 step %scan3A_189  : i32 {
        %mul3A_192 = arith.constant 16 : i32
        %mul3A_193 = arith.muli %scan3A_191, %mul3A_192 : i32
        %add3A_194 = vector.broadcast %mul3A_193 : i32 to vector<16xi32>
        %add3A_195 = arith.addi %add3A_194, %iota3A : vector<16xi32>
        %gather3A_196 = tpu.vector_load_idx %arg6[%add3A_195, %broadcast_in_dim3A_37] : memref<80x129xf32, #tpu.memory_space<vmem>>[vector<16xi32>, vector<16xi32>], vector<16xf32>,
        %convert_element_type3A = arith.fptosi %gather3A_196 : vector<16xf32> to vector<16xi32>
        %broadcast_in_dim3A_197 = arith.constant 0.000000e+00 : f32
        %broadcast_in_dim3A_198 = vector.broadcast %broadcast_in_dim3A_197 : f32 to vector<16xf32>
        %mul3A_199 = arith.constant 16 : i32
        %mul3A_200 = arith.muli %scan3A_191, %mul3A_199 : i32
        %add3A_201 = arith.constant 0 : i32
        %add3A_202 = arith.addi %mul3A_200, %add3A_201 : i32
        %get3A_203 = arith.index_cast %add3A_202 : i32 to index
        %get3A_204 = arith.constant 0 : index
        %get3A_205 = tpu.vector_load %arg6[%get3A_203, %get3A_204] {strides = array<i32>} : memref<80x129xf32, #tpu.memory_space<vmem>>, vector<16xf32>,
        %mul3A_206 = arith.mulf %get3A_205, %get3A_70 : vector<16xf32>
        %get3A_207 = arith.index_cast %add3A_202 : i32 to index
        %get3A_208 = arith.constant 16 : index
        %get3A_209 = tpu.vector_load %arg6[%get3A_207, %get3A_208] {strides = array<i32>} : memref<80x129xf32, #tpu.memory_space<vmem>>, vector<16xf32>,
        %mul3A_210 = arith.mulf %get3A_209, %get3A_72 : vector<16xf32>
        %get3A_211 = arith.index_cast %add3A_202 : i32 to index
        %get3A_212 = arith.constant 32 : index
        %get3A_213 = tpu.vector_load %arg6[%get3A_211, %get3A_212] {strides = array<i32>} : memref<80x129xf32, #tpu.memory_space<vmem>>, vector<16xf32>,
        %mul3A_214 = arith.mulf %get3A_213, %get3A_74 : vector<16xf32>
        %get3A_215 = arith.index_cast %add3A_202 : i32 to index
        %get3A_216 = arith.constant 48 : index
        %get3A_217 = tpu.vector_load %arg6[%get3A_215, %get3A_216] {strides = array<i32>} : memref<80x129xf32, #tpu.memory_space<vmem>>, vector<16xf32>,
        %mul3A_218 = arith.mulf %get3A_217, %get3A_76 : vector<16xf32>
        %get3A_219 = arith.index_cast %add3A_202 : i32 to index
        %get3A_220 = arith.constant 64 : index
        %get3A_221 = tpu.vector_load %arg6[%get3A_219, %get3A_220] {strides = array<i32>} : memref<80x129xf32, #tpu.memory_space<vmem>>, vector<16xf32>,
        %mul3A_222 = arith.mulf %get3A_221, %get3A_78 : vector<16xf32>
        %get3A_223 = arith.index_cast %add3A_202 : i32 to index
        %get3A_224 = arith.constant 80 : index
        %get3A_225 = tpu.vector_load %arg6[%get3A_223, %get3A_224] {strides = array<i32>} : memref<80x129xf32, #tpu.memory_space<vmem>>, vector<16xf32>,
        %mul3A_226 = arith.mulf %get3A_225, %get3A_80 : vector<16xf32>
        %get3A_227 = arith.index_cast %add3A_202 : i32 to index
        %get3A_228 = arith.constant 96 : index
        %get3A_229 = tpu.vector_load %arg6[%get3A_227, %get3A_228] {strides = array<i32>} : memref<80x129xf32, #tpu.memory_space<vmem>>, vector<16xf32>,
        %mul3A_230 = arith.mulf %get3A_229, %get3A_82 : vector<16xf32>
        %get3A_231 = arith.index_cast %add3A_202 : i32 to index
        %get3A_232 = arith.constant 112 : index
        %get3A_233 = tpu.vector_load %arg6[%get3A_231, %get3A_232] {strides = array<i32>} : memref<80x129xf32, #tpu.memory_space<vmem>>, vector<16xf32>,
        %mul3A_234 = arith.mulf %get3A_233, %get3A_84 : vector<16xf32>
        %add3A_235 = arith.addf %mul3A_206, %mul3A_210 : vector<16xf32>
        %add3A_236 = arith.addf %mul3A_214, %mul3A_218 : vector<16xf32>
        %add3A_237 = arith.addf %add3A_235, %add3A_236 : vector<16xf32>
        %add3A_238 = arith.addf %mul3A_222, %mul3A_226 : vector<16xf32>
        %add3A_239 = arith.addf %mul3A_230, %mul3A_234 : vector<16xf32>
        %add3A_240 = arith.addf %add3A_238, %add3A_239 : vector<16xf32>
        %add3A_241 = arith.addf %add3A_237, %add3A_240 : vector<16xf32>
        %reshape3A_242 = vector.shape_cast %max3A_15 : vector<16xi32> to vector<16x1xi32>
        %gather3A_243 = vector.shape_cast %reshape3A_242 : vector<16x1xi32> to vector<16xi32>
        %gather3A_244 = tpu.dynamic_gather %add3A_241[%gather3A_243] in [0] : vector<16xf32>, vector<16xi32> -> vector<16xf32>
        %add3A_245 = arith.addf %add3A_241, %gather3A_244 : vector<16xf32>
        %reshape3A_246 = vector.shape_cast %max3A_21 : vector<16xi32> to vector<16x1xi32>
        %gather3A_247 = vector.shape_cast %reshape3A_246 : vector<16x1xi32> to vector<16xi32>
        %gather3A_248 = tpu.dynamic_gather %add3A_245[%gather3A_247] in [0] : vector<16xf32>, vector<16xi32> -> vector<16xf32>
        %add3A_249 = arith.addf %add3A_245, %gather3A_248 : vector<16xf32>
        %reshape3A_250 = vector.shape_cast %max3A_27 : vector<16xi32> to vector<16x1xi32>
        %gather3A_251 = vector.shape_cast %reshape3A_250 : vector<16x1xi32> to vector<16xi32>
        %gather3A_252 = tpu.dynamic_gather %add3A_249[%gather3A_251] in [0] : vector<16xf32>, vector<16xi32> -> vector<16xf32>
        %add3A_253 = arith.addf %add3A_249, %gather3A_252 : vector<16xf32>
        %reshape3A_254 = vector.shape_cast %max3A_33 : vector<16xi32> to vector<16x1xi32>
        %gather3A_255 = vector.shape_cast %reshape3A_254 : vector<16x1xi32> to vector<16xi32>
        %gather3A_256 = tpu.dynamic_gather %add3A_253[%gather3A_255] in [0] : vector<16xf32>, vector<16xi32> -> vector<16xf32>
        %add3A_257 = arith.addf %add3A_253, %gather3A_256 : vector<16xf32>
        %eq3A_258 = arith.constant 0 : i32
        %eq3A_259 = vector.broadcast %eq3A_258 : i32 to vector<16xi32>
        %eq3A_260 = arith.cmpi eq, %iota3A, %eq3A_259 : vector<16xi32>
        %reshape3A_261 = vector.shape_cast %broadcast_in_dim3A_69 : vector<16xi32> to vector<16x1xi32>
        %gather3A_262 = vector.shape_cast %reshape3A_261 : vector<16x1xi32> to vector<16xi32>
        %gather3A_263 = tpu.dynamic_gather %add3A_257[%gather3A_262] in [0] : vector<16xf32>, vector<16xi32> -> vector<16xf32>
        %select_n3A = arith.select %eq3A_260, %gather3A_263, %broadcast_in_dim3A_198 : vector<16xi1>, vector<16xf32>
        %mul3A_264 = arith.constant 16 : i32
        %mul3A_265 = arith.muli %scan3A_191, %mul3A_264 : i32
        %add3A_266 = arith.constant 1 : i32
        %add3A_267 = arith.addi %mul3A_265, %add3A_266 : i32
        %get3A_268 = arith.index_cast %add3A_267 : i32 to index
        %get3A_269 = arith.constant 0 : index
        %get3A_270 = tpu.vector_load %arg6[%get3A_268, %get3A_269] {strides = array<i32>} : memref<80x129xf32, #tpu.memory_space<vmem>>, vector<16xf32>,
        %mul3A_271 = arith.mulf %get3A_270, %get3A_70 : vector<16xf32>
        %get3A_272 = arith.index_cast %add3A_267 : i32 to index
        %get3A_273 = arith.constant 16 : index
        %get3A_274 = tpu.vector_load %arg6[%get3A_272, %get3A_273] {strides = array<i32>} : memref<80x129xf32, #tpu.memory_space<vmem>>, vector<16xf32>,
        %mul3A_275 = arith.mulf %get3A_274, %get3A_72 : vector<16xf32>
        %get3A_276 = arith.index_cast %add3A_267 : i32 to index
        %get3A_277 = arith.constant 32 : index
        %get3A_278 = tpu.vector_load %arg6[%get3A_276, %get3A_277] {strides = array<i32>} : memref<80x129xf32, #tpu.memory_space<vmem>>, vector<16xf32>,
        %mul3A_279 = arith.mulf %get3A_278, %get3A_74 : vector<16xf32>
        %get3A_280 = arith.index_cast %add3A_267 : i32 to index
        %get3A_281 = arith.constant 48 : index
        %get3A_282 = tpu.vector_load %arg6[%get3A_280, %get3A_281] {strides = array<i32>} : memref<80x129xf32, #tpu.memory_space<vmem>>, vector<16xf32>,
        %mul3A_283 = arith.mulf %get3A_282, %get3A_76 : vector<16xf32>
        %get3A_284 = arith.index_cast %add3A_267 : i32 to index
        %get3A_285 = arith.constant 64 : index
        %get3A_286 = tpu.vector_load %arg6[%get3A_284, %get3A_285] {strides = array<i32>} : memref<80x129xf32, #tpu.memory_space<vmem>>, vector<16xf32>,
        %mul3A_287 = arith.mulf %get3A_286, %get3A_78 : vector<16xf32>
        %get3A_288 = arith.index_cast %add3A_267 : i32 to index
        %get3A_289 = arith.constant 80 : index
        %get3A_290 = tpu.vector_load %arg6[%get3A_288, %get3A_289] {strides = array<i32>} : memref<80x129xf32, #tpu.memory_space<vmem>>, vector<16xf32>,
        %mul3A_291 = arith.mulf %get3A_290, %get3A_80 : vector<16xf32>
        %get3A_292 = arith.index_cast %add3A_267 : i32 to index
        %get3A_293 = arith.constant 96 : index
        %get3A_294 = tpu.vector_load %arg6[%get3A_292, %get3A_293] {strides = array<i32>} : memref<80x129xf32, #tpu.memory_space<vmem>>, vector<16xf32>,
        %mul3A_295 = arith.mulf %get3A_294, %get3A_82 : vector<16xf32>
        %get3A_296 = arith.index_cast %add3A_267 : i32 to index
        %get3A_297 = arith.constant 112 : index
        %get3A_298 = tpu.vector_load %arg6[%get3A_296, %get3A_297] {strides = array<i32>} : memref<80x129xf32, #tpu.memory_space<vmem>>, vector<16xf32>,
        %mul3A_299 = arith.mulf %get3A_298, %get3A_84 : vector<16xf32>
        %add3A_300 = arith.addf %mul3A_271, %mul3A_275 : vector<16xf32>
        %add3A_301 = arith.addf %mul3A_279, %mul3A_283 : vector<16xf32>
        %add3A_302 = arith.addf %add3A_300, %add3A_301 : vector<16xf32>
        %add3A_303 = arith.addf %mul3A_287, %mul3A_291 : vector<16xf32>
        %add3A_304 = arith.addf %mul3A_295, %mul3A_299 : vector<16xf32>
        %add3A_305 = arith.addf %add3A_303, %add3A_304 : vector<16xf32>
        %add3A_306 = arith.addf %add3A_302, %add3A_305 : vector<16xf32>
        %reshape3A_307 = vector.shape_cast %max3A_15 : vector<16xi32> to vector<16x1xi32>
        %gather3A_308 = vector.shape_cast %reshape3A_307 : vector<16x1xi32> to vector<16xi32>
        %gather3A_309 = tpu.dynamic_gather %add3A_306[%gather3A_308] in [0] : vector<16xf32>, vector<16xi32> -> vector<16xf32>
        %add3A_310 = arith.addf %add3A_306, %gather3A_309 : vector<16xf32>
        %reshape3A_311 = vector.shape_cast %max3A_21 : vector<16xi32> to vector<16x1xi32>
        %gather3A_312 = vector.shape_cast %reshape3A_311 : vector<16x1xi32> to vector<16xi32>
        %gather3A_313 = tpu.dynamic_gather %add3A_310[%gather3A_312] in [0] : vector<16xf32>, vector<16xi32> -> vector<16xf32>
        %add3A_314 = arith.addf %add3A_310, %gather3A_313 : vector<16xf32>
        %reshape3A_315 = vector.shape_cast %max3A_27 : vector<16xi32> to vector<16x1xi32>
        %gather3A_316 = vector.shape_cast %reshape3A_315 : vector<16x1xi32> to vector<16xi32>
        %gather3A_317 = tpu.dynamic_gather %add3A_314[%gather3A_316] in [0] : vector<16xf32>, vector<16xi32> -> vector<16xf32>
        %add3A_318 = arith.addf %add3A_314, %gather3A_317 : vector<16xf32>
        %reshape3A_319 = vector.shape_cast %max3A_33 : vector<16xi32> to vector<16x1xi32>
        %gather3A_320 = vector.shape_cast %reshape3A_319 : vector<16x1xi32> to vector<16xi32>
        %gather3A_321 = tpu.dynamic_gather %add3A_318[%gather3A_320] in [0] : vector<16xf32>, vector<16xi32> -> vector<16xf32>
        %add3A_322 = arith.addf %add3A_318, %gather3A_321 : vector<16xf32>
        %eq3A_323 = arith.constant 1 : i32
        %eq3A_324 = vector.broadcast %eq3A_323 : i32 to vector<16xi32>
        %eq3A_325 = arith.cmpi eq, %iota3A, %eq3A_324 : vector<16xi32>
        %reshape3A_326 = vector.shape_cast %broadcast_in_dim3A_69 : vector<16xi32> to vector<16x1xi32>
        %gather3A_327 = vector.shape_cast %reshape3A_326 : vector<16x1xi32> to vector<16xi32>
        %gather3A_328 = tpu.dynamic_gather %add3A_322[%gather3A_327] in [0] : vector<16xf32>, vector<16xi32> -> vector<16xf32>
        %select_n3A_329 = arith.select %eq3A_325, %gather3A_328, %select_n3A : vector<16xi1>, vector<16xf32>
        %mul3A_330 = arith.constant 16 : i32
        %mul3A_331 = arith.muli %scan3A_191, %mul3A_330 : i32
        %add3A_332 = arith.constant 2 : i32
        %add3A_333 = arith.addi %mul3A_331, %add3A_332 : i32
        %get3A_334 = arith.index_cast %add3A_333 : i32 to index
        %get3A_335 = arith.constant 0 : index
        %get3A_336 = tpu.vector_load %arg6[%get3A_334, %get3A_335] {strides = array<i32>} : memref<80x129xf32, #tpu.memory_space<vmem>>, vector<16xf32>,
        %mul3A_337 = arith.mulf %get3A_336, %get3A_70 : vector<16xf32>
        %get3A_338 = arith.index_cast %add3A_333 : i32 to index
        %get3A_339 = arith.constant 16 : index
        %get3A_340 = tpu.vector_load %arg6[%get3A_338, %get3A_339] {strides = array<i32>} : memref<80x129xf32, #tpu.memory_space<vmem>>, vector<16xf32>,
        %mul3A_341 = arith.mulf %get3A_340, %get3A_72 : vector<16xf32>
        %get3A_342 = arith.index_cast %add3A_333 : i32 to index
        %get3A_343 = arith.constant 32 : index
        %get3A_344 = tpu.vector_load %arg6[%get3A_342, %get3A_343] {strides = array<i32>} : memref<80x129xf32, #tpu.memory_space<vmem>>, vector<16xf32>,
        %mul3A_345 = arith.mulf %get3A_344, %get3A_74 : vector<16xf32>
        %get3A_346 = arith.index_cast %add3A_333 : i32 to index
        %get3A_347 = arith.constant 48 : index
        %get3A_348 = tpu.vector_load %arg6[%get3A_346, %get3A_347] {strides = array<i32>} : memref<80x129xf32, #tpu.memory_space<vmem>>, vector<16xf32>,
        %mul3A_349 = arith.mulf %get3A_348, %get3A_76 : vector<16xf32>
        %get3A_350 = arith.index_cast %add3A_333 : i32 to index
        %get3A_351 = arith.constant 64 : index
        %get3A_352 = tpu.vector_load %arg6[%get3A_350, %get3A_351] {strides = array<i32>} : memref<80x129xf32, #tpu.memory_space<vmem>>, vector<16xf32>,
        %mul3A_353 = arith.mulf %get3A_352, %get3A_78 : vector<16xf32>
        %get3A_354 = arith.index_cast %add3A_333 : i32 to index
        %get3A_355 = arith.constant 80 : index
        %get3A_356 = tpu.vector_load %arg6[%get3A_354, %get3A_355] {strides = array<i32>} : memref<80x129xf32, #tpu.memory_space<vmem>>, vector<16xf32>,
        %mul3A_357 = arith.mulf %get3A_356, %get3A_80 : vector<16xf32>
        %get3A_358 = arith.index_cast %add3A_333 : i32 to index
        %get3A_359 = arith.constant 96 : index
        %get3A_360 = tpu.vector_load %arg6[%get3A_358, %get3A_359] {strides = array<i32>} : memref<80x129xf32, #tpu.memory_space<vmem>>, vector<16xf32>,
        %mul3A_361 = arith.mulf %get3A_360, %get3A_82 : vector<16xf32>
        %get3A_362 = arith.index_cast %add3A_333 : i32 to index
        %get3A_363 = arith.constant 112 : index
        %get3A_364 = tpu.vector_load %arg6[%get3A_362, %get3A_363] {strides = array<i32>} : memref<80x129xf32, #tpu.memory_space<vmem>>, vector<16xf32>,
        %mul3A_365 = arith.mulf %get3A_364, %get3A_84 : vector<16xf32>
        %add3A_366 = arith.addf %mul3A_337, %mul3A_341 : vector<16xf32>
        %add3A_367 = arith.addf %mul3A_345, %mul3A_349 : vector<16xf32>
        %add3A_368 = arith.addf %add3A_366, %add3A_367 : vector<16xf32>
        %add3A_369 = arith.addf %mul3A_353, %mul3A_357 : vector<16xf32>
        %add3A_370 = arith.addf %mul3A_361, %mul3A_365 : vector<16xf32>
        %add3A_371 = arith.addf %add3A_369, %add3A_370 : vector<16xf32>
        %add3A_372 = arith.addf %add3A_368, %add3A_371 : vector<16xf32>
        %reshape3A_373 = vector.shape_cast %max3A_15 : vector<16xi32> to vector<16x1xi32>
        %gather3A_374 = vector.shape_cast %reshape3A_373 : vector<16x1xi32> to vector<16xi32>
        %gather3A_375 = tpu.dynamic_gather %add3A_372[%gather3A_374] in [0] : vector<16xf32>, vector<16xi32> -> vector<16xf32>
        %add3A_376 = arith.addf %add3A_372, %gather3A_375 : vector<16xf32>
        %reshape3A_377 = vector.shape_cast %max3A_21 : vector<16xi32> to vector<16x1xi32>
        %gather3A_378 = vector.shape_cast %reshape3A_377 : vector<16x1xi32> to vector<16xi32>
        %gather3A_379 = tpu.dynamic_gather %add3A_376[%gather3A_378] in [0] : vector<16xf32>, vector<16xi32> -> vector<16xf32>
        %add3A_380 = arith.addf %add3A_376, %gather3A_379 : vector<16xf32>
        %reshape3A_381 = vector.shape_cast %max3A_27 : vector<16xi32> to vector<16x1xi32>
        %gather3A_382 = vector.shape_cast %reshape3A_381 : vector<16x1xi32> to vector<16xi32>
        %gather3A_383 = tpu.dynamic_gather %add3A_380[%gather3A_382] in [0] : vector<16xf32>, vector<16xi32> -> vector<16xf32>
        %add3A_384 = arith.addf %add3A_380, %gather3A_383 : vector<16xf32>
        %reshape3A_385 = vector.shape_cast %max3A_33 : vector<16xi32> to vector<16x1xi32>
        %gather3A_386 = vector.shape_cast %reshape3A_385 : vector<16x1xi32> to vector<16xi32>
        %gather3A_387 = tpu.dynamic_gather %add3A_384[%gather3A_386] in [0] : vector<16xf32>, vector<16xi32> -> vector<16xf32>
        %add3A_388 = arith.addf %add3A_384, %gather3A_387 : vector<16xf32>
        %eq3A_389 = arith.constant 2 : i32
        %eq3A_390 = vector.broadcast %eq3A_389 : i32 to vector<16xi32>
        %eq3A_391 = arith.cmpi eq, %iota3A, %eq3A_390 : vector<16xi32>
        %reshape3A_392 = vector.shape_cast %broadcast_in_dim3A_69 : vector<16xi32> to vector<16x1xi32>
        %gather3A_393 = vector.shape_cast %reshape3A_392 : vector<16x1xi32> to vector<16xi32>
        %gather3A_394 = tpu.dynamic_gather %add3A_388[%gather3A_393] in [0] : vector<16xf32>, vector<16xi32> -> vector<16xf32>
        %select_n3A_395 = arith.select %eq3A_391, %gather3A_394, %select_n3A_329 : vector<16xi1>, vector<16xf32>
        %mul3A_396 = arith.constant 16 : i32
        %mul3A_397 = arith.muli %scan3A_191, %mul3A_396 : i32
        %add3A_398 = arith.constant 3 : i32
        %add3A_399 = arith.addi %mul3A_397, %add3A_398 : i32
        %get3A_400 = arith.index_cast %add3A_399 : i32 to index
        %get3A_401 = arith.constant 0 : index
        %get3A_402 = tpu.vector_load %arg6[%get3A_400, %get3A_401] {strides = array<i32>} : memref<80x129xf32, #tpu.memory_space<vmem>>, vector<16xf32>,
        %mul3A_403 = arith.mulf %get3A_402, %get3A_70 : vector<16xf32>
        %get3A_404 = arith.index_cast %add3A_399 : i32 to index
        %get3A_405 = arith.constant 16 : index
        %get3A_406 = tpu.vector_load %arg6[%get3A_404, %get3A_405] {strides = array<i32>} : memref<80x129xf32, #tpu.memory_space<vmem>>, vector<16xf32>,
        %mul3A_407 = arith.mulf %get3A_406, %get3A_72 : vector<16xf32>
        %get3A_408 = arith.index_cast %add3A_399 : i32 to index
        %get3A_409 = arith.constant 32 : index
        %get3A_410 = tpu.vector_load %arg6[%get3A_408, %get3A_409] {strides = array<i32>} : memref<80x129xf32, #tpu.memory_space<vmem>>, vector<16xf32>,
        %mul3A_411 = arith.mulf %get3A_410, %get3A_74 : vector<16xf32>
        %get3A_412 = arith.index_cast %add3A_399 : i32 to index
        %get3A_413 = arith.constant 48 : index
        %get3A_414 = tpu.vector_load %arg6[%get3A_412, %get3A_413] {strides = array<i32>} : memref<80x129xf32, #tpu.memory_space<vmem>>, vector<16xf32>,
        %mul3A_415 = arith.mulf %get3A_414, %get3A_76 : vector<16xf32>
        %get3A_416 = arith.index_cast %add3A_399 : i32 to index
        %get3A_417 = arith.constant 64 : index
        %get3A_418 = tpu.vector_load %arg6[%get3A_416, %get3A_417] {strides = array<i32>} : memref<80x129xf32, #tpu.memory_space<vmem>>, vector<16xf32>,
        %mul3A_419 = arith.mulf %get3A_418, %get3A_78 : vector<16xf32>
        %get3A_420 = arith.index_cast %add3A_399 : i32 to index
        %get3A_421 = arith.constant 80 : index
        %get3A_422 = tpu.vector_load %arg6[%get3A_420, %get3A_421] {strides = array<i32>} : memref<80x129xf32, #tpu.memory_space<vmem>>, vector<16xf32>,
        %mul3A_423 = arith.mulf %get3A_422, %get3A_80 : vector<16xf32>
        %get3A_424 = arith.index_cast %add3A_399 : i32 to index
        %get3A_425 = arith.constant 96 : index
        %get3A_426 = tpu.vector_load %arg6[%get3A_424, %get3A_425] {strides = array<i32>} : memref<80x129xf32, #tpu.memory_space<vmem>>, vector<16xf32>,
        %mul3A_427 = arith.mulf %get3A_426, %get3A_82 : vector<16xf32>
        %get3A_428 = arith.index_cast %add3A_399 : i32 to index
        %get3A_429 = arith.constant 112 : index
        %get3A_430 = tpu.vector_load %arg6[%get3A_428, %get3A_429] {strides = array<i32>} : memref<80x129xf32, #tpu.memory_space<vmem>>, vector<16xf32>,
        %mul3A_431 = arith.mulf %get3A_430, %get3A_84 : vector<16xf32>
        %add3A_432 = arith.addf %mul3A_403, %mul3A_407 : vector<16xf32>
        %add3A_433 = arith.addf %mul3A_411, %mul3A_415 : vector<16xf32>
        %add3A_434 = arith.addf %add3A_432, %add3A_433 : vector<16xf32>
        %add3A_435 = arith.addf %mul3A_419, %mul3A_423 : vector<16xf32>
        %add3A_436 = arith.addf %mul3A_427, %mul3A_431 : vector<16xf32>
        %add3A_437 = arith.addf %add3A_435, %add3A_436 : vector<16xf32>
        %add3A_438 = arith.addf %add3A_434, %add3A_437 : vector<16xf32>
        %reshape3A_439 = vector.shape_cast %max3A_15 : vector<16xi32> to vector<16x1xi32>
        %gather3A_440 = vector.shape_cast %reshape3A_439 : vector<16x1xi32> to vector<16xi32>
        %gather3A_441 = tpu.dynamic_gather %add3A_438[%gather3A_440] in [0] : vector<16xf32>, vector<16xi32> -> vector<16xf32>
        %add3A_442 = arith.addf %add3A_438, %gather3A_441 : vector<16xf32>
        %reshape3A_443 = vector.shape_cast %max3A_21 : vector<16xi32> to vector<16x1xi32>
        %gather3A_444 = vector.shape_cast %reshape3A_443 : vector<16x1xi32> to vector<16xi32>
        %gather3A_445 = tpu.dynamic_gather %add3A_442[%gather3A_444] in [0] : vector<16xf32>, vector<16xi32> -> vector<16xf32>
        %add3A_446 = arith.addf %add3A_442, %gather3A_445 : vector<16xf32>
        %reshape3A_447 = vector.shape_cast %max3A_27 : vector<16xi32> to vector<16x1xi32>
        %gather3A_448 = vector.shape_cast %reshape3A_447 : vector<16x1xi32> to vector<16xi32>
        %gather3A_449 = tpu.dynamic_gather %add3A_446[%gather3A_448] in [0] : vector<16xf32>, vector<16xi32> -> vector<16xf32>
        %add3A_450 = arith.addf %add3A_446, %gather3A_449 : vector<16xf32>
        %reshape3A_451 = vector.shape_cast %max3A_33 : vector<16xi32> to vector<16x1xi32>
        %gather3A_452 = vector.shape_cast %reshape3A_451 : vector<16x1xi32> to vector<16xi32>
        %gather3A_453 = tpu.dynamic_gather %add3A_450[%gather3A_452] in [0] : vector<16xf32>, vector<16xi32> -> vector<16xf32>
        %add3A_454 = arith.addf %add3A_450, %gather3A_453 : vector<16xf32>
        %eq3A_455 = arith.constant 3 : i32
        %eq3A_456 = vector.broadcast %eq3A_455 : i32 to vector<16xi32>
        %eq3A_457 = arith.cmpi eq, %iota3A, %eq3A_456 : vector<16xi32>
        %reshape3A_458 = vector.shape_cast %broadcast_in_dim3A_69 : vector<16xi32> to vector<16x1xi32>
        %gather3A_459 = vector.shape_cast %reshape3A_458 : vector<16x1xi32> to vector<16xi32>
        %gather3A_460 = tpu.dynamic_gather %add3A_454[%gather3A_459] in [0] : vector<16xf32>, vector<16xi32> -> vector<16xf32>
        %select_n3A_461 = arith.select %eq3A_457, %gather3A_460, %select_n3A_395 : vector<16xi1>, vector<16xf32>
        %mul3A_462 = arith.constant 16 : i32
        %mul3A_463 = arith.muli %scan3A_191, %mul3A_462 : i32
        %add3A_464 = arith.constant 4 : i32
        %add3A_465 = arith.addi %mul3A_463, %add3A_464 : i32
        %get3A_466 = arith.index_cast %add3A_465 : i32 to index
        %get3A_467 = arith.constant 0 : index
        %get3A_468 = tpu.vector_load %arg6[%get3A_466, %get3A_467] {strides = array<i32>} : memref<80x129xf32, #tpu.memory_space<vmem>>, vector<16xf32>,
        %mul3A_469 = arith.mulf %get3A_468, %get3A_70 : vector<16xf32>
        %get3A_470 = arith.index_cast %add3A_465 : i32 to index
        %get3A_471 = arith.constant 16 : index
        %get3A_472 = tpu.vector_load %arg6[%get3A_470, %get3A_471] {strides = array<i32>} : memref<80x129xf32, #tpu.memory_space<vmem>>, vector<16xf32>,
        %mul3A_473 = arith.mulf %get3A_472, %get3A_72 : vector<16xf32>
        %get3A_474 = arith.index_cast %add3A_465 : i32 to index
        %get3A_475 = arith.constant 32 : index
        %get3A_476 = tpu.vector_load %arg6[%get3A_474, %get3A_475] {strides = array<i32>} : memref<80x129xf32, #tpu.memory_space<vmem>>, vector<16xf32>,
        %mul3A_477 = arith.mulf %get3A_476, %get3A_74 : vector<16xf32>
        %get3A_478 = arith.index_cast %add3A_465 : i32 to index
        %get3A_479 = arith.constant 48 : index
        %get3A_480 = tpu.vector_load %arg6[%get3A_478, %get3A_479] {strides = array<i32>} : memref<80x129xf32, #tpu.memory_space<vmem>>, vector<16xf32>,
        %mul3A_481 = arith.mulf %get3A_480, %get3A_76 : vector<16xf32>
        %get3A_482 = arith.index_cast %add3A_465 : i32 to index
        %get3A_483 = arith.constant 64 : index
        %get3A_484 = tpu.vector_load %arg6[%get3A_482, %get3A_483] {strides = array<i32>} : memref<80x129xf32, #tpu.memory_space<vmem>>, vector<16xf32>,
        %mul3A_485 = arith.mulf %get3A_484, %get3A_78 : vector<16xf32>
        %get3A_486 = arith.index_cast %add3A_465 : i32 to index
        %get3A_487 = arith.constant 80 : index
        %get3A_488 = tpu.vector_load %arg6[%get3A_486, %get3A_487] {strides = array<i32>} : memref<80x129xf32, #tpu.memory_space<vmem>>, vector<16xf32>,
        %mul3A_489 = arith.mulf %get3A_488, %get3A_80 : vector<16xf32>
        %get3A_490 = arith.index_cast %add3A_465 : i32 to index
        %get3A_491 = arith.constant 96 : index
        %get3A_492 = tpu.vector_load %arg6[%get3A_490, %get3A_491] {strides = array<i32>} : memref<80x129xf32, #tpu.memory_space<vmem>>, vector<16xf32>,
        %mul3A_493 = arith.mulf %get3A_492, %get3A_82 : vector<16xf32>
        %get3A_494 = arith.index_cast %add3A_465 : i32 to index
        %get3A_495 = arith.constant 112 : index
        %get3A_496 = tpu.vector_load %arg6[%get3A_494, %get3A_495] {strides = array<i32>} : memref<80x129xf32, #tpu.memory_space<vmem>>, vector<16xf32>,
        %mul3A_497 = arith.mulf %get3A_496, %get3A_84 : vector<16xf32>
        %add3A_498 = arith.addf %mul3A_469, %mul3A_473 : vector<16xf32>
        %add3A_499 = arith.addf %mul3A_477, %mul3A_481 : vector<16xf32>
        %add3A_500 = arith.addf %add3A_498, %add3A_499 : vector<16xf32>
        %add3A_501 = arith.addf %mul3A_485, %mul3A_489 : vector<16xf32>
        %add3A_502 = arith.addf %mul3A_493, %mul3A_497 : vector<16xf32>
        %add3A_503 = arith.addf %add3A_501, %add3A_502 : vector<16xf32>
        %add3A_504 = arith.addf %add3A_500, %add3A_503 : vector<16xf32>
        %reshape3A_505 = vector.shape_cast %max3A_15 : vector<16xi32> to vector<16x1xi32>
        %gather3A_506 = vector.shape_cast %reshape3A_505 : vector<16x1xi32> to vector<16xi32>
        %gather3A_507 = tpu.dynamic_gather %add3A_504[%gather3A_506] in [0] : vector<16xf32>, vector<16xi32> -> vector<16xf32>
        %add3A_508 = arith.addf %add3A_504, %gather3A_507 : vector<16xf32>
        %reshape3A_509 = vector.shape_cast %max3A_21 : vector<16xi32> to vector<16x1xi32>
        %gather3A_510 = vector.shape_cast %reshape3A_509 : vector<16x1xi32> to vector<16xi32>
        %gather3A_511 = tpu.dynamic_gather %add3A_508[%gather3A_510] in [0] : vector<16xf32>, vector<16xi32> -> vector<16xf32>
        %add3A_512 = arith.addf %add3A_508, %gather3A_511 : vector<16xf32>
        %reshape3A_513 = vector.shape_cast %max3A_27 : vector<16xi32> to vector<16x1xi32>
        %gather3A_514 = vector.shape_cast %reshape3A_513 : vector<16x1xi32> to vector<16xi32>
        %gather3A_515 = tpu.dynamic_gather %add3A_512[%gather3A_514] in [0] : vector<16xf32>, vector<16xi32> -> vector<16xf32>
        %add3A_516 = arith.addf %add3A_512, %gather3A_515 : vector<16xf32>
        %reshape3A_517 = vector.shape_cast %max3A_33 : vector<16xi32> to vector<16x1xi32>
        %gather3A_518 = vector.shape_cast %reshape3A_517 : vector<16x1xi32> to vector<16xi32>
        %gather3A_519 = tpu.dynamic_gather %add3A_516[%gather3A_518] in [0] : vector<16xf32>, vector<16xi32> -> vector<16xf32>
        %add3A_520 = arith.addf %add3A_516, %gather3A_519 : vector<16xf32>
        %eq3A_521 = arith.constant 4 : i32
        %eq3A_522 = vector.broadcast %eq3A_521 : i32 to vector<16xi32>
        %eq3A_523 = arith.cmpi eq, %iota3A, %eq3A_522 : vector<16xi32>
        %reshape3A_524 = vector.shape_cast %broadcast_in_dim3A_69 : vector<16xi32> to vector<16x1xi32>
        %gather3A_525 = vector.shape_cast %reshape3A_524 : vector<16x1xi32> to vector<16xi32>
        %gather3A_526 = tpu.dynamic_gather %add3A_520[%gather3A_525] in [0] : vector<16xf32>, vector<16xi32> -> vector<16xf32>
        %select_n3A_527 = arith.select %eq3A_523, %gather3A_526, %select_n3A_461 : vector<16xi1>, vector<16xf32>
        %mul3A_528 = arith.constant 16 : i32
        %mul3A_529 = arith.muli %scan3A_191, %mul3A_528 : i32
        %add3A_530 = arith.constant 5 : i32
        %add3A_531 = arith.addi %mul3A_529, %add3A_530 : i32
        %get3A_532 = arith.index_cast %add3A_531 : i32 to index
        %get3A_533 = arith.constant 0 : index
        %get3A_534 = tpu.vector_load %arg6[%get3A_532, %get3A_533] {strides = array<i32>} : memref<80x129xf32, #tpu.memory_space<vmem>>, vector<16xf32>,
        %mul3A_535 = arith.mulf %get3A_534, %get3A_70 : vector<16xf32>
        %get3A_536 = arith.index_cast %add3A_531 : i32 to index
        %get3A_537 = arith.constant 16 : index
        %get3A_538 = tpu.vector_load %arg6[%get3A_536, %get3A_537] {strides = array<i32>} : memref<80x129xf32, #tpu.memory_space<vmem>>, vector<16xf32>,
        %mul3A_539 = arith.mulf %get3A_538, %get3A_72 : vector<16xf32>
        %get3A_540 = arith.index_cast %add3A_531 : i32 to index
        %get3A_541 = arith.constant 32 : index
        %get3A_542 = tpu.vector_load %arg6[%get3A_540, %get3A_541] {strides = array<i32>} : memref<80x129xf32, #tpu.memory_space<vmem>>, vector<16xf32>,
        %mul3A_543 = arith.mulf %get3A_542, %get3A_74 : vector<16xf32>
        %get3A_544 = arith.index_cast %add3A_531 : i32 to index
        %get3A_545 = arith.constant 48 : index
        %get3A_546 = tpu.vector_load %arg6[%get3A_544, %get3A_545] {strides = array<i32>} : memref<80x129xf32, #tpu.memory_space<vmem>>, vector<16xf32>,
        %mul3A_547 = arith.mulf %get3A_546, %get3A_76 : vector<16xf32>
        %get3A_548 = arith.index_cast %add3A_531 : i32 to index
        %get3A_549 = arith.constant 64 : index
        %get3A_550 = tpu.vector_load %arg6[%get3A_548, %get3A_549] {strides = array<i32>} : memref<80x129xf32, #tpu.memory_space<vmem>>, vector<16xf32>,
        %mul3A_551 = arith.mulf %get3A_550, %get3A_78 : vector<16xf32>
        %get3A_552 = arith.index_cast %add3A_531 : i32 to index
        %get3A_553 = arith.constant 80 : index
        %get3A_554 = tpu.vector_load %arg6[%get3A_552, %get3A_553] {strides = array<i32>} : memref<80x129xf32, #tpu.memory_space<vmem>>, vector<16xf32>,
        %mul3A_555 = arith.mulf %get3A_554, %get3A_80 : vector<16xf32>
        %get3A_556 = arith.index_cast %add3A_531 : i32 to index
        %get3A_557 = arith.constant 96 : index
        %get3A_558 = tpu.vector_load %arg6[%get3A_556, %get3A_557] {strides = array<i32>} : memref<80x129xf32, #tpu.memory_space<vmem>>, vector<16xf32>,
        %mul3A_559 = arith.mulf %get3A_558, %get3A_82 : vector<16xf32>
        %get3A_560 = arith.index_cast %add3A_531 : i32 to index
        %get3A_561 = arith.constant 112 : index
        %get3A_562 = tpu.vector_load %arg6[%get3A_560, %get3A_561] {strides = array<i32>} : memref<80x129xf32, #tpu.memory_space<vmem>>, vector<16xf32>,
        %mul3A_563 = arith.mulf %get3A_562, %get3A_84 : vector<16xf32>
        %add3A_564 = arith.addf %mul3A_535, %mul3A_539 : vector<16xf32>
        %add3A_565 = arith.addf %mul3A_543, %mul3A_547 : vector<16xf32>
        %add3A_566 = arith.addf %add3A_564, %add3A_565 : vector<16xf32>
        %add3A_567 = arith.addf %mul3A_551, %mul3A_555 : vector<16xf32>
        %add3A_568 = arith.addf %mul3A_559, %mul3A_563 : vector<16xf32>
        %add3A_569 = arith.addf %add3A_567, %add3A_568 : vector<16xf32>
        %add3A_570 = arith.addf %add3A_566, %add3A_569 : vector<16xf32>
        %reshape3A_571 = vector.shape_cast %max3A_15 : vector<16xi32> to vector<16x1xi32>
        %gather3A_572 = vector.shape_cast %reshape3A_571 : vector<16x1xi32> to vector<16xi32>
        %gather3A_573 = tpu.dynamic_gather %add3A_570[%gather3A_572] in [0] : vector<16xf32>, vector<16xi32> -> vector<16xf32>
        %add3A_574 = arith.addf %add3A_570, %gather3A_573 : vector<16xf32>
        %reshape3A_575 = vector.shape_cast %max3A_21 : vector<16xi32> to vector<16x1xi32>
        %gather3A_576 = vector.shape_cast %reshape3A_575 : vector<16x1xi32> to vector<16xi32>
        %gather3A_577 = tpu.dynamic_gather %add3A_574[%gather3A_576] in [0] : vector<16xf32>, vector<16xi32> -> vector<16xf32>
        %add3A_578 = arith.addf %add3A_574, %gather3A_577 : vector<16xf32>
        %reshape3A_579 = vector.shape_cast %max3A_27 : vector<16xi32> to vector<16x1xi32>
        %gather3A_580 = vector.shape_cast %reshape3A_579 : vector<16x1xi32> to vector<16xi32>
        %gather3A_581 = tpu.dynamic_gather %add3A_578[%gather3A_580] in [0] : vector<16xf32>, vector<16xi32> -> vector<16xf32>
        %add3A_582 = arith.addf %add3A_578, %gather3A_581 : vector<16xf32>
        %reshape3A_583 = vector.shape_cast %max3A_33 : vector<16xi32> to vector<16x1xi32>
        %gather3A_584 = vector.shape_cast %reshape3A_583 : vector<16x1xi32> to vector<16xi32>
        %gather3A_585 = tpu.dynamic_gather %add3A_582[%gather3A_584] in [0] : vector<16xf32>, vector<16xi32> -> vector<16xf32>
        %add3A_586 = arith.addf %add3A_582, %gather3A_585 : vector<16xf32>
        %eq3A_587 = arith.constant 5 : i32
        %eq3A_588 = vector.broadcast %eq3A_587 : i32 to vector<16xi32>
        %eq3A_589 = arith.cmpi eq, %iota3A, %eq3A_588 : vector<16xi32>
        %reshape3A_590 = vector.shape_cast %broadcast_in_dim3A_69 : vector<16xi32> to vector<16x1xi32>
        %gather3A_591 = vector.shape_cast %reshape3A_590 : vector<16x1xi32> to vector<16xi32>
        %gather3A_592 = tpu.dynamic_gather %add3A_586[%gather3A_591] in [0] : vector<16xf32>, vector<16xi32> -> vector<16xf32>
        %select_n3A_593 = arith.select %eq3A_589, %gather3A_592, %select_n3A_527 : vector<16xi1>, vector<16xf32>
        %mul3A_594 = arith.constant 16 : i32
        %mul3A_595 = arith.muli %scan3A_191, %mul3A_594 : i32
        %add3A_596 = arith.constant 6 : i32
        %add3A_597 = arith.addi %mul3A_595, %add3A_596 : i32
        %get3A_598 = arith.index_cast %add3A_597 : i32 to index
        %get3A_599 = arith.constant 0 : index
        %get3A_600 = tpu.vector_load %arg6[%get3A_598, %get3A_599] {strides = array<i32>} : memref<80x129xf32, #tpu.memory_space<vmem>>, vector<16xf32>,
        %mul3A_601 = arith.mulf %get3A_600, %get3A_70 : vector<16xf32>
        %get3A_602 = arith.index_cast %add3A_597 : i32 to index
        %get3A_603 = arith.constant 16 : index
        %get3A_604 = tpu.vector_load %arg6[%get3A_602, %get3A_603] {strides = array<i32>} : memref<80x129xf32, #tpu.memory_space<vmem>>, vector<16xf32>,
        %mul3A_605 = arith.mulf %get3A_604, %get3A_72 : vector<16xf32>
        %get3A_606 = arith.index_cast %add3A_597 : i32 to index
        %get3A_607 = arith.constant 32 : index
        %get3A_608 = tpu.vector_load %arg6[%get3A_606, %get3A_607] {strides = array<i32>} : memref<80x129xf32, #tpu.memory_space<vmem>>, vector<16xf32>,
        %mul3A_609 = arith.mulf %get3A_608, %get3A_74 : vector<16xf32>
        %get3A_610 = arith.index_cast %add3A_597 : i32 to index
        %get3A_611 = arith.constant 48 : index
        %get3A_612 = tpu.vector_load %arg6[%get3A_610, %get3A_611] {strides = array<i32>} : memref<80x129xf32, #tpu.memory_space<vmem>>, vector<16xf32>,
        %mul3A_613 = arith.mulf %get3A_612, %get3A_76 : vector<16xf32>
        %get3A_614 = arith.index_cast %add3A_597 : i32 to index
        %get3A_615 = arith.constant 64 : index
        %get3A_616 = tpu.vector_load %arg6[%get3A_614, %get3A_615] {strides = array<i32>} : memref<80x129xf32, #tpu.memory_space<vmem>>, vector<16xf32>,
        %mul3A_617 = arith.mulf %get3A_616, %get3A_78 : vector<16xf32>
        %get3A_618 = arith.index_cast %add3A_597 : i32 to index
        %get3A_619 = arith.constant 80 : index
        %get3A_620 = tpu.vector_load %arg6[%get3A_618, %get3A_619] {strides = array<i32>} : memref<80x129xf32, #tpu.memory_space<vmem>>, vector<16xf32>,
        %mul3A_621 = arith.mulf %get3A_620, %get3A_80 : vector<16xf32>
        %get3A_622 = arith.index_cast %add3A_597 : i32 to index
        %get3A_623 = arith.constant 96 : index
        %get3A_624 = tpu.vector_load %arg6[%get3A_622, %get3A_623] {strides = array<i32>} : memref<80x129xf32, #tpu.memory_space<vmem>>, vector<16xf32>,
        %mul3A_625 = arith.mulf %get3A_624, %get3A_82 : vector<16xf32>
        %get3A_626 = arith.index_cast %add3A_597 : i32 to index
        %get3A_627 = arith.constant 112 : index
        %get3A_628 = tpu.vector_load %arg6[%get3A_626, %get3A_627] {strides = array<i32>} : memref<80x129xf32, #tpu.memory_space<vmem>>, vector<16xf32>,
        %mul3A_629 = arith.mulf %get3A_628, %get3A_84 : vector<16xf32>
        %add3A_630 = arith.addf %mul3A_601, %mul3A_605 : vector<16xf32>
        %add3A_631 = arith.addf %mul3A_609, %mul3A_613 : vector<16xf32>
        %add3A_632 = arith.addf %add3A_630, %add3A_631 : vector<16xf32>
        %add3A_633 = arith.addf %mul3A_617, %mul3A_621 : vector<16xf32>
        %add3A_634 = arith.addf %mul3A_625, %mul3A_629 : vector<16xf32>
        %add3A_635 = arith.addf %add3A_633, %add3A_634 : vector<16xf32>
        %add3A_636 = arith.addf %add3A_632, %add3A_635 : vector<16xf32>
        %reshape3A_637 = vector.shape_cast %max3A_15 : vector<16xi32> to vector<16x1xi32>
        %gather3A_638 = vector.shape_cast %reshape3A_637 : vector<16x1xi32> to vector<16xi32>
        %gather3A_639 = tpu.dynamic_gather %add3A_636[%gather3A_638] in [0] : vector<16xf32>, vector<16xi32> -> vector<16xf32>
        %add3A_640 = arith.addf %add3A_636, %gather3A_639 : vector<16xf32>
        %reshape3A_641 = vector.shape_cast %max3A_21 : vector<16xi32> to vector<16x1xi32>
        %gather3A_642 = vector.shape_cast %reshape3A_641 : vector<16x1xi32> to vector<16xi32>
        %gather3A_643 = tpu.dynamic_gather %add3A_640[%gather3A_642] in [0] : vector<16xf32>, vector<16xi32> -> vector<16xf32>
        %add3A_644 = arith.addf %add3A_640, %gather3A_643 : vector<16xf32>
        %reshape3A_645 = vector.shape_cast %max3A_27 : vector<16xi32> to vector<16x1xi32>
        %gather3A_646 = vector.shape_cast %reshape3A_645 : vector<16x1xi32> to vector<16xi32>
        %gather3A_647 = tpu.dynamic_gather %add3A_644[%gather3A_646] in [0] : vector<16xf32>, vector<16xi32> -> vector<16xf32>
        %add3A_648 = arith.addf %add3A_644, %gather3A_647 : vector<16xf32>
        %reshape3A_649 = vector.shape_cast %max3A_33 : vector<16xi32> to vector<16x1xi32>
        %gather3A_650 = vector.shape_cast %reshape3A_649 : vector<16x1xi32> to vector<16xi32>
        %gather3A_651 = tpu.dynamic_gather %add3A_648[%gather3A_650] in [0] : vector<16xf32>, vector<16xi32> -> vector<16xf32>
        %add3A_652 = arith.addf %add3A_648, %gather3A_651 : vector<16xf32>
        %eq3A_653 = arith.constant 6 : i32
        %eq3A_654 = vector.broadcast %eq3A_653 : i32 to vector<16xi32>
        %eq3A_655 = arith.cmpi eq, %iota3A, %eq3A_654 : vector<16xi32>
        %reshape3A_656 = vector.shape_cast %broadcast_in_dim3A_69 : vector<16xi32> to vector<16x1xi32>
        %gather3A_657 = vector.shape_cast %reshape3A_656 : vector<16x1xi32> to vector<16xi32>
        %gather3A_658 = tpu.dynamic_gather %add3A_652[%gather3A_657] in [0] : vector<16xf32>, vector<16xi32> -> vector<16xf32>
        %select_n3A_659 = arith.select %eq3A_655, %gather3A_658, %select_n3A_593 : vector<16xi1>, vector<16xf32>
        %mul3A_660 = arith.constant 16 : i32
        %mul3A_661 = arith.muli %scan3A_191, %mul3A_660 : i32
        %add3A_662 = arith.constant 7 : i32
        %add3A_663 = arith.addi %mul3A_661, %add3A_662 : i32
        %get3A_664 = arith.index_cast %add3A_663 : i32 to index
        %get3A_665 = arith.constant 0 : index
        %get3A_666 = tpu.vector_load %arg6[%get3A_664, %get3A_665] {strides = array<i32>} : memref<80x129xf32, #tpu.memory_space<vmem>>, vector<16xf32>,
        %mul3A_667 = arith.mulf %get3A_666, %get3A_70 : vector<16xf32>
        %get3A_668 = arith.index_cast %add3A_663 : i32 to index
        %get3A_669 = arith.constant 16 : index
        %get3A_670 = tpu.vector_load %arg6[%get3A_668, %get3A_669] {strides = array<i32>} : memref<80x129xf32, #tpu.memory_space<vmem>>, vector<16xf32>,
        %mul3A_671 = arith.mulf %get3A_670, %get3A_72 : vector<16xf32>
        %get3A_672 = arith.index_cast %add3A_663 : i32 to index
        %get3A_673 = arith.constant 32 : index
        %get3A_674 = tpu.vector_load %arg6[%get3A_672, %get3A_673] {strides = array<i32>} : memref<80x129xf32, #tpu.memory_space<vmem>>, vector<16xf32>,
        %mul3A_675 = arith.mulf %get3A_674, %get3A_74 : vector<16xf32>
        %get3A_676 = arith.index_cast %add3A_663 : i32 to index
        %get3A_677 = arith.constant 48 : index
        %get3A_678 = tpu.vector_load %arg6[%get3A_676, %get3A_677] {strides = array<i32>} : memref<80x129xf32, #tpu.memory_space<vmem>>, vector<16xf32>,
        %mul3A_679 = arith.mulf %get3A_678, %get3A_76 : vector<16xf32>
        %get3A_680 = arith.index_cast %add3A_663 : i32 to index
        %get3A_681 = arith.constant 64 : index
        %get3A_682 = tpu.vector_load %arg6[%get3A_680, %get3A_681] {strides = array<i32>} : memref<80x129xf32, #tpu.memory_space<vmem>>, vector<16xf32>,
        %mul3A_683 = arith.mulf %get3A_682, %get3A_78 : vector<16xf32>
        %get3A_684 = arith.index_cast %add3A_663 : i32 to index
        %get3A_685 = arith.constant 80 : index
        %get3A_686 = tpu.vector_load %arg6[%get3A_684, %get3A_685] {strides = array<i32>} : memref<80x129xf32, #tpu.memory_space<vmem>>, vector<16xf32>,
        %mul3A_687 = arith.mulf %get3A_686, %get3A_80 : vector<16xf32>
        %get3A_688 = arith.index_cast %add3A_663 : i32 to index
        %get3A_689 = arith.constant 96 : index
        %get3A_690 = tpu.vector_load %arg6[%get3A_688, %get3A_689] {strides = array<i32>} : memref<80x129xf32, #tpu.memory_space<vmem>>, vector<16xf32>,
        %mul3A_691 = arith.mulf %get3A_690, %get3A_82 : vector<16xf32>
        %get3A_692 = arith.index_cast %add3A_663 : i32 to index
        %get3A_693 = arith.constant 112 : index
        %get3A_694 = tpu.vector_load %arg6[%get3A_692, %get3A_693] {strides = array<i32>} : memref<80x129xf32, #tpu.memory_space<vmem>>, vector<16xf32>,
        %mul3A_695 = arith.mulf %get3A_694, %get3A_84 : vector<16xf32>
        %add3A_696 = arith.addf %mul3A_667, %mul3A_671 : vector<16xf32>
        %add3A_697 = arith.addf %mul3A_675, %mul3A_679 : vector<16xf32>
        %add3A_698 = arith.addf %add3A_696, %add3A_697 : vector<16xf32>
        %add3A_699 = arith.addf %mul3A_683, %mul3A_687 : vector<16xf32>
        %add3A_700 = arith.addf %mul3A_691, %mul3A_695 : vector<16xf32>
        %add3A_701 = arith.addf %add3A_699, %add3A_700 : vector<16xf32>
        %add3A_702 = arith.addf %add3A_698, %add3A_701 : vector<16xf32>
        %reshape3A_703 = vector.shape_cast %max3A_15 : vector<16xi32> to vector<16x1xi32>
        %gather3A_704 = vector.shape_cast %reshape3A_703 : vector<16x1xi32> to vector<16xi32>
        %gather3A_705 = tpu.dynamic_gather %add3A_702[%gather3A_704] in [0] : vector<16xf32>, vector<16xi32> -> vector<16xf32>
        %add3A_706 = arith.addf %add3A_702, %gather3A_705 : vector<16xf32>
        %reshape3A_707 = vector.shape_cast %max3A_21 : vector<16xi32> to vector<16x1xi32>
        %gather3A_708 = vector.shape_cast %reshape3A_707 : vector<16x1xi32> to vector<16xi32>
        %gather3A_709 = tpu.dynamic_gather %add3A_706[%gather3A_708] in [0] : vector<16xf32>, vector<16xi32> -> vector<16xf32>
        %add3A_710 = arith.addf %add3A_706, %gather3A_709 : vector<16xf32>
        %reshape3A_711 = vector.shape_cast %max3A_27 : vector<16xi32> to vector<16x1xi32>
        %gather3A_712 = vector.shape_cast %reshape3A_711 : vector<16x1xi32> to vector<16xi32>
        %gather3A_713 = tpu.dynamic_gather %add3A_710[%gather3A_712] in [0] : vector<16xf32>, vector<16xi32> -> vector<16xf32>
        %add3A_714 = arith.addf %add3A_710, %gather3A_713 : vector<16xf32>
        %reshape3A_715 = vector.shape_cast %max3A_33 : vector<16xi32> to vector<16x1xi32>
        %gather3A_716 = vector.shape_cast %reshape3A_715 : vector<16x1xi32> to vector<16xi32>
        %gather3A_717 = tpu.dynamic_gather %add3A_714[%gather3A_716] in [0] : vector<16xf32>, vector<16xi32> -> vector<16xf32>
        %add3A_718 = arith.addf %add3A_714, %gather3A_717 : vector<16xf32>
        %eq3A_719 = arith.constant 7 : i32
        %eq3A_720 = vector.broadcast %eq3A_719 : i32 to vector<16xi32>
        %eq3A_721 = arith.cmpi eq, %iota3A, %eq3A_720 : vector<16xi32>
        %reshape3A_722 = vector.shape_cast %broadcast_in_dim3A_69 : vector<16xi32> to vector<16x1xi32>
        %gather3A_723 = vector.shape_cast %reshape3A_722 : vector<16x1xi32> to vector<16xi32>
        %gather3A_724 = tpu.dynamic_gather %add3A_718[%gather3A_723] in [0] : vector<16xf32>, vector<16xi32> -> vector<16xf32>
        %select_n3A_725 = arith.select %eq3A_721, %gather3A_724, %select_n3A_659 : vector<16xi1>, vector<16xf32>
        %mul3A_726 = arith.constant 16 : i32
        %mul3A_727 = arith.muli %scan3A_191, %mul3A_726 : i32
        %add3A_728 = arith.constant 8 : i32
        %add3A_729 = arith.addi %mul3A_727, %add3A_728 : i32
        %get3A_730 = arith.index_cast %add3A_729 : i32 to index
        %get3A_731 = arith.constant 0 : index
        %get3A_732 = tpu.vector_load %arg6[%get3A_730, %get3A_731] {strides = array<i32>} : memref<80x129xf32, #tpu.memory_space<vmem>>, vector<16xf32>,
        %mul3A_733 = arith.mulf %get3A_732, %get3A_70 : vector<16xf32>
        %get3A_734 = arith.index_cast %add3A_729 : i32 to index
        %get3A_735 = arith.constant 16 : index
        %get3A_736 = tpu.vector_load %arg6[%get3A_734, %get3A_735] {strides = array<i32>} : memref<80x129xf32, #tpu.memory_space<vmem>>, vector<16xf32>,
        %mul3A_737 = arith.mulf %get3A_736, %get3A_72 : vector<16xf32>
        %get3A_738 = arith.index_cast %add3A_729 : i32 to index
        %get3A_739 = arith.constant 32 : index
        %get3A_740 = tpu.vector_load %arg6[%get3A_738, %get3A_739] {strides = array<i32>} : memref<80x129xf32, #tpu.memory_space<vmem>>, vector<16xf32>,
        %mul3A_741 = arith.mulf %get3A_740, %get3A_74 : vector<16xf32>
        %get3A_742 = arith.index_cast %add3A_729 : i32 to index
        %get3A_743 = arith.constant 48 : index
        %get3A_744 = tpu.vector_load %arg6[%get3A_742, %get3A_743] {strides = array<i32>} : memref<80x129xf32, #tpu.memory_space<vmem>>, vector<16xf32>,
        %mul3A_745 = arith.mulf %get3A_744, %get3A_76 : vector<16xf32>
        %get3A_746 = arith.index_cast %add3A_729 : i32 to index
        %get3A_747 = arith.constant 64 : index
        %get3A_748 = tpu.vector_load %arg6[%get3A_746, %get3A_747] {strides = array<i32>} : memref<80x129xf32, #tpu.memory_space<vmem>>, vector<16xf32>,
        %mul3A_749 = arith.mulf %get3A_748, %get3A_78 : vector<16xf32>
        %get3A_750 = arith.index_cast %add3A_729 : i32 to index
        %get3A_751 = arith.constant 80 : index
        %get3A_752 = tpu.vector_load %arg6[%get3A_750, %get3A_751] {strides = array<i32>} : memref<80x129xf32, #tpu.memory_space<vmem>>, vector<16xf32>,
        %mul3A_753 = arith.mulf %get3A_752, %get3A_80 : vector<16xf32>
        %get3A_754 = arith.index_cast %add3A_729 : i32 to index
        %get3A_755 = arith.constant 96 : index
        %get3A_756 = tpu.vector_load %arg6[%get3A_754, %get3A_755] {strides = array<i32>} : memref<80x129xf32, #tpu.memory_space<vmem>>, vector<16xf32>,
        %mul3A_757 = arith.mulf %get3A_756, %get3A_82 : vector<16xf32>
        %get3A_758 = arith.index_cast %add3A_729 : i32 to index
        %get3A_759 = arith.constant 112 : index
        %get3A_760 = tpu.vector_load %arg6[%get3A_758, %get3A_759] {strides = array<i32>} : memref<80x129xf32, #tpu.memory_space<vmem>>, vector<16xf32>,
        %mul3A_761 = arith.mulf %get3A_760, %get3A_84 : vector<16xf32>
        %add3A_762 = arith.addf %mul3A_733, %mul3A_737 : vector<16xf32>
        %add3A_763 = arith.addf %mul3A_741, %mul3A_745 : vector<16xf32>
        %add3A_764 = arith.addf %add3A_762, %add3A_763 : vector<16xf32>
        %add3A_765 = arith.addf %mul3A_749, %mul3A_753 : vector<16xf32>
        %add3A_766 = arith.addf %mul3A_757, %mul3A_761 : vector<16xf32>
        %add3A_767 = arith.addf %add3A_765, %add3A_766 : vector<16xf32>
        %add3A_768 = arith.addf %add3A_764, %add3A_767 : vector<16xf32>
        %reshape3A_769 = vector.shape_cast %max3A_15 : vector<16xi32> to vector<16x1xi32>
        %gather3A_770 = vector.shape_cast %reshape3A_769 : vector<16x1xi32> to vector<16xi32>
        %gather3A_771 = tpu.dynamic_gather %add3A_768[%gather3A_770] in [0] : vector<16xf32>, vector<16xi32> -> vector<16xf32>
        %add3A_772 = arith.addf %add3A_768, %gather3A_771 : vector<16xf32>
        %reshape3A_773 = vector.shape_cast %max3A_21 : vector<16xi32> to vector<16x1xi32>
        %gather3A_774 = vector.shape_cast %reshape3A_773 : vector<16x1xi32> to vector<16xi32>
        %gather3A_775 = tpu.dynamic_gather %add3A_772[%gather3A_774] in [0] : vector<16xf32>, vector<16xi32> -> vector<16xf32>
        %add3A_776 = arith.addf %add3A_772, %gather3A_775 : vector<16xf32>
        %reshape3A_777 = vector.shape_cast %max3A_27 : vector<16xi32> to vector<16x1xi32>
        %gather3A_778 = vector.shape_cast %reshape3A_777 : vector<16x1xi32> to vector<16xi32>
        %gather3A_779 = tpu.dynamic_gather %add3A_776[%gather3A_778] in [0] : vector<16xf32>, vector<16xi32> -> vector<16xf32>
        %add3A_780 = arith.addf %add3A_776, %gather3A_779 : vector<16xf32>
        %reshape3A_781 = vector.shape_cast %max3A_33 : vector<16xi32> to vector<16x1xi32>
        %gather3A_782 = vector.shape_cast %reshape3A_781 : vector<16x1xi32> to vector<16xi32>
        %gather3A_783 = tpu.dynamic_gather %add3A_780[%gather3A_782] in [0] : vector<16xf32>, vector<16xi32> -> vector<16xf32>
        %add3A_784 = arith.addf %add3A_780, %gather3A_783 : vector<16xf32>
        %eq3A_785 = arith.constant 8 : i32
        %eq3A_786 = vector.broadcast %eq3A_785 : i32 to vector<16xi32>
        %eq3A_787 = arith.cmpi eq, %iota3A, %eq3A_786 : vector<16xi32>
        %reshape3A_788 = vector.shape_cast %broadcast_in_dim3A_69 : vector<16xi32> to vector<16x1xi32>
        %gather3A_789 = vector.shape_cast %reshape3A_788 : vector<16x1xi32> to vector<16xi32>
        %gather3A_790 = tpu.dynamic_gather %add3A_784[%gather3A_789] in [0] : vector<16xf32>, vector<16xi32> -> vector<16xf32>
        %select_n3A_791 = arith.select %eq3A_787, %gather3A_790, %select_n3A_725 : vector<16xi1>, vector<16xf32>
        %mul3A_792 = arith.constant 16 : i32
        %mul3A_793 = arith.muli %scan3A_191, %mul3A_792 : i32
        %add3A_794 = arith.constant 9 : i32
        %add3A_795 = arith.addi %mul3A_793, %add3A_794 : i32
        %get3A_796 = arith.index_cast %add3A_795 : i32 to index
        %get3A_797 = arith.constant 0 : index
        %get3A_798 = tpu.vector_load %arg6[%get3A_796, %get3A_797] {strides = array<i32>} : memref<80x129xf32, #tpu.memory_space<vmem>>, vector<16xf32>,
        %mul3A_799 = arith.mulf %get3A_798, %get3A_70 : vector<16xf32>
        %get3A_800 = arith.index_cast %add3A_795 : i32 to index
        %get3A_801 = arith.constant 16 : index
        %get3A_802 = tpu.vector_load %arg6[%get3A_800, %get3A_801] {strides = array<i32>} : memref<80x129xf32, #tpu.memory_space<vmem>>, vector<16xf32>,
        %mul3A_803 = arith.mulf %get3A_802, %get3A_72 : vector<16xf32>
        %get3A_804 = arith.index_cast %add3A_795 : i32 to index
        %get3A_805 = arith.constant 32 : index
        %get3A_806 = tpu.vector_load %arg6[%get3A_804, %get3A_805] {strides = array<i32>} : memref<80x129xf32, #tpu.memory_space<vmem>>, vector<16xf32>,
        %mul3A_807 = arith.mulf %get3A_806, %get3A_74 : vector<16xf32>
        %get3A_808 = arith.index_cast %add3A_795 : i32 to index
        %get3A_809 = arith.constant 48 : index
        %get3A_810 = tpu.vector_load %arg6[%get3A_808, %get3A_809] {strides = array<i32>} : memref<80x129xf32, #tpu.memory_space<vmem>>, vector<16xf32>,
        %mul3A_811 = arith.mulf %get3A_810, %get3A_76 : vector<16xf32>
        %get3A_812 = arith.index_cast %add3A_795 : i32 to index
        %get3A_813 = arith.constant 64 : index
        %get3A_814 = tpu.vector_load %arg6[%get3A_812, %get3A_813] {strides = array<i32>} : memref<80x129xf32, #tpu.memory_space<vmem>>, vector<16xf32>,
        %mul3A_815 = arith.mulf %get3A_814, %get3A_78 : vector<16xf32>
        %get3A_816 = arith.index_cast %add3A_795 : i32 to index
        %get3A_817 = arith.constant 80 : index
        %get3A_818 = tpu.vector_load %arg6[%get3A_816, %get3A_817] {strides = array<i32>} : memref<80x129xf32, #tpu.memory_space<vmem>>, vector<16xf32>,
        %mul3A_819 = arith.mulf %get3A_818, %get3A_80 : vector<16xf32>
        %get3A_820 = arith.index_cast %add3A_795 : i32 to index
        %get3A_821 = arith.constant 96 : index
        %get3A_822 = tpu.vector_load %arg6[%get3A_820, %get3A_821] {strides = array<i32>} : memref<80x129xf32, #tpu.memory_space<vmem>>, vector<16xf32>,
        %mul3A_823 = arith.mulf %get3A_822, %get3A_82 : vector<16xf32>
        %get3A_824 = arith.index_cast %add3A_795 : i32 to index
        %get3A_825 = arith.constant 112 : index
        %get3A_826 = tpu.vector_load %arg6[%get3A_824, %get3A_825] {strides = array<i32>} : memref<80x129xf32, #tpu.memory_space<vmem>>, vector<16xf32>,
        %mul3A_827 = arith.mulf %get3A_826, %get3A_84 : vector<16xf32>
        %add3A_828 = arith.addf %mul3A_799, %mul3A_803 : vector<16xf32>
        %add3A_829 = arith.addf %mul3A_807, %mul3A_811 : vector<16xf32>
        %add3A_830 = arith.addf %add3A_828, %add3A_829 : vector<16xf32>
        %add3A_831 = arith.addf %mul3A_815, %mul3A_819 : vector<16xf32>
        %add3A_832 = arith.addf %mul3A_823, %mul3A_827 : vector<16xf32>
        %add3A_833 = arith.addf %add3A_831, %add3A_832 : vector<16xf32>
        %add3A_834 = arith.addf %add3A_830, %add3A_833 : vector<16xf32>
        %reshape3A_835 = vector.shape_cast %max3A_15 : vector<16xi32> to vector<16x1xi32>
        %gather3A_836 = vector.shape_cast %reshape3A_835 : vector<16x1xi32> to vector<16xi32>
        %gather3A_837 = tpu.dynamic_gather %add3A_834[%gather3A_836] in [0] : vector<16xf32>, vector<16xi32> -> vector<16xf32>
        %add3A_838 = arith.addf %add3A_834, %gather3A_837 : vector<16xf32>
        %reshape3A_839 = vector.shape_cast %max3A_21 : vector<16xi32> to vector<16x1xi32>
        %gather3A_840 = vector.shape_cast %reshape3A_839 : vector<16x1xi32> to vector<16xi32>
        %gather3A_841 = tpu.dynamic_gather %add3A_838[%gather3A_840] in [0] : vector<16xf32>, vector<16xi32> -> vector<16xf32>
        %add3A_842 = arith.addf %add3A_838, %gather3A_841 : vector<16xf32>
        %reshape3A_843 = vector.shape_cast %max3A_27 : vector<16xi32> to vector<16x1xi32>
        %gather3A_844 = vector.shape_cast %reshape3A_843 : vector<16x1xi32> to vector<16xi32>
        %gather3A_845 = tpu.dynamic_gather %add3A_842[%gather3A_844] in [0] : vector<16xf32>, vector<16xi32> -> vector<16xf32>
        %add3A_846 = arith.addf %add3A_842, %gather3A_845 : vector<16xf32>
        %reshape3A_847 = vector.shape_cast %max3A_33 : vector<16xi32> to vector<16x1xi32>
        %gather3A_848 = vector.shape_cast %reshape3A_847 : vector<16x1xi32> to vector<16xi32>
        %gather3A_849 = tpu.dynamic_gather %add3A_846[%gather3A_848] in [0] : vector<16xf32>, vector<16xi32> -> vector<16xf32>
        %add3A_850 = arith.addf %add3A_846, %gather3A_849 : vector<16xf32>
        %eq3A_851 = arith.constant 9 : i32
        %eq3A_852 = vector.broadcast %eq3A_851 : i32 to vector<16xi32>
        %eq3A_853 = arith.cmpi eq, %iota3A, %eq3A_852 : vector<16xi32>
        %reshape3A_854 = vector.shape_cast %broadcast_in_dim3A_69 : vector<16xi32> to vector<16x1xi32>
        %gather3A_855 = vector.shape_cast %reshape3A_854 : vector<16x1xi32> to vector<16xi32>
        %gather3A_856 = tpu.dynamic_gather %add3A_850[%gather3A_855] in [0] : vector<16xf32>, vector<16xi32> -> vector<16xf32>
        %select_n3A_857 = arith.select %eq3A_853, %gather3A_856, %select_n3A_791 : vector<16xi1>, vector<16xf32>
        %mul3A_858 = arith.constant 16 : i32
        %mul3A_859 = arith.muli %scan3A_191, %mul3A_858 : i32
        %add3A_860 = arith.constant 10 : i32
        %add3A_861 = arith.addi %mul3A_859, %add3A_860 : i32
        %get3A_862 = arith.index_cast %add3A_861 : i32 to index
        %get3A_863 = arith.constant 0 : index
        %get3A_864 = tpu.vector_load %arg6[%get3A_862, %get3A_863] {strides = array<i32>} : memref<80x129xf32, #tpu.memory_space<vmem>>, vector<16xf32>,
        %mul3A_865 = arith.mulf %get3A_864, %get3A_70 : vector<16xf32>
        %get3A_866 = arith.index_cast %add3A_861 : i32 to index
        %get3A_867 = arith.constant 16 : index
        %get3A_868 = tpu.vector_load %arg6[%get3A_866, %get3A_867] {strides = array<i32>} : memref<80x129xf32, #tpu.memory_space<vmem>>, vector<16xf32>,
        %mul3A_869 = arith.mulf %get3A_868, %get3A_72 : vector<16xf32>
        %get3A_870 = arith.index_cast %add3A_861 : i32 to index
        %get3A_871 = arith.constant 32 : index
        %get3A_872 = tpu.vector_load %arg6[%get3A_870, %get3A_871] {strides = array<i32>} : memref<80x129xf32, #tpu.memory_space<vmem>>, vector<16xf32>,
        %mul3A_873 = arith.mulf %get3A_872, %get3A_74 : vector<16xf32>
        %get3A_874 = arith.index_cast %add3A_861 : i32 to index
        %get3A_875 = arith.constant 48 : index
        %get3A_876 = tpu.vector_load %arg6[%get3A_874, %get3A_875] {strides = array<i32>} : memref<80x129xf32, #tpu.memory_space<vmem>>, vector<16xf32>,
        %mul3A_877 = arith.mulf %get3A_876, %get3A_76 : vector<16xf32>
        %get3A_878 = arith.index_cast %add3A_861 : i32 to index
        %get3A_879 = arith.constant 64 : index
        %get3A_880 = tpu.vector_load %arg6[%get3A_878, %get3A_879] {strides = array<i32>} : memref<80x129xf32, #tpu.memory_space<vmem>>, vector<16xf32>,
        %mul3A_881 = arith.mulf %get3A_880, %get3A_78 : vector<16xf32>
        %get3A_882 = arith.index_cast %add3A_861 : i32 to index
        %get3A_883 = arith.constant 80 : index
        %get3A_884 = tpu.vector_load %arg6[%get3A_882, %get3A_883] {strides = array<i32>} : memref<80x129xf32, #tpu.memory_space<vmem>>, vector<16xf32>,
        %mul3A_885 = arith.mulf %get3A_884, %get3A_80 : vector<16xf32>
        %get3A_886 = arith.index_cast %add3A_861 : i32 to index
        %get3A_887 = arith.constant 96 : index
        %get3A_888 = tpu.vector_load %arg6[%get3A_886, %get3A_887] {strides = array<i32>} : memref<80x129xf32, #tpu.memory_space<vmem>>, vector<16xf32>,
        %mul3A_889 = arith.mulf %get3A_888, %get3A_82 : vector<16xf32>
        %get3A_890 = arith.index_cast %add3A_861 : i32 to index
        %get3A_891 = arith.constant 112 : index
        %get3A_892 = tpu.vector_load %arg6[%get3A_890, %get3A_891] {strides = array<i32>} : memref<80x129xf32, #tpu.memory_space<vmem>>, vector<16xf32>,
        %mul3A_893 = arith.mulf %get3A_892, %get3A_84 : vector<16xf32>
        %add3A_894 = arith.addf %mul3A_865, %mul3A_869 : vector<16xf32>
        %add3A_895 = arith.addf %mul3A_873, %mul3A_877 : vector<16xf32>
        %add3A_896 = arith.addf %add3A_894, %add3A_895 : vector<16xf32>
        %add3A_897 = arith.addf %mul3A_881, %mul3A_885 : vector<16xf32>
        %add3A_898 = arith.addf %mul3A_889, %mul3A_893 : vector<16xf32>
        %add3A_899 = arith.addf %add3A_897, %add3A_898 : vector<16xf32>
        %add3A_900 = arith.addf %add3A_896, %add3A_899 : vector<16xf32>
        %reshape3A_901 = vector.shape_cast %max3A_15 : vector<16xi32> to vector<16x1xi32>
        %gather3A_902 = vector.shape_cast %reshape3A_901 : vector<16x1xi32> to vector<16xi32>
        %gather3A_903 = tpu.dynamic_gather %add3A_900[%gather3A_902] in [0] : vector<16xf32>, vector<16xi32> -> vector<16xf32>
        %add3A_904 = arith.addf %add3A_900, %gather3A_903 : vector<16xf32>
        %reshape3A_905 = vector.shape_cast %max3A_21 : vector<16xi32> to vector<16x1xi32>
        %gather3A_906 = vector.shape_cast %reshape3A_905 : vector<16x1xi32> to vector<16xi32>
        %gather3A_907 = tpu.dynamic_gather %add3A_904[%gather3A_906] in [0] : vector<16xf32>, vector<16xi32> -> vector<16xf32>
        %add3A_908 = arith.addf %add3A_904, %gather3A_907 : vector<16xf32>
        %reshape3A_909 = vector.shape_cast %max3A_27 : vector<16xi32> to vector<16x1xi32>
        %gather3A_910 = vector.shape_cast %reshape3A_909 : vector<16x1xi32> to vector<16xi32>
        %gather3A_911 = tpu.dynamic_gather %add3A_908[%gather3A_910] in [0] : vector<16xf32>, vector<16xi32> -> vector<16xf32>
        %add3A_912 = arith.addf %add3A_908, %gather3A_911 : vector<16xf32>
        %reshape3A_913 = vector.shape_cast %max3A_33 : vector<16xi32> to vector<16x1xi32>
        %gather3A_914 = vector.shape_cast %reshape3A_913 : vector<16x1xi32> to vector<16xi32>
        %gather3A_915 = tpu.dynamic_gather %add3A_912[%gather3A_914] in [0] : vector<16xf32>, vector<16xi32> -> vector<16xf32>
        %add3A_916 = arith.addf %add3A_912, %gather3A_915 : vector<16xf32>
        %eq3A_917 = arith.constant 10 : i32
        %eq3A_918 = vector.broadcast %eq3A_917 : i32 to vector<16xi32>
        %eq3A_919 = arith.cmpi eq, %iota3A, %eq3A_918 : vector<16xi32>
        %reshape3A_920 = vector.shape_cast %broadcast_in_dim3A_69 : vector<16xi32> to vector<16x1xi32>
        %gather3A_921 = vector.shape_cast %reshape3A_920 : vector<16x1xi32> to vector<16xi32>
        %gather3A_922 = tpu.dynamic_gather %add3A_916[%gather3A_921] in [0] : vector<16xf32>, vector<16xi32> -> vector<16xf32>
        %select_n3A_923 = arith.select %eq3A_919, %gather3A_922, %select_n3A_857 : vector<16xi1>, vector<16xf32>
        %mul3A_924 = arith.constant 16 : i32
        %mul3A_925 = arith.muli %scan3A_191, %mul3A_924 : i32
        %add3A_926 = arith.constant 11 : i32
        %add3A_927 = arith.addi %mul3A_925, %add3A_926 : i32
        %get3A_928 = arith.index_cast %add3A_927 : i32 to index
        %get3A_929 = arith.constant 0 : index
        %get3A_930 = tpu.vector_load %arg6[%get3A_928, %get3A_929] {strides = array<i32>} : memref<80x129xf32, #tpu.memory_space<vmem>>, vector<16xf32>,
        %mul3A_931 = arith.mulf %get3A_930, %get3A_70 : vector<16xf32>
        %get3A_932 = arith.index_cast %add3A_927 : i32 to index
        %get3A_933 = arith.constant 16 : index
        %get3A_934 = tpu.vector_load %arg6[%get3A_932, %get3A_933] {strides = array<i32>} : memref<80x129xf32, #tpu.memory_space<vmem>>, vector<16xf32>,
        %mul3A_935 = arith.mulf %get3A_934, %get3A_72 : vector<16xf32>
        %get3A_936 = arith.index_cast %add3A_927 : i32 to index
        %get3A_937 = arith.constant 32 : index
        %get3A_938 = tpu.vector_load %arg6[%get3A_936, %get3A_937] {strides = array<i32>} : memref<80x129xf32, #tpu.memory_space<vmem>>, vector<16xf32>,
        %mul3A_939 = arith.mulf %get3A_938, %get3A_74 : vector<16xf32>
        %get3A_940 = arith.index_cast %add3A_927 : i32 to index
        %get3A_941 = arith.constant 48 : index
        %get3A_942 = tpu.vector_load %arg6[%get3A_940, %get3A_941] {strides = array<i32>} : memref<80x129xf32, #tpu.memory_space<vmem>>, vector<16xf32>,
        %mul3A_943 = arith.mulf %get3A_942, %get3A_76 : vector<16xf32>
        %get3A_944 = arith.index_cast %add3A_927 : i32 to index
        %get3A_945 = arith.constant 64 : index
        %get3A_946 = tpu.vector_load %arg6[%get3A_944, %get3A_945] {strides = array<i32>} : memref<80x129xf32, #tpu.memory_space<vmem>>, vector<16xf32>,
        %mul3A_947 = arith.mulf %get3A_946, %get3A_78 : vector<16xf32>
        %get3A_948 = arith.index_cast %add3A_927 : i32 to index
        %get3A_949 = arith.constant 80 : index
        %get3A_950 = tpu.vector_load %arg6[%get3A_948, %get3A_949] {strides = array<i32>} : memref<80x129xf32, #tpu.memory_space<vmem>>, vector<16xf32>,
        %mul3A_951 = arith.mulf %get3A_950, %get3A_80 : vector<16xf32>
        %get3A_952 = arith.index_cast %add3A_927 : i32 to index
        %get3A_953 = arith.constant 96 : index
        %get3A_954 = tpu.vector_load %arg6[%get3A_952, %get3A_953] {strides = array<i32>} : memref<80x129xf32, #tpu.memory_space<vmem>>, vector<16xf32>,
        %mul3A_955 = arith.mulf %get3A_954, %get3A_82 : vector<16xf32>
        %get3A_956 = arith.index_cast %add3A_927 : i32 to index
        %get3A_957 = arith.constant 112 : index
        %get3A_958 = tpu.vector_load %arg6[%get3A_956, %get3A_957] {strides = array<i32>} : memref<80x129xf32, #tpu.memory_space<vmem>>, vector<16xf32>,
        %mul3A_959 = arith.mulf %get3A_958, %get3A_84 : vector<16xf32>
        %add3A_960 = arith.addf %mul3A_931, %mul3A_935 : vector<16xf32>
        %add3A_961 = arith.addf %mul3A_939, %mul3A_943 : vector<16xf32>
        %add3A_962 = arith.addf %add3A_960, %add3A_961 : vector<16xf32>
        %add3A_963 = arith.addf %mul3A_947, %mul3A_951 : vector<16xf32>
        %add3A_964 = arith.addf %mul3A_955, %mul3A_959 : vector<16xf32>
        %add3A_965 = arith.addf %add3A_963, %add3A_964 : vector<16xf32>
        %add3A_966 = arith.addf %add3A_962, %add3A_965 : vector<16xf32>
        %reshape3A_967 = vector.shape_cast %max3A_15 : vector<16xi32> to vector<16x1xi32>
        %gather3A_968 = vector.shape_cast %reshape3A_967 : vector<16x1xi32> to vector<16xi32>
        %gather3A_969 = tpu.dynamic_gather %add3A_966[%gather3A_968] in [0] : vector<16xf32>, vector<16xi32> -> vector<16xf32>
        %add3A_970 = arith.addf %add3A_966, %gather3A_969 : vector<16xf32>
        %reshape3A_971 = vector.shape_cast %max3A_21 : vector<16xi32> to vector<16x1xi32>
        %gather3A_972 = vector.shape_cast %reshape3A_971 : vector<16x1xi32> to vector<16xi32>
        %gather3A_973 = tpu.dynamic_gather %add3A_970[%gather3A_972] in [0] : vector<16xf32>, vector<16xi32> -> vector<16xf32>
        %add3A_974 = arith.addf %add3A_970, %gather3A_973 : vector<16xf32>
        %reshape3A_975 = vector.shape_cast %max3A_27 : vector<16xi32> to vector<16x1xi32>
        %gather3A_976 = vector.shape_cast %reshape3A_975 : vector<16x1xi32> to vector<16xi32>
        %gather3A_977 = tpu.dynamic_gather %add3A_974[%gather3A_976] in [0] : vector<16xf32>, vector<16xi32> -> vector<16xf32>
        %add3A_978 = arith.addf %add3A_974, %gather3A_977 : vector<16xf32>
        %reshape3A_979 = vector.shape_cast %max3A_33 : vector<16xi32> to vector<16x1xi32>
        %gather3A_980 = vector.shape_cast %reshape3A_979 : vector<16x1xi32> to vector<16xi32>
        %gather3A_981 = tpu.dynamic_gather %add3A_978[%gather3A_980] in [0] : vector<16xf32>, vector<16xi32> -> vector<16xf32>
        %add3A_982 = arith.addf %add3A_978, %gather3A_981 : vector<16xf32>
        %eq3A_983 = arith.constant 11 : i32
        %eq3A_984 = vector.broadcast %eq3A_983 : i32 to vector<16xi32>
        %eq3A_985 = arith.cmpi eq, %iota3A, %eq3A_984 : vector<16xi32>
        %reshape3A_986 = vector.shape_cast %broadcast_in_dim3A_69 : vector<16xi32> to vector<16x1xi32>
        %gather3A_987 = vector.shape_cast %reshape3A_986 : vector<16x1xi32> to vector<16xi32>
        %gather3A_988 = tpu.dynamic_gather %add3A_982[%gather3A_987] in [0] : vector<16xf32>, vector<16xi32> -> vector<16xf32>
        %select_n3A_989 = arith.select %eq3A_985, %gather3A_988, %select_n3A_923 : vector<16xi1>, vector<16xf32>
        %mul3A_990 = arith.constant 16 : i32
        %mul3A_991 = arith.muli %scan3A_191, %mul3A_990 : i32
        %add3A_992 = arith.constant 12 : i32
        %add3A_993 = arith.addi %mul3A_991, %add3A_992 : i32
        %get3A_994 = arith.index_cast %add3A_993 : i32 to index
        %get3A_995 = arith.constant 0 : index
        %get3A_996 = tpu.vector_load %arg6[%get3A_994, %get3A_995] {strides = array<i32>} : memref<80x129xf32, #tpu.memory_space<vmem>>, vector<16xf32>,
        %mul3A_997 = arith.mulf %get3A_996, %get3A_70 : vector<16xf32>
        %get3A_998 = arith.index_cast %add3A_993 : i32 to index
        %get3A_999 = arith.constant 16 : index
        %get3A_1000 = tpu.vector_load %arg6[%get3A_998, %get3A_999] {strides = array<i32>} : memref<80x129xf32, #tpu.memory_space<vmem>>, vector<16xf32>,
        %mul3A_1001 = arith.mulf %get3A_1000, %get3A_72 : vector<16xf32>
        %get3A_1002 = arith.index_cast %add3A_993 : i32 to index
        %get3A_1003 = arith.constant 32 : index
        %get3A_1004 = tpu.vector_load %arg6[%get3A_1002, %get3A_1003] {strides = array<i32>} : memref<80x129xf32, #tpu.memory_space<vmem>>, vector<16xf32>,
        %mul3A_1005 = arith.mulf %get3A_1004, %get3A_74 : vector<16xf32>
        %get3A_1006 = arith.index_cast %add3A_993 : i32 to index
        %get3A_1007 = arith.constant 48 : index
        %get3A_1008 = tpu.vector_load %arg6[%get3A_1006, %get3A_1007] {strides = array<i32>} : memref<80x129xf32, #tpu.memory_space<vmem>>, vector<16xf32>,
        %mul3A_1009 = arith.mulf %get3A_1008, %get3A_76 : vector<16xf32>
        %get3A_1010 = arith.index_cast %add3A_993 : i32 to index
        %get3A_1011 = arith.constant 64 : index
        %get3A_1012 = tpu.vector_load %arg6[%get3A_1010, %get3A_1011] {strides = array<i32>} : memref<80x129xf32, #tpu.memory_space<vmem>>, vector<16xf32>,
        %mul3A_1013 = arith.mulf %get3A_1012, %get3A_78 : vector<16xf32>
        %get3A_1014 = arith.index_cast %add3A_993 : i32 to index
        %get3A_1015 = arith.constant 80 : index
        %get3A_1016 = tpu.vector_load %arg6[%get3A_1014, %get3A_1015] {strides = array<i32>} : memref<80x129xf32, #tpu.memory_space<vmem>>, vector<16xf32>,
        %mul3A_1017 = arith.mulf %get3A_1016, %get3A_80 : vector<16xf32>
        %get3A_1018 = arith.index_cast %add3A_993 : i32 to index
        %get3A_1019 = arith.constant 96 : index
        %get3A_1020 = tpu.vector_load %arg6[%get3A_1018, %get3A_1019] {strides = array<i32>} : memref<80x129xf32, #tpu.memory_space<vmem>>, vector<16xf32>,
        %mul3A_1021 = arith.mulf %get3A_1020, %get3A_82 : vector<16xf32>
        %get3A_1022 = arith.index_cast %add3A_993 : i32 to index
        %get3A_1023 = arith.constant 112 : index
        %get3A_1024 = tpu.vector_load %arg6[%get3A_1022, %get3A_1023] {strides = array<i32>} : memref<80x129xf32, #tpu.memory_space<vmem>>, vector<16xf32>,
        %mul3A_1025 = arith.mulf %get3A_1024, %get3A_84 : vector<16xf32>
        %add3A_1026 = arith.addf %mul3A_997, %mul3A_1001 : vector<16xf32>
        %add3A_1027 = arith.addf %mul3A_1005, %mul3A_1009 : vector<16xf32>
        %add3A_1028 = arith.addf %add3A_1026, %add3A_1027 : vector<16xf32>
        %add3A_1029 = arith.addf %mul3A_1013, %mul3A_1017 : vector<16xf32>
        %add3A_1030 = arith.addf %mul3A_1021, %mul3A_1025 : vector<16xf32>
        %add3A_1031 = arith.addf %add3A_1029, %add3A_1030 : vector<16xf32>
        %add3A_1032 = arith.addf %add3A_1028, %add3A_1031 : vector<16xf32>
        %reshape3A_1033 = vector.shape_cast %max3A_15 : vector<16xi32> to vector<16x1xi32>
        %gather3A_1034 = vector.shape_cast %reshape3A_1033 : vector<16x1xi32> to vector<16xi32>
        %gather3A_1035 = tpu.dynamic_gather %add3A_1032[%gather3A_1034] in [0] : vector<16xf32>, vector<16xi32> -> vector<16xf32>
        %add3A_1036 = arith.addf %add3A_1032, %gather3A_1035 : vector<16xf32>
        %reshape3A_1037 = vector.shape_cast %max3A_21 : vector<16xi32> to vector<16x1xi32>
        %gather3A_1038 = vector.shape_cast %reshape3A_1037 : vector<16x1xi32> to vector<16xi32>
        %gather3A_1039 = tpu.dynamic_gather %add3A_1036[%gather3A_1038] in [0] : vector<16xf32>, vector<16xi32> -> vector<16xf32>
        %add3A_1040 = arith.addf %add3A_1036, %gather3A_1039 : vector<16xf32>
        %reshape3A_1041 = vector.shape_cast %max3A_27 : vector<16xi32> to vector<16x1xi32>
        %gather3A_1042 = vector.shape_cast %reshape3A_1041 : vector<16x1xi32> to vector<16xi32>
        %gather3A_1043 = tpu.dynamic_gather %add3A_1040[%gather3A_1042] in [0] : vector<16xf32>, vector<16xi32> -> vector<16xf32>
        %add3A_1044 = arith.addf %add3A_1040, %gather3A_1043 : vector<16xf32>
        %reshape3A_1045 = vector.shape_cast %max3A_33 : vector<16xi32> to vector<16x1xi32>
        %gather3A_1046 = vector.shape_cast %reshape3A_1045 : vector<16x1xi32> to vector<16xi32>
        %gather3A_1047 = tpu.dynamic_gather %add3A_1044[%gather3A_1046] in [0] : vector<16xf32>, vector<16xi32> -> vector<16xf32>
        %add3A_1048 = arith.addf %add3A_1044, %gather3A_1047 : vector<16xf32>
        %eq3A_1049 = arith.constant 12 : i32
        %eq3A_1050 = vector.broadcast %eq3A_1049 : i32 to vector<16xi32>
        %eq3A_1051 = arith.cmpi eq, %iota3A, %eq3A_1050 : vector<16xi32>
        %reshape3A_1052 = vector.shape_cast %broadcast_in_dim3A_69 : vector<16xi32> to vector<16x1xi32>
        %gather3A_1053 = vector.shape_cast %reshape3A_1052 : vector<16x1xi32> to vector<16xi32>
        %gather3A_1054 = tpu.dynamic_gather %add3A_1048[%gather3A_1053] in [0] : vector<16xf32>, vector<16xi32> -> vector<16xf32>
        %select_n3A_1055 = arith.select %eq3A_1051, %gather3A_1054, %select_n3A_989 : vector<16xi1>, vector<16xf32>
        %mul3A_1056 = arith.constant 16 : i32
        %mul3A_1057 = arith.muli %scan3A_191, %mul3A_1056 : i32
        %add3A_1058 = arith.constant 13 : i32
        %add3A_1059 = arith.addi %mul3A_1057, %add3A_1058 : i32
        %get3A_1060 = arith.index_cast %add3A_1059 : i32 to index
        %get3A_1061 = arith.constant 0 : index
        %get3A_1062 = tpu.vector_load %arg6[%get3A_1060, %get3A_1061] {strides = array<i32>} : memref<80x129xf32, #tpu.memory_space<vmem>>, vector<16xf32>,
        %mul3A_1063 = arith.mulf %get3A_1062, %get3A_70 : vector<16xf32>
        %get3A_1064 = arith.index_cast %add3A_1059 : i32 to index
        %get3A_1065 = arith.constant 16 : index
        %get3A_1066 = tpu.vector_load %arg6[%get3A_1064, %get3A_1065] {strides = array<i32>} : memref<80x129xf32, #tpu.memory_space<vmem>>, vector<16xf32>,
        %mul3A_1067 = arith.mulf %get3A_1066, %get3A_72 : vector<16xf32>
        %get3A_1068 = arith.index_cast %add3A_1059 : i32 to index
        %get3A_1069 = arith.constant 32 : index
        %get3A_1070 = tpu.vector_load %arg6[%get3A_1068, %get3A_1069] {strides = array<i32>} : memref<80x129xf32, #tpu.memory_space<vmem>>, vector<16xf32>,
        %mul3A_1071 = arith.mulf %get3A_1070, %get3A_74 : vector<16xf32>
        %get3A_1072 = arith.index_cast %add3A_1059 : i32 to index
        %get3A_1073 = arith.constant 48 : index
        %get3A_1074 = tpu.vector_load %arg6[%get3A_1072, %get3A_1073] {strides = array<i32>} : memref<80x129xf32, #tpu.memory_space<vmem>>, vector<16xf32>,
        %mul3A_1075 = arith.mulf %get3A_1074, %get3A_76 : vector<16xf32>
        %get3A_1076 = arith.index_cast %add3A_1059 : i32 to index
        %get3A_1077 = arith.constant 64 : index
        %get3A_1078 = tpu.vector_load %arg6[%get3A_1076, %get3A_1077] {strides = array<i32>} : memref<80x129xf32, #tpu.memory_space<vmem>>, vector<16xf32>,
        %mul3A_1079 = arith.mulf %get3A_1078, %get3A_78 : vector<16xf32>
        %get3A_1080 = arith.index_cast %add3A_1059 : i32 to index
        %get3A_1081 = arith.constant 80 : index
        %get3A_1082 = tpu.vector_load %arg6[%get3A_1080, %get3A_1081] {strides = array<i32>} : memref<80x129xf32, #tpu.memory_space<vmem>>, vector<16xf32>,
        %mul3A_1083 = arith.mulf %get3A_1082, %get3A_80 : vector<16xf32>
        %get3A_1084 = arith.index_cast %add3A_1059 : i32 to index
        %get3A_1085 = arith.constant 96 : index
        %get3A_1086 = tpu.vector_load %arg6[%get3A_1084, %get3A_1085] {strides = array<i32>} : memref<80x129xf32, #tpu.memory_space<vmem>>, vector<16xf32>,
        %mul3A_1087 = arith.mulf %get3A_1086, %get3A_82 : vector<16xf32>
        %get3A_1088 = arith.index_cast %add3A_1059 : i32 to index
        %get3A_1089 = arith.constant 112 : index
        %get3A_1090 = tpu.vector_load %arg6[%get3A_1088, %get3A_1089] {strides = array<i32>} : memref<80x129xf32, #tpu.memory_space<vmem>>, vector<16xf32>,
        %mul3A_1091 = arith.mulf %get3A_1090, %get3A_84 : vector<16xf32>
        %add3A_1092 = arith.addf %mul3A_1063, %mul3A_1067 : vector<16xf32>
        %add3A_1093 = arith.addf %mul3A_1071, %mul3A_1075 : vector<16xf32>
        %add3A_1094 = arith.addf %add3A_1092, %add3A_1093 : vector<16xf32>
        %add3A_1095 = arith.addf %mul3A_1079, %mul3A_1083 : vector<16xf32>
        %add3A_1096 = arith.addf %mul3A_1087, %mul3A_1091 : vector<16xf32>
        %add3A_1097 = arith.addf %add3A_1095, %add3A_1096 : vector<16xf32>
        %add3A_1098 = arith.addf %add3A_1094, %add3A_1097 : vector<16xf32>
        %reshape3A_1099 = vector.shape_cast %max3A_15 : vector<16xi32> to vector<16x1xi32>
        %gather3A_1100 = vector.shape_cast %reshape3A_1099 : vector<16x1xi32> to vector<16xi32>
        %gather3A_1101 = tpu.dynamic_gather %add3A_1098[%gather3A_1100] in [0] : vector<16xf32>, vector<16xi32> -> vector<16xf32>
        %add3A_1102 = arith.addf %add3A_1098, %gather3A_1101 : vector<16xf32>
        %reshape3A_1103 = vector.shape_cast %max3A_21 : vector<16xi32> to vector<16x1xi32>
        %gather3A_1104 = vector.shape_cast %reshape3A_1103 : vector<16x1xi32> to vector<16xi32>
        %gather3A_1105 = tpu.dynamic_gather %add3A_1102[%gather3A_1104] in [0] : vector<16xf32>, vector<16xi32> -> vector<16xf32>
        %add3A_1106 = arith.addf %add3A_1102, %gather3A_1105 : vector<16xf32>
        %reshape3A_1107 = vector.shape_cast %max3A_27 : vector<16xi32> to vector<16x1xi32>
        %gather3A_1108 = vector.shape_cast %reshape3A_1107 : vector<16x1xi32> to vector<16xi32>
        %gather3A_1109 = tpu.dynamic_gather %add3A_1106[%gather3A_1108] in [0] : vector<16xf32>, vector<16xi32> -> vector<16xf32>
        %add3A_1110 = arith.addf %add3A_1106, %gather3A_1109 : vector<16xf32>
        %reshape3A_1111 = vector.shape_cast %max3A_33 : vector<16xi32> to vector<16x1xi32>
        %gather3A_1112 = vector.shape_cast %reshape3A_1111 : vector<16x1xi32> to vector<16xi32>
        %gather3A_1113 = tpu.dynamic_gather %add3A_1110[%gather3A_1112] in [0] : vector<16xf32>, vector<16xi32> -> vector<16xf32>
        %add3A_1114 = arith.addf %add3A_1110, %gather3A_1113 : vector<16xf32>
        %eq3A_1115 = arith.constant 13 : i32
        %eq3A_1116 = vector.broadcast %eq3A_1115 : i32 to vector<16xi32>
        %eq3A_1117 = arith.cmpi eq, %iota3A, %eq3A_1116 : vector<16xi32>
        %reshape3A_1118 = vector.shape_cast %broadcast_in_dim3A_69 : vector<16xi32> to vector<16x1xi32>
        %gather3A_1119 = vector.shape_cast %reshape3A_1118 : vector<16x1xi32> to vector<16xi32>
        %gather3A_1120 = tpu.dynamic_gather %add3A_1114[%gather3A_1119] in [0] : vector<16xf32>, vector<16xi32> -> vector<16xf32>
        %select_n3A_1121 = arith.select %eq3A_1117, %gather3A_1120, %select_n3A_1055 : vector<16xi1>, vector<16xf32>
        %mul3A_1122 = arith.constant 16 : i32
        %mul3A_1123 = arith.muli %scan3A_191, %mul3A_1122 : i32
        %add3A_1124 = arith.constant 14 : i32
        %add3A_1125 = arith.addi %mul3A_1123, %add3A_1124 : i32
        %get3A_1126 = arith.index_cast %add3A_1125 : i32 to index
        %get3A_1127 = arith.constant 0 : index
        %get3A_1128 = tpu.vector_load %arg6[%get3A_1126, %get3A_1127] {strides = array<i32>} : memref<80x129xf32, #tpu.memory_space<vmem>>, vector<16xf32>,
        %mul3A_1129 = arith.mulf %get3A_1128, %get3A_70 : vector<16xf32>
        %get3A_1130 = arith.index_cast %add3A_1125 : i32 to index
        %get3A_1131 = arith.constant 16 : index
        %get3A_1132 = tpu.vector_load %arg6[%get3A_1130, %get3A_1131] {strides = array<i32>} : memref<80x129xf32, #tpu.memory_space<vmem>>, vector<16xf32>,
        %mul3A_1133 = arith.mulf %get3A_1132, %get3A_72 : vector<16xf32>
        %get3A_1134 = arith.index_cast %add3A_1125 : i32 to index
        %get3A_1135 = arith.constant 32 : index
        %get3A_1136 = tpu.vector_load %arg6[%get3A_1134, %get3A_1135] {strides = array<i32>} : memref<80x129xf32, #tpu.memory_space<vmem>>, vector<16xf32>,
        %mul3A_1137 = arith.mulf %get3A_1136, %get3A_74 : vector<16xf32>
        %get3A_1138 = arith.index_cast %add3A_1125 : i32 to index
        %get3A_1139 = arith.constant 48 : index
        %get3A_1140 = tpu.vector_load %arg6[%get3A_1138, %get3A_1139] {strides = array<i32>} : memref<80x129xf32, #tpu.memory_space<vmem>>, vector<16xf32>,
        %mul3A_1141 = arith.mulf %get3A_1140, %get3A_76 : vector<16xf32>
        %get3A_1142 = arith.index_cast %add3A_1125 : i32 to index
        %get3A_1143 = arith.constant 64 : index
        %get3A_1144 = tpu.vector_load %arg6[%get3A_1142, %get3A_1143] {strides = array<i32>} : memref<80x129xf32, #tpu.memory_space<vmem>>, vector<16xf32>,
        %mul3A_1145 = arith.mulf %get3A_1144, %get3A_78 : vector<16xf32>
        %get3A_1146 = arith.index_cast %add3A_1125 : i32 to index
        %get3A_1147 = arith.constant 80 : index
        %get3A_1148 = tpu.vector_load %arg6[%get3A_1146, %get3A_1147] {strides = array<i32>} : memref<80x129xf32, #tpu.memory_space<vmem>>, vector<16xf32>,
        %mul3A_1149 = arith.mulf %get3A_1148, %get3A_80 : vector<16xf32>
        %get3A_1150 = arith.index_cast %add3A_1125 : i32 to index
        %get3A_1151 = arith.constant 96 : index
        %get3A_1152 = tpu.vector_load %arg6[%get3A_1150, %get3A_1151] {strides = array<i32>} : memref<80x129xf32, #tpu.memory_space<vmem>>, vector<16xf32>,
        %mul3A_1153 = arith.mulf %get3A_1152, %get3A_82 : vector<16xf32>
        %get3A_1154 = arith.index_cast %add3A_1125 : i32 to index
        %get3A_1155 = arith.constant 112 : index
        %get3A_1156 = tpu.vector_load %arg6[%get3A_1154, %get3A_1155] {strides = array<i32>} : memref<80x129xf32, #tpu.memory_space<vmem>>, vector<16xf32>,
        %mul3A_1157 = arith.mulf %get3A_1156, %get3A_84 : vector<16xf32>
        %add3A_1158 = arith.addf %mul3A_1129, %mul3A_1133 : vector<16xf32>
        %add3A_1159 = arith.addf %mul3A_1137, %mul3A_1141 : vector<16xf32>
        %add3A_1160 = arith.addf %add3A_1158, %add3A_1159 : vector<16xf32>
        %add3A_1161 = arith.addf %mul3A_1145, %mul3A_1149 : vector<16xf32>
        %add3A_1162 = arith.addf %mul3A_1153, %mul3A_1157 : vector<16xf32>
        %add3A_1163 = arith.addf %add3A_1161, %add3A_1162 : vector<16xf32>
        %add3A_1164 = arith.addf %add3A_1160, %add3A_1163 : vector<16xf32>
        %reshape3A_1165 = vector.shape_cast %max3A_15 : vector<16xi32> to vector<16x1xi32>
        %gather3A_1166 = vector.shape_cast %reshape3A_1165 : vector<16x1xi32> to vector<16xi32>
        %gather3A_1167 = tpu.dynamic_gather %add3A_1164[%gather3A_1166] in [0] : vector<16xf32>, vector<16xi32> -> vector<16xf32>
        %add3A_1168 = arith.addf %add3A_1164, %gather3A_1167 : vector<16xf32>
        %reshape3A_1169 = vector.shape_cast %max3A_21 : vector<16xi32> to vector<16x1xi32>
        %gather3A_1170 = vector.shape_cast %reshape3A_1169 : vector<16x1xi32> to vector<16xi32>
        %gather3A_1171 = tpu.dynamic_gather %add3A_1168[%gather3A_1170] in [0] : vector<16xf32>, vector<16xi32> -> vector<16xf32>
        %add3A_1172 = arith.addf %add3A_1168, %gather3A_1171 : vector<16xf32>
        %reshape3A_1173 = vector.shape_cast %max3A_27 : vector<16xi32> to vector<16x1xi32>
        %gather3A_1174 = vector.shape_cast %reshape3A_1173 : vector<16x1xi32> to vector<16xi32>
        %gather3A_1175 = tpu.dynamic_gather %add3A_1172[%gather3A_1174] in [0] : vector<16xf32>, vector<16xi32> -> vector<16xf32>
        %add3A_1176 = arith.addf %add3A_1172, %gather3A_1175 : vector<16xf32>
        %reshape3A_1177 = vector.shape_cast %max3A_33 : vector<16xi32> to vector<16x1xi32>
        %gather3A_1178 = vector.shape_cast %reshape3A_1177 : vector<16x1xi32> to vector<16xi32>
        %gather3A_1179 = tpu.dynamic_gather %add3A_1176[%gather3A_1178] in [0] : vector<16xf32>, vector<16xi32> -> vector<16xf32>
        %add3A_1180 = arith.addf %add3A_1176, %gather3A_1179 : vector<16xf32>
        %eq3A_1181 = arith.constant 14 : i32
        %eq3A_1182 = vector.broadcast %eq3A_1181 : i32 to vector<16xi32>
        %eq3A_1183 = arith.cmpi eq, %iota3A, %eq3A_1182 : vector<16xi32>
        %reshape3A_1184 = vector.shape_cast %broadcast_in_dim3A_69 : vector<16xi32> to vector<16x1xi32>
        %gather3A_1185 = vector.shape_cast %reshape3A_1184 : vector<16x1xi32> to vector<16xi32>
        %gather3A_1186 = tpu.dynamic_gather %add3A_1180[%gather3A_1185] in [0] : vector<16xf32>, vector<16xi32> -> vector<16xf32>
        %select_n3A_1187 = arith.select %eq3A_1183, %gather3A_1186, %select_n3A_1121 : vector<16xi1>, vector<16xf32>
        %mul3A_1188 = arith.constant 16 : i32
        %mul3A_1189 = arith.muli %scan3A_191, %mul3A_1188 : i32
        %add3A_1190 = arith.constant 15 : i32
        %add3A_1191 = arith.addi %mul3A_1189, %add3A_1190 : i32
        %get3A_1192 = arith.index_cast %add3A_1191 : i32 to index
        %get3A_1193 = arith.constant 0 : index
        %get3A_1194 = tpu.vector_load %arg6[%get3A_1192, %get3A_1193] {strides = array<i32>} : memref<80x129xf32, #tpu.memory_space<vmem>>, vector<16xf32>,
        %mul3A_1195 = arith.mulf %get3A_1194, %get3A_70 : vector<16xf32>
        %get3A_1196 = arith.index_cast %add3A_1191 : i32 to index
        %get3A_1197 = arith.constant 16 : index
        %get3A_1198 = tpu.vector_load %arg6[%get3A_1196, %get3A_1197] {strides = array<i32>} : memref<80x129xf32, #tpu.memory_space<vmem>>, vector<16xf32>,
        %mul3A_1199 = arith.mulf %get3A_1198, %get3A_72 : vector<16xf32>
        %get3A_1200 = arith.index_cast %add3A_1191 : i32 to index
        %get3A_1201 = arith.constant 32 : index
        %get3A_1202 = tpu.vector_load %arg6[%get3A_1200, %get3A_1201] {strides = array<i32>} : memref<80x129xf32, #tpu.memory_space<vmem>>, vector<16xf32>,
        %mul3A_1203 = arith.mulf %get3A_1202, %get3A_74 : vector<16xf32>
        %get3A_1204 = arith.index_cast %add3A_1191 : i32 to index
        %get3A_1205 = arith.constant 48 : index
        %get3A_1206 = tpu.vector_load %arg6[%get3A_1204, %get3A_1205] {strides = array<i32>} : memref<80x129xf32, #tpu.memory_space<vmem>>, vector<16xf32>,
        %mul3A_1207 = arith.mulf %get3A_1206, %get3A_76 : vector<16xf32>
        %get3A_1208 = arith.index_cast %add3A_1191 : i32 to index
        %get3A_1209 = arith.constant 64 : index
        %get3A_1210 = tpu.vector_load %arg6[%get3A_1208, %get3A_1209] {strides = array<i32>} : memref<80x129xf32, #tpu.memory_space<vmem>>, vector<16xf32>,
        %mul3A_1211 = arith.mulf %get3A_1210, %get3A_78 : vector<16xf32>
        %get3A_1212 = arith.index_cast %add3A_1191 : i32 to index
        %get3A_1213 = arith.constant 80 : index
        %get3A_1214 = tpu.vector_load %arg6[%get3A_1212, %get3A_1213] {strides = array<i32>} : memref<80x129xf32, #tpu.memory_space<vmem>>, vector<16xf32>,
        %mul3A_1215 = arith.mulf %get3A_1214, %get3A_80 : vector<16xf32>
        %get3A_1216 = arith.index_cast %add3A_1191 : i32 to index
        %get3A_1217 = arith.constant 96 : index
        %get3A_1218 = tpu.vector_load %arg6[%get3A_1216, %get3A_1217] {strides = array<i32>} : memref<80x129xf32, #tpu.memory_space<vmem>>, vector<16xf32>,
        %mul3A_1219 = arith.mulf %get3A_1218, %get3A_82 : vector<16xf32>
        %get3A_1220 = arith.index_cast %add3A_1191 : i32 to index
        %get3A_1221 = arith.constant 112 : index
        %get3A_1222 = tpu.vector_load %arg6[%get3A_1220, %get3A_1221] {strides = array<i32>} : memref<80x129xf32, #tpu.memory_space<vmem>>, vector<16xf32>,
        %mul3A_1223 = arith.mulf %get3A_1222, %get3A_84 : vector<16xf32>
        %add3A_1224 = arith.addf %mul3A_1195, %mul3A_1199 : vector<16xf32>
        %add3A_1225 = arith.addf %mul3A_1203, %mul3A_1207 : vector<16xf32>
        %add3A_1226 = arith.addf %add3A_1224, %add3A_1225 : vector<16xf32>
        %add3A_1227 = arith.addf %mul3A_1211, %mul3A_1215 : vector<16xf32>
        %add3A_1228 = arith.addf %mul3A_1219, %mul3A_1223 : vector<16xf32>
        %add3A_1229 = arith.addf %add3A_1227, %add3A_1228 : vector<16xf32>
        %add3A_1230 = arith.addf %add3A_1226, %add3A_1229 : vector<16xf32>
        %reshape3A_1231 = vector.shape_cast %max3A_15 : vector<16xi32> to vector<16x1xi32>
        %gather3A_1232 = vector.shape_cast %reshape3A_1231 : vector<16x1xi32> to vector<16xi32>
        %gather3A_1233 = tpu.dynamic_gather %add3A_1230[%gather3A_1232] in [0] : vector<16xf32>, vector<16xi32> -> vector<16xf32>
        %add3A_1234 = arith.addf %add3A_1230, %gather3A_1233 : vector<16xf32>
        %reshape3A_1235 = vector.shape_cast %max3A_21 : vector<16xi32> to vector<16x1xi32>
        %gather3A_1236 = vector.shape_cast %reshape3A_1235 : vector<16x1xi32> to vector<16xi32>
        %gather3A_1237 = tpu.dynamic_gather %add3A_1234[%gather3A_1236] in [0] : vector<16xf32>, vector<16xi32> -> vector<16xf32>
        %add3A_1238 = arith.addf %add3A_1234, %gather3A_1237 : vector<16xf32>
        %reshape3A_1239 = vector.shape_cast %max3A_27 : vector<16xi32> to vector<16x1xi32>
        %gather3A_1240 = vector.shape_cast %reshape3A_1239 : vector<16x1xi32> to vector<16xi32>
        %gather3A_1241 = tpu.dynamic_gather %add3A_1238[%gather3A_1240] in [0] : vector<16xf32>, vector<16xi32> -> vector<16xf32>
        %add3A_1242 = arith.addf %add3A_1238, %gather3A_1241 : vector<16xf32>
        %reshape3A_1243 = vector.shape_cast %max3A_33 : vector<16xi32> to vector<16x1xi32>
        %gather3A_1244 = vector.shape_cast %reshape3A_1243 : vector<16x1xi32> to vector<16xi32>
        %gather3A_1245 = tpu.dynamic_gather %add3A_1242[%gather3A_1244] in [0] : vector<16xf32>, vector<16xi32> -> vector<16xf32>
        %add3A_1246 = arith.addf %add3A_1242, %gather3A_1245 : vector<16xf32>
        %eq3A_1247 = arith.constant 15 : i32
        %eq3A_1248 = vector.broadcast %eq3A_1247 : i32 to vector<16xi32>
        %eq3A_1249 = arith.cmpi eq, %iota3A, %eq3A_1248 : vector<16xi32>
        %reshape3A_1250 = vector.shape_cast %broadcast_in_dim3A_69 : vector<16xi32> to vector<16x1xi32>
        %gather3A_1251 = vector.shape_cast %reshape3A_1250 : vector<16x1xi32> to vector<16xi32>
        %gather3A_1252 = tpu.dynamic_gather %add3A_1246[%gather3A_1251] in [0] : vector<16xf32>, vector<16xi32> -> vector<16xf32>
        %select_n3A_1253 = arith.select %eq3A_1249, %gather3A_1252, %select_n3A_1187 : vector<16xi1>, vector<16xf32>
        %mul3A_1254 = arith.constant 16 : i32
        %mul3A_1255 = arith.muli %scan3A_191, %mul3A_1254 : i32
        %add3A_1256 = vector.broadcast %mul3A_1255 : i32 to vector<16xi32>
        %add3A_1257 = arith.addi %add3A_1256, %iota3A : vector<16xi32>
        %gather3A_1258 = tpu.vector_load_idx %arg6[%add3A_1257, %add3A_95] : memref<80x129xf32, #tpu.memory_space<vmem>>[vector<16xi32>, vector<16xi32>], vector<16xf32>,
        %mul3A_1259 = arith.mulf %gather3A_1258, %gather3A_92 : vector<16xf32>
        %add3A_1260 = arith.addf %select_n3A_1253, %mul3A_1259 : vector<16xf32>
        %add3A_1261 = arith.addf %add3A_1260, %gather3A_89 : vector<16xf32>
        %max3A_1262 = arith.constant 0.000000e+00 : f32
        %max3A_1263 = vector.broadcast %max3A_1262 : f32 to vector<16xf32>
        %max3A_1264 = arith.maximumf %add3A_1261, %max3A_1263 : vector<16xf32>
        %reshape3A_1265 = vector.shape_cast %max3A_15 : vector<16xi32> to vector<16x1xi32>
        %gather3A_1266 = vector.shape_cast %reshape3A_1265 : vector<16x1xi32> to vector<16xi32>
        %gather3A_1267 = tpu.dynamic_gather %max3A_1264[%gather3A_1266] in [0] : vector<16xf32>, vector<16xi32> -> vector<16xf32>
        %reshape3A_1268 = vector.shape_cast %max3A_15 : vector<16xi32> to vector<16x1xi32>
        %gather3A_1269 = vector.shape_cast %reshape3A_1268 : vector<16x1xi32> to vector<16xi32>
        %gather3A_1270 = tpu.dynamic_gather %convert_element_type3A[%gather3A_1269] in [0] : vector<16xi32>, vector<16xi32> -> vector<16xi32>
        %eq3A_1271 = arith.cmpi eq, %gather3A_1270, %convert_element_type3A : vector<16xi32>
        %max3A_1272 = arith.maximumf %max3A_1264, %gather3A_1267 : vector<16xf32>
        %select_n3A_1273 = arith.select %eq3A_1271, %max3A_1272, %max3A_1264 : vector<16xi1>, vector<16xf32>
        %reshape3A_1274 = vector.shape_cast %max3A_21 : vector<16xi32> to vector<16x1xi32>
        %gather3A_1275 = vector.shape_cast %reshape3A_1274 : vector<16x1xi32> to vector<16xi32>
        %gather3A_1276 = tpu.dynamic_gather %select_n3A_1273[%gather3A_1275] in [0] : vector<16xf32>, vector<16xi32> -> vector<16xf32>
        %reshape3A_1277 = vector.shape_cast %max3A_21 : vector<16xi32> to vector<16x1xi32>
        %gather3A_1278 = vector.shape_cast %reshape3A_1277 : vector<16x1xi32> to vector<16xi32>
        %gather3A_1279 = tpu.dynamic_gather %convert_element_type3A[%gather3A_1278] in [0] : vector<16xi32>, vector<16xi32> -> vector<16xi32>
        %eq3A_1280 = arith.cmpi eq, %gather3A_1279, %convert_element_type3A : vector<16xi32>
        %max3A_1281 = arith.maximumf %select_n3A_1273, %gather3A_1276 : vector<16xf32>
        %select_n3A_1282 = arith.select %eq3A_1280, %max3A_1281, %select_n3A_1273 : vector<16xi1>, vector<16xf32>
        %reshape3A_1283 = vector.shape_cast %max3A_27 : vector<16xi32> to vector<16x1xi32>
        %gather3A_1284 = vector.shape_cast %reshape3A_1283 : vector<16x1xi32> to vector<16xi32>
        %gather3A_1285 = tpu.dynamic_gather %select_n3A_1282[%gather3A_1284] in [0] : vector<16xf32>, vector<16xi32> -> vector<16xf32>
        %reshape3A_1286 = vector.shape_cast %max3A_27 : vector<16xi32> to vector<16x1xi32>
        %gather3A_1287 = vector.shape_cast %reshape3A_1286 : vector<16x1xi32> to vector<16xi32>
        %gather3A_1288 = tpu.dynamic_gather %convert_element_type3A[%gather3A_1287] in [0] : vector<16xi32>, vector<16xi32> -> vector<16xi32>
        %eq3A_1289 = arith.cmpi eq, %gather3A_1288, %convert_element_type3A : vector<16xi32>
        %max3A_1290 = arith.maximumf %select_n3A_1282, %gather3A_1285 : vector<16xf32>
        %select_n3A_1291 = arith.select %eq3A_1289, %max3A_1290, %select_n3A_1282 : vector<16xi1>, vector<16xf32>
        %reshape3A_1292 = vector.shape_cast %max3A_33 : vector<16xi32> to vector<16x1xi32>
        %gather3A_1293 = vector.shape_cast %reshape3A_1292 : vector<16x1xi32> to vector<16xi32>
        %gather3A_1294 = tpu.dynamic_gather %select_n3A_1291[%gather3A_1293] in [0] : vector<16xf32>, vector<16xi32> -> vector<16xf32>
        %reshape3A_1295 = vector.shape_cast %max3A_33 : vector<16xi32> to vector<16x1xi32>
        %gather3A_1296 = vector.shape_cast %reshape3A_1295 : vector<16x1xi32> to vector<16xi32>
        %gather3A_1297 = tpu.dynamic_gather %convert_element_type3A[%gather3A_1296] in [0] : vector<16xi32>, vector<16xi32> -> vector<16xi32>
        %eq3A_1298 = arith.cmpi eq, %gather3A_1297, %convert_element_type3A : vector<16xi32>
        %max3A_1299 = arith.maximumf %select_n3A_1291, %gather3A_1294 : vector<16xf32>
        %select_n3A_1300 = arith.select %eq3A_1298, %max3A_1299, %select_n3A_1291 : vector<16xi1>, vector<16xf32>
        %reshape3A_1301 = vector.shape_cast %min3A_11 : vector<16xi32> to vector<16x1xi32>
        %gather3A_1302 = vector.shape_cast %reshape3A_1301 : vector<16x1xi32> to vector<16xi32>
        %gather3A_1303 = tpu.dynamic_gather %convert_element_type3A[%gather3A_1302] in [0] : vector<16xi32>, vector<16xi32> -> vector<16xi32>
        %ne3A = arith.cmpi ne, %convert_element_type3A, %gather3A_1303 : vector<16xi32>
        %or3A = arith.ori %ne3A, %eq3A_35 : vector<16xi1>
        %gather3A_1304 = tpu.vector_load_idx %arg8[%convert_element_type3A] masked %or3A : memref<10240xf32, #tpu.memory_space<vmem>>[vector<16xi32>], vector<16xf32>, vector<16xi1>
        %max3A_1305 = arith.maximumf %gather3A_1304, %select_n3A_1300 : vector<16xf32>
        tpu.vector_store_idx %arg8[%convert_element_type3A], %max3A_1305 masked %or3A : memref<10240xf32, #tpu.memory_space<vmem>>[vector<16xi32>], vector<16xf32>, vector<16xi1>
      }
      %scan3A_190 = arith.constant 5 : i32
    }
    %scan3A_108 = arith.constant 62 : i32
    %add3A_109 = arith.constant 9920 : i32
    %add3A_110 = arith.addi %mul3A_97, %add3A_109 : i32
    %dma_wait3A = arith.constant 0 : i32
    %dma_wait3A_111 = tpu.memref_slice %arg2[%add3A_110, %dma_wait3A] : memref<320000x129xf32, #tpu.memory_space<hbm>> -> memref<80x129xf32, #tpu.memory_space<hbm>>
    %dma_wait3A_112 = arith.constant 0 : i32
    %dma_wait3A_113 = tpu.memref_slice %arg2[%add3A_110, %dma_wait3A_112] : memref<320000x129xf32, #tpu.memory_space<hbm>> -> memref<80x129xf32, #tpu.memory_space<hbm>>
    tpu.wait_dma2 semaphore(%arg12 : memref<!tpu.dma_semaphore, #tpu.memory_space<semaphore_mem>>) src(%dma_wait3A_113 : memref<80x129xf32, #tpu.memory_space<hbm>>) dst(%arg5 : memref<80x129xf32, #tpu.memory_space<vmem>>)
    %scan3A_114 = arith.constant 0 : i32
    %scan3A_115 = arith.constant 0 : i32
    %scan3A_116 = arith.constant 5 : i32
    %scan3A_117 = arith.addi %scan3A_115, %scan3A_116 : i32
    %scan3A_118 = arith.constant 1 : i32
    scf.for %scan3A_130 = %scan3A_115 to %scan3A_117 step %scan3A_118  : i32 {
      %mul3A_131 = arith.constant 16 : i32
      %mul3A_132 = arith.muli %scan3A_130, %mul3A_131 : i32
      %add3A_133 = vector.broadcast %mul3A_132 : i32 to vector<16xi32>
      %add3A_134 = arith.addi %add3A_133, %iota3A : vector<16xi32>
      %gather3A_135 = tpu.vector_load_idx %arg5[%add3A_134, %broadcast_in_dim3A_37] : memref<80x129xf32, #tpu.memory_space<vmem>>[vector<16xi32>, vector<16xi32>], vector<16xf32>,
      %convert_element_type3A = arith.fptosi %gather3A_135 : vector<16xf32> to vector<16xi32>
      %broadcast_in_dim3A_136 = arith.constant 0.000000e+00 : f32
      %broadcast_in_dim3A_137 = vector.broadcast %broadcast_in_dim3A_136 : f32 to vector<16xf32>
      %mul3A_138 = arith.constant 16 : i32
      %mul3A_139 = arith.muli %scan3A_130, %mul3A_138 : i32
      %add3A_140 = arith.constant 0 : i32
      %add3A_141 = arith.addi %mul3A_139, %add3A_140 : i32
      %get3A_142 = arith.index_cast %add3A_141 : i32 to index
      %get3A_143 = arith.constant 0 : index
      %get3A_144 = tpu.vector_load %arg5[%get3A_142, %get3A_143] {strides = array<i32>} : memref<80x129xf32, #tpu.memory_space<vmem>>, vector<16xf32>,
      %mul3A_145 = arith.mulf %get3A_144, %get3A_70 : vector<16xf32>
      %get3A_146 = arith.index_cast %add3A_141 : i32 to index
      %get3A_147 = arith.constant 16 : index
      %get3A_148 = tpu.vector_load %arg5[%get3A_146, %get3A_147] {strides = array<i32>} : memref<80x129xf32, #tpu.memory_space<vmem>>, vector<16xf32>,
      %mul3A_149 = arith.mulf %get3A_148, %get3A_72 : vector<16xf32>
      %get3A_150 = arith.index_cast %add3A_141 : i32 to index
      %get3A_151 = arith.constant 32 : index
      %get3A_152 = tpu.vector_load %arg5[%get3A_150, %get3A_151] {strides = array<i32>} : memref<80x129xf32, #tpu.memory_space<vmem>>, vector<16xf32>,
      %mul3A_153 = arith.mulf %get3A_152, %get3A_74 : vector<16xf32>
      %get3A_154 = arith.index_cast %add3A_141 : i32 to index
      %get3A_155 = arith.constant 48 : index
      %get3A_156 = tpu.vector_load %arg5[%get3A_154, %get3A_155] {strides = array<i32>} : memref<80x129xf32, #tpu.memory_space<vmem>>, vector<16xf32>,
      %mul3A_157 = arith.mulf %get3A_156, %get3A_76 : vector<16xf32>
      %get3A_158 = arith.index_cast %add3A_141 : i32 to index
      %get3A_159 = arith.constant 64 : index
      %get3A_160 = tpu.vector_load %arg5[%get3A_158, %get3A_159] {strides = array<i32>} : memref<80x129xf32, #tpu.memory_space<vmem>>, vector<16xf32>,
      %mul3A_161 = arith.mulf %get3A_160, %get3A_78 : vector<16xf32>
      %get3A_162 = arith.index_cast %add3A_141 : i32 to index
      %get3A_163 = arith.constant 80 : index
      %get3A_164 = tpu.vector_load %arg5[%get3A_162, %get3A_163] {strides = array<i32>} : memref<80x129xf32, #tpu.memory_space<vmem>>, vector<16xf32>,
      %mul3A_165 = arith.mulf %get3A_164, %get3A_80 : vector<16xf32>
      %get3A_166 = arith.index_cast %add3A_141 : i32 to index
      %get3A_167 = arith.constant 96 : index
      %get3A_168 = tpu.vector_load %arg5[%get3A_166, %get3A_167] {strides = array<i32>} : memref<80x129xf32, #tpu.memory_space<vmem>>, vector<16xf32>,
      %mul3A_169 = arith.mulf %get3A_168, %get3A_82 : vector<16xf32>
      %get3A_170 = arith.index_cast %add3A_141 : i32 to index
      %get3A_171 = arith.constant 112 : index
      %get3A_172 = tpu.vector_load %arg5[%get3A_170, %get3A_171] {strides = array<i32>} : memref<80x129xf32, #tpu.memory_space<vmem>>, vector<16xf32>,
      %mul3A_173 = arith.mulf %get3A_172, %get3A_84 : vector<16xf32>
      %add3A_174 = arith.addf %mul3A_145, %mul3A_149 : vector<16xf32>
      %add3A_175 = arith.addf %mul3A_153, %mul3A_157 : vector<16xf32>
      %add3A_176 = arith.addf %add3A_174, %add3A_175 : vector<16xf32>
      %add3A_177 = arith.addf %mul3A_161, %mul3A_165 : vector<16xf32>
      %add3A_178 = arith.addf %mul3A_169, %mul3A_173 : vector<16xf32>
      %add3A_179 = arith.addf %add3A_177, %add3A_178 : vector<16xf32>
      %add3A_180 = arith.addf %add3A_176, %add3A_179 : vector<16xf32>
      %reshape3A_181 = vector.shape_cast %max3A_15 : vector<16xi32> to vector<16x1xi32>
      %gather3A_182 = vector.shape_cast %reshape3A_181 : vector<16x1xi32> to vector<16xi32>
      %gather3A_183 = tpu.dynamic_gather %add3A_180[%gather3A_182] in [0] : vector<16xf32>, vector<16xi32> -> vector<16xf32>
      %add3A_184 = arith.addf %add3A_180, %gather3A_183 : vector<16xf32>
      %reshape3A_185 = vector.shape_cast %max3A_21 : vector<16xi32> to vector<16x1xi32>
      %gather3A_186 = vector.shape_cast %reshape3A_185 : vector<16x1xi32> to vector<16xi32>
      %gather3A_187 = tpu.dynamic_gather %add3A_184[%gather3A_186] in [0] : vector<16xf32>, vector<16xi32> -> vector<16xf32>
      %add3A_188 = arith.addf %add3A_184, %gather3A_187 : vector<16xf32>
      %reshape3A_189 = vector.shape_cast %max3A_27 : vector<16xi32> to vector<16x1xi32>
      %gather3A_190 = vector.shape_cast %reshape3A_189 : vector<16x1xi32> to vector<16xi32>
      %gather3A_191 = tpu.dynamic_gather %add3A_188[%gather3A_190] in [0] : vector<16xf32>, vector<16xi32> -> vector<16xf32>
      %add3A_192 = arith.addf %add3A_188, %gather3A_191 : vector<16xf32>
      %reshape3A_193 = vector.shape_cast %max3A_33 : vector<16xi32> to vector<16x1xi32>
      %gather3A_194 = vector.shape_cast %reshape3A_193 : vector<16x1xi32> to vector<16xi32>
      %gather3A_195 = tpu.dynamic_gather %add3A_192[%gather3A_194] in [0] : vector<16xf32>, vector<16xi32> -> vector<16xf32>
      %add3A_196 = arith.addf %add3A_192, %gather3A_195 : vector<16xf32>
      %eq3A_197 = arith.constant 0 : i32
      %eq3A_198 = vector.broadcast %eq3A_197 : i32 to vector<16xi32>
      %eq3A_199 = arith.cmpi eq, %iota3A, %eq3A_198 : vector<16xi32>
      %reshape3A_200 = vector.shape_cast %broadcast_in_dim3A_69 : vector<16xi32> to vector<16x1xi32>
      %gather3A_201 = vector.shape_cast %reshape3A_200 : vector<16x1xi32> to vector<16xi32>
      %gather3A_202 = tpu.dynamic_gather %add3A_196[%gather3A_201] in [0] : vector<16xf32>, vector<16xi32> -> vector<16xf32>
      %select_n3A = arith.select %eq3A_199, %gather3A_202, %broadcast_in_dim3A_137 : vector<16xi1>, vector<16xf32>
      %mul3A_203 = arith.constant 16 : i32
      %mul3A_204 = arith.muli %scan3A_130, %mul3A_203 : i32
      %add3A_205 = arith.constant 1 : i32
      %add3A_206 = arith.addi %mul3A_204, %add3A_205 : i32
      %get3A_207 = arith.index_cast %add3A_206 : i32 to index
      %get3A_208 = arith.constant 0 : index
      %get3A_209 = tpu.vector_load %arg5[%get3A_207, %get3A_208] {strides = array<i32>} : memref<80x129xf32, #tpu.memory_space<vmem>>, vector<16xf32>,
      %mul3A_210 = arith.mulf %get3A_209, %get3A_70 : vector<16xf32>
      %get3A_211 = arith.index_cast %add3A_206 : i32 to index
      %get3A_212 = arith.constant 16 : index
      %get3A_213 = tpu.vector_load %arg5[%get3A_211, %get3A_212] {strides = array<i32>} : memref<80x129xf32, #tpu.memory_space<vmem>>, vector<16xf32>,
      %mul3A_214 = arith.mulf %get3A_213, %get3A_72 : vector<16xf32>
      %get3A_215 = arith.index_cast %add3A_206 : i32 to index
      %get3A_216 = arith.constant 32 : index
      %get3A_217 = tpu.vector_load %arg5[%get3A_215, %get3A_216] {strides = array<i32>} : memref<80x129xf32, #tpu.memory_space<vmem>>, vector<16xf32>,
      %mul3A_218 = arith.mulf %get3A_217, %get3A_74 : vector<16xf32>
      %get3A_219 = arith.index_cast %add3A_206 : i32 to index
      %get3A_220 = arith.constant 48 : index
      %get3A_221 = tpu.vector_load %arg5[%get3A_219, %get3A_220] {strides = array<i32>} : memref<80x129xf32, #tpu.memory_space<vmem>>, vector<16xf32>,
      %mul3A_222 = arith.mulf %get3A_221, %get3A_76 : vector<16xf32>
      %get3A_223 = arith.index_cast %add3A_206 : i32 to index
      %get3A_224 = arith.constant 64 : index
      %get3A_225 = tpu.vector_load %arg5[%get3A_223, %get3A_224] {strides = array<i32>} : memref<80x129xf32, #tpu.memory_space<vmem>>, vector<16xf32>,
      %mul3A_226 = arith.mulf %get3A_225, %get3A_78 : vector<16xf32>
      %get3A_227 = arith.index_cast %add3A_206 : i32 to index
      %get3A_228 = arith.constant 80 : index
      %get3A_229 = tpu.vector_load %arg5[%get3A_227, %get3A_228] {strides = array<i32>} : memref<80x129xf32, #tpu.memory_space<vmem>>, vector<16xf32>,
      %mul3A_230 = arith.mulf %get3A_229, %get3A_80 : vector<16xf32>
      %get3A_231 = arith.index_cast %add3A_206 : i32 to index
      %get3A_232 = arith.constant 96 : index
      %get3A_233 = tpu.vector_load %arg5[%get3A_231, %get3A_232] {strides = array<i32>} : memref<80x129xf32, #tpu.memory_space<vmem>>, vector<16xf32>,
      %mul3A_234 = arith.mulf %get3A_233, %get3A_82 : vector<16xf32>
      %get3A_235 = arith.index_cast %add3A_206 : i32 to index
      %get3A_236 = arith.constant 112 : index
      %get3A_237 = tpu.vector_load %arg5[%get3A_235, %get3A_236] {strides = array<i32>} : memref<80x129xf32, #tpu.memory_space<vmem>>, vector<16xf32>,
      %mul3A_238 = arith.mulf %get3A_237, %get3A_84 : vector<16xf32>
      %add3A_239 = arith.addf %mul3A_210, %mul3A_214 : vector<16xf32>
      %add3A_240 = arith.addf %mul3A_218, %mul3A_222 : vector<16xf32>
      %add3A_241 = arith.addf %add3A_239, %add3A_240 : vector<16xf32>
      %add3A_242 = arith.addf %mul3A_226, %mul3A_230 : vector<16xf32>
      %add3A_243 = arith.addf %mul3A_234, %mul3A_238 : vector<16xf32>
      %add3A_244 = arith.addf %add3A_242, %add3A_243 : vector<16xf32>
      %add3A_245 = arith.addf %add3A_241, %add3A_244 : vector<16xf32>
      %reshape3A_246 = vector.shape_cast %max3A_15 : vector<16xi32> to vector<16x1xi32>
      %gather3A_247 = vector.shape_cast %reshape3A_246 : vector<16x1xi32> to vector<16xi32>
      %gather3A_248 = tpu.dynamic_gather %add3A_245[%gather3A_247] in [0] : vector<16xf32>, vector<16xi32> -> vector<16xf32>
      %add3A_249 = arith.addf %add3A_245, %gather3A_248 : vector<16xf32>
      %reshape3A_250 = vector.shape_cast %max3A_21 : vector<16xi32> to vector<16x1xi32>
      %gather3A_251 = vector.shape_cast %reshape3A_250 : vector<16x1xi32> to vector<16xi32>
      %gather3A_252 = tpu.dynamic_gather %add3A_249[%gather3A_251] in [0] : vector<16xf32>, vector<16xi32> -> vector<16xf32>
      %add3A_253 = arith.addf %add3A_249, %gather3A_252 : vector<16xf32>
      %reshape3A_254 = vector.shape_cast %max3A_27 : vector<16xi32> to vector<16x1xi32>
      %gather3A_255 = vector.shape_cast %reshape3A_254 : vector<16x1xi32> to vector<16xi32>
      %gather3A_256 = tpu.dynamic_gather %add3A_253[%gather3A_255] in [0] : vector<16xf32>, vector<16xi32> -> vector<16xf32>
      %add3A_257 = arith.addf %add3A_253, %gather3A_256 : vector<16xf32>
      %reshape3A_258 = vector.shape_cast %max3A_33 : vector<16xi32> to vector<16x1xi32>
      %gather3A_259 = vector.shape_cast %reshape3A_258 : vector<16x1xi32> to vector<16xi32>
      %gather3A_260 = tpu.dynamic_gather %add3A_257[%gather3A_259] in [0] : vector<16xf32>, vector<16xi32> -> vector<16xf32>
      %add3A_261 = arith.addf %add3A_257, %gather3A_260 : vector<16xf32>
      %eq3A_262 = arith.constant 1 : i32
      %eq3A_263 = vector.broadcast %eq3A_262 : i32 to vector<16xi32>
      %eq3A_264 = arith.cmpi eq, %iota3A, %eq3A_263 : vector<16xi32>
      %reshape3A_265 = vector.shape_cast %broadcast_in_dim3A_69 : vector<16xi32> to vector<16x1xi32>
      %gather3A_266 = vector.shape_cast %reshape3A_265 : vector<16x1xi32> to vector<16xi32>
      %gather3A_267 = tpu.dynamic_gather %add3A_261[%gather3A_266] in [0] : vector<16xf32>, vector<16xi32> -> vector<16xf32>
      %select_n3A_268 = arith.select %eq3A_264, %gather3A_267, %select_n3A : vector<16xi1>, vector<16xf32>
      %mul3A_269 = arith.constant 16 : i32
      %mul3A_270 = arith.muli %scan3A_130, %mul3A_269 : i32
      %add3A_271 = arith.constant 2 : i32
      %add3A_272 = arith.addi %mul3A_270, %add3A_271 : i32
      %get3A_273 = arith.index_cast %add3A_272 : i32 to index
      %get3A_274 = arith.constant 0 : index
      %get3A_275 = tpu.vector_load %arg5[%get3A_273, %get3A_274] {strides = array<i32>} : memref<80x129xf32, #tpu.memory_space<vmem>>, vector<16xf32>,
      %mul3A_276 = arith.mulf %get3A_275, %get3A_70 : vector<16xf32>
      %get3A_277 = arith.index_cast %add3A_272 : i32 to index
      %get3A_278 = arith.constant 16 : index
      %get3A_279 = tpu.vector_load %arg5[%get3A_277, %get3A_278] {strides = array<i32>} : memref<80x129xf32, #tpu.memory_space<vmem>>, vector<16xf32>,
      %mul3A_280 = arith.mulf %get3A_279, %get3A_72 : vector<16xf32>
      %get3A_281 = arith.index_cast %add3A_272 : i32 to index
      %get3A_282 = arith.constant 32 : index
      %get3A_283 = tpu.vector_load %arg5[%get3A_281, %get3A_282] {strides = array<i32>} : memref<80x129xf32, #tpu.memory_space<vmem>>, vector<16xf32>,
      %mul3A_284 = arith.mulf %get3A_283, %get3A_74 : vector<16xf32>
      %get3A_285 = arith.index_cast %add3A_272 : i32 to index
      %get3A_286 = arith.constant 48 : index
      %get3A_287 = tpu.vector_load %arg5[%get3A_285, %get3A_286] {strides = array<i32>} : memref<80x129xf32, #tpu.memory_space<vmem>>, vector<16xf32>,
      %mul3A_288 = arith.mulf %get3A_287, %get3A_76 : vector<16xf32>
      %get3A_289 = arith.index_cast %add3A_272 : i32 to index
      %get3A_290 = arith.constant 64 : index
      %get3A_291 = tpu.vector_load %arg5[%get3A_289, %get3A_290] {strides = array<i32>} : memref<80x129xf32, #tpu.memory_space<vmem>>, vector<16xf32>,
      %mul3A_292 = arith.mulf %get3A_291, %get3A_78 : vector<16xf32>
      %get3A_293 = arith.index_cast %add3A_272 : i32 to index
      %get3A_294 = arith.constant 80 : index
      %get3A_295 = tpu.vector_load %arg5[%get3A_293, %get3A_294] {strides = array<i32>} : memref<80x129xf32, #tpu.memory_space<vmem>>, vector<16xf32>,
      %mul3A_296 = arith.mulf %get3A_295, %get3A_80 : vector<16xf32>
      %get3A_297 = arith.index_cast %add3A_272 : i32 to index
      %get3A_298 = arith.constant 96 : index
      %get3A_299 = tpu.vector_load %arg5[%get3A_297, %get3A_298] {strides = array<i32>} : memref<80x129xf32, #tpu.memory_space<vmem>>, vector<16xf32>,
      %mul3A_300 = arith.mulf %get3A_299, %get3A_82 : vector<16xf32>
      %get3A_301 = arith.index_cast %add3A_272 : i32 to index
      %get3A_302 = arith.constant 112 : index
      %get3A_303 = tpu.vector_load %arg5[%get3A_301, %get3A_302] {strides = array<i32>} : memref<80x129xf32, #tpu.memory_space<vmem>>, vector<16xf32>,
      %mul3A_304 = arith.mulf %get3A_303, %get3A_84 : vector<16xf32>
      %add3A_305 = arith.addf %mul3A_276, %mul3A_280 : vector<16xf32>
      %add3A_306 = arith.addf %mul3A_284, %mul3A_288 : vector<16xf32>
      %add3A_307 = arith.addf %add3A_305, %add3A_306 : vector<16xf32>
      %add3A_308 = arith.addf %mul3A_292, %mul3A_296 : vector<16xf32>
      %add3A_309 = arith.addf %mul3A_300, %mul3A_304 : vector<16xf32>
      %add3A_310 = arith.addf %add3A_308, %add3A_309 : vector<16xf32>
      %add3A_311 = arith.addf %add3A_307, %add3A_310 : vector<16xf32>
      %reshape3A_312 = vector.shape_cast %max3A_15 : vector<16xi32> to vector<16x1xi32>
      %gather3A_313 = vector.shape_cast %reshape3A_312 : vector<16x1xi32> to vector<16xi32>
      %gather3A_314 = tpu.dynamic_gather %add3A_311[%gather3A_313] in [0] : vector<16xf32>, vector<16xi32> -> vector<16xf32>
      %add3A_315 = arith.addf %add3A_311, %gather3A_314 : vector<16xf32>
      %reshape3A_316 = vector.shape_cast %max3A_21 : vector<16xi32> to vector<16x1xi32>
      %gather3A_317 = vector.shape_cast %reshape3A_316 : vector<16x1xi32> to vector<16xi32>
      %gather3A_318 = tpu.dynamic_gather %add3A_315[%gather3A_317] in [0] : vector<16xf32>, vector<16xi32> -> vector<16xf32>
      %add3A_319 = arith.addf %add3A_315, %gather3A_318 : vector<16xf32>
      %reshape3A_320 = vector.shape_cast %max3A_27 : vector<16xi32> to vector<16x1xi32>
      %gather3A_321 = vector.shape_cast %reshape3A_320 : vector<16x1xi32> to vector<16xi32>
      %gather3A_322 = tpu.dynamic_gather %add3A_319[%gather3A_321] in [0] : vector<16xf32>, vector<16xi32> -> vector<16xf32>
      %add3A_323 = arith.addf %add3A_319, %gather3A_322 : vector<16xf32>
      %reshape3A_324 = vector.shape_cast %max3A_33 : vector<16xi32> to vector<16x1xi32>
      %gather3A_325 = vector.shape_cast %reshape3A_324 : vector<16x1xi32> to vector<16xi32>
      %gather3A_326 = tpu.dynamic_gather %add3A_323[%gather3A_325] in [0] : vector<16xf32>, vector<16xi32> -> vector<16xf32>
      %add3A_327 = arith.addf %add3A_323, %gather3A_326 : vector<16xf32>
      %eq3A_328 = arith.constant 2 : i32
      %eq3A_329 = vector.broadcast %eq3A_328 : i32 to vector<16xi32>
      %eq3A_330 = arith.cmpi eq, %iota3A, %eq3A_329 : vector<16xi32>
      %reshape3A_331 = vector.shape_cast %broadcast_in_dim3A_69 : vector<16xi32> to vector<16x1xi32>
      %gather3A_332 = vector.shape_cast %reshape3A_331 : vector<16x1xi32> to vector<16xi32>
      %gather3A_333 = tpu.dynamic_gather %add3A_327[%gather3A_332] in [0] : vector<16xf32>, vector<16xi32> -> vector<16xf32>
      %select_n3A_334 = arith.select %eq3A_330, %gather3A_333, %select_n3A_268 : vector<16xi1>, vector<16xf32>
      %mul3A_335 = arith.constant 16 : i32
      %mul3A_336 = arith.muli %scan3A_130, %mul3A_335 : i32
      %add3A_337 = arith.constant 3 : i32
      %add3A_338 = arith.addi %mul3A_336, %add3A_337 : i32
      %get3A_339 = arith.index_cast %add3A_338 : i32 to index
      %get3A_340 = arith.constant 0 : index
      %get3A_341 = tpu.vector_load %arg5[%get3A_339, %get3A_340] {strides = array<i32>} : memref<80x129xf32, #tpu.memory_space<vmem>>, vector<16xf32>,
      %mul3A_342 = arith.mulf %get3A_341, %get3A_70 : vector<16xf32>
      %get3A_343 = arith.index_cast %add3A_338 : i32 to index
      %get3A_344 = arith.constant 16 : index
      %get3A_345 = tpu.vector_load %arg5[%get3A_343, %get3A_344] {strides = array<i32>} : memref<80x129xf32, #tpu.memory_space<vmem>>, vector<16xf32>,
      %mul3A_346 = arith.mulf %get3A_345, %get3A_72 : vector<16xf32>
      %get3A_347 = arith.index_cast %add3A_338 : i32 to index
      %get3A_348 = arith.constant 32 : index
      %get3A_349 = tpu.vector_load %arg5[%get3A_347, %get3A_348] {strides = array<i32>} : memref<80x129xf32, #tpu.memory_space<vmem>>, vector<16xf32>,
      %mul3A_350 = arith.mulf %get3A_349, %get3A_74 : vector<16xf32>
      %get3A_351 = arith.index_cast %add3A_338 : i32 to index
      %get3A_352 = arith.constant 48 : index
      %get3A_353 = tpu.vector_load %arg5[%get3A_351, %get3A_352] {strides = array<i32>} : memref<80x129xf32, #tpu.memory_space<vmem>>, vector<16xf32>,
      %mul3A_354 = arith.mulf %get3A_353, %get3A_76 : vector<16xf32>
      %get3A_355 = arith.index_cast %add3A_338 : i32 to index
      %get3A_356 = arith.constant 64 : index
      %get3A_357 = tpu.vector_load %arg5[%get3A_355, %get3A_356] {strides = array<i32>} : memref<80x129xf32, #tpu.memory_space<vmem>>, vector<16xf32>,
      %mul3A_358 = arith.mulf %get3A_357, %get3A_78 : vector<16xf32>
      %get3A_359 = arith.index_cast %add3A_338 : i32 to index
      %get3A_360 = arith.constant 80 : index
      %get3A_361 = tpu.vector_load %arg5[%get3A_359, %get3A_360] {strides = array<i32>} : memref<80x129xf32, #tpu.memory_space<vmem>>, vector<16xf32>,
      %mul3A_362 = arith.mulf %get3A_361, %get3A_80 : vector<16xf32>
      %get3A_363 = arith.index_cast %add3A_338 : i32 to index
      %get3A_364 = arith.constant 96 : index
      %get3A_365 = tpu.vector_load %arg5[%get3A_363, %get3A_364] {strides = array<i32>} : memref<80x129xf32, #tpu.memory_space<vmem>>, vector<16xf32>,
      %mul3A_366 = arith.mulf %get3A_365, %get3A_82 : vector<16xf32>
      %get3A_367 = arith.index_cast %add3A_338 : i32 to index
      %get3A_368 = arith.constant 112 : index
      %get3A_369 = tpu.vector_load %arg5[%get3A_367, %get3A_368] {strides = array<i32>} : memref<80x129xf32, #tpu.memory_space<vmem>>, vector<16xf32>,
      %mul3A_370 = arith.mulf %get3A_369, %get3A_84 : vector<16xf32>
      %add3A_371 = arith.addf %mul3A_342, %mul3A_346 : vector<16xf32>
      %add3A_372 = arith.addf %mul3A_350, %mul3A_354 : vector<16xf32>
      %add3A_373 = arith.addf %add3A_371, %add3A_372 : vector<16xf32>
      %add3A_374 = arith.addf %mul3A_358, %mul3A_362 : vector<16xf32>
      %add3A_375 = arith.addf %mul3A_366, %mul3A_370 : vector<16xf32>
      %add3A_376 = arith.addf %add3A_374, %add3A_375 : vector<16xf32>
      %add3A_377 = arith.addf %add3A_373, %add3A_376 : vector<16xf32>
      %reshape3A_378 = vector.shape_cast %max3A_15 : vector<16xi32> to vector<16x1xi32>
      %gather3A_379 = vector.shape_cast %reshape3A_378 : vector<16x1xi32> to vector<16xi32>
      %gather3A_380 = tpu.dynamic_gather %add3A_377[%gather3A_379] in [0] : vector<16xf32>, vector<16xi32> -> vector<16xf32>
      %add3A_381 = arith.addf %add3A_377, %gather3A_380 : vector<16xf32>
      %reshape3A_382 = vector.shape_cast %max3A_21 : vector<16xi32> to vector<16x1xi32>
      %gather3A_383 = vector.shape_cast %reshape3A_382 : vector<16x1xi32> to vector<16xi32>
      %gather3A_384 = tpu.dynamic_gather %add3A_381[%gather3A_383] in [0] : vector<16xf32>, vector<16xi32> -> vector<16xf32>
      %add3A_385 = arith.addf %add3A_381, %gather3A_384 : vector<16xf32>
      %reshape3A_386 = vector.shape_cast %max3A_27 : vector<16xi32> to vector<16x1xi32>
      %gather3A_387 = vector.shape_cast %reshape3A_386 : vector<16x1xi32> to vector<16xi32>
      %gather3A_388 = tpu.dynamic_gather %add3A_385[%gather3A_387] in [0] : vector<16xf32>, vector<16xi32> -> vector<16xf32>
      %add3A_389 = arith.addf %add3A_385, %gather3A_388 : vector<16xf32>
      %reshape3A_390 = vector.shape_cast %max3A_33 : vector<16xi32> to vector<16x1xi32>
      %gather3A_391 = vector.shape_cast %reshape3A_390 : vector<16x1xi32> to vector<16xi32>
      %gather3A_392 = tpu.dynamic_gather %add3A_389[%gather3A_391] in [0] : vector<16xf32>, vector<16xi32> -> vector<16xf32>
      %add3A_393 = arith.addf %add3A_389, %gather3A_392 : vector<16xf32>
      %eq3A_394 = arith.constant 3 : i32
      %eq3A_395 = vector.broadcast %eq3A_394 : i32 to vector<16xi32>
      %eq3A_396 = arith.cmpi eq, %iota3A, %eq3A_395 : vector<16xi32>
      %reshape3A_397 = vector.shape_cast %broadcast_in_dim3A_69 : vector<16xi32> to vector<16x1xi32>
      %gather3A_398 = vector.shape_cast %reshape3A_397 : vector<16x1xi32> to vector<16xi32>
      %gather3A_399 = tpu.dynamic_gather %add3A_393[%gather3A_398] in [0] : vector<16xf32>, vector<16xi32> -> vector<16xf32>
      %select_n3A_400 = arith.select %eq3A_396, %gather3A_399, %select_n3A_334 : vector<16xi1>, vector<16xf32>
      %mul3A_401 = arith.constant 16 : i32
      %mul3A_402 = arith.muli %scan3A_130, %mul3A_401 : i32
      %add3A_403 = arith.constant 4 : i32
      %add3A_404 = arith.addi %mul3A_402, %add3A_403 : i32
      %get3A_405 = arith.index_cast %add3A_404 : i32 to index
      %get3A_406 = arith.constant 0 : index
      %get3A_407 = tpu.vector_load %arg5[%get3A_405, %get3A_406] {strides = array<i32>} : memref<80x129xf32, #tpu.memory_space<vmem>>, vector<16xf32>,
      %mul3A_408 = arith.mulf %get3A_407, %get3A_70 : vector<16xf32>
      %get3A_409 = arith.index_cast %add3A_404 : i32 to index
      %get3A_410 = arith.constant 16 : index
      %get3A_411 = tpu.vector_load %arg5[%get3A_409, %get3A_410] {strides = array<i32>} : memref<80x129xf32, #tpu.memory_space<vmem>>, vector<16xf32>,
      %mul3A_412 = arith.mulf %get3A_411, %get3A_72 : vector<16xf32>
      %get3A_413 = arith.index_cast %add3A_404 : i32 to index
      %get3A_414 = arith.constant 32 : index
      %get3A_415 = tpu.vector_load %arg5[%get3A_413, %get3A_414] {strides = array<i32>} : memref<80x129xf32, #tpu.memory_space<vmem>>, vector<16xf32>,
      %mul3A_416 = arith.mulf %get3A_415, %get3A_74 : vector<16xf32>
      %get3A_417 = arith.index_cast %add3A_404 : i32 to index
      %get3A_418 = arith.constant 48 : index
      %get3A_419 = tpu.vector_load %arg5[%get3A_417, %get3A_418] {strides = array<i32>} : memref<80x129xf32, #tpu.memory_space<vmem>>, vector<16xf32>,
      %mul3A_420 = arith.mulf %get3A_419, %get3A_76 : vector<16xf32>
      %get3A_421 = arith.index_cast %add3A_404 : i32 to index
      %get3A_422 = arith.constant 64 : index
      %get3A_423 = tpu.vector_load %arg5[%get3A_421, %get3A_422] {strides = array<i32>} : memref<80x129xf32, #tpu.memory_space<vmem>>, vector<16xf32>,
      %mul3A_424 = arith.mulf %get3A_423, %get3A_78 : vector<16xf32>
      %get3A_425 = arith.index_cast %add3A_404 : i32 to index
      %get3A_426 = arith.constant 80 : index
      %get3A_427 = tpu.vector_load %arg5[%get3A_425, %get3A_426] {strides = array<i32>} : memref<80x129xf32, #tpu.memory_space<vmem>>, vector<16xf32>,
      %mul3A_428 = arith.mulf %get3A_427, %get3A_80 : vector<16xf32>
      %get3A_429 = arith.index_cast %add3A_404 : i32 to index
      %get3A_430 = arith.constant 96 : index
      %get3A_431 = tpu.vector_load %arg5[%get3A_429, %get3A_430] {strides = array<i32>} : memref<80x129xf32, #tpu.memory_space<vmem>>, vector<16xf32>,
      %mul3A_432 = arith.mulf %get3A_431, %get3A_82 : vector<16xf32>
      %get3A_433 = arith.index_cast %add3A_404 : i32 to index
      %get3A_434 = arith.constant 112 : index
      %get3A_435 = tpu.vector_load %arg5[%get3A_433, %get3A_434] {strides = array<i32>} : memref<80x129xf32, #tpu.memory_space<vmem>>, vector<16xf32>,
      %mul3A_436 = arith.mulf %get3A_435, %get3A_84 : vector<16xf32>
      %add3A_437 = arith.addf %mul3A_408, %mul3A_412 : vector<16xf32>
      %add3A_438 = arith.addf %mul3A_416, %mul3A_420 : vector<16xf32>
      %add3A_439 = arith.addf %add3A_437, %add3A_438 : vector<16xf32>
      %add3A_440 = arith.addf %mul3A_424, %mul3A_428 : vector<16xf32>
      %add3A_441 = arith.addf %mul3A_432, %mul3A_436 : vector<16xf32>
      %add3A_442 = arith.addf %add3A_440, %add3A_441 : vector<16xf32>
      %add3A_443 = arith.addf %add3A_439, %add3A_442 : vector<16xf32>
      %reshape3A_444 = vector.shape_cast %max3A_15 : vector<16xi32> to vector<16x1xi32>
      %gather3A_445 = vector.shape_cast %reshape3A_444 : vector<16x1xi32> to vector<16xi32>
      %gather3A_446 = tpu.dynamic_gather %add3A_443[%gather3A_445] in [0] : vector<16xf32>, vector<16xi32> -> vector<16xf32>
      %add3A_447 = arith.addf %add3A_443, %gather3A_446 : vector<16xf32>
      %reshape3A_448 = vector.shape_cast %max3A_21 : vector<16xi32> to vector<16x1xi32>
      %gather3A_449 = vector.shape_cast %reshape3A_448 : vector<16x1xi32> to vector<16xi32>
      %gather3A_450 = tpu.dynamic_gather %add3A_447[%gather3A_449] in [0] : vector<16xf32>, vector<16xi32> -> vector<16xf32>
      %add3A_451 = arith.addf %add3A_447, %gather3A_450 : vector<16xf32>
      %reshape3A_452 = vector.shape_cast %max3A_27 : vector<16xi32> to vector<16x1xi32>
      %gather3A_453 = vector.shape_cast %reshape3A_452 : vector<16x1xi32> to vector<16xi32>
      %gather3A_454 = tpu.dynamic_gather %add3A_451[%gather3A_453] in [0] : vector<16xf32>, vector<16xi32> -> vector<16xf32>
      %add3A_455 = arith.addf %add3A_451, %gather3A_454 : vector<16xf32>
      %reshape3A_456 = vector.shape_cast %max3A_33 : vector<16xi32> to vector<16x1xi32>
      %gather3A_457 = vector.shape_cast %reshape3A_456 : vector<16x1xi32> to vector<16xi32>
      %gather3A_458 = tpu.dynamic_gather %add3A_455[%gather3A_457] in [0] : vector<16xf32>, vector<16xi32> -> vector<16xf32>
      %add3A_459 = arith.addf %add3A_455, %gather3A_458 : vector<16xf32>
      %eq3A_460 = arith.constant 4 : i32
      %eq3A_461 = vector.broadcast %eq3A_460 : i32 to vector<16xi32>
      %eq3A_462 = arith.cmpi eq, %iota3A, %eq3A_461 : vector<16xi32>
      %reshape3A_463 = vector.shape_cast %broadcast_in_dim3A_69 : vector<16xi32> to vector<16x1xi32>
      %gather3A_464 = vector.shape_cast %reshape3A_463 : vector<16x1xi32> to vector<16xi32>
      %gather3A_465 = tpu.dynamic_gather %add3A_459[%gather3A_464] in [0] : vector<16xf32>, vector<16xi32> -> vector<16xf32>
      %select_n3A_466 = arith.select %eq3A_462, %gather3A_465, %select_n3A_400 : vector<16xi1>, vector<16xf32>
      %mul3A_467 = arith.constant 16 : i32
      %mul3A_468 = arith.muli %scan3A_130, %mul3A_467 : i32
      %add3A_469 = arith.constant 5 : i32
      %add3A_470 = arith.addi %mul3A_468, %add3A_469 : i32
      %get3A_471 = arith.index_cast %add3A_470 : i32 to index
      %get3A_472 = arith.constant 0 : index
      %get3A_473 = tpu.vector_load %arg5[%get3A_471, %get3A_472] {strides = array<i32>} : memref<80x129xf32, #tpu.memory_space<vmem>>, vector<16xf32>,
      %mul3A_474 = arith.mulf %get3A_473, %get3A_70 : vector<16xf32>
      %get3A_475 = arith.index_cast %add3A_470 : i32 to index
      %get3A_476 = arith.constant 16 : index
      %get3A_477 = tpu.vector_load %arg5[%get3A_475, %get3A_476] {strides = array<i32>} : memref<80x129xf32, #tpu.memory_space<vmem>>, vector<16xf32>,
      %mul3A_478 = arith.mulf %get3A_477, %get3A_72 : vector<16xf32>
      %get3A_479 = arith.index_cast %add3A_470 : i32 to index
      %get3A_480 = arith.constant 32 : index
      %get3A_481 = tpu.vector_load %arg5[%get3A_479, %get3A_480] {strides = array<i32>} : memref<80x129xf32, #tpu.memory_space<vmem>>, vector<16xf32>,
      %mul3A_482 = arith.mulf %get3A_481, %get3A_74 : vector<16xf32>
      %get3A_483 = arith.index_cast %add3A_470 : i32 to index
      %get3A_484 = arith.constant 48 : index
      %get3A_485 = tpu.vector_load %arg5[%get3A_483, %get3A_484] {strides = array<i32>} : memref<80x129xf32, #tpu.memory_space<vmem>>, vector<16xf32>,
      %mul3A_486 = arith.mulf %get3A_485, %get3A_76 : vector<16xf32>
      %get3A_487 = arith.index_cast %add3A_470 : i32 to index
      %get3A_488 = arith.constant 64 : index
      %get3A_489 = tpu.vector_load %arg5[%get3A_487, %get3A_488] {strides = array<i32>} : memref<80x129xf32, #tpu.memory_space<vmem>>, vector<16xf32>,
      %mul3A_490 = arith.mulf %get3A_489, %get3A_78 : vector<16xf32>
      %get3A_491 = arith.index_cast %add3A_470 : i32 to index
      %get3A_492 = arith.constant 80 : index
      %get3A_493 = tpu.vector_load %arg5[%get3A_491, %get3A_492] {strides = array<i32>} : memref<80x129xf32, #tpu.memory_space<vmem>>, vector<16xf32>,
      %mul3A_494 = arith.mulf %get3A_493, %get3A_80 : vector<16xf32>
      %get3A_495 = arith.index_cast %add3A_470 : i32 to index
      %get3A_496 = arith.constant 96 : index
      %get3A_497 = tpu.vector_load %arg5[%get3A_495, %get3A_496] {strides = array<i32>} : memref<80x129xf32, #tpu.memory_space<vmem>>, vector<16xf32>,
      %mul3A_498 = arith.mulf %get3A_497, %get3A_82 : vector<16xf32>
      %get3A_499 = arith.index_cast %add3A_470 : i32 to index
      %get3A_500 = arith.constant 112 : index
      %get3A_501 = tpu.vector_load %arg5[%get3A_499, %get3A_500] {strides = array<i32>} : memref<80x129xf32, #tpu.memory_space<vmem>>, vector<16xf32>,
      %mul3A_502 = arith.mulf %get3A_501, %get3A_84 : vector<16xf32>
      %add3A_503 = arith.addf %mul3A_474, %mul3A_478 : vector<16xf32>
      %add3A_504 = arith.addf %mul3A_482, %mul3A_486 : vector<16xf32>
      %add3A_505 = arith.addf %add3A_503, %add3A_504 : vector<16xf32>
      %add3A_506 = arith.addf %mul3A_490, %mul3A_494 : vector<16xf32>
      %add3A_507 = arith.addf %mul3A_498, %mul3A_502 : vector<16xf32>
      %add3A_508 = arith.addf %add3A_506, %add3A_507 : vector<16xf32>
      %add3A_509 = arith.addf %add3A_505, %add3A_508 : vector<16xf32>
      %reshape3A_510 = vector.shape_cast %max3A_15 : vector<16xi32> to vector<16x1xi32>
      %gather3A_511 = vector.shape_cast %reshape3A_510 : vector<16x1xi32> to vector<16xi32>
      %gather3A_512 = tpu.dynamic_gather %add3A_509[%gather3A_511] in [0] : vector<16xf32>, vector<16xi32> -> vector<16xf32>
      %add3A_513 = arith.addf %add3A_509, %gather3A_512 : vector<16xf32>
      %reshape3A_514 = vector.shape_cast %max3A_21 : vector<16xi32> to vector<16x1xi32>
      %gather3A_515 = vector.shape_cast %reshape3A_514 : vector<16x1xi32> to vector<16xi32>
      %gather3A_516 = tpu.dynamic_gather %add3A_513[%gather3A_515] in [0] : vector<16xf32>, vector<16xi32> -> vector<16xf32>
      %add3A_517 = arith.addf %add3A_513, %gather3A_516 : vector<16xf32>
      %reshape3A_518 = vector.shape_cast %max3A_27 : vector<16xi32> to vector<16x1xi32>
      %gather3A_519 = vector.shape_cast %reshape3A_518 : vector<16x1xi32> to vector<16xi32>
      %gather3A_520 = tpu.dynamic_gather %add3A_517[%gather3A_519] in [0] : vector<16xf32>, vector<16xi32> -> vector<16xf32>
      %add3A_521 = arith.addf %add3A_517, %gather3A_520 : vector<16xf32>
      %reshape3A_522 = vector.shape_cast %max3A_33 : vector<16xi32> to vector<16x1xi32>
      %gather3A_523 = vector.shape_cast %reshape3A_522 : vector<16x1xi32> to vector<16xi32>
      %gather3A_524 = tpu.dynamic_gather %add3A_521[%gather3A_523] in [0] : vector<16xf32>, vector<16xi32> -> vector<16xf32>
      %add3A_525 = arith.addf %add3A_521, %gather3A_524 : vector<16xf32>
      %eq3A_526 = arith.constant 5 : i32
      %eq3A_527 = vector.broadcast %eq3A_526 : i32 to vector<16xi32>
      %eq3A_528 = arith.cmpi eq, %iota3A, %eq3A_527 : vector<16xi32>
      %reshape3A_529 = vector.shape_cast %broadcast_in_dim3A_69 : vector<16xi32> to vector<16x1xi32>
      %gather3A_530 = vector.shape_cast %reshape3A_529 : vector<16x1xi32> to vector<16xi32>
      %gather3A_531 = tpu.dynamic_gather %add3A_525[%gather3A_530] in [0] : vector<16xf32>, vector<16xi32> -> vector<16xf32>
      %select_n3A_532 = arith.select %eq3A_528, %gather3A_531, %select_n3A_466 : vector<16xi1>, vector<16xf32>
      %mul3A_533 = arith.constant 16 : i32
      %mul3A_534 = arith.muli %scan3A_130, %mul3A_533 : i32
      %add3A_535 = arith.constant 6 : i32
      %add3A_536 = arith.addi %mul3A_534, %add3A_535 : i32
      %get3A_537 = arith.index_cast %add3A_536 : i32 to index
      %get3A_538 = arith.constant 0 : index
      %get3A_539 = tpu.vector_load %arg5[%get3A_537, %get3A_538] {strides = array<i32>} : memref<80x129xf32, #tpu.memory_space<vmem>>, vector<16xf32>,
      %mul3A_540 = arith.mulf %get3A_539, %get3A_70 : vector<16xf32>
      %get3A_541 = arith.index_cast %add3A_536 : i32 to index
      %get3A_542 = arith.constant 16 : index
      %get3A_543 = tpu.vector_load %arg5[%get3A_541, %get3A_542] {strides = array<i32>} : memref<80x129xf32, #tpu.memory_space<vmem>>, vector<16xf32>,
      %mul3A_544 = arith.mulf %get3A_543, %get3A_72 : vector<16xf32>
      %get3A_545 = arith.index_cast %add3A_536 : i32 to index
      %get3A_546 = arith.constant 32 : index
      %get3A_547 = tpu.vector_load %arg5[%get3A_545, %get3A_546] {strides = array<i32>} : memref<80x129xf32, #tpu.memory_space<vmem>>, vector<16xf32>,
      %mul3A_548 = arith.mulf %get3A_547, %get3A_74 : vector<16xf32>
      %get3A_549 = arith.index_cast %add3A_536 : i32 to index
      %get3A_550 = arith.constant 48 : index
      %get3A_551 = tpu.vector_load %arg5[%get3A_549, %get3A_550] {strides = array<i32>} : memref<80x129xf32, #tpu.memory_space<vmem>>, vector<16xf32>,
      %mul3A_552 = arith.mulf %get3A_551, %get3A_76 : vector<16xf32>
      %get3A_553 = arith.index_cast %add3A_536 : i32 to index
      %get3A_554 = arith.constant 64 : index
      %get3A_555 = tpu.vector_load %arg5[%get3A_553, %get3A_554] {strides = array<i32>} : memref<80x129xf32, #tpu.memory_space<vmem>>, vector<16xf32>,
      %mul3A_556 = arith.mulf %get3A_555, %get3A_78 : vector<16xf32>
      %get3A_557 = arith.index_cast %add3A_536 : i32 to index
      %get3A_558 = arith.constant 80 : index
      %get3A_559 = tpu.vector_load %arg5[%get3A_557, %get3A_558] {strides = array<i32>} : memref<80x129xf32, #tpu.memory_space<vmem>>, vector<16xf32>,
      %mul3A_560 = arith.mulf %get3A_559, %get3A_80 : vector<16xf32>
      %get3A_561 = arith.index_cast %add3A_536 : i32 to index
      %get3A_562 = arith.constant 96 : index
      %get3A_563 = tpu.vector_load %arg5[%get3A_561, %get3A_562] {strides = array<i32>} : memref<80x129xf32, #tpu.memory_space<vmem>>, vector<16xf32>,
      %mul3A_564 = arith.mulf %get3A_563, %get3A_82 : vector<16xf32>
      %get3A_565 = arith.index_cast %add3A_536 : i32 to index
      %get3A_566 = arith.constant 112 : index
      %get3A_567 = tpu.vector_load %arg5[%get3A_565, %get3A_566] {strides = array<i32>} : memref<80x129xf32, #tpu.memory_space<vmem>>, vector<16xf32>,
      %mul3A_568 = arith.mulf %get3A_567, %get3A_84 : vector<16xf32>
      %add3A_569 = arith.addf %mul3A_540, %mul3A_544 : vector<16xf32>
      %add3A_570 = arith.addf %mul3A_548, %mul3A_552 : vector<16xf32>
      %add3A_571 = arith.addf %add3A_569, %add3A_570 : vector<16xf32>
      %add3A_572 = arith.addf %mul3A_556, %mul3A_560 : vector<16xf32>
      %add3A_573 = arith.addf %mul3A_564, %mul3A_568 : vector<16xf32>
      %add3A_574 = arith.addf %add3A_572, %add3A_573 : vector<16xf32>
      %add3A_575 = arith.addf %add3A_571, %add3A_574 : vector<16xf32>
      %reshape3A_576 = vector.shape_cast %max3A_15 : vector<16xi32> to vector<16x1xi32>
      %gather3A_577 = vector.shape_cast %reshape3A_576 : vector<16x1xi32> to vector<16xi32>
      %gather3A_578 = tpu.dynamic_gather %add3A_575[%gather3A_577] in [0] : vector<16xf32>, vector<16xi32> -> vector<16xf32>
      %add3A_579 = arith.addf %add3A_575, %gather3A_578 : vector<16xf32>
      %reshape3A_580 = vector.shape_cast %max3A_21 : vector<16xi32> to vector<16x1xi32>
      %gather3A_581 = vector.shape_cast %reshape3A_580 : vector<16x1xi32> to vector<16xi32>
      %gather3A_582 = tpu.dynamic_gather %add3A_579[%gather3A_581] in [0] : vector<16xf32>, vector<16xi32> -> vector<16xf32>
      %add3A_583 = arith.addf %add3A_579, %gather3A_582 : vector<16xf32>
      %reshape3A_584 = vector.shape_cast %max3A_27 : vector<16xi32> to vector<16x1xi32>
      %gather3A_585 = vector.shape_cast %reshape3A_584 : vector<16x1xi32> to vector<16xi32>
      %gather3A_586 = tpu.dynamic_gather %add3A_583[%gather3A_585] in [0] : vector<16xf32>, vector<16xi32> -> vector<16xf32>
      %add3A_587 = arith.addf %add3A_583, %gather3A_586 : vector<16xf32>
      %reshape3A_588 = vector.shape_cast %max3A_33 : vector<16xi32> to vector<16x1xi32>
      %gather3A_589 = vector.shape_cast %reshape3A_588 : vector<16x1xi32> to vector<16xi32>
      %gather3A_590 = tpu.dynamic_gather %add3A_587[%gather3A_589] in [0] : vector<16xf32>, vector<16xi32> -> vector<16xf32>
      %add3A_591 = arith.addf %add3A_587, %gather3A_590 : vector<16xf32>
      %eq3A_592 = arith.constant 6 : i32
      %eq3A_593 = vector.broadcast %eq3A_592 : i32 to vector<16xi32>
      %eq3A_594 = arith.cmpi eq, %iota3A, %eq3A_593 : vector<16xi32>
      %reshape3A_595 = vector.shape_cast %broadcast_in_dim3A_69 : vector<16xi32> to vector<16x1xi32>
      %gather3A_596 = vector.shape_cast %reshape3A_595 : vector<16x1xi32> to vector<16xi32>
      %gather3A_597 = tpu.dynamic_gather %add3A_591[%gather3A_596] in [0] : vector<16xf32>, vector<16xi32> -> vector<16xf32>
      %select_n3A_598 = arith.select %eq3A_594, %gather3A_597, %select_n3A_532 : vector<16xi1>, vector<16xf32>
      %mul3A_599 = arith.constant 16 : i32
      %mul3A_600 = arith.muli %scan3A_130, %mul3A_599 : i32
      %add3A_601 = arith.constant 7 : i32
      %add3A_602 = arith.addi %mul3A_600, %add3A_601 : i32
      %get3A_603 = arith.index_cast %add3A_602 : i32 to index
      %get3A_604 = arith.constant 0 : index
      %get3A_605 = tpu.vector_load %arg5[%get3A_603, %get3A_604] {strides = array<i32>} : memref<80x129xf32, #tpu.memory_space<vmem>>, vector<16xf32>,
      %mul3A_606 = arith.mulf %get3A_605, %get3A_70 : vector<16xf32>
      %get3A_607 = arith.index_cast %add3A_602 : i32 to index
      %get3A_608 = arith.constant 16 : index
      %get3A_609 = tpu.vector_load %arg5[%get3A_607, %get3A_608] {strides = array<i32>} : memref<80x129xf32, #tpu.memory_space<vmem>>, vector<16xf32>,
      %mul3A_610 = arith.mulf %get3A_609, %get3A_72 : vector<16xf32>
      %get3A_611 = arith.index_cast %add3A_602 : i32 to index
      %get3A_612 = arith.constant 32 : index
      %get3A_613 = tpu.vector_load %arg5[%get3A_611, %get3A_612] {strides = array<i32>} : memref<80x129xf32, #tpu.memory_space<vmem>>, vector<16xf32>,
      %mul3A_614 = arith.mulf %get3A_613, %get3A_74 : vector<16xf32>
      %get3A_615 = arith.index_cast %add3A_602 : i32 to index
      %get3A_616 = arith.constant 48 : index
      %get3A_617 = tpu.vector_load %arg5[%get3A_615, %get3A_616] {strides = array<i32>} : memref<80x129xf32, #tpu.memory_space<vmem>>, vector<16xf32>,
      %mul3A_618 = arith.mulf %get3A_617, %get3A_76 : vector<16xf32>
      %get3A_619 = arith.index_cast %add3A_602 : i32 to index
      %get3A_620 = arith.constant 64 : index
      %get3A_621 = tpu.vector_load %arg5[%get3A_619, %get3A_620] {strides = array<i32>} : memref<80x129xf32, #tpu.memory_space<vmem>>, vector<16xf32>,
      %mul3A_622 = arith.mulf %get3A_621, %get3A_78 : vector<16xf32>
      %get3A_623 = arith.index_cast %add3A_602 : i32 to index
      %get3A_624 = arith.constant 80 : index
      %get3A_625 = tpu.vector_load %arg5[%get3A_623, %get3A_624] {strides = array<i32>} : memref<80x129xf32, #tpu.memory_space<vmem>>, vector<16xf32>,
      %mul3A_626 = arith.mulf %get3A_625, %get3A_80 : vector<16xf32>
      %get3A_627 = arith.index_cast %add3A_602 : i32 to index
      %get3A_628 = arith.constant 96 : index
      %get3A_629 = tpu.vector_load %arg5[%get3A_627, %get3A_628] {strides = array<i32>} : memref<80x129xf32, #tpu.memory_space<vmem>>, vector<16xf32>,
      %mul3A_630 = arith.mulf %get3A_629, %get3A_82 : vector<16xf32>
      %get3A_631 = arith.index_cast %add3A_602 : i32 to index
      %get3A_632 = arith.constant 112 : index
      %get3A_633 = tpu.vector_load %arg5[%get3A_631, %get3A_632] {strides = array<i32>} : memref<80x129xf32, #tpu.memory_space<vmem>>, vector<16xf32>,
      %mul3A_634 = arith.mulf %get3A_633, %get3A_84 : vector<16xf32>
      %add3A_635 = arith.addf %mul3A_606, %mul3A_610 : vector<16xf32>
      %add3A_636 = arith.addf %mul3A_614, %mul3A_618 : vector<16xf32>
      %add3A_637 = arith.addf %add3A_635, %add3A_636 : vector<16xf32>
      %add3A_638 = arith.addf %mul3A_622, %mul3A_626 : vector<16xf32>
      %add3A_639 = arith.addf %mul3A_630, %mul3A_634 : vector<16xf32>
      %add3A_640 = arith.addf %add3A_638, %add3A_639 : vector<16xf32>
      %add3A_641 = arith.addf %add3A_637, %add3A_640 : vector<16xf32>
      %reshape3A_642 = vector.shape_cast %max3A_15 : vector<16xi32> to vector<16x1xi32>
      %gather3A_643 = vector.shape_cast %reshape3A_642 : vector<16x1xi32> to vector<16xi32>
      %gather3A_644 = tpu.dynamic_gather %add3A_641[%gather3A_643] in [0] : vector<16xf32>, vector<16xi32> -> vector<16xf32>
      %add3A_645 = arith.addf %add3A_641, %gather3A_644 : vector<16xf32>
      %reshape3A_646 = vector.shape_cast %max3A_21 : vector<16xi32> to vector<16x1xi32>
      %gather3A_647 = vector.shape_cast %reshape3A_646 : vector<16x1xi32> to vector<16xi32>
      %gather3A_648 = tpu.dynamic_gather %add3A_645[%gather3A_647] in [0] : vector<16xf32>, vector<16xi32> -> vector<16xf32>
      %add3A_649 = arith.addf %add3A_645, %gather3A_648 : vector<16xf32>
      %reshape3A_650 = vector.shape_cast %max3A_27 : vector<16xi32> to vector<16x1xi32>
      %gather3A_651 = vector.shape_cast %reshape3A_650 : vector<16x1xi32> to vector<16xi32>
      %gather3A_652 = tpu.dynamic_gather %add3A_649[%gather3A_651] in [0] : vector<16xf32>, vector<16xi32> -> vector<16xf32>
      %add3A_653 = arith.addf %add3A_649, %gather3A_652 : vector<16xf32>
      %reshape3A_654 = vector.shape_cast %max3A_33 : vector<16xi32> to vector<16x1xi32>
      %gather3A_655 = vector.shape_cast %reshape3A_654 : vector<16x1xi32> to vector<16xi32>
      %gather3A_656 = tpu.dynamic_gather %add3A_653[%gather3A_655] in [0] : vector<16xf32>, vector<16xi32> -> vector<16xf32>
      %add3A_657 = arith.addf %add3A_653, %gather3A_656 : vector<16xf32>
      %eq3A_658 = arith.constant 7 : i32
      %eq3A_659 = vector.broadcast %eq3A_658 : i32 to vector<16xi32>
      %eq3A_660 = arith.cmpi eq, %iota3A, %eq3A_659 : vector<16xi32>
      %reshape3A_661 = vector.shape_cast %broadcast_in_dim3A_69 : vector<16xi32> to vector<16x1xi32>
      %gather3A_662 = vector.shape_cast %reshape3A_661 : vector<16x1xi32> to vector<16xi32>
      %gather3A_663 = tpu.dynamic_gather %add3A_657[%gather3A_662] in [0] : vector<16xf32>, vector<16xi32> -> vector<16xf32>
      %select_n3A_664 = arith.select %eq3A_660, %gather3A_663, %select_n3A_598 : vector<16xi1>, vector<16xf32>
      %mul3A_665 = arith.constant 16 : i32
      %mul3A_666 = arith.muli %scan3A_130, %mul3A_665 : i32
      %add3A_667 = arith.constant 8 : i32
      %add3A_668 = arith.addi %mul3A_666, %add3A_667 : i32
      %get3A_669 = arith.index_cast %add3A_668 : i32 to index
      %get3A_670 = arith.constant 0 : index
      %get3A_671 = tpu.vector_load %arg5[%get3A_669, %get3A_670] {strides = array<i32>} : memref<80x129xf32, #tpu.memory_space<vmem>>, vector<16xf32>,
      %mul3A_672 = arith.mulf %get3A_671, %get3A_70 : vector<16xf32>
      %get3A_673 = arith.index_cast %add3A_668 : i32 to index
      %get3A_674 = arith.constant 16 : index
      %get3A_675 = tpu.vector_load %arg5[%get3A_673, %get3A_674] {strides = array<i32>} : memref<80x129xf32, #tpu.memory_space<vmem>>, vector<16xf32>,
      %mul3A_676 = arith.mulf %get3A_675, %get3A_72 : vector<16xf32>
      %get3A_677 = arith.index_cast %add3A_668 : i32 to index
      %get3A_678 = arith.constant 32 : index
      %get3A_679 = tpu.vector_load %arg5[%get3A_677, %get3A_678] {strides = array<i32>} : memref<80x129xf32, #tpu.memory_space<vmem>>, vector<16xf32>,
      %mul3A_680 = arith.mulf %get3A_679, %get3A_74 : vector<16xf32>
      %get3A_681 = arith.index_cast %add3A_668 : i32 to index
      %get3A_682 = arith.constant 48 : index
      %get3A_683 = tpu.vector_load %arg5[%get3A_681, %get3A_682] {strides = array<i32>} : memref<80x129xf32, #tpu.memory_space<vmem>>, vector<16xf32>,
      %mul3A_684 = arith.mulf %get3A_683, %get3A_76 : vector<16xf32>
      %get3A_685 = arith.index_cast %add3A_668 : i32 to index
      %get3A_686 = arith.constant 64 : index
      %get3A_687 = tpu.vector_load %arg5[%get3A_685, %get3A_686] {strides = array<i32>} : memref<80x129xf32, #tpu.memory_space<vmem>>, vector<16xf32>,
      %mul3A_688 = arith.mulf %get3A_687, %get3A_78 : vector<16xf32>
      %get3A_689 = arith.index_cast %add3A_668 : i32 to index
      %get3A_690 = arith.constant 80 : index
      %get3A_691 = tpu.vector_load %arg5[%get3A_689, %get3A_690] {strides = array<i32>} : memref<80x129xf32, #tpu.memory_space<vmem>>, vector<16xf32>,
      %mul3A_692 = arith.mulf %get3A_691, %get3A_80 : vector<16xf32>
      %get3A_693 = arith.index_cast %add3A_668 : i32 to index
      %get3A_694 = arith.constant 96 : index
      %get3A_695 = tpu.vector_load %arg5[%get3A_693, %get3A_694] {strides = array<i32>} : memref<80x129xf32, #tpu.memory_space<vmem>>, vector<16xf32>,
      %mul3A_696 = arith.mulf %get3A_695, %get3A_82 : vector<16xf32>
      %get3A_697 = arith.index_cast %add3A_668 : i32 to index
      %get3A_698 = arith.constant 112 : index
      %get3A_699 = tpu.vector_load %arg5[%get3A_697, %get3A_698] {strides = array<i32>} : memref<80x129xf32, #tpu.memory_space<vmem>>, vector<16xf32>,
      %mul3A_700 = arith.mulf %get3A_699, %get3A_84 : vector<16xf32>
      %add3A_701 = arith.addf %mul3A_672, %mul3A_676 : vector<16xf32>
      %add3A_702 = arith.addf %mul3A_680, %mul3A_684 : vector<16xf32>
      %add3A_703 = arith.addf %add3A_701, %add3A_702 : vector<16xf32>
      %add3A_704 = arith.addf %mul3A_688, %mul3A_692 : vector<16xf32>
      %add3A_705 = arith.addf %mul3A_696, %mul3A_700 : vector<16xf32>
      %add3A_706 = arith.addf %add3A_704, %add3A_705 : vector<16xf32>
      %add3A_707 = arith.addf %add3A_703, %add3A_706 : vector<16xf32>
      %reshape3A_708 = vector.shape_cast %max3A_15 : vector<16xi32> to vector<16x1xi32>
      %gather3A_709 = vector.shape_cast %reshape3A_708 : vector<16x1xi32> to vector<16xi32>
      %gather3A_710 = tpu.dynamic_gather %add3A_707[%gather3A_709] in [0] : vector<16xf32>, vector<16xi32> -> vector<16xf32>
      %add3A_711 = arith.addf %add3A_707, %gather3A_710 : vector<16xf32>
      %reshape3A_712 = vector.shape_cast %max3A_21 : vector<16xi32> to vector<16x1xi32>
      %gather3A_713 = vector.shape_cast %reshape3A_712 : vector<16x1xi32> to vector<16xi32>
      %gather3A_714 = tpu.dynamic_gather %add3A_711[%gather3A_713] in [0] : vector<16xf32>, vector<16xi32> -> vector<16xf32>
      %add3A_715 = arith.addf %add3A_711, %gather3A_714 : vector<16xf32>
      %reshape3A_716 = vector.shape_cast %max3A_27 : vector<16xi32> to vector<16x1xi32>
      %gather3A_717 = vector.shape_cast %reshape3A_716 : vector<16x1xi32> to vector<16xi32>
      %gather3A_718 = tpu.dynamic_gather %add3A_715[%gather3A_717] in [0] : vector<16xf32>, vector<16xi32> -> vector<16xf32>
      %add3A_719 = arith.addf %add3A_715, %gather3A_718 : vector<16xf32>
      %reshape3A_720 = vector.shape_cast %max3A_33 : vector<16xi32> to vector<16x1xi32>
      %gather3A_721 = vector.shape_cast %reshape3A_720 : vector<16x1xi32> to vector<16xi32>
      %gather3A_722 = tpu.dynamic_gather %add3A_719[%gather3A_721] in [0] : vector<16xf32>, vector<16xi32> -> vector<16xf32>
      %add3A_723 = arith.addf %add3A_719, %gather3A_722 : vector<16xf32>
      %eq3A_724 = arith.constant 8 : i32
      %eq3A_725 = vector.broadcast %eq3A_724 : i32 to vector<16xi32>
      %eq3A_726 = arith.cmpi eq, %iota3A, %eq3A_725 : vector<16xi32>
      %reshape3A_727 = vector.shape_cast %broadcast_in_dim3A_69 : vector<16xi32> to vector<16x1xi32>
      %gather3A_728 = vector.shape_cast %reshape3A_727 : vector<16x1xi32> to vector<16xi32>
      %gather3A_729 = tpu.dynamic_gather %add3A_723[%gather3A_728] in [0] : vector<16xf32>, vector<16xi32> -> vector<16xf32>
      %select_n3A_730 = arith.select %eq3A_726, %gather3A_729, %select_n3A_664 : vector<16xi1>, vector<16xf32>
      %mul3A_731 = arith.constant 16 : i32
      %mul3A_732 = arith.muli %scan3A_130, %mul3A_731 : i32
      %add3A_733 = arith.constant 9 : i32
      %add3A_734 = arith.addi %mul3A_732, %add3A_733 : i32
      %get3A_735 = arith.index_cast %add3A_734 : i32 to index
      %get3A_736 = arith.constant 0 : index
      %get3A_737 = tpu.vector_load %arg5[%get3A_735, %get3A_736] {strides = array<i32>} : memref<80x129xf32, #tpu.memory_space<vmem>>, vector<16xf32>,
      %mul3A_738 = arith.mulf %get3A_737, %get3A_70 : vector<16xf32>
      %get3A_739 = arith.index_cast %add3A_734 : i32 to index
      %get3A_740 = arith.constant 16 : index
      %get3A_741 = tpu.vector_load %arg5[%get3A_739, %get3A_740] {strides = array<i32>} : memref<80x129xf32, #tpu.memory_space<vmem>>, vector<16xf32>,
      %mul3A_742 = arith.mulf %get3A_741, %get3A_72 : vector<16xf32>
      %get3A_743 = arith.index_cast %add3A_734 : i32 to index
      %get3A_744 = arith.constant 32 : index
      %get3A_745 = tpu.vector_load %arg5[%get3A_743, %get3A_744] {strides = array<i32>} : memref<80x129xf32, #tpu.memory_space<vmem>>, vector<16xf32>,
      %mul3A_746 = arith.mulf %get3A_745, %get3A_74 : vector<16xf32>
      %get3A_747 = arith.index_cast %add3A_734 : i32 to index
      %get3A_748 = arith.constant 48 : index
      %get3A_749 = tpu.vector_load %arg5[%get3A_747, %get3A_748] {strides = array<i32>} : memref<80x129xf32, #tpu.memory_space<vmem>>, vector<16xf32>,
      %mul3A_750 = arith.mulf %get3A_749, %get3A_76 : vector<16xf32>
      %get3A_751 = arith.index_cast %add3A_734 : i32 to index
      %get3A_752 = arith.constant 64 : index
      %get3A_753 = tpu.vector_load %arg5[%get3A_751, %get3A_752] {strides = array<i32>} : memref<80x129xf32, #tpu.memory_space<vmem>>, vector<16xf32>,
      %mul3A_754 = arith.mulf %get3A_753, %get3A_78 : vector<16xf32>
      %get3A_755 = arith.index_cast %add3A_734 : i32 to index
      %get3A_756 = arith.constant 80 : index
      %get3A_757 = tpu.vector_load %arg5[%get3A_755, %get3A_756] {strides = array<i32>} : memref<80x129xf32, #tpu.memory_space<vmem>>, vector<16xf32>,
      %mul3A_758 = arith.mulf %get3A_757, %get3A_80 : vector<16xf32>
      %get3A_759 = arith.index_cast %add3A_734 : i32 to index
      %get3A_760 = arith.constant 96 : index
      %get3A_761 = tpu.vector_load %arg5[%get3A_759, %get3A_760] {strides = array<i32>} : memref<80x129xf32, #tpu.memory_space<vmem>>, vector<16xf32>,
      %mul3A_762 = arith.mulf %get3A_761, %get3A_82 : vector<16xf32>
      %get3A_763 = arith.index_cast %add3A_734 : i32 to index
      %get3A_764 = arith.constant 112 : index
      %get3A_765 = tpu.vector_load %arg5[%get3A_763, %get3A_764] {strides = array<i32>} : memref<80x129xf32, #tpu.memory_space<vmem>>, vector<16xf32>,
      %mul3A_766 = arith.mulf %get3A_765, %get3A_84 : vector<16xf32>
      %add3A_767 = arith.addf %mul3A_738, %mul3A_742 : vector<16xf32>
      %add3A_768 = arith.addf %mul3A_746, %mul3A_750 : vector<16xf32>
      %add3A_769 = arith.addf %add3A_767, %add3A_768 : vector<16xf32>
      %add3A_770 = arith.addf %mul3A_754, %mul3A_758 : vector<16xf32>
      %add3A_771 = arith.addf %mul3A_762, %mul3A_766 : vector<16xf32>
      %add3A_772 = arith.addf %add3A_770, %add3A_771 : vector<16xf32>
      %add3A_773 = arith.addf %add3A_769, %add3A_772 : vector<16xf32>
      %reshape3A_774 = vector.shape_cast %max3A_15 : vector<16xi32> to vector<16x1xi32>
      %gather3A_775 = vector.shape_cast %reshape3A_774 : vector<16x1xi32> to vector<16xi32>
      %gather3A_776 = tpu.dynamic_gather %add3A_773[%gather3A_775] in [0] : vector<16xf32>, vector<16xi32> -> vector<16xf32>
      %add3A_777 = arith.addf %add3A_773, %gather3A_776 : vector<16xf32>
      %reshape3A_778 = vector.shape_cast %max3A_21 : vector<16xi32> to vector<16x1xi32>
      %gather3A_779 = vector.shape_cast %reshape3A_778 : vector<16x1xi32> to vector<16xi32>
      %gather3A_780 = tpu.dynamic_gather %add3A_777[%gather3A_779] in [0] : vector<16xf32>, vector<16xi32> -> vector<16xf32>
      %add3A_781 = arith.addf %add3A_777, %gather3A_780 : vector<16xf32>
      %reshape3A_782 = vector.shape_cast %max3A_27 : vector<16xi32> to vector<16x1xi32>
      %gather3A_783 = vector.shape_cast %reshape3A_782 : vector<16x1xi32> to vector<16xi32>
      %gather3A_784 = tpu.dynamic_gather %add3A_781[%gather3A_783] in [0] : vector<16xf32>, vector<16xi32> -> vector<16xf32>
      %add3A_785 = arith.addf %add3A_781, %gather3A_784 : vector<16xf32>
      %reshape3A_786 = vector.shape_cast %max3A_33 : vector<16xi32> to vector<16x1xi32>
      %gather3A_787 = vector.shape_cast %reshape3A_786 : vector<16x1xi32> to vector<16xi32>
      %gather3A_788 = tpu.dynamic_gather %add3A_785[%gather3A_787] in [0] : vector<16xf32>, vector<16xi32> -> vector<16xf32>
      %add3A_789 = arith.addf %add3A_785, %gather3A_788 : vector<16xf32>
      %eq3A_790 = arith.constant 9 : i32
      %eq3A_791 = vector.broadcast %eq3A_790 : i32 to vector<16xi32>
      %eq3A_792 = arith.cmpi eq, %iota3A, %eq3A_791 : vector<16xi32>
      %reshape3A_793 = vector.shape_cast %broadcast_in_dim3A_69 : vector<16xi32> to vector<16x1xi32>
      %gather3A_794 = vector.shape_cast %reshape3A_793 : vector<16x1xi32> to vector<16xi32>
      %gather3A_795 = tpu.dynamic_gather %add3A_789[%gather3A_794] in [0] : vector<16xf32>, vector<16xi32> -> vector<16xf32>
      %select_n3A_796 = arith.select %eq3A_792, %gather3A_795, %select_n3A_730 : vector<16xi1>, vector<16xf32>
      %mul3A_797 = arith.constant 16 : i32
      %mul3A_798 = arith.muli %scan3A_130, %mul3A_797 : i32
      %add3A_799 = arith.constant 10 : i32
      %add3A_800 = arith.addi %mul3A_798, %add3A_799 : i32
      %get3A_801 = arith.index_cast %add3A_800 : i32 to index
      %get3A_802 = arith.constant 0 : index
      %get3A_803 = tpu.vector_load %arg5[%get3A_801, %get3A_802] {strides = array<i32>} : memref<80x129xf32, #tpu.memory_space<vmem>>, vector<16xf32>,
      %mul3A_804 = arith.mulf %get3A_803, %get3A_70 : vector<16xf32>
      %get3A_805 = arith.index_cast %add3A_800 : i32 to index
      %get3A_806 = arith.constant 16 : index
      %get3A_807 = tpu.vector_load %arg5[%get3A_805, %get3A_806] {strides = array<i32>} : memref<80x129xf32, #tpu.memory_space<vmem>>, vector<16xf32>,
      %mul3A_808 = arith.mulf %get3A_807, %get3A_72 : vector<16xf32>
      %get3A_809 = arith.index_cast %add3A_800 : i32 to index
      %get3A_810 = arith.constant 32 : index
      %get3A_811 = tpu.vector_load %arg5[%get3A_809, %get3A_810] {strides = array<i32>} : memref<80x129xf32, #tpu.memory_space<vmem>>, vector<16xf32>,
      %mul3A_812 = arith.mulf %get3A_811, %get3A_74 : vector<16xf32>
      %get3A_813 = arith.index_cast %add3A_800 : i32 to index
      %get3A_814 = arith.constant 48 : index
      %get3A_815 = tpu.vector_load %arg5[%get3A_813, %get3A_814] {strides = array<i32>} : memref<80x129xf32, #tpu.memory_space<vmem>>, vector<16xf32>,
      %mul3A_816 = arith.mulf %get3A_815, %get3A_76 : vector<16xf32>
      %get3A_817 = arith.index_cast %add3A_800 : i32 to index
      %get3A_818 = arith.constant 64 : index
      %get3A_819 = tpu.vector_load %arg5[%get3A_817, %get3A_818] {strides = array<i32>} : memref<80x129xf32, #tpu.memory_space<vmem>>, vector<16xf32>,
      %mul3A_820 = arith.mulf %get3A_819, %get3A_78 : vector<16xf32>
      %get3A_821 = arith.index_cast %add3A_800 : i32 to index
      %get3A_822 = arith.constant 80 : index
      %get3A_823 = tpu.vector_load %arg5[%get3A_821, %get3A_822] {strides = array<i32>} : memref<80x129xf32, #tpu.memory_space<vmem>>, vector<16xf32>,
      %mul3A_824 = arith.mulf %get3A_823, %get3A_80 : vector<16xf32>
      %get3A_825 = arith.index_cast %add3A_800 : i32 to index
      %get3A_826 = arith.constant 96 : index
      %get3A_827 = tpu.vector_load %arg5[%get3A_825, %get3A_826] {strides = array<i32>} : memref<80x129xf32, #tpu.memory_space<vmem>>, vector<16xf32>,
      %mul3A_828 = arith.mulf %get3A_827, %get3A_82 : vector<16xf32>
      %get3A_829 = arith.index_cast %add3A_800 : i32 to index
      %get3A_830 = arith.constant 112 : index
      %get3A_831 = tpu.vector_load %arg5[%get3A_829, %get3A_830] {strides = array<i32>} : memref<80x129xf32, #tpu.memory_space<vmem>>, vector<16xf32>,
      %mul3A_832 = arith.mulf %get3A_831, %get3A_84 : vector<16xf32>
      %add3A_833 = arith.addf %mul3A_804, %mul3A_808 : vector<16xf32>
      %add3A_834 = arith.addf %mul3A_812, %mul3A_816 : vector<16xf32>
      %add3A_835 = arith.addf %add3A_833, %add3A_834 : vector<16xf32>
      %add3A_836 = arith.addf %mul3A_820, %mul3A_824 : vector<16xf32>
      %add3A_837 = arith.addf %mul3A_828, %mul3A_832 : vector<16xf32>
      %add3A_838 = arith.addf %add3A_836, %add3A_837 : vector<16xf32>
      %add3A_839 = arith.addf %add3A_835, %add3A_838 : vector<16xf32>
      %reshape3A_840 = vector.shape_cast %max3A_15 : vector<16xi32> to vector<16x1xi32>
      %gather3A_841 = vector.shape_cast %reshape3A_840 : vector<16x1xi32> to vector<16xi32>
      %gather3A_842 = tpu.dynamic_gather %add3A_839[%gather3A_841] in [0] : vector<16xf32>, vector<16xi32> -> vector<16xf32>
      %add3A_843 = arith.addf %add3A_839, %gather3A_842 : vector<16xf32>
      %reshape3A_844 = vector.shape_cast %max3A_21 : vector<16xi32> to vector<16x1xi32>
      %gather3A_845 = vector.shape_cast %reshape3A_844 : vector<16x1xi32> to vector<16xi32>
      %gather3A_846 = tpu.dynamic_gather %add3A_843[%gather3A_845] in [0] : vector<16xf32>, vector<16xi32> -> vector<16xf32>
      %add3A_847 = arith.addf %add3A_843, %gather3A_846 : vector<16xf32>
      %reshape3A_848 = vector.shape_cast %max3A_27 : vector<16xi32> to vector<16x1xi32>
      %gather3A_849 = vector.shape_cast %reshape3A_848 : vector<16x1xi32> to vector<16xi32>
      %gather3A_850 = tpu.dynamic_gather %add3A_847[%gather3A_849] in [0] : vector<16xf32>, vector<16xi32> -> vector<16xf32>
      %add3A_851 = arith.addf %add3A_847, %gather3A_850 : vector<16xf32>
      %reshape3A_852 = vector.shape_cast %max3A_33 : vector<16xi32> to vector<16x1xi32>
      %gather3A_853 = vector.shape_cast %reshape3A_852 : vector<16x1xi32> to vector<16xi32>
      %gather3A_854 = tpu.dynamic_gather %add3A_851[%gather3A_853] in [0] : vector<16xf32>, vector<16xi32> -> vector<16xf32>
      %add3A_855 = arith.addf %add3A_851, %gather3A_854 : vector<16xf32>
      %eq3A_856 = arith.constant 10 : i32
      %eq3A_857 = vector.broadcast %eq3A_856 : i32 to vector<16xi32>
      %eq3A_858 = arith.cmpi eq, %iota3A, %eq3A_857 : vector<16xi32>
      %reshape3A_859 = vector.shape_cast %broadcast_in_dim3A_69 : vector<16xi32> to vector<16x1xi32>
      %gather3A_860 = vector.shape_cast %reshape3A_859 : vector<16x1xi32> to vector<16xi32>
      %gather3A_861 = tpu.dynamic_gather %add3A_855[%gather3A_860] in [0] : vector<16xf32>, vector<16xi32> -> vector<16xf32>
      %select_n3A_862 = arith.select %eq3A_858, %gather3A_861, %select_n3A_796 : vector<16xi1>, vector<16xf32>
      %mul3A_863 = arith.constant 16 : i32
      %mul3A_864 = arith.muli %scan3A_130, %mul3A_863 : i32
      %add3A_865 = arith.constant 11 : i32
      %add3A_866 = arith.addi %mul3A_864, %add3A_865 : i32
      %get3A_867 = arith.index_cast %add3A_866 : i32 to index
      %get3A_868 = arith.constant 0 : index
      %get3A_869 = tpu.vector_load %arg5[%get3A_867, %get3A_868] {strides = array<i32>} : memref<80x129xf32, #tpu.memory_space<vmem>>, vector<16xf32>,
      %mul3A_870 = arith.mulf %get3A_869, %get3A_70 : vector<16xf32>
      %get3A_871 = arith.index_cast %add3A_866 : i32 to index
      %get3A_872 = arith.constant 16 : index
      %get3A_873 = tpu.vector_load %arg5[%get3A_871, %get3A_872] {strides = array<i32>} : memref<80x129xf32, #tpu.memory_space<vmem>>, vector<16xf32>,
      %mul3A_874 = arith.mulf %get3A_873, %get3A_72 : vector<16xf32>
      %get3A_875 = arith.index_cast %add3A_866 : i32 to index
      %get3A_876 = arith.constant 32 : index
      %get3A_877 = tpu.vector_load %arg5[%get3A_875, %get3A_876] {strides = array<i32>} : memref<80x129xf32, #tpu.memory_space<vmem>>, vector<16xf32>,
      %mul3A_878 = arith.mulf %get3A_877, %get3A_74 : vector<16xf32>
      %get3A_879 = arith.index_cast %add3A_866 : i32 to index
      %get3A_880 = arith.constant 48 : index
      %get3A_881 = tpu.vector_load %arg5[%get3A_879, %get3A_880] {strides = array<i32>} : memref<80x129xf32, #tpu.memory_space<vmem>>, vector<16xf32>,
      %mul3A_882 = arith.mulf %get3A_881, %get3A_76 : vector<16xf32>
      %get3A_883 = arith.index_cast %add3A_866 : i32 to index
      %get3A_884 = arith.constant 64 : index
      %get3A_885 = tpu.vector_load %arg5[%get3A_883, %get3A_884] {strides = array<i32>} : memref<80x129xf32, #tpu.memory_space<vmem>>, vector<16xf32>,
      %mul3A_886 = arith.mulf %get3A_885, %get3A_78 : vector<16xf32>
      %get3A_887 = arith.index_cast %add3A_866 : i32 to index
      %get3A_888 = arith.constant 80 : index
      %get3A_889 = tpu.vector_load %arg5[%get3A_887, %get3A_888] {strides = array<i32>} : memref<80x129xf32, #tpu.memory_space<vmem>>, vector<16xf32>,
      %mul3A_890 = arith.mulf %get3A_889, %get3A_80 : vector<16xf32>
      %get3A_891 = arith.index_cast %add3A_866 : i32 to index
      %get3A_892 = arith.constant 96 : index
      %get3A_893 = tpu.vector_load %arg5[%get3A_891, %get3A_892] {strides = array<i32>} : memref<80x129xf32, #tpu.memory_space<vmem>>, vector<16xf32>,
      %mul3A_894 = arith.mulf %get3A_893, %get3A_82 : vector<16xf32>
      %get3A_895 = arith.index_cast %add3A_866 : i32 to index
      %get3A_896 = arith.constant 112 : index
      %get3A_897 = tpu.vector_load %arg5[%get3A_895, %get3A_896] {strides = array<i32>} : memref<80x129xf32, #tpu.memory_space<vmem>>, vector<16xf32>,
      %mul3A_898 = arith.mulf %get3A_897, %get3A_84 : vector<16xf32>
      %add3A_899 = arith.addf %mul3A_870, %mul3A_874 : vector<16xf32>
      %add3A_900 = arith.addf %mul3A_878, %mul3A_882 : vector<16xf32>
      %add3A_901 = arith.addf %add3A_899, %add3A_900 : vector<16xf32>
      %add3A_902 = arith.addf %mul3A_886, %mul3A_890 : vector<16xf32>
      %add3A_903 = arith.addf %mul3A_894, %mul3A_898 : vector<16xf32>
      %add3A_904 = arith.addf %add3A_902, %add3A_903 : vector<16xf32>
      %add3A_905 = arith.addf %add3A_901, %add3A_904 : vector<16xf32>
      %reshape3A_906 = vector.shape_cast %max3A_15 : vector<16xi32> to vector<16x1xi32>
      %gather3A_907 = vector.shape_cast %reshape3A_906 : vector<16x1xi32> to vector<16xi32>
      %gather3A_908 = tpu.dynamic_gather %add3A_905[%gather3A_907] in [0] : vector<16xf32>, vector<16xi32> -> vector<16xf32>
      %add3A_909 = arith.addf %add3A_905, %gather3A_908 : vector<16xf32>
      %reshape3A_910 = vector.shape_cast %max3A_21 : vector<16xi32> to vector<16x1xi32>
      %gather3A_911 = vector.shape_cast %reshape3A_910 : vector<16x1xi32> to vector<16xi32>
      %gather3A_912 = tpu.dynamic_gather %add3A_909[%gather3A_911] in [0] : vector<16xf32>, vector<16xi32> -> vector<16xf32>
      %add3A_913 = arith.addf %add3A_909, %gather3A_912 : vector<16xf32>
      %reshape3A_914 = vector.shape_cast %max3A_27 : vector<16xi32> to vector<16x1xi32>
      %gather3A_915 = vector.shape_cast %reshape3A_914 : vector<16x1xi32> to vector<16xi32>
      %gather3A_916 = tpu.dynamic_gather %add3A_913[%gather3A_915] in [0] : vector<16xf32>, vector<16xi32> -> vector<16xf32>
      %add3A_917 = arith.addf %add3A_913, %gather3A_916 : vector<16xf32>
      %reshape3A_918 = vector.shape_cast %max3A_33 : vector<16xi32> to vector<16x1xi32>
      %gather3A_919 = vector.shape_cast %reshape3A_918 : vector<16x1xi32> to vector<16xi32>
      %gather3A_920 = tpu.dynamic_gather %add3A_917[%gather3A_919] in [0] : vector<16xf32>, vector<16xi32> -> vector<16xf32>
      %add3A_921 = arith.addf %add3A_917, %gather3A_920 : vector<16xf32>
      %eq3A_922 = arith.constant 11 : i32
      %eq3A_923 = vector.broadcast %eq3A_922 : i32 to vector<16xi32>
      %eq3A_924 = arith.cmpi eq, %iota3A, %eq3A_923 : vector<16xi32>
      %reshape3A_925 = vector.shape_cast %broadcast_in_dim3A_69 : vector<16xi32> to vector<16x1xi32>
      %gather3A_926 = vector.shape_cast %reshape3A_925 : vector<16x1xi32> to vector<16xi32>
      %gather3A_927 = tpu.dynamic_gather %add3A_921[%gather3A_926] in [0] : vector<16xf32>, vector<16xi32> -> vector<16xf32>
      %select_n3A_928 = arith.select %eq3A_924, %gather3A_927, %select_n3A_862 : vector<16xi1>, vector<16xf32>
      %mul3A_929 = arith.constant 16 : i32
      %mul3A_930 = arith.muli %scan3A_130, %mul3A_929 : i32
      %add3A_931 = arith.constant 12 : i32
      %add3A_932 = arith.addi %mul3A_930, %add3A_931 : i32
      %get3A_933 = arith.index_cast %add3A_932 : i32 to index
      %get3A_934 = arith.constant 0 : index
      %get3A_935 = tpu.vector_load %arg5[%get3A_933, %get3A_934] {strides = array<i32>} : memref<80x129xf32, #tpu.memory_space<vmem>>, vector<16xf32>,
      %mul3A_936 = arith.mulf %get3A_935, %get3A_70 : vector<16xf32>
      %get3A_937 = arith.index_cast %add3A_932 : i32 to index
      %get3A_938 = arith.constant 16 : index
      %get3A_939 = tpu.vector_load %arg5[%get3A_937, %get3A_938] {strides = array<i32>} : memref<80x129xf32, #tpu.memory_space<vmem>>, vector<16xf32>,
      %mul3A_940 = arith.mulf %get3A_939, %get3A_72 : vector<16xf32>
      %get3A_941 = arith.index_cast %add3A_932 : i32 to index
      %get3A_942 = arith.constant 32 : index
      %get3A_943 = tpu.vector_load %arg5[%get3A_941, %get3A_942] {strides = array<i32>} : memref<80x129xf32, #tpu.memory_space<vmem>>, vector<16xf32>,
      %mul3A_944 = arith.mulf %get3A_943, %get3A_74 : vector<16xf32>
      %get3A_945 = arith.index_cast %add3A_932 : i32 to index
      %get3A_946 = arith.constant 48 : index
      %get3A_947 = tpu.vector_load %arg5[%get3A_945, %get3A_946] {strides = array<i32>} : memref<80x129xf32, #tpu.memory_space<vmem>>, vector<16xf32>,
      %mul3A_948 = arith.mulf %get3A_947, %get3A_76 : vector<16xf32>
      %get3A_949 = arith.index_cast %add3A_932 : i32 to index
      %get3A_950 = arith.constant 64 : index
      %get3A_951 = tpu.vector_load %arg5[%get3A_949, %get3A_950] {strides = array<i32>} : memref<80x129xf32, #tpu.memory_space<vmem>>, vector<16xf32>,
      %mul3A_952 = arith.mulf %get3A_951, %get3A_78 : vector<16xf32>
      %get3A_953 = arith.index_cast %add3A_932 : i32 to index
      %get3A_954 = arith.constant 80 : index
      %get3A_955 = tpu.vector_load %arg5[%get3A_953, %get3A_954] {strides = array<i32>} : memref<80x129xf32, #tpu.memory_space<vmem>>, vector<16xf32>,
      %mul3A_956 = arith.mulf %get3A_955, %get3A_80 : vector<16xf32>
      %get3A_957 = arith.index_cast %add3A_932 : i32 to index
      %get3A_958 = arith.constant 96 : index
      %get3A_959 = tpu.vector_load %arg5[%get3A_957, %get3A_958] {strides = array<i32>} : memref<80x129xf32, #tpu.memory_space<vmem>>, vector<16xf32>,
      %mul3A_960 = arith.mulf %get3A_959, %get3A_82 : vector<16xf32>
      %get3A_961 = arith.index_cast %add3A_932 : i32 to index
      %get3A_962 = arith.constant 112 : index
      %get3A_963 = tpu.vector_load %arg5[%get3A_961, %get3A_962] {strides = array<i32>} : memref<80x129xf32, #tpu.memory_space<vmem>>, vector<16xf32>,
      %mul3A_964 = arith.mulf %get3A_963, %get3A_84 : vector<16xf32>
      %add3A_965 = arith.addf %mul3A_936, %mul3A_940 : vector<16xf32>
      %add3A_966 = arith.addf %mul3A_944, %mul3A_948 : vector<16xf32>
      %add3A_967 = arith.addf %add3A_965, %add3A_966 : vector<16xf32>
      %add3A_968 = arith.addf %mul3A_952, %mul3A_956 : vector<16xf32>
      %add3A_969 = arith.addf %mul3A_960, %mul3A_964 : vector<16xf32>
      %add3A_970 = arith.addf %add3A_968, %add3A_969 : vector<16xf32>
      %add3A_971 = arith.addf %add3A_967, %add3A_970 : vector<16xf32>
      %reshape3A_972 = vector.shape_cast %max3A_15 : vector<16xi32> to vector<16x1xi32>
      %gather3A_973 = vector.shape_cast %reshape3A_972 : vector<16x1xi32> to vector<16xi32>
      %gather3A_974 = tpu.dynamic_gather %add3A_971[%gather3A_973] in [0] : vector<16xf32>, vector<16xi32> -> vector<16xf32>
      %add3A_975 = arith.addf %add3A_971, %gather3A_974 : vector<16xf32>
      %reshape3A_976 = vector.shape_cast %max3A_21 : vector<16xi32> to vector<16x1xi32>
      %gather3A_977 = vector.shape_cast %reshape3A_976 : vector<16x1xi32> to vector<16xi32>
      %gather3A_978 = tpu.dynamic_gather %add3A_975[%gather3A_977] in [0] : vector<16xf32>, vector<16xi32> -> vector<16xf32>
      %add3A_979 = arith.addf %add3A_975, %gather3A_978 : vector<16xf32>
      %reshape3A_980 = vector.shape_cast %max3A_27 : vector<16xi32> to vector<16x1xi32>
      %gather3A_981 = vector.shape_cast %reshape3A_980 : vector<16x1xi32> to vector<16xi32>
      %gather3A_982 = tpu.dynamic_gather %add3A_979[%gather3A_981] in [0] : vector<16xf32>, vector<16xi32> -> vector<16xf32>
      %add3A_983 = arith.addf %add3A_979, %gather3A_982 : vector<16xf32>
      %reshape3A_984 = vector.shape_cast %max3A_33 : vector<16xi32> to vector<16x1xi32>
      %gather3A_985 = vector.shape_cast %reshape3A_984 : vector<16x1xi32> to vector<16xi32>
      %gather3A_986 = tpu.dynamic_gather %add3A_983[%gather3A_985] in [0] : vector<16xf32>, vector<16xi32> -> vector<16xf32>
      %add3A_987 = arith.addf %add3A_983, %gather3A_986 : vector<16xf32>
      %eq3A_988 = arith.constant 12 : i32
      %eq3A_989 = vector.broadcast %eq3A_988 : i32 to vector<16xi32>
      %eq3A_990 = arith.cmpi eq, %iota3A, %eq3A_989 : vector<16xi32>
      %reshape3A_991 = vector.shape_cast %broadcast_in_dim3A_69 : vector<16xi32> to vector<16x1xi32>
      %gather3A_992 = vector.shape_cast %reshape3A_991 : vector<16x1xi32> to vector<16xi32>
      %gather3A_993 = tpu.dynamic_gather %add3A_987[%gather3A_992] in [0] : vector<16xf32>, vector<16xi32> -> vector<16xf32>
      %select_n3A_994 = arith.select %eq3A_990, %gather3A_993, %select_n3A_928 : vector<16xi1>, vector<16xf32>
      %mul3A_995 = arith.constant 16 : i32
      %mul3A_996 = arith.muli %scan3A_130, %mul3A_995 : i32
      %add3A_997 = arith.constant 13 : i32
      %add3A_998 = arith.addi %mul3A_996, %add3A_997 : i32
      %get3A_999 = arith.index_cast %add3A_998 : i32 to index
      %get3A_1000 = arith.constant 0 : index
      %get3A_1001 = tpu.vector_load %arg5[%get3A_999, %get3A_1000] {strides = array<i32>} : memref<80x129xf32, #tpu.memory_space<vmem>>, vector<16xf32>,
      %mul3A_1002 = arith.mulf %get3A_1001, %get3A_70 : vector<16xf32>
      %get3A_1003 = arith.index_cast %add3A_998 : i32 to index
      %get3A_1004 = arith.constant 16 : index
      %get3A_1005 = tpu.vector_load %arg5[%get3A_1003, %get3A_1004] {strides = array<i32>} : memref<80x129xf32, #tpu.memory_space<vmem>>, vector<16xf32>,
      %mul3A_1006 = arith.mulf %get3A_1005, %get3A_72 : vector<16xf32>
      %get3A_1007 = arith.index_cast %add3A_998 : i32 to index
      %get3A_1008 = arith.constant 32 : index
      %get3A_1009 = tpu.vector_load %arg5[%get3A_1007, %get3A_1008] {strides = array<i32>} : memref<80x129xf32, #tpu.memory_space<vmem>>, vector<16xf32>,
      %mul3A_1010 = arith.mulf %get3A_1009, %get3A_74 : vector<16xf32>
      %get3A_1011 = arith.index_cast %add3A_998 : i32 to index
      %get3A_1012 = arith.constant 48 : index
      %get3A_1013 = tpu.vector_load %arg5[%get3A_1011, %get3A_1012] {strides = array<i32>} : memref<80x129xf32, #tpu.memory_space<vmem>>, vector<16xf32>,
      %mul3A_1014 = arith.mulf %get3A_1013, %get3A_76 : vector<16xf32>
      %get3A_1015 = arith.index_cast %add3A_998 : i32 to index
      %get3A_1016 = arith.constant 64 : index
      %get3A_1017 = tpu.vector_load %arg5[%get3A_1015, %get3A_1016] {strides = array<i32>} : memref<80x129xf32, #tpu.memory_space<vmem>>, vector<16xf32>,
      %mul3A_1018 = arith.mulf %get3A_1017, %get3A_78 : vector<16xf32>
      %get3A_1019 = arith.index_cast %add3A_998 : i32 to index
      %get3A_1020 = arith.constant 80 : index
      %get3A_1021 = tpu.vector_load %arg5[%get3A_1019, %get3A_1020] {strides = array<i32>} : memref<80x129xf32, #tpu.memory_space<vmem>>, vector<16xf32>,
      %mul3A_1022 = arith.mulf %get3A_1021, %get3A_80 : vector<16xf32>
      %get3A_1023 = arith.index_cast %add3A_998 : i32 to index
      %get3A_1024 = arith.constant 96 : index
      %get3A_1025 = tpu.vector_load %arg5[%get3A_1023, %get3A_1024] {strides = array<i32>} : memref<80x129xf32, #tpu.memory_space<vmem>>, vector<16xf32>,
      %mul3A_1026 = arith.mulf %get3A_1025, %get3A_82 : vector<16xf32>
      %get3A_1027 = arith.index_cast %add3A_998 : i32 to index
      %get3A_1028 = arith.constant 112 : index
      %get3A_1029 = tpu.vector_load %arg5[%get3A_1027, %get3A_1028] {strides = array<i32>} : memref<80x129xf32, #tpu.memory_space<vmem>>, vector<16xf32>,
      %mul3A_1030 = arith.mulf %get3A_1029, %get3A_84 : vector<16xf32>
      %add3A_1031 = arith.addf %mul3A_1002, %mul3A_1006 : vector<16xf32>
      %add3A_1032 = arith.addf %mul3A_1010, %mul3A_1014 : vector<16xf32>
      %add3A_1033 = arith.addf %add3A_1031, %add3A_1032 : vector<16xf32>
      %add3A_1034 = arith.addf %mul3A_1018, %mul3A_1022 : vector<16xf32>
      %add3A_1035 = arith.addf %mul3A_1026, %mul3A_1030 : vector<16xf32>
      %add3A_1036 = arith.addf %add3A_1034, %add3A_1035 : vector<16xf32>
      %add3A_1037 = arith.addf %add3A_1033, %add3A_1036 : vector<16xf32>
      %reshape3A_1038 = vector.shape_cast %max3A_15 : vector<16xi32> to vector<16x1xi32>
      %gather3A_1039 = vector.shape_cast %reshape3A_1038 : vector<16x1xi32> to vector<16xi32>
      %gather3A_1040 = tpu.dynamic_gather %add3A_1037[%gather3A_1039] in [0] : vector<16xf32>, vector<16xi32> -> vector<16xf32>
      %add3A_1041 = arith.addf %add3A_1037, %gather3A_1040 : vector<16xf32>
      %reshape3A_1042 = vector.shape_cast %max3A_21 : vector<16xi32> to vector<16x1xi32>
      %gather3A_1043 = vector.shape_cast %reshape3A_1042 : vector<16x1xi32> to vector<16xi32>
      %gather3A_1044 = tpu.dynamic_gather %add3A_1041[%gather3A_1043] in [0] : vector<16xf32>, vector<16xi32> -> vector<16xf32>
      %add3A_1045 = arith.addf %add3A_1041, %gather3A_1044 : vector<16xf32>
      %reshape3A_1046 = vector.shape_cast %max3A_27 : vector<16xi32> to vector<16x1xi32>
      %gather3A_1047 = vector.shape_cast %reshape3A_1046 : vector<16x1xi32> to vector<16xi32>
      %gather3A_1048 = tpu.dynamic_gather %add3A_1045[%gather3A_1047] in [0] : vector<16xf32>, vector<16xi32> -> vector<16xf32>
      %add3A_1049 = arith.addf %add3A_1045, %gather3A_1048 : vector<16xf32>
      %reshape3A_1050 = vector.shape_cast %max3A_33 : vector<16xi32> to vector<16x1xi32>
      %gather3A_1051 = vector.shape_cast %reshape3A_1050 : vector<16x1xi32> to vector<16xi32>
      %gather3A_1052 = tpu.dynamic_gather %add3A_1049[%gather3A_1051] in [0] : vector<16xf32>, vector<16xi32> -> vector<16xf32>
      %add3A_1053 = arith.addf %add3A_1049, %gather3A_1052 : vector<16xf32>
      %eq3A_1054 = arith.constant 13 : i32
      %eq3A_1055 = vector.broadcast %eq3A_1054 : i32 to vector<16xi32>
      %eq3A_1056 = arith.cmpi eq, %iota3A, %eq3A_1055 : vector<16xi32>
      %reshape3A_1057 = vector.shape_cast %broadcast_in_dim3A_69 : vector<16xi32> to vector<16x1xi32>
      %gather3A_1058 = vector.shape_cast %reshape3A_1057 : vector<16x1xi32> to vector<16xi32>
      %gather3A_1059 = tpu.dynamic_gather %add3A_1053[%gather3A_1058] in [0] : vector<16xf32>, vector<16xi32> -> vector<16xf32>
      %select_n3A_1060 = arith.select %eq3A_1056, %gather3A_1059, %select_n3A_994 : vector<16xi1>, vector<16xf32>
      %mul3A_1061 = arith.constant 16 : i32
      %mul3A_1062 = arith.muli %scan3A_130, %mul3A_1061 : i32
      %add3A_1063 = arith.constant 14 : i32
      %add3A_1064 = arith.addi %mul3A_1062, %add3A_1063 : i32
      %get3A_1065 = arith.index_cast %add3A_1064 : i32 to index
      %get3A_1066 = arith.constant 0 : index
      %get3A_1067 = tpu.vector_load %arg5[%get3A_1065, %get3A_1066] {strides = array<i32>} : memref<80x129xf32, #tpu.memory_space<vmem>>, vector<16xf32>,
      %mul3A_1068 = arith.mulf %get3A_1067, %get3A_70 : vector<16xf32>
      %get3A_1069 = arith.index_cast %add3A_1064 : i32 to index
      %get3A_1070 = arith.constant 16 : index
      %get3A_1071 = tpu.vector_load %arg5[%get3A_1069, %get3A_1070] {strides = array<i32>} : memref<80x129xf32, #tpu.memory_space<vmem>>, vector<16xf32>,
      %mul3A_1072 = arith.mulf %get3A_1071, %get3A_72 : vector<16xf32>
      %get3A_1073 = arith.index_cast %add3A_1064 : i32 to index
      %get3A_1074 = arith.constant 32 : index
      %get3A_1075 = tpu.vector_load %arg5[%get3A_1073, %get3A_1074] {strides = array<i32>} : memref<80x129xf32, #tpu.memory_space<vmem>>, vector<16xf32>,
      %mul3A_1076 = arith.mulf %get3A_1075, %get3A_74 : vector<16xf32>
      %get3A_1077 = arith.index_cast %add3A_1064 : i32 to index
      %get3A_1078 = arith.constant 48 : index
      %get3A_1079 = tpu.vector_load %arg5[%get3A_1077, %get3A_1078] {strides = array<i32>} : memref<80x129xf32, #tpu.memory_space<vmem>>, vector<16xf32>,
      %mul3A_1080 = arith.mulf %get3A_1079, %get3A_76 : vector<16xf32>
      %get3A_1081 = arith.index_cast %add3A_1064 : i32 to index
      %get3A_1082 = arith.constant 64 : index
      %get3A_1083 = tpu.vector_load %arg5[%get3A_1081, %get3A_1082] {strides = array<i32>} : memref<80x129xf32, #tpu.memory_space<vmem>>, vector<16xf32>,
      %mul3A_1084 = arith.mulf %get3A_1083, %get3A_78 : vector<16xf32>
      %get3A_1085 = arith.index_cast %add3A_1064 : i32 to index
      %get3A_1086 = arith.constant 80 : index
      %get3A_1087 = tpu.vector_load %arg5[%get3A_1085, %get3A_1086] {strides = array<i32>} : memref<80x129xf32, #tpu.memory_space<vmem>>, vector<16xf32>,
      %mul3A_1088 = arith.mulf %get3A_1087, %get3A_80 : vector<16xf32>
      %get3A_1089 = arith.index_cast %add3A_1064 : i32 to index
      %get3A_1090 = arith.constant 96 : index
      %get3A_1091 = tpu.vector_load %arg5[%get3A_1089, %get3A_1090] {strides = array<i32>} : memref<80x129xf32, #tpu.memory_space<vmem>>, vector<16xf32>,
      %mul3A_1092 = arith.mulf %get3A_1091, %get3A_82 : vector<16xf32>
      %get3A_1093 = arith.index_cast %add3A_1064 : i32 to index
      %get3A_1094 = arith.constant 112 : index
      %get3A_1095 = tpu.vector_load %arg5[%get3A_1093, %get3A_1094] {strides = array<i32>} : memref<80x129xf32, #tpu.memory_space<vmem>>, vector<16xf32>,
      %mul3A_1096 = arith.mulf %get3A_1095, %get3A_84 : vector<16xf32>
      %add3A_1097 = arith.addf %mul3A_1068, %mul3A_1072 : vector<16xf32>
      %add3A_1098 = arith.addf %mul3A_1076, %mul3A_1080 : vector<16xf32>
      %add3A_1099 = arith.addf %add3A_1097, %add3A_1098 : vector<16xf32>
      %add3A_1100 = arith.addf %mul3A_1084, %mul3A_1088 : vector<16xf32>
      %add3A_1101 = arith.addf %mul3A_1092, %mul3A_1096 : vector<16xf32>
      %add3A_1102 = arith.addf %add3A_1100, %add3A_1101 : vector<16xf32>
      %add3A_1103 = arith.addf %add3A_1099, %add3A_1102 : vector<16xf32>
      %reshape3A_1104 = vector.shape_cast %max3A_15 : vector<16xi32> to vector<16x1xi32>
      %gather3A_1105 = vector.shape_cast %reshape3A_1104 : vector<16x1xi32> to vector<16xi32>
      %gather3A_1106 = tpu.dynamic_gather %add3A_1103[%gather3A_1105] in [0] : vector<16xf32>, vector<16xi32> -> vector<16xf32>
      %add3A_1107 = arith.addf %add3A_1103, %gather3A_1106 : vector<16xf32>
      %reshape3A_1108 = vector.shape_cast %max3A_21 : vector<16xi32> to vector<16x1xi32>
      %gather3A_1109 = vector.shape_cast %reshape3A_1108 : vector<16x1xi32> to vector<16xi32>
      %gather3A_1110 = tpu.dynamic_gather %add3A_1107[%gather3A_1109] in [0] : vector<16xf32>, vector<16xi32> -> vector<16xf32>
      %add3A_1111 = arith.addf %add3A_1107, %gather3A_1110 : vector<16xf32>
      %reshape3A_1112 = vector.shape_cast %max3A_27 : vector<16xi32> to vector<16x1xi32>
      %gather3A_1113 = vector.shape_cast %reshape3A_1112 : vector<16x1xi32> to vector<16xi32>
      %gather3A_1114 = tpu.dynamic_gather %add3A_1111[%gather3A_1113] in [0] : vector<16xf32>, vector<16xi32> -> vector<16xf32>
      %add3A_1115 = arith.addf %add3A_1111, %gather3A_1114 : vector<16xf32>
      %reshape3A_1116 = vector.shape_cast %max3A_33 : vector<16xi32> to vector<16x1xi32>
      %gather3A_1117 = vector.shape_cast %reshape3A_1116 : vector<16x1xi32> to vector<16xi32>
      %gather3A_1118 = tpu.dynamic_gather %add3A_1115[%gather3A_1117] in [0] : vector<16xf32>, vector<16xi32> -> vector<16xf32>
      %add3A_1119 = arith.addf %add3A_1115, %gather3A_1118 : vector<16xf32>
      %eq3A_1120 = arith.constant 14 : i32
      %eq3A_1121 = vector.broadcast %eq3A_1120 : i32 to vector<16xi32>
      %eq3A_1122 = arith.cmpi eq, %iota3A, %eq3A_1121 : vector<16xi32>
      %reshape3A_1123 = vector.shape_cast %broadcast_in_dim3A_69 : vector<16xi32> to vector<16x1xi32>
      %gather3A_1124 = vector.shape_cast %reshape3A_1123 : vector<16x1xi32> to vector<16xi32>
      %gather3A_1125 = tpu.dynamic_gather %add3A_1119[%gather3A_1124] in [0] : vector<16xf32>, vector<16xi32> -> vector<16xf32>
      %select_n3A_1126 = arith.select %eq3A_1122, %gather3A_1125, %select_n3A_1060 : vector<16xi1>, vector<16xf32>
      %mul3A_1127 = arith.constant 16 : i32
      %mul3A_1128 = arith.muli %scan3A_130, %mul3A_1127 : i32
      %add3A_1129 = arith.constant 15 : i32
      %add3A_1130 = arith.addi %mul3A_1128, %add3A_1129 : i32
      %get3A_1131 = arith.index_cast %add3A_1130 : i32 to index
      %get3A_1132 = arith.constant 0 : index
      %get3A_1133 = tpu.vector_load %arg5[%get3A_1131, %get3A_1132] {strides = array<i32>} : memref<80x129xf32, #tpu.memory_space<vmem>>, vector<16xf32>,
      %mul3A_1134 = arith.mulf %get3A_1133, %get3A_70 : vector<16xf32>
      %get3A_1135 = arith.index_cast %add3A_1130 : i32 to index
      %get3A_1136 = arith.constant 16 : index
      %get3A_1137 = tpu.vector_load %arg5[%get3A_1135, %get3A_1136] {strides = array<i32>} : memref<80x129xf32, #tpu.memory_space<vmem>>, vector<16xf32>,
      %mul3A_1138 = arith.mulf %get3A_1137, %get3A_72 : vector<16xf32>
      %get3A_1139 = arith.index_cast %add3A_1130 : i32 to index
      %get3A_1140 = arith.constant 32 : index
      %get3A_1141 = tpu.vector_load %arg5[%get3A_1139, %get3A_1140] {strides = array<i32>} : memref<80x129xf32, #tpu.memory_space<vmem>>, vector<16xf32>,
      %mul3A_1142 = arith.mulf %get3A_1141, %get3A_74 : vector<16xf32>
      %get3A_1143 = arith.index_cast %add3A_1130 : i32 to index
      %get3A_1144 = arith.constant 48 : index
      %get3A_1145 = tpu.vector_load %arg5[%get3A_1143, %get3A_1144] {strides = array<i32>} : memref<80x129xf32, #tpu.memory_space<vmem>>, vector<16xf32>,
      %mul3A_1146 = arith.mulf %get3A_1145, %get3A_76 : vector<16xf32>
      %get3A_1147 = arith.index_cast %add3A_1130 : i32 to index
      %get3A_1148 = arith.constant 64 : index
      %get3A_1149 = tpu.vector_load %arg5[%get3A_1147, %get3A_1148] {strides = array<i32>} : memref<80x129xf32, #tpu.memory_space<vmem>>, vector<16xf32>,
      %mul3A_1150 = arith.mulf %get3A_1149, %get3A_78 : vector<16xf32>
      %get3A_1151 = arith.index_cast %add3A_1130 : i32 to index
      %get3A_1152 = arith.constant 80 : index
      %get3A_1153 = tpu.vector_load %arg5[%get3A_1151, %get3A_1152] {strides = array<i32>} : memref<80x129xf32, #tpu.memory_space<vmem>>, vector<16xf32>,
      %mul3A_1154 = arith.mulf %get3A_1153, %get3A_80 : vector<16xf32>
      %get3A_1155 = arith.index_cast %add3A_1130 : i32 to index
      %get3A_1156 = arith.constant 96 : index
      %get3A_1157 = tpu.vector_load %arg5[%get3A_1155, %get3A_1156] {strides = array<i32>} : memref<80x129xf32, #tpu.memory_space<vmem>>, vector<16xf32>,
      %mul3A_1158 = arith.mulf %get3A_1157, %get3A_82 : vector<16xf32>
      %get3A_1159 = arith.index_cast %add3A_1130 : i32 to index
      %get3A_1160 = arith.constant 112 : index
      %get3A_1161 = tpu.vector_load %arg5[%get3A_1159, %get3A_1160] {strides = array<i32>} : memref<80x129xf32, #tpu.memory_space<vmem>>, vector<16xf32>,
      %mul3A_1162 = arith.mulf %get3A_1161, %get3A_84 : vector<16xf32>
      %add3A_1163 = arith.addf %mul3A_1134, %mul3A_1138 : vector<16xf32>
      %add3A_1164 = arith.addf %mul3A_1142, %mul3A_1146 : vector<16xf32>
      %add3A_1165 = arith.addf %add3A_1163, %add3A_1164 : vector<16xf32>
      %add3A_1166 = arith.addf %mul3A_1150, %mul3A_1154 : vector<16xf32>
      %add3A_1167 = arith.addf %mul3A_1158, %mul3A_1162 : vector<16xf32>
      %add3A_1168 = arith.addf %add3A_1166, %add3A_1167 : vector<16xf32>
      %add3A_1169 = arith.addf %add3A_1165, %add3A_1168 : vector<16xf32>
      %reshape3A_1170 = vector.shape_cast %max3A_15 : vector<16xi32> to vector<16x1xi32>
      %gather3A_1171 = vector.shape_cast %reshape3A_1170 : vector<16x1xi32> to vector<16xi32>
      %gather3A_1172 = tpu.dynamic_gather %add3A_1169[%gather3A_1171] in [0] : vector<16xf32>, vector<16xi32> -> vector<16xf32>
      %add3A_1173 = arith.addf %add3A_1169, %gather3A_1172 : vector<16xf32>
      %reshape3A_1174 = vector.shape_cast %max3A_21 : vector<16xi32> to vector<16x1xi32>
      %gather3A_1175 = vector.shape_cast %reshape3A_1174 : vector<16x1xi32> to vector<16xi32>
      %gather3A_1176 = tpu.dynamic_gather %add3A_1173[%gather3A_1175] in [0] : vector<16xf32>, vector<16xi32> -> vector<16xf32>
      %add3A_1177 = arith.addf %add3A_1173, %gather3A_1176 : vector<16xf32>
      %reshape3A_1178 = vector.shape_cast %max3A_27 : vector<16xi32> to vector<16x1xi32>
      %gather3A_1179 = vector.shape_cast %reshape3A_1178 : vector<16x1xi32> to vector<16xi32>
      %gather3A_1180 = tpu.dynamic_gather %add3A_1177[%gather3A_1179] in [0] : vector<16xf32>, vector<16xi32> -> vector<16xf32>
      %add3A_1181 = arith.addf %add3A_1177, %gather3A_1180 : vector<16xf32>
      %reshape3A_1182 = vector.shape_cast %max3A_33 : vector<16xi32> to vector<16x1xi32>
      %gather3A_1183 = vector.shape_cast %reshape3A_1182 : vector<16x1xi32> to vector<16xi32>
      %gather3A_1184 = tpu.dynamic_gather %add3A_1181[%gather3A_1183] in [0] : vector<16xf32>, vector<16xi32> -> vector<16xf32>
      %add3A_1185 = arith.addf %add3A_1181, %gather3A_1184 : vector<16xf32>
      %eq3A_1186 = arith.constant 15 : i32
      %eq3A_1187 = vector.broadcast %eq3A_1186 : i32 to vector<16xi32>
      %eq3A_1188 = arith.cmpi eq, %iota3A, %eq3A_1187 : vector<16xi32>
      %reshape3A_1189 = vector.shape_cast %broadcast_in_dim3A_69 : vector<16xi32> to vector<16x1xi32>
      %gather3A_1190 = vector.shape_cast %reshape3A_1189 : vector<16x1xi32> to vector<16xi32>
      %gather3A_1191 = tpu.dynamic_gather %add3A_1185[%gather3A_1190] in [0] : vector<16xf32>, vector<16xi32> -> vector<16xf32>
      %select_n3A_1192 = arith.select %eq3A_1188, %gather3A_1191, %select_n3A_1126 : vector<16xi1>, vector<16xf32>
      %mul3A_1193 = arith.constant 16 : i32
      %mul3A_1194 = arith.muli %scan3A_130, %mul3A_1193 : i32
      %add3A_1195 = vector.broadcast %mul3A_1194 : i32 to vector<16xi32>
      %add3A_1196 = arith.addi %add3A_1195, %iota3A : vector<16xi32>
      %gather3A_1197 = tpu.vector_load_idx %arg5[%add3A_1196, %add3A_95] : memref<80x129xf32, #tpu.memory_space<vmem>>[vector<16xi32>, vector<16xi32>], vector<16xf32>,
      %mul3A_1198 = arith.mulf %gather3A_1197, %gather3A_92 : vector<16xf32>
      %add3A_1199 = arith.addf %select_n3A_1192, %mul3A_1198 : vector<16xf32>
      %add3A_1200 = arith.addf %add3A_1199, %gather3A_89 : vector<16xf32>
      %max3A_1201 = arith.constant 0.000000e+00 : f32
      %max3A_1202 = vector.broadcast %max3A_1201 : f32 to vector<16xf32>
      %max3A_1203 = arith.maximumf %add3A_1200, %max3A_1202 : vector<16xf32>
      %reshape3A_1204 = vector.shape_cast %max3A_15 : vector<16xi32> to vector<16x1xi32>
      %gather3A_1205 = vector.shape_cast %reshape3A_1204 : vector<16x1xi32> to vector<16xi32>
      %gather3A_1206 = tpu.dynamic_gather %max3A_1203[%gather3A_1205] in [0] : vector<16xf32>, vector<16xi32> -> vector<16xf32>
      %reshape3A_1207 = vector.shape_cast %max3A_15 : vector<16xi32> to vector<16x1xi32>
      %gather3A_1208 = vector.shape_cast %reshape3A_1207 : vector<16x1xi32> to vector<16xi32>
      %gather3A_1209 = tpu.dynamic_gather %convert_element_type3A[%gather3A_1208] in [0] : vector<16xi32>, vector<16xi32> -> vector<16xi32>
      %eq3A_1210 = arith.cmpi eq, %gather3A_1209, %convert_element_type3A : vector<16xi32>
      %max3A_1211 = arith.maximumf %max3A_1203, %gather3A_1206 : vector<16xf32>
      %select_n3A_1212 = arith.select %eq3A_1210, %max3A_1211, %max3A_1203 : vector<16xi1>, vector<16xf32>
      %reshape3A_1213 = vector.shape_cast %max3A_21 : vector<16xi32> to vector<16x1xi32>
      %gather3A_1214 = vector.shape_cast %reshape3A_1213 : vector<16x1xi32> to vector<16xi32>
      %gather3A_1215 = tpu.dynamic_gather %select_n3A_1212[%gather3A_1214] in [0] : vector<16xf32>, vector<16xi32> -> vector<16xf32>
      %reshape3A_1216 = vector.shape_cast %max3A_21 : vector<16xi32> to vector<16x1xi32>
      %gather3A_1217 = vector.shape_cast %reshape3A_1216 : vector<16x1xi32> to vector<16xi32>
      %gather3A_1218 = tpu.dynamic_gather %convert_element_type3A[%gather3A_1217] in [0] : vector<16xi32>, vector<16xi32> -> vector<16xi32>
      %eq3A_1219 = arith.cmpi eq, %gather3A_1218, %convert_element_type3A : vector<16xi32>
      %max3A_1220 = arith.maximumf %select_n3A_1212, %gather3A_1215 : vector<16xf32>
      %select_n3A_1221 = arith.select %eq3A_1219, %max3A_1220, %select_n3A_1212 : vector<16xi1>, vector<16xf32>
      %reshape3A_1222 = vector.shape_cast %max3A_27 : vector<16xi32> to vector<16x1xi32>
      %gather3A_1223 = vector.shape_cast %reshape3A_1222 : vector<16x1xi32> to vector<16xi32>
      %gather3A_1224 = tpu.dynamic_gather %select_n3A_1221[%gather3A_1223] in [0] : vector<16xf32>, vector<16xi32> -> vector<16xf32>
      %reshape3A_1225 = vector.shape_cast %max3A_27 : vector<16xi32> to vector<16x1xi32>
      %gather3A_1226 = vector.shape_cast %reshape3A_1225 : vector<16x1xi32> to vector<16xi32>
      %gather3A_1227 = tpu.dynamic_gather %convert_element_type3A[%gather3A_1226] in [0] : vector<16xi32>, vector<16xi32> -> vector<16xi32>
      %eq3A_1228 = arith.cmpi eq, %gather3A_1227, %convert_element_type3A : vector<16xi32>
      %max3A_1229 = arith.maximumf %select_n3A_1221, %gather3A_1224 : vector<16xf32>
      %select_n3A_1230 = arith.select %eq3A_1228, %max3A_1229, %select_n3A_1221 : vector<16xi1>, vector<16xf32>
      %reshape3A_1231 = vector.shape_cast %max3A_33 : vector<16xi32> to vector<16x1xi32>
      %gather3A_1232 = vector.shape_cast %reshape3A_1231 : vector<16x1xi32> to vector<16xi32>
      %gather3A_1233 = tpu.dynamic_gather %select_n3A_1230[%gather3A_1232] in [0] : vector<16xf32>, vector<16xi32> -> vector<16xf32>
      %reshape3A_1234 = vector.shape_cast %max3A_33 : vector<16xi32> to vector<16x1xi32>
      %gather3A_1235 = vector.shape_cast %reshape3A_1234 : vector<16x1xi32> to vector<16xi32>
      %gather3A_1236 = tpu.dynamic_gather %convert_element_type3A[%gather3A_1235] in [0] : vector<16xi32>, vector<16xi32> -> vector<16xi32>
      %eq3A_1237 = arith.cmpi eq, %gather3A_1236, %convert_element_type3A : vector<16xi32>
      %max3A_1238 = arith.maximumf %select_n3A_1230, %gather3A_1233 : vector<16xf32>
      %select_n3A_1239 = arith.select %eq3A_1237, %max3A_1238, %select_n3A_1230 : vector<16xi1>, vector<16xf32>
      %reshape3A_1240 = vector.shape_cast %min3A_11 : vector<16xi32> to vector<16x1xi32>
      %gather3A_1241 = vector.shape_cast %reshape3A_1240 : vector<16x1xi32> to vector<16xi32>
      %gather3A_1242 = tpu.dynamic_gather %convert_element_type3A[%gather3A_1241] in [0] : vector<16xi32>, vector<16xi32> -> vector<16xi32>
      %ne3A = arith.cmpi ne, %convert_element_type3A, %gather3A_1242 : vector<16xi32>
      %or3A = arith.ori %ne3A, %eq3A_35 : vector<16xi1>
      %gather3A_1243 = tpu.vector_load_idx %arg8[%convert_element_type3A] masked %or3A : memref<10240xf32, #tpu.memory_space<vmem>>[vector<16xi32>], vector<16xf32>, vector<16xi1>
      %max3A_1244 = arith.maximumf %gather3A_1243, %select_n3A_1239 : vector<16xf32>
      tpu.vector_store_idx %arg8[%convert_element_type3A], %max3A_1244 masked %or3A : memref<10240xf32, #tpu.memory_space<vmem>>[vector<16xi32>], vector<16xf32>, vector<16xi1>
    }
    %scan3A_119 = arith.constant 5 : i32
    "tpu.region"() ({
      %run_scoped3A = tpu.sem_alloc : memref<!tpu.dma_semaphore, #tpu.memory_space<semaphore_mem>>
      %dma_start3A_130 = arith.constant 0 : i32
      %dma_start3A_131 = tpu.memref_slice %arg9[%arg1, %dma_start3A_130] : memref<16x10240xf32, #tpu.memory_space<vmem_shared>> -> memref<1x10240xf32, #tpu.memory_space<vmem_shared>>
      %dma_start3A_132 = tpu.memref_squeeze %dma_start3A_131 : memref<1x10240xf32, #tpu.memory_space<vmem_shared>> -> memref<10240xf32, #tpu.memory_space<vmem_shared>>
      %dma_start3A_133 = arith.constant 0 : i32
      %dma_start3A_134 = tpu.memref_slice %arg9[%arg1, %dma_start3A_133] : memref<16x10240xf32, #tpu.memory_space<vmem_shared>> -> memref<1x10240xf32, #tpu.memory_space<vmem_shared>>
      %dma_start3A_135 = tpu.memref_squeeze %dma_start3A_134 : memref<1x10240xf32, #tpu.memory_space<vmem_shared>> -> memref<10240xf32, #tpu.memory_space<vmem_shared>>
      tpu.enqueue_dma source(%arg8 : memref<10240xf32, #tpu.memory_space<vmem>>) target(%dma_start3A_135 : memref<10240xf32, #tpu.memory_space<vmem_shared>>) target_semaphore(%run_scoped3A : memref<!tpu.dma_semaphore, #tpu.memory_space<semaphore_mem>>)
      %dma_wait3A_136 = arith.constant 0 : i32
      %dma_wait3A_137 = tpu.memref_slice %arg9[%arg1, %dma_wait3A_136] : memref<16x10240xf32, #tpu.memory_space<vmem_shared>> -> memref<1x10240xf32, #tpu.memory_space<vmem_shared>>
      %dma_wait3A_138 = tpu.memref_squeeze %dma_wait3A_137 : memref<1x10240xf32, #tpu.memory_space<vmem_shared>> -> memref<10240xf32, #tpu.memory_space<vmem_shared>>
      %dma_wait3A_139 = arith.constant 0 : i32
      %dma_wait3A_140 = tpu.memref_slice %arg9[%arg1, %dma_wait3A_139] : memref<16x10240xf32, #tpu.memory_space<vmem_shared>> -> memref<1x10240xf32, #tpu.memory_space<vmem_shared>>
      %dma_wait3A_141 = tpu.memref_squeeze %dma_wait3A_140 : memref<1x10240xf32, #tpu.memory_space<vmem_shared>> -> memref<10240xf32, #tpu.memory_space<vmem_shared>>
      tpu.wait_dma2 semaphore(%run_scoped3A : memref<!tpu.dma_semaphore, #tpu.memory_space<semaphore_mem>>) src(%arg8 : memref<10240xf32, #tpu.memory_space<vmem>>) dst(%dma_wait3A_141 : memref<10240xf32, #tpu.memory_space<vmem_shared>>)
      tpu.yield
    }) : () -> ()
    %barrier3A = arith.constant 0 : index
    tpu.barrier barrier_id(%barrier3A)
    %mul3A_120 = arith.constant 640 : i32
    %mul3A_121 = arith.muli %arg1, %mul3A_120 : i32
    "tpu.region"() ({
      %run_scoped3A = tpu.sem_alloc : memref<!tpu.dma_semaphore, #tpu.memory_space<semaphore_mem>>
      %dma_start3A_130 = arith.constant 0 : i32
      %dma_start3A_131 = tpu.memref_slice %arg9[%dma_start3A_130, %mul3A_121] : memref<16x10240xf32, #tpu.memory_space<vmem_shared>> -> memref<16x640xf32, #tpu.memory_space<vmem_shared>>
      %dma_start3A_132 = arith.constant 0 : i32
      %dma_start3A_133 = tpu.memref_slice %arg9[%dma_start3A_132, %mul3A_121] : memref<16x10240xf32, #tpu.memory_space<vmem_shared>> -> memref<16x640xf32, #tpu.memory_space<vmem_shared>>
      tpu.enqueue_dma source(%dma_start3A_133 : memref<16x640xf32, #tpu.memory_space<vmem_shared>>) target(%arg10 : memref<16x640xf32, #tpu.memory_space<vmem>>) target_semaphore(%run_scoped3A : memref<!tpu.dma_semaphore, #tpu.memory_space<semaphore_mem>>)
      %dma_wait3A_134 = arith.constant 0 : i32
      %dma_wait3A_135 = tpu.memref_slice %arg9[%dma_wait3A_134, %mul3A_121] : memref<16x10240xf32, #tpu.memory_space<vmem_shared>> -> memref<16x640xf32, #tpu.memory_space<vmem_shared>>
      %dma_wait3A_136 = arith.constant 0 : i32
      %dma_wait3A_137 = tpu.memref_slice %arg9[%dma_wait3A_136, %mul3A_121] : memref<16x10240xf32, #tpu.memory_space<vmem_shared>> -> memref<16x640xf32, #tpu.memory_space<vmem_shared>>
      tpu.wait_dma2 semaphore(%run_scoped3A : memref<!tpu.dma_semaphore, #tpu.memory_space<semaphore_mem>>) src(%dma_wait3A_137 : memref<16x640xf32, #tpu.memory_space<vmem_shared>>) dst(%arg10 : memref<16x640xf32, #tpu.memory_space<vmem>>)
      tpu.yield
    }) : () -> ()
    %scan3A_122 = arith.constant 0 : i32
    %scan3A_123 = arith.constant 0 : i32
    %scan3A_124 = arith.constant 40 : i32
    %scan3A_125 = arith.addi %scan3A_123, %scan3A_124 : i32
    %scan3A_126 = arith.constant 1 : i32
    scf.for %scan3A_130 = %scan3A_123 to %scan3A_125 step %scan3A_126  : i32 {
      %mul3A_131 = arith.constant 16 : i32
      %mul3A_132 = arith.muli %scan3A_130, %mul3A_131 : i32
      %get3A_133 = arith.constant 0 : i32
      %get3A_134 = arith.index_cast %get3A_133 : i32 to index
      %get3A_135 = arith.index_cast %mul3A_132 : i32 to index
      %get3A_136 = tpu.vector_load %arg10[%get3A_134, %get3A_135] {strides = array<i32>} : memref<16x640xf32, #tpu.memory_space<vmem>>, vector<16xf32>,
      %mul3A_137 = arith.constant 16 : i32
      %mul3A_138 = arith.muli %scan3A_130, %mul3A_137 : i32
      %get3A_139 = arith.constant 1 : i32
      %get3A_140 = arith.index_cast %get3A_139 : i32 to index
      %get3A_141 = arith.index_cast %mul3A_138 : i32 to index
      %get3A_142 = tpu.vector_load %arg10[%get3A_140, %get3A_141] {strides = array<i32>} : memref<16x640xf32, #tpu.memory_space<vmem>>, vector<16xf32>,
      %max3A_143 = arith.maximumf %get3A_136, %get3A_142 : vector<16xf32>
      %mul3A_144 = arith.constant 16 : i32
      %mul3A_145 = arith.muli %scan3A_130, %mul3A_144 : i32
      %get3A_146 = arith.constant 2 : i32
      %get3A_147 = arith.index_cast %get3A_146 : i32 to index
      %get3A_148 = arith.index_cast %mul3A_145 : i32 to index
      %get3A_149 = tpu.vector_load %arg10[%get3A_147, %get3A_148] {strides = array<i32>} : memref<16x640xf32, #tpu.memory_space<vmem>>, vector<16xf32>,
      %max3A_150 = arith.maximumf %max3A_143, %get3A_149 : vector<16xf32>
      %mul3A_151 = arith.constant 16 : i32
      %mul3A_152 = arith.muli %scan3A_130, %mul3A_151 : i32
      %get3A_153 = arith.constant 3 : i32
      %get3A_154 = arith.index_cast %get3A_153 : i32 to index
      %get3A_155 = arith.index_cast %mul3A_152 : i32 to index
      %get3A_156 = tpu.vector_load %arg10[%get3A_154, %get3A_155] {strides = array<i32>} : memref<16x640xf32, #tpu.memory_space<vmem>>, vector<16xf32>,
      %max3A_157 = arith.maximumf %max3A_150, %get3A_156 : vector<16xf32>
      %mul3A_158 = arith.constant 16 : i32
      %mul3A_159 = arith.muli %scan3A_130, %mul3A_158 : i32
      %get3A_160 = arith.constant 4 : i32
      %get3A_161 = arith.index_cast %get3A_160 : i32 to index
      %get3A_162 = arith.index_cast %mul3A_159 : i32 to index
      %get3A_163 = tpu.vector_load %arg10[%get3A_161, %get3A_162] {strides = array<i32>} : memref<16x640xf32, #tpu.memory_space<vmem>>, vector<16xf32>,
      %max3A_164 = arith.maximumf %max3A_157, %get3A_163 : vector<16xf32>
      %mul3A_165 = arith.constant 16 : i32
      %mul3A_166 = arith.muli %scan3A_130, %mul3A_165 : i32
      %get3A_167 = arith.constant 5 : i32
      %get3A_168 = arith.index_cast %get3A_167 : i32 to index
      %get3A_169 = arith.index_cast %mul3A_166 : i32 to index
      %get3A_170 = tpu.vector_load %arg10[%get3A_168, %get3A_169] {strides = array<i32>} : memref<16x640xf32, #tpu.memory_space<vmem>>, vector<16xf32>,
      %max3A_171 = arith.maximumf %max3A_164, %get3A_170 : vector<16xf32>
      %mul3A_172 = arith.constant 16 : i32
      %mul3A_173 = arith.muli %scan3A_130, %mul3A_172 : i32
      %get3A_174 = arith.constant 6 : i32
      %get3A_175 = arith.index_cast %get3A_174 : i32 to index
      %get3A_176 = arith.index_cast %mul3A_173 : i32 to index
      %get3A_177 = tpu.vector_load %arg10[%get3A_175, %get3A_176] {strides = array<i32>} : memref<16x640xf32, #tpu.memory_space<vmem>>, vector<16xf32>,
      %max3A_178 = arith.maximumf %max3A_171, %get3A_177 : vector<16xf32>
      %mul3A_179 = arith.constant 16 : i32
      %mul3A_180 = arith.muli %scan3A_130, %mul3A_179 : i32
      %get3A_181 = arith.constant 7 : i32
      %get3A_182 = arith.index_cast %get3A_181 : i32 to index
      %get3A_183 = arith.index_cast %mul3A_180 : i32 to index
      %get3A_184 = tpu.vector_load %arg10[%get3A_182, %get3A_183] {strides = array<i32>} : memref<16x640xf32, #tpu.memory_space<vmem>>, vector<16xf32>,
      %max3A_185 = arith.maximumf %max3A_178, %get3A_184 : vector<16xf32>
      %mul3A_186 = arith.constant 16 : i32
      %mul3A_187 = arith.muli %scan3A_130, %mul3A_186 : i32
      %get3A_188 = arith.constant 8 : i32
      %get3A_189 = arith.index_cast %get3A_188 : i32 to index
      %get3A_190 = arith.index_cast %mul3A_187 : i32 to index
      %get3A_191 = tpu.vector_load %arg10[%get3A_189, %get3A_190] {strides = array<i32>} : memref<16x640xf32, #tpu.memory_space<vmem>>, vector<16xf32>,
      %max3A_192 = arith.maximumf %max3A_185, %get3A_191 : vector<16xf32>
      %mul3A_193 = arith.constant 16 : i32
      %mul3A_194 = arith.muli %scan3A_130, %mul3A_193 : i32
      %get3A_195 = arith.constant 9 : i32
      %get3A_196 = arith.index_cast %get3A_195 : i32 to index
      %get3A_197 = arith.index_cast %mul3A_194 : i32 to index
      %get3A_198 = tpu.vector_load %arg10[%get3A_196, %get3A_197] {strides = array<i32>} : memref<16x640xf32, #tpu.memory_space<vmem>>, vector<16xf32>,
      %max3A_199 = arith.maximumf %max3A_192, %get3A_198 : vector<16xf32>
      %mul3A_200 = arith.constant 16 : i32
      %mul3A_201 = arith.muli %scan3A_130, %mul3A_200 : i32
      %get3A_202 = arith.constant 10 : i32
      %get3A_203 = arith.index_cast %get3A_202 : i32 to index
      %get3A_204 = arith.index_cast %mul3A_201 : i32 to index
      %get3A_205 = tpu.vector_load %arg10[%get3A_203, %get3A_204] {strides = array<i32>} : memref<16x640xf32, #tpu.memory_space<vmem>>, vector<16xf32>,
      %max3A_206 = arith.maximumf %max3A_199, %get3A_205 : vector<16xf32>
      %mul3A_207 = arith.constant 16 : i32
      %mul3A_208 = arith.muli %scan3A_130, %mul3A_207 : i32
      %get3A_209 = arith.constant 11 : i32
      %get3A_210 = arith.index_cast %get3A_209 : i32 to index
      %get3A_211 = arith.index_cast %mul3A_208 : i32 to index
      %get3A_212 = tpu.vector_load %arg10[%get3A_210, %get3A_211] {strides = array<i32>} : memref<16x640xf32, #tpu.memory_space<vmem>>, vector<16xf32>,
      %max3A_213 = arith.maximumf %max3A_206, %get3A_212 : vector<16xf32>
      %mul3A_214 = arith.constant 16 : i32
      %mul3A_215 = arith.muli %scan3A_130, %mul3A_214 : i32
      %get3A_216 = arith.constant 12 : i32
      %get3A_217 = arith.index_cast %get3A_216 : i32 to index
      %get3A_218 = arith.index_cast %mul3A_215 : i32 to index
      %get3A_219 = tpu.vector_load %arg10[%get3A_217, %get3A_218] {strides = array<i32>} : memref<16x640xf32, #tpu.memory_space<vmem>>, vector<16xf32>,
      %max3A_220 = arith.maximumf %max3A_213, %get3A_219 : vector<16xf32>
      %mul3A_221 = arith.constant 16 : i32
      %mul3A_222 = arith.muli %scan3A_130, %mul3A_221 : i32
      %get3A_223 = arith.constant 13 : i32
      %get3A_224 = arith.index_cast %get3A_223 : i32 to index
      %get3A_225 = arith.index_cast %mul3A_222 : i32 to index
      %get3A_226 = tpu.vector_load %arg10[%get3A_224, %get3A_225] {strides = array<i32>} : memref<16x640xf32, #tpu.memory_space<vmem>>, vector<16xf32>,
      %max3A_227 = arith.maximumf %max3A_220, %get3A_226 : vector<16xf32>
      %mul3A_228 = arith.constant 16 : i32
      %mul3A_229 = arith.muli %scan3A_130, %mul3A_228 : i32
      %get3A_230 = arith.constant 14 : i32
      %get3A_231 = arith.index_cast %get3A_230 : i32 to index
      %get3A_232 = arith.index_cast %mul3A_229 : i32 to index
      %get3A_233 = tpu.vector_load %arg10[%get3A_231, %get3A_232] {strides = array<i32>} : memref<16x640xf32, #tpu.memory_space<vmem>>, vector<16xf32>,
      %max3A_234 = arith.maximumf %max3A_227, %get3A_233 : vector<16xf32>
      %mul3A_235 = arith.constant 16 : i32
      %mul3A_236 = arith.muli %scan3A_130, %mul3A_235 : i32
      %get3A_237 = arith.constant 15 : i32
      %get3A_238 = arith.index_cast %get3A_237 : i32 to index
      %get3A_239 = arith.index_cast %mul3A_236 : i32 to index
      %get3A_240 = tpu.vector_load %arg10[%get3A_238, %get3A_239] {strides = array<i32>} : memref<16x640xf32, #tpu.memory_space<vmem>>, vector<16xf32>,
      %max3A_241 = arith.maximumf %max3A_234, %get3A_240 : vector<16xf32>
      %mul3A_242 = arith.constant 16 : i32
      %mul3A_243 = arith.muli %scan3A_130, %mul3A_242 : i32
      %swap3A = arith.index_cast %mul3A_243 : i32 to index
      %swap3A_244 = tpu.vector_load %arg11[%swap3A] {strides = array<i32>} : memref<640xf32, #tpu.memory_space<vmem>>, vector<16xf32>,
      tpu.vector_store %arg11[%swap3A], %max3A_241 {strides = array<i32>} : memref<640xf32, #tpu.memory_space<vmem>>, vector<16xf32>,
    }
    %scan3A_127 = arith.constant 40 : i32
    %mul3A_128 = arith.constant 640 : i32
    %mul3A_129 = arith.muli %arg1, %mul3A_128 : i32
    "tpu.region"() ({
      %run_scoped3A = tpu.sem_alloc : memref<!tpu.dma_semaphore, #tpu.memory_space<semaphore_mem>>
      %dma_start3A_130 = tpu.memref_slice %arg4[%arg0, %mul3A_129] : memref<2x10240xf32, #tpu.memory_space<hbm>> -> memref<1x640xf32, #tpu.memory_space<hbm>>
      %dma_start3A_131 = tpu.memref_squeeze %dma_start3A_130 : memref<1x640xf32, #tpu.memory_space<hbm>> -> memref<640xf32, #tpu.memory_space<hbm>>
      %dma_start3A_132 = tpu.memref_slice %arg4[%arg0, %mul3A_129] : memref<2x10240xf32, #tpu.memory_space<hbm>> -> memref<1x640xf32, #tpu.memory_space<hbm>>
      %dma_start3A_133 = tpu.memref_squeeze %dma_start3A_132 : memref<1x640xf32, #tpu.memory_space<hbm>> -> memref<640xf32, #tpu.memory_space<hbm>>
      tpu.enqueue_dma source(%arg11 : memref<640xf32, #tpu.memory_space<vmem>>) target(%dma_start3A_133 : memref<640xf32, #tpu.memory_space<hbm>>) target_semaphore(%run_scoped3A : memref<!tpu.dma_semaphore, #tpu.memory_space<semaphore_mem>>)
      %dma_wait3A_134 = tpu.memref_slice %arg4[%arg0, %mul3A_129] : memref<2x10240xf32, #tpu.memory_space<hbm>> -> memref<1x640xf32, #tpu.memory_space<hbm>>
      %dma_wait3A_135 = tpu.memref_squeeze %dma_wait3A_134 : memref<1x640xf32, #tpu.memory_space<hbm>> -> memref<640xf32, #tpu.memory_space<hbm>>
      %dma_wait3A_136 = tpu.memref_slice %arg4[%arg0, %mul3A_129] : memref<2x10240xf32, #tpu.memory_space<hbm>> -> memref<1x640xf32, #tpu.memory_space<hbm>>
      %dma_wait3A_137 = tpu.memref_squeeze %dma_wait3A_136 : memref<1x640xf32, #tpu.memory_space<hbm>> -> memref<640xf32, #tpu.memory_space<hbm>>
      tpu.wait_dma2 semaphore(%run_scoped3A : memref<!tpu.dma_semaphore, #tpu.memory_space<semaphore_mem>>) src(%arg11 : memref<640xf32, #tpu.memory_space<vmem>>) dst(%dma_wait3A_137 : memref<640xf32, #tpu.memory_space<hbm>>)
      tpu.yield
    }) : () -> ()
    return
  }
}

module attributes {stable_mosaic.version = 14 : i64} {
  func.func @_merge_body(%arg0: memref<2x10240xf32, #tpu.memory_space<vmem>>, %arg1: memref<1xi32, #tpu.memory_space<smem>>, %arg2: memref<1x10240xf32, #tpu.memory_space<vmem>>) attributes {dimension_semantics = [], scalar_prefetch = 0 : i64, scratch_operands = 0 : i64, tpu.core_type = #tpu.core_type<tc>} {
    %get3A = arith.constant 0 : index
    %get3A_0 = arith.constant 0 : index
    %get3A_1 = vector.load %arg0[%get3A, %get3A_0] : memref<2x10240xf32, #tpu.memory_space<vmem>>, vector<2x10240xf32>
    %reduce_max3A = arith.constant dense<0xFF800000> : vector<10240xf32>
    %reduce_max3A_2 = vector.multi_reduction <maximumf>, %get3A_1, %reduce_max3A [0] : vector<2x10240xf32> to vector<10240xf32>
    %broadcast_in_dim3A = vector.shape_cast %reduce_max3A_2 : vector<10240xf32> to vector<1x10240xf32>
    %iota3A = tpu.iota {dimensions = array<i32: 1>} : vector<1x10240xi32>
    %get3A_3 = arith.constant 0 : index
    %get3A_4 = memref.load %arg1[%get3A_3] : memref<1xi32, #tpu.memory_space<smem>>
    %lt3A = vector.broadcast %get3A_4 : i32 to vector<1x10240xi32>
    %lt3A_5 = arith.cmpi slt, %iota3A, %lt3A : vector<1x10240xi32>
    %jit3A = arith.constant 0.000000e+00 : f32
    %broadcast_in_dim3A_6 = vector.broadcast %jit3A : f32 to vector<1x10240xf32>
    %select_n3A = arith.select %lt3A_5, %broadcast_in_dim3A, %broadcast_in_dim3A_6 : vector<1x10240xi1>, vector<1x10240xf32>
    %swap3A = arith.constant 0 : index
    %swap3A_7 = arith.constant 0 : index
    %swap3A_8 = vector.load %arg2[%swap3A, %swap3A_7] : memref<1x10240xf32, #tpu.memory_space<vmem>>, vector<1x10240xf32>
    tpu.vector_store %arg2[%swap3A, %swap3A_7], %select_n3A {strides = array<i32>} : memref<1x10240xf32, #tpu.memory_space<vmem>>, vector<1x10240xf32>,
    return
  }
}

</mosaic_0001>

<sc_bundles>
// kernel: kernel.4.cloned.1.call-start
scs
__scs_entry_jumppad:
0x0: {  	(pc) =	sbr.rel $0x88, $3  }
0x1: {  	(tag) =	ssettag $0x0;
	lr =	simm.s32 $0x1  }
0x2: {  	[smem:$0x3F9D] =	sst lr;
	_ =	strace $0xD0000000  }
0x3: {  	_ = 	snop  }
0x4: {  	_ = 	snop  }
0x5: {  	_ = 	snop  }
0x6: {  	_ = 	snop  }
0x7: {  	_ = 	snop  }
__scs_overlays_trampoline_lowered:
0x8: {  	[smem:$0x3FAC] =	sst s0  }
0x9: {  	[smem:$0x3FAD] =	sst s1  }
0xa: {  	[smem:$0x3FAE] =	sst s2  }
0xb: {  	[smem:$0x3FAF] =	sst s3  }
0xc: {  	[smem:$0x3FB0] =	sst s4  }
0xd: {  	[smem:$0x3FB1] =	sst s5  }
0xe: {  	[smem:$0x3FB2] =	sst s6  }
0xf: {  	[smem:$0x3FB3] =	sst s7  }
0x10: {  	[smem:$0x3FB4] =	sst s8  }
0x11: {  	[smem:$0x3FB5] =	sst s9;
	s0 =	simm.s32 @!p0 $0x0  }
0x12: {  	s1 =	sld [smem:$0x3F9B];
	s0 =	simm.s32 @p0 $0x1  }
0x13: {  	[smem:$0x3FB6] =	sst s0;
	s0 =	simm.s32 @!p1 $0x0  }
0x14: {  	s2 =	sld [smem:$0x3F9A];
	s0 =	simm.s32 @p1 $0x1  }
0x15: {  	[smem:$0x3FB7] =	sst s0;
	s0 =	simm.s32 @!p2 $0x0  }
0x16: {  	s3 =	sld [smem:$0x3FDB];
	s0 =	simm.s32 @p2 $0x1  }
0x17: {  	s4 =	simm.s32 $0x1BF5;
	[smem:$0x3FB9] =	sst s0  }
0x18: {  	s0 =	sld [smem:$0x3F9C];
	_ =	swait.ge [sflag:s4], $0x0  }
0x19: {  	s7 =	sld [smem:$0x3F9D]  }
0x1a: {  	s8 =	sadd.s32 $0xFFFFE003, lr  }
0x1b: {  	s9 =	sadd.s32 $0xFFFFFEF7, lr;
	s5 =	simm.s32 $0xFFFFFFFF;
	p2 =	slt.u32 s8, $0xFFFFF086  }
0x1c: {  	p1 =	slt.u32 s9, $0xF7A;
	s5 =	simm.s32 @!p2 $0x0  }
0x1d: {  	s5 =	simm.s32 @p1 $0x1;
	p0 =	seq.s32 s7, s2  }
0x1e: {  	s7 =	smul.u32 @!p0 $0xF7A, s2;
	p2 =	seq.s32 @!p0 s5, $0x0  }
0x1f: {  	s9 =	smul.u32 $0xF7A, s1;
	s8 =	simm.s32 @!p0 $0x1BF5;
	p2 =	por !p2, p0  }
0x20: {  	[sflag:s8] =	ssyncset.s32 @!p0 $0xFFFFF086;
	s6 =	sadd.s32 @!p0 s3, s7;
	s7 =	simm.s32 @!p0 $0x108  }
0x21: {  	s3 =	sadd.s32 s3, s9;
	s6 =	sadd.s32 @!p0 $0x88, s6;
	s7 =	simm.s32 @p2 $0x1082  }
0x22: {  	[simem:s7], [sflag:s8] =	dma.local @!p0 [hbm:s6], $0xF7A  }
0x23: {  	s9 =	sor.u32 $0xD0000000, s2;
	s6 =	simm.s32 $0x108;
	_ =	swait.ge @!p0 [sflag:s8], $0x0  }
0x24: {  	s3 =	sadd.s32 $0x88, s3;
	s6 =	simm.s32 @!p1 $0x1082;
	[sflag:s4] =	ssyncset.s32 $0xFFFFF086  }
0x25: {  	[simem:s6], [sflag:s4] =	dma.local [hbm:s3], $0xF7A  }
0x26: {  	[smem:$0x3F9D] =	sst s1;
	(tag) =	ssettag s2;
	_ =	strace s9  }
0x27: {  	s1 =	sld [smem:$0x3FAD]  }
0x28: {  	s2 =	sld [smem:$0x3FAE]  }
0x29: {  	s4 =	sld [smem:$0x3FB0]  }
0x2a: {  	p0 =	seq.s32 s5, $0x0;
	s5 =	sld [smem:$0x3FB1]  }
0x2b: {  	s6 =	sld [smem:$0x3FB2]  }
0x2c: {  	s7 =	sld [smem:$0x3FB3]  }
0x2d: {  	s3 =	simm.s32 $0x108;
	s8 =	sld [smem:$0x3FB4]  }
0x2e: {  	s3 =	simm.s32 @!p0 $0x1082;
	s9 =	sld [smem:$0x3FB5]  }
0x2f: {  	lr =	sadd.s32 s0, s3;
	s0 =	sld [smem:$0x3FAC]  }
0x30: {  	s3 =	sld [smem:$0x3FAF]  }
0x31: {  	[smem:$0x3FB8] =	sst s10  }
0x32: {  	s10 =	sld [smem:$0x3FB6];
	_ =	sdelay $0x3  }
0x33: {  	p0 =	seq.s32 s10, $0x1;
	s10 =	sld [smem:$0x3FB8];
	_ =	sdelay $0x3  }
0x34: {  	[smem:$0x3FB8] =	sst s10  }
0x35: {  	s10 =	sld [smem:$0x3FB7];
	_ =	sdelay $0x3  }
0x36: {  	p1 =	seq.s32 s10, $0x1;
	s10 =	sld [smem:$0x3FB8];
	_ =	sdelay $0x3  }
0x37: {  	[smem:$0x3FB8] =	sst s10  }
0x38: {  	s10 =	sld [smem:$0x3FB9]  }
0x39: {  	_ = 	snop;
	(pc) =	sbr.ind lr, $3  }
0x3a: {  	_ = 	snop  }
0x3b: {  	_ = 	snop  }
0x3c: {  	p2 =	seq.s32 s10, $0x1;
	s10 =	sld [smem:$0x3FB8]  }
0x3d: {  	_ =	shalt  }
0x3e: {  	_ =	shalt  }
0x3f: {  	_ =	shalt  }
0x40: {  	_ =	shalt  }
0x41: {  	_ =	shalt  }
0x42: {  	_ =	shalt  }
0x43: {  	_ =	shalt  }
0x44: {  	_ =	shalt  }
0x45: {  	_ =	shalt  }
0x46: {  	_ =	shalt  }
0x47: {  	_ =	shalt  }
0x48: {  	_ =	shalt  }
0x49: {  	_ =	shalt  }
0x4a: {  	_ =	shalt  }
0x4b: {  	_ =	shalt  }
0x4c: {  	_ =	shalt  }
0x4d: {  	_ =	shalt  }
0x4e: {  	_ =	shalt  }
0x4f: {  	_ =	shalt  }
0x50: {  	_ =	shalt  }
0x51: {  	_ =	shalt  }
0x52: {  	_ =	shalt  }
0x53: {  	_ =	shalt  }
0x54: {  	_ =	shalt  }
0x55: {  	_ =	shalt  }
0x56: {  	_ =	shalt  }
0x57: {  	_ =	shalt  }
0x58: {  	_ =	shalt  }
0x59: {  	_ =	shalt  }
0x5a: {  	_ =	shalt  }
0x5b: {  	_ =	shalt  }
0x5c: {  	_ =	shalt  }
0x5d: {  	_ =	shalt  }
0x5e: {  	_ =	shalt  }
0x5f: {  	_ =	shalt  }
0x60: {  	_ =	shalt  }
0x61: {  	_ =	shalt  }
0x62: {  	_ =	shalt  }
0x63: {  	_ =	shalt  }
0x64: {  	_ =	shalt  }
0x65: {  	_ =	shalt  }
0x66: {  	_ =	shalt  }
0x67: {  	_ =	shalt  }
0x68: {  	_ =	shalt  }
0x69: {  	_ =	shalt  }
0x6a: {  	_ =	shalt  }
0x6b: {  	_ =	shalt  }
0x6c: {  	_ =	shalt  }
0x6d: {  	_ =	shalt  }
0x6e: {  	_ =	shalt  }
0x6f: {  	_ =	shalt  }
0x70: {  	_ =	shalt  }
0x71: {  	_ =	shalt  }
0x72: {  	_ =	shalt  }
0x73: {  	_ =	shalt  }
0x74: {  	_ =	shalt  }
0x75: {  	_ =	shalt  }
0x76: {  	_ =	shalt  }
0x77: {  	_ =	shalt  }
0x78: {  	_ =	shalt  }
0x79: {  	_ =	shalt  }
0x7a: {  	_ =	shalt  }
0x7b: {  	_ =	shalt  }
0x7c: {  	_ =	shalt  }
0x7d: {  	_ =	shalt  }
0x7e: {  	_ =	shalt  }
0x7f: {  	_ =	shalt  }
0x80: {  	_ =	shalt  }
0x81: {  	_ =	shalt  }
0x82: {  	_ =	shalt  }
0x83: {  	_ =	shalt  }
0x84: {  	_ =	shalt  }
0x85: {  	_ =	shalt  }
0x86: {  	_ =	shalt  }
0x87: {  	_ =	shalt  }
.Lfunc_end0:
.L_simem_size_0:
called_computation_lowered:
.L_overlay_start_0:
0x88: {  	s2 =	sld [smem:$0x3FD9]  }
0x89: {  	s3 =	sld [smem:$0x3FFE];
	_ =	sdelay $0x1  }
0x8a: {  	s1 =	srdreg.scid  }
0x8b: {  	s0 =	sand.u32 $0x1, s1  }
0x8c: {  	s17 =	sshll.u32 s0, $0xA;
	s2 =	sadd.s32 s3, s2  }
0x8d: {  	s2 =	sadd.s32 s2, s17  }
0x8e: {  	[smem:$0x3FC4] =	sst s2  }
0x8f: {  	_ = 	snop  }
0x90: {  	s2 =	sld [smem:$0x3FD0];
	(tm) =	ssettm $0x1  }
0x91: {  	s18 =	sld [smem:$0x3FFB];
	_ =	sdelay $0x3  }
0x92: {  	_ =	strace s18  }
0x93: {  	s3 =	sld [smem:$0x3FFC];
	_ =	sdelay $0x3  }
0x94: {  	_ =	strace s3  }
0x95: {  	s3 =	sld [smem:$0x3FFD];
	_ =	sdelay $0x3  }
0x96: {  	_ =	strace s3  }
0x97: {  	_ =	strace $0x8FFFFFFF  }
0x98: {  	s19 =	sld [smem:$0x3FDB];
	_ =	sdelay $0x1  }
0x99: {  	s4 =	simm.s32 $_scs_section_size  }
0x9a: {  	s5 =	simm.s32 $_size__tile_overlayer_lowered;
	s6 =	simm.s32 $_tile_overlayer_lowered  }
0x9b: {  	s22 =	simm.s32 $0x1BFF;
	s21 =	sshll.u32 s6, $0x1;
	s3 =	sadd.s32 s4, s19  }
0x9c: {  	s7 =	simm.s32 $0x0;
	s20 =	sshll.u32 s5, $0x1;
	s5 =	sadd.s32 s21, s3  }
0x9d: {  	[timem:s7], [sflag:s22] =	dma.local [hbm:s5], s20  }
0x9e: {  	_ =	swait.ge [sflag:s22], s20  }
0x9f: {  	s4 =	ssub.s32 $0x0, s20;
	[sflag:s22] =	ssyncset.done $0x0  }
0xa0: {  	[sflag:s22] =	ssyncadd.s32 s4;
	_ =	sdelay $0x1  }
0xa1: {  	s23 =	simm.s32 $0x1B8B  }
0xa2: {  	_ =	swait.ge [sflag:s23], $0x1  }
0xa3: {  	[sflag:s23] =	ssyncset.done $0x0  }
0xa4: {  	s25 =	simm.s32 $0x1B8E;
	s24 =	sld [smem:$0x3FFE];
	[sflag:s23] =	ssyncadd.s32 $0xFFFFFFFF  }
0xa5: {  	s26 =	simm.s32 $execute0_lowered;
	[smem:$0x3FD2] =	sst s25  }
0xa6: {  	s5 =	sshll.u32 s26, $0x1;
	_ =	strace $0x80000046;
	[dreg:$0x1] =	wrdreg $0xFFFFFFFF  }
0xa7: {  	s28 =	simm.s32 $_size_execute0_lowered;
	s3 =	sadd.s32 s3, s5;
	[dreg:$0x0] =	wrdreg $0x0  }
0xa8: {  	s5 =	sshll.u32 s28, $0x1;
	[dreg:$0x2] =	wrdreg s3  }
0xa9: {  	[dreg:$0x3] =	wrdreg s5  }
0xaa: {  	[dreg:$0x4] =	wrdreg $0xC0  }
0xab: {  	_ =	task [dreg:s7], $0x5FFFF  }
0xac: {  	[dreg:$0x1] =	wrdreg $0xFFFFFFFF  }
0xad: {  	[dreg:$0x0] =	wrdreg $0x60  }
0xae: {  	[dreg:$0x2] =	wrdreg s24  }
0xaf: {  	[dreg:$0x3] =	wrdreg s2  }
0xb0: {  	[dreg:$0x4] =	wrdreg $0xC9000  }
0xb1: {  	[dreg:$0x5] =	wrdreg $0x9  }
0xb2: {  	_ =	task.clear_ibuf [dreg:s7], $0x6FFFF;
	_ =	strace $0x90000046  }
0xb3: {  	s29 =	simm.s32 $0x9;
	_ =	strace $0x80000048  }
0xb4: {  	_ =	swait.ge [sflag:s29], $0x1  }
0xb5: {  	[sflag:s29] =	ssyncadd.s32 $0xFFFFFFFF  }
0xb6: {  	_ =	strace $0x90000048  }
0xb7: {  	_ =	sfence  }
0xb8: {  	s30 =	sld [smem:$0x0];
	_ =	sdelay $0x2  }
0xb9: {  	s31 =	sshll.u32 s1, $0xD;
	s1 =	sshrl.u32 s1, $0x2  }
0xba: {  	s3 =	sand.u32 $0x4000, s31;
	s1 =	sadd.s32 s1, s30  }
0xbb: {  	s0 =	sor.u32 s3, s0;
	s1 =	sshll.u32 s1, $0x11  }
0xbc: {  	s0 =	sor.u32 s1, s0  }
0xbd: {  	s0 =	sadd.s32 $0x8F2B, s0  }
0xbe: {  	[sflag:s0] =	ssyncadd.remote.s32 $0x1  }
0xbf: {  	_ =	sfence.sel $0xFFFF  }
0xc0: {  	[dreg:$0x0] =	wrdreg $0xFFFFFFFF;
	(pc) =	sbr.abs _section_cstart, $3  }
0xc1: {  	[dreg:$0x1] =	wrdreg $0xFFFFFFFF  }
0xc2: {  	_ =	task.clear_ibuf [dreg:s7], $0x2FFFF;
	_ =	strace $0x9FFFFFFF  }
0xc3: {  	(tm) =	ssettm $0x7FFFFFFF  }
tec
execute0_lowered:
.L_overlay_start_1:
0x0: {  	(tag) =	ssettag $0x1  }
0x1: {  	v1 =	vimm.s32 $0xEDCBA987  }
0x2: {  	v2 =	vimm.s32 $0x65432100;
	v3 =	vunpack.c.l.s4.s8 v1  }
0x3: {  	v4 =	vlaneseq.u32;
	v5 =	vunpack.c.l.s4.s8 v2  }
0x4: {  	v2 =	vmul.u32 $0x100, v4;
	v4 =	vand.u32 $0x7, v4;
	v6 =	vunpack.c.0.s8.s32 v3  }
0x5: {  	v7 =	vimm.s32 $0xE40000;
	v3 =	vmul.u32 $0x80, v4;
	v4 =	vunpack.c.0.s8.s32 v5  }
0x6: {  	v7 =	vunpack.c.l.s2.s4 v7;
	v5 =	vimm.s32 $0xDCBA9876;
	v6 =	vand.u32 $0xF, v6  }
0x7: {  	v5 =	vunpack.c.l.s4.s8 v5;
	v4 =	vcombine.low v4, v6;
	v6 =	vimm.s32 $0x54321000  }
0x8: {  	v6 =	vunpack.c.l.s4.s8 v6  }
0x9: {  	v9 =	vimm.s32 $0x32100000;
	v7 =	vunpack.c.l.s4.s8 v7;
	v5 =	vunpack.c.0.s8.s32 v5  }
0xa: {  	v9 =	vunpack.c.l.s4.s8 v9;
	v6 =	vunpack.c.0.s8.s32 v6  }
0xb: {  	v10 =	vimm.s32 $0x7060504;
	v7 =	vunpack.c.0.s8.s32 v7;
	v5 =	vand.u32 $0xF, v5  }
0xc: {  	v5 =	vcombine.low v6, v5;
	v6 =	vunpack.c.0.s8.s32 v9;
	v9 =	vunpack.c.0.s8.s32 v10  }
0xd: {  	vm0 =	vcmask $0x3F30;
	v7 =	vand.u32 $0x3, v7  }
0xe: {  	v10 =	vimm.s32 $0x87654321;
	v7 =	vsel vm0, v9, v7;
	v9 =	vimm.s32 $0xFFEDCBA9  }
0xf: {  	v10 =	vunpack.c.l.s4.s8 v10;
	v9 =	vunpack.c.l.s4.s8 v9;
	_ =	sdelay $0x1  }
0x10: {  	s5 =	rddreg [dreg:$0x0];
	v10 =	vunpack.c.0.s8.s32 v10;
	v11 =	vunpack.c.0.s8.s32 v9  }
0x11: {  	s0 =	rddreg [dreg:$0x1]  }
0x12: {  	s9 =	rddreg [dreg:$0x2];
	s3 =	simm.s32 $0x0;
	vm1 =	vmmov $0x7;
	v10 =	vcombine.low v10, v11;
	v11 =	vimm.s32 $0x0  }
0x13: {  	[smem:$0x7FF] =	sst s3;
	v11 =	vsel vm1, $0xFFFFFFFF, v11  }
0x14: {  	s1 =	rddreg [dreg:$0x3];
	vm2 =	vmmov $0xf;
	_ =	strace $0x80000047;
	[tilespmem:$0x1FF30] =	vst v11;
	v11 =	vimm.s32 $0x0  }
0x15: {  	v11 =	vsel vm2, $0xFFFFFFFF, v11  }
0x16: {  	vm3 =	vmmov $0x1f;
	[tilespmem:$0x1FF40] =	vst v11;
	v11 =	vimm.s32 $0x0  }
0x17: {  	v11 =	vsel vm3, $0xFFFFFFFF, v11  }
0x18: {  	vm4 =	vmmov $0x3f;
	[tilespmem:$0x1FF50] =	vst v11;
	v11 =	vimm.s32 $0x0  }
0x19: {  	v11 =	vsel vm4, $0xFFFFFFFF, v11  }
0x1a: {  	vm5 =	vmmov $0x7f;
	[tilespmem:$0x1FF60] =	vst v11;
	v11 =	vimm.s32 $0x0  }
0x1b: {  	v11 =	vsel vm5, $0xFFFFFFFF, v11  }
0x1c: {  	vm6 =	vmmov $0xff;
	[tilespmem:$0x1FF70] =	vst v11;
	v11 =	vimm.s32 $0x0  }
0x1d: {  	v11 =	vsel vm6, $0xFFFFFFFF, v11  }
0x1e: {  	s4 =	srdreg.scid;
	s2 =	stileid.u32;
	s15 =	simm.s32 $0x1;
	vm7 =	vmmov $0x1ff;
	[tilespmem:$0x1FF80] =	vst v11;
	v11 =	vimm.s32 $0x0  }
0x1f: {  	s16 =	simm.s32 $0xA100;
	s17 =	simm.s32 $0x2;
	s18 =	simm.s32 $0x80;
	v11 =	vsel vm7, $0xFFFFFFFF, v11  }
0x20: {  	vm8 =	vmmov $0x3ff;
	s19 =	simm.s32 $0x400;
	s20 =	simm.s32 $0x1400;
	s21 =	simm.s32 $0x14000;
	[tilespmem:$0x1FF90] =	vst v11;
	v11 =	vimm.s32 $0x0  }
0x21: {  	s22 =	simm.s32 $0xF100;
	s23 =	simm.s32 $0x100;
	s24 =	simm.s32 $0x11900;
	v11 =	vsel vm8, $0xFFFFFFFF, v11  }
0x22: {  	vm9 =	vmmov $0x7ff;
	s25 =	simm.s32 $0x0;
	s6 =	sand.u32 $0x1, s4;
	s7 =	smul.u32 $0x500, s2;
	[tilespmem:$0x1FFA0] =	vst v11;
	v11 =	vimm.s32 $0x0  }
0x23: {  	s10 =	sshll.u32 s2, $0x1;
	s4 =	sadd.s32 $0x400, s5;
	s12 =	sshrl.u32 s2, $0x3;
	v11 =	vsel vm9, $0xFFFFFFFF, v11  }
0x24: {  	vm10 =	vmmov $0xfff;
	s30 =	smul.u32 $0x5000, s2;
	s31 =	sshll.u32 s2, $0x7;
	s8 =	sshll.u32 s6, $0x7;
	[tilespmem:$0x1FFB0] =	vst v11;
	v11 =	vimm.s32 $0x0  }
0x25: {  	v8 =	vimm.s32 $0xBA987654;
	s29 =	sor.u32 s6, s10;
	s6 =	ssub.s32 $0x2, s6;
	s12 =	smul.u32 $0x50000, s12;
	v11 =	vsel vm10, $0xFFFFFFFF, v11  }
0x26: {  	vm11 =	vmmov $0x1fff;
	v8 =	vunpack.c.l.s4.s8 v8;
	s7 =	sor.u32 s8, s7;
	s10 =	smul.u32 $0x2710, s29;
	s11 =	sshrl.u32 s6, $0x1;
	[tilespmem:$0x1FFC0] =	vst v11;
	v11 =	vimm.s32 $0x0  }
0x27: {  	s8 =	smul.u32 $0x4E200, s29;
	s14 =	sshrl.u32 s30, $0x2;
	s7 =	sshrl.u32 s7, $0x3;
	v11 =	vsel vm11, $0xFFFFFFFF, v11  }
0x28: {  	vm12 =	vmmov $0x3fff;
	v8 =	vunpack.c.0.s8.s32 v8;
	s11 =	ssub.s32 s6, s11;
	s12 =	sshrl.u32 s12, $0x2;
	s13 =	sadd.s32 s7, s5;
	[tilespmem:$0x1FFD0] =	vst v11;
	v11 =	vimm.s32 $0x0  }
0x29: {  	v0 =	vimm.f32 $0.0e+00;
	vm15 =	vmmov $0x3;
	s5 =	sadd.s32 s4, s8;
	s6 =	sadd.s32 $0x50, s10;
	s7 =	sadd.s32 $0xA0, s10;
	v11 =	vsel vm12, $0xFFFFFFFF, v11  }
0x2a: {  	vm13 =	vmmov $0x7fff;
	v8 =	vand.u32 $0xF, v8;
	s10 =	sand.u32 $0x380, s31;
	s12 =	sadd.s32 s12, s9;
	s9 =	sadd.s32 s14, s9;
	[tilespmem:$0x1FFE0] =	vst v11;
	v11 =	vimm.s32 $0x0  }
0x2b: {  	v1 =	vimm.s32 $0x0;
	s11 =	smax.u32 s11, $0x1;
	s14 =	simm.s32 $0x5000;
	s8 =	sadd.s32 s10, s12;
	v6 =	vcombine.low v6, v8;
	v11 =	vsel vm13, $0xFFFFFFFF, v11  }
0x2c: {  	s10 =	sadd.s32 $0x9C4400, s13;
	s12 =	simm.s32 $0xA000;
	s13 =	simm.s32 $0x3;
	v8 =	vimm.s32 $0xF;
	vm0 =	vmmov $0x1;
	v9 =	vor.u32 $0x400, v3;
	[tilespmem:$0x1FFF0] =	vst v11  }
.LBB2_1:
0x2d: {  	[tilespmem:s12], [sflag:$0x3] =	stream.linear.gather [hbm4b:s0+s3], $0x100, $0x38;
	[tilespmem:$0x11B80] =	vst v63  }
0x2e: {  	_ =	swait.ge [sflag:s13], $0x100  }
0x2f: {  	[sflag:s13] =	ssyncset.done $0x0  }
0x30: {  	s26 =	simm.s32 $0x40;
	s28 =	simm.s32 $0x0;
	[sflag:s13] =	ssyncadd.s32 $0xFFFFFF00  }
.LBB2_2:
0x31: {  	p0 =	sne.s32 s26, $0x9FC0;
	[tilespmem:s28+$0xA100] =	vst v0;
	s28 =	smov.u32 s26;
	s26 =	sadd.s32 $0x40, s26  }
.Ltmp0:
0x32: {  	(pc) =	sbr.rel @p0 .LBB2_2-.Ltmp0, $2  }
0x33: {  	_ =	sdelay $0x2  }
0x34: {  	s28 =	sshra.s32 s28, $0x2  }
0x35: {  	[tilespmem:s28+$0xA100] =	vst v0  }
0x36: {  	v11 =	vld [tilespmem:$0xA000]  }
0x37: {  	v12 =	vld [tilespmem:$0xA010]  }
0x38: {  	v13 =	vld [tilespmem:$0xA020]  }
0x39: {  	v20 =	vld [tilespmem:$0xA080]  }
0x3a: {  	v19 =	vld [tilespmem:$0xA090]  }
0x3b: {  	v14 =	vld [tilespmem:$0xA030]  }
0x3c: {  	v15 =	vld [tilespmem:$0xA040]  }
0x3d: {  	v16 =	vld [tilespmem:$0xA050]  }
0x3e: {  	s26 =	simm.s32 $0x0;
	s28 =	simm.s32 $0x0;
	v17 =	vld [tilespmem:$0xA060]  }
0x3f: {  	v18 =	vld [tilespmem:$0xA070];
	[tilespmem:s26], [sflag:$0x1] =	stream.linear.gather [hbm4b:s5+s26], $0x5000, $0x38;
	v19 =	vperm.xlane v19, v1;
	v20 =	vperm.xlane v20, v1  }
.LBB2_4:
0x40: {  	s29 =	smul.u32 $0xA0, s28;
	_ =	sdelay $0x1  }
0x41: {  	s30 =	sadd.s32 s29, s6  }
0x42: {  	s30 =	sshll.u32 s30, $0x5  }
0x43: {  	s30 =	sadd.s32 s4, s30  }
0x44: {  	[tilespmem:s14], [sflag:$0x2] =	stream.linear.gather [hbm4b:s30+s26], $0x5000, $0x38;
	[tilespmem:$0x11B80] =	vst v63  }
0x45: {  	_ =	swait.ge [sflag:s15], $0x5000  }
0x46: {  	v21 =	vld [tilespmem:$0x1FF50];
	_ =	sdelay $0x4  }
0x47: {  	vm5 =	vnez.u8 v21;
	v21 =	vld [tilespmem:$0x1FF60];
	_ =	sdelay $0x4  }
0x48: {  	vm6 =	vnez.u8 v21;
	v21 =	vld [tilespmem:$0x1FF70];
	_ =	sdelay $0x4  }
0x49: {  	vm7 =	vnez.u8 v21;
	v21 =	vld [tilespmem:$0x1FF80];
	_ =	sdelay $0x4  }
0x4a: {  	vm8 =	vnez.u8 v21;
	v21 =	vld [tilespmem:$0x1FF90];
	_ =	sdelay $0x4  }
0x4b: {  	vm9 =	vnez.u8 v21;
	v21 =	vld [tilespmem:$0x1FFA0];
	_ =	sdelay $0x4  }
0x4c: {  	vm10 =	vnez.u8 v21;
	v21 =	vld [tilespmem:$0x1FFB0];
	_ =	sdelay $0x4  }
0x4d: {  	vm11 =	vnez.u8 v21;
	v21 =	vld [tilespmem:$0x1FFC0];
	_ =	sdelay $0x4  }
0x4e: {  	vm12 =	vnez.u8 v21;
	v21 =	vld [tilespmem:$0x1FFD0];
	_ =	sdelay $0x4  }
0x4f: {  	vm13 =	vnez.u8 v21;
	v21 =	vld [tilespmem:$0x1FFE0];
	_ =	sdelay $0x4  }
0x50: {  	vm14 =	vnez.u8 v21;
	v21 =	vld [tilespmem:$0x1FFF0];
	_ =	sdelay $0x3  }
0x51: {  	[sflag:s15] =	ssyncset.done $0x0  }
0x52: {  	s31 =	simm.s32 $0x0;
	vm4 =	vcmask $0x3F3C;
	s30 =	simm.s32 $0x800;
	[sflag:s15] =	ssyncadd.s32 $0xFFFFB000;
	vm3 =	vnez.u8 v21  }
.LBB2_5:
0x53: {  	v21 =	vld [tilespmem:s30+$0xFFFFF800]  }
0x54: {  	v22 =	vld [tilespmem:s30+$0xFFFFF810]  }
0x55: {  	v23 =	vld [tilespmem:s30+$0xFFFFF820]  }
0x56: {  	v24 =	vld [tilespmem:s30+$0xFFFFF830]  }
0x57: {  	v25 =	vld [tilespmem:s30+$0xFFFFF840]  }
0x58: {  	v26 =	vld [tilespmem:s30+$0xFFFFF850]  }
0x59: {  	v27 =	vld [tilespmem:s30+$0xFFFFF860]  }
0x5a: {  	v28 =	vld [tilespmem:s30+$0xFFFFF870]  }
0x5b: {  	v29 =	vld [tilespmem:s30+$0xFFFFF880]  }
0x5c: {  	v30 =	vld [tilespmem:s30+$0xFFFFF890]  }
0x5d: {  	v31 =	vld [tilespmem:s30+$0xFFFFF8A0]  }
0x5e: {  	v32 =	vld [tilespmem:s30+$0xFFFFF8B0]  }
0x5f: {  	v33 =	vld [tilespmem:s30+$0xFFFFF8C0]  }
0x60: {  	v34 =	vld [tilespmem:s30+$0xFFFFF8D0]  }
0x61: {  	v35 =	vld [tilespmem:s30+$0xFFFFF8E0]  }
0x62: {  	v36 =	vld [tilespmem:s30+$0xFFFFF8F0]  }
0x63: {  	v37 =	vld [tilespmem:s30+$0xFFFFF900]  }
0x64: {  	v61 =	vld [tilespmem:s30+$0xFFFFF920]  }
0x65: {  	v63 =	vld [tilespmem:s30+$0xFFFFF930]  }
0x66: {  	v44 =	vld [tilespmem:s30+$0xFFFFF940]  }
0x67: {  	v47 =	vld [tilespmem:s30+$0xFFFFF950]  }
0x68: {  	v50 =	vld [tilespmem:s30+$0xFFFFF960];
	v21 =	vmul.f32 v21, v11  }
0x69: {  	v51 =	vld [tilespmem:s30+$0xFFFFF970];
	v22 =	vmul.f32 v22, v12;
	v23 =	vmul.f32 v23, v13  }
0x6a: {  	v53 =	vld [tilespmem:s30+$0xFFFFF980];
	v24 =	vmul.f32 v24, v14;
	v25 =	vmul.f32 v25, v15  }
0x6b: {  	v55 =	vld [tilespmem:s30+$0xFFFFF990];
	v26 =	vmul.f32 v26, v16;
	v27 =	vmul.f32 v27, v17  }
0x6c: {  	v56 =	vld [tilespmem:s30+$0xFFFFF9A0];
	v28 =	vmul.f32 v28, v18;
	v62 =	vmul.f32 v30, v12  }
0x6d: {  	v57 =	vld [tilespmem:s30+$0xFFFFF9B0];
	v42 =	vmul.f32 v31, v13;
	v43 =	vmul.f32 v32, v14  }
0x6e: {  	v40 =	vld [tilespmem:s30+$0xFFFFF9F0];
	v45 =	vmul.f32 v33, v15;
	v46 =	vmul.f32 v34, v16  }
0x6f: {  	v58 =	vld [tilespmem:s30+$0xFFFFF9C0];
	v48 =	vmul.f32 v35, v17;
	v49 =	vmul.f32 v36, v18  }
0x70: {  	v39 =	vld [tilespmem:s30+$0xFFFFF9E0];
	v37 =	vmul.f32 v37, v11;
	v30 =	vmul.f32 v44, v15  }
0x71: {  	v33 =	vmul.f32 v47, v16;
	v21 =	vadd.f32 v22, v21;
	v22 =	vadd.f32 v24, v23;
	v23 =	vld [tilespmem:s30+$0xFFFFF910]  }
0x72: {  	v35 =	vmul.f32 v50, v17;
	v59 =	vadd.f32 v26, v25;
	v26 =	vmul.f32 v61, v13;
	v61 =	vld [tilespmem:s30+$0xFFFFFA10]  }
0x73: {  	v31 =	vmul.f32 v53, v11;
	v47 =	vmul.f32 v40, v18;
	v52 =	vadd.f32 v46, v45;
	v45 =	vld [tilespmem:s30+$0xFFFFFA50]  }
0x74: {  	v60 =	vadd.f32 v28, v27;
	v28 =	vmul.f32 v63, v14;
	v30 =	vadd.f32 v33, v30;
	v33 =	vld [tilespmem:s30+$0xFFFFFA90]  }
0x75: {  	v25 =	vadd.f32 v43, v42;
	v27 =	vmul.f32 v51, v18;
	v63 =	vmul.f32 v55, v12;
	v55 =	vld [tilespmem:s30+$0xFFFFFAA0]  }
0x76: {  	v46 =	vmul.f32 v39, v17;
	v39 =	vld [tilespmem:s30+$0xFFFFFB60];
	v21 =	vadd.f32 v22, v21;
	v24 =	vadd.f32 v60, v59  }
0x77: {  	v43 =	vld [tilespmem:s30+$0xFFFFFA40];
	v22 =	vmul.f32 v29, v11;
	v26 =	vadd.f32 v28, v26;
	v27 =	vadd.f32 v27, v35  }
0x78: {  	v59 =	vld [tilespmem:s30+$0xFFFFF9D0];
	v29 =	vmul.f32 v57, v14;
	v31 =	vadd.f32 v63, v31;
	v50 =	vadd.f32 v47, v46  }
0x79: {  	v60 =	vld [tilespmem:s30+$0xFFFFFA00];
	v21 =	vadd.f32 v24, v21;
	v22 =	vadd.f32 v62, v22;
	v23 =	vmul.f32 v23, v12  }
0x7a: {  	v42 =	vld [tilespmem:s30+$0xFFFFFA30];
	v24 =	vadd.f32 v49, v48;
	v57 =	vmul.f32 v45, v16;
	v33 =	vmul.f32 v33, v12  }
0x7b: {  	v62 =	vld [tilespmem:s30+$0xFFFFFA20];
	v27 =	vadd.f32 v27, v30;
	v34 =	vmul.f32 v55, v13;
	v39 =	vmul.f32 v39, v17  }
0x7c: {  	v30 =	vld [tilespmem:s30+$0xFFFFFA80];
	v54 =	vperm.xlane v21, v4;
	v22 =	vadd.f32 v25, v22;
	v25 =	vmul.f32 v56, v13  }
0x7d: {  	v40 =	vld [tilespmem:s30+$0x260];
	v24 =	vadd.f32 v24, v52;
	v52 =	vmul.f32 v61, v12;
	v56 =	vmul.f32 v43, v15  }
0x7e: {  	v47 =	vld [tilespmem:s30+$0xFFFFFAF0];
	v23 =	vadd.f32 v23, v37;
	v44 =	vmul.f32 v59, v16;
	v51 =	vmul.f32 v60, v11  }
0x7f: {  	v48 =	vld [tilespmem:s30+$0xFFFFFA60];
	v21 =	vadd.f32 v21, v54;
	v22 =	vadd.f32 v24, v22;
	v24 =	vmul.f32 v58, v15  }
0x80: {  	v49 =	vld [tilespmem:s30+$0xFFFFFA70];
	v25 =	vadd.f32 v29, v25;
	v54 =	vmul.f32 v42, v14;
	v23 =	vadd.f32 v26, v23  }
0x81: {  	v60 =	vld [tilespmem:s30+$0xFFFFFAC0];
	v53 =	vmul.f32 v62, v13;
	v30 =	vmul.f32 v30, v11;
	v24 =	vadd.f32 v44, v24  }
0x82: {  	v58 =	vld [tilespmem:s30+$0xFFFFFAB0];
	v32 =	vperm.xlane v21, v5;
	v25 =	vadd.f32 v25, v31;
	v31 =	vadd.f32 v52, v51  }
0x83: {  	v63 =	vld [tilespmem:s30+$0xFFFFFAE0];
	v38 =	vperm.xlane v22, v4;
	v23 =	vadd.f32 v27, v23;
	v26 =	vadd.f32 v54, v53  }
0x84: {  	v59 =	vmul.f32 v48, v17;
	v62 =	vld [tilespmem:s30+$0xFFFFFAD0];
	v27 =	vadd.f32 v57, v56;
	v30 =	vadd.f32 v33, v30  }
0x85: {  	v42 =	vld [tilespmem:s30+$0xFFFFFB40];
	v29 =	vmul.f32 v49, v18;
	v21 =	vadd.f32 v21, v32;
	v22 =	vadd.f32 v22, v38  }
0x86: {  	v52 =	vld [tilespmem:s30+$0xFFFFFB30];
	v24 =	vadd.f32 v50, v24;
	v55 =	vmul.f32 v60, v15;
	v38 =	vmul.f32 v47, v18  }
0x87: {  	v54 =	vld [tilespmem:s30+$0xFFFFFB50];
	v46 =	vperm.xlane v23, v4;
	v26 =	vadd.f32 v26, v31;
	v36 =	vmul.f32 v58, v14  }
0x88: {  	v56 =	vld [tilespmem:s30+$0xFFFFFB70];
	v24 =	vadd.f32 v24, v25;
	v61 =	vperm.xlane v21, v6;
	v25 =	vadd.f32 v29, v59  }
0x89: {  	v31 =	vld [tilespmem:s30+$0xFFFFFB10];
	v45 =	vperm.xlane v22, v5;
	v28 =	vmul.f32 v62, v16;
	v23 =	vadd.f32 v23, v46  }
0x8a: {  	v58 =	vld [tilespmem:s30+$0xFFFFFBA0];
	v29 =	vmul.f32 v63, v17;
	v57 =	vadd.f32 v36, v34;
	v21 =	vadd.f32 v21, v61  }
0x8b: {  	v62 =	vld [tilespmem:s30+$0xFFFFFBC0];
	v48 =	vperm.xlane v24, v4;
	v25 =	vadd.f32 v25, v27;
	v22 =	vadd.f32 v22, v45  }
0x8c: {  	v63 =	vld [tilespmem:s30+$0xFFFFFBD0];
	v28 =	vadd.f32 v28, v55;
	v29 =	vadd.f32 v38, v29;
	v35 =	vmul.f32 v54, v16  }
0x8d: {  	v34 =	vld [tilespmem:s30+$0xFFFFFB90];
	v37 =	vmul.f32 v56, v18;
	v51 =	vperm.xlane v23, v5;
	v30 =	vadd.f32 v57, v30  }
0x8e: {  	v27 =	vld [tilespmem:s30+$0xFFFFFB00];
	v49 =	vperm.xlane v21, v7;
	v24 =	vadd.f32 v24, v48;
	v25 =	vadd.f32 v25, v26  }
0x8f: {  	v61 =	vld [tilespmem:s30+$0xFFFFFBB0];
	v50 =	vperm.xlane v22, v6;
	v28 =	vadd.f32 v29, v28;
	v31 =	vmul.f32 v31, v12  }
0x90: {  	v46 =	vld [tilespmem:s30+$0x0];
	v32 =	vmul.f32 v58, v13;
	v23 =	vadd.f32 v23, v51;
	v51 =	vmul.f32 v52, v14  }
0x91: {  	v54 =	vld [tilespmem:s30+$0x30];
	v56 =	vadd.f32 v37, v39;
	v29 =	vmul.f32 v62, v15;
	v33 =	vmul.f32 v63, v16  }
0x92: {  	v26 =	vld [tilespmem:s30+$0xFFFFFB20];
	v21 =	vadd.f32 v21, v49;
	v53 =	vperm.xlane v24, v5;
	v41 =	vperm.xlane v25, v4  }
0x93: {  	v48 =	vld [tilespmem:s30+$0xFFFFFBE0];
	v22 =	vadd.f32 v22, v50;
	v34 =	vmul.f32 v34, v12;
	v59 =	vperm.xlane v23, v6  }
0x94: {  	v39 =	vld [tilespmem:s30+$0x70];
	v28 =	vadd.f32 v28, v30;
	v27 =	vmul.f32 v27, v11;
	v58 =	vmul.f32 v61, v14  }
0x95: {  	v52 =	vld [tilespmem:s30+$0x20];
	v29 =	vadd.f32 v33, v29;
	v24 =	vadd.f32 v24, v53;
	v43 =	vperm.xlane v22, v7  }
0x96: {  	v63 =	vld [tilespmem:s30+$0xB0];
	v25 =	vadd.f32 v25, v41;
	v21 =	vperm.xlane v21, v8;
	v45 =	vperm.xlane v28, v4  }
0x97: {  	v50 =	vld [tilespmem:s30+$0x10];
	v53 =	vmul.f32 v42, v15;
	v23 =	vadd.f32 v23, v59;
	v26 =	vmul.f32 v26, v13  }
0x98: {  	v49 =	vld [tilespmem:s30+$0xFFFFFBF0];
	v27 =	vadd.f32 v31, v27;
	v59 =	vmul.f32 v48, v17;
	v62 =	vadd.f32 v58, v32  }
0x99: {  	v37 =	vld [tilespmem:s30+$0x60];
	v58 =	vmul.f32 v39, v18;
	v22 =	vadd.f32 v22, v43;
	v60 =	vperm.xlane v24, v6  }
0x9a: {  	v41 =	vld [tilespmem:s30+$0xFFFFFB80];
	v44 =	vperm.xlane v25, v5;
	v28 =	vadd.f32 v28, v45;
	v52 =	vmul.f32 v52, v13  }
0x9b: {  	v31 =	vld [tilespmem:s30+$0x50];
	v32 =	vmul.f32 v63, v14;
	v36 =	vperm.xlane v23, v7;
	v26 =	vadd.f32 v51, v26  }
0x9c: {  	v48 =	vld [tilespmem:s30+$0xC0];
	v50 =	vmul.f32 v50, v12;
	v24 =	vadd.f32 v24, v60;
	v22 =	vperm.xlane v22, v8  }
0x9d: {  	v45 =	vld [tilespmem:s30+$0x40];
	v25 =	vadd.f32 v25, v44;
	v55 =	vperm.xlane v28, v5;
	v60 =	vmul.f32 v49, v18  }
0x9e: {  	v61 =	vld [tilespmem:s30+$0xA0];
	v49 =	vmul.f32 v46, v11;
	v23 =	vadd.f32 v23, v36;
	v26 =	vadd.f32 v26, v27  }
0x9f: {  	v42 =	vld [tilespmem:s30+$0x140];
	v57 =	vmul.f32 v41, v11;
	v38 =	vperm.xlane v24, v7;
	v21 =	vsel vm0, v21, v22  }
0xa0: {  	v43 =	vld [tilespmem:s30+$0x120];
	v22 =	vperm.xlane v25, v6;
	v28 =	vadd.f32 v28, v55;
	v31 =	vmul.f32 v31, v16  }
0xa1: {  	v51 =	vld [tilespmem:s30+$0xD0];
	v27 =	vadd.f32 v50, v49;
	v30 =	vmul.f32 v48, v15;
	v23 =	vperm.xlane v23, v8  }
0xa2: {  	v36 =	vld [tilespmem:s30+$0x150];
	v55 =	vmul.f32 v45, v15;
	v24 =	vadd.f32 v24, v38;
	v22 =	vadd.f32 v25, v22  }
0xa3: {  	v41 =	vld [tilespmem:s30+$0x80];
	v25 =	vadd.f32 v35, v53;
	v53 =	vmul.f32 v54, v14;
	v50 =	vperm.xlane v28, v6  }
0xa4: {  	v38 =	vld [tilespmem:s30+$0x90];
	v21 =	vsel vm15, v21, v23;
	v23 =	vadd.f32 v34, v57;
	v57 =	vmul.f32 v37, v17  }
0xa5: {  	v35 =	vld [tilespmem:s30+$0x130];
	v31 =	vadd.f32 v31, v55;
	v25 =	vadd.f32 v56, v25;
	v24 =	vperm.xlane v24, v8  }
0xa6: {  	v39 =	vld [tilespmem:s30+$0x100];
	v49 =	vperm.xlane v22, v7;
	v28 =	vadd.f32 v28, v50;
	v50 =	vmul.f32 v43, v13  }
0xa7: {  	v56 =	vld [tilespmem:s30+$0xF0];
	v36 =	vmul.f32 v36, v16;
	v23 =	vadd.f32 v62, v23;
	v25 =	vadd.f32 v25, v26  }
0xa8: {  	v54 =	vld [tilespmem:s30+$0xE0];
	v26 =	vadd.f32 v60, v59;
	v59 =	vmul.f32 v41, v11;
	v60 =	vmul.f32 v61, v13  }
0xa9: {  	v37 =	vld [tilespmem:s30+$0x160];
	v61 =	vmul.f32 v51, v16;
	v22 =	vadd.f32 v22, v49;
	v38 =	vmul.f32 v38, v12  }
0xaa: {  	v41 =	vld [tilespmem:s30+$0x110];
	v35 =	vmul.f32 v35, v14;
	v26 =	vadd.f32 v26, v29;
	v29 =	vadd.f32 v53, v52  }
0xab: {  	v47 =	vperm.xlane v25, v4;
	v32 =	vadd.f32 v32, v60;
	v33 =	vadd.f32 v38, v59;
	v38 =	vld [tilespmem:s30+$0x1B0]  }
0xac: {  	v30 =	vadd.f32 v61, v30;
	v63 =	vmul.f32 v56, v18;
	v56 =	vld [tilespmem:s30+$0x1D0];
	v35 =	vadd.f32 v35, v50  }
0xad: {  	v62 =	vmul.f32 v54, v17;
	v50 =	vld [tilespmem:s30+$0x310];
	v25 =	vadd.f32 v25, v47;
	v23 =	vadd.f32 v26, v23  }
0xae: {  	v22 =	vperm.xlane v22, v8;
	v26 =	vadd.f32 v58, v57;
	v27 =	vadd.f32 v29, v27;
	v29 =	vld [tilespmem:s30+$0x170]  }
0xaf: {  	v47 =	vld [tilespmem:$0x1FF30];
	v57 =	vperm.xlane v28, v7;
	v45 =	vadd.f32 v63, v62;
	v48 =	vadd.f32 v32, v33  }
0xb0: {  	v58 =	vld [tilespmem:s30+$0x1E0];
	v44 =	vperm.xlane v25, v5;
	v46 =	vperm.xlane v23, v4;
	v26 =	vadd.f32 v26, v31  }
0xb1: {  	v37 =	vmul.f32 v37, v17;
	v59 =	vld [tilespmem:$0x1FF40];
	v28 =	vadd.f32 v28, v57;
	v30 =	vadd.f32 v45, v30  }
0xb2: {  	v33 =	vld [tilespmem:s30+$0x190];
	v49 =	vmul.f32 v41, v12;
	v25 =	vadd.f32 v25, v44;
	v23 =	vadd.f32 v23, v46  }
0xb3: {  	v41 =	vld [tilespmem:s30+$0x210];
	v26 =	vadd.f32 v26, v27;
	v38 =	vmul.f32 v38, v14;
	v28 =	vperm.xlane v28, v8  }
0xb4: {  	v31 =	vld [tilespmem:s30+$0x180];
	v50 =	vmul.f32 v50, v12;
	vm1 =	vnez.u8 v47;
	v29 =	vmul.f32 v29, v18  }
0xb5: {  	v55 =	vld [tilespmem:s30+$0x1C0];
	v34 =	vmul.f32 v58, v17;
	v21 =	vsel vm1, v21, v24;
	v51 =	vperm.xlane v25, v6  }
0xb6: {  	v61 =	vld [tilespmem:s30+$0x1F0];
	v24 =	vadd.f32 v30, v48;
	v52 =	vperm.xlane v23, v5;
	v53 =	vperm.xlane v26, v4  }
0xb7: {  	v27 =	vld [tilespmem:s30+$0x1A0];
	vm1 =	vnez.u8 v59;
	v48 =	vmul.f32 v39, v11;
	v33 =	vmul.f32 v33, v12  }
0xb8: {  	v43 =	vld [tilespmem:s30+$0x220];
	v30 =	vmul.f32 v56, v16;
	v41 =	vmul.f32 v41, v12;
	v21 =	vsel vm1, v21, v22  }
0xb9: {  	v45 =	vld [tilespmem:s30+$0x280];
	v31 =	vmul.f32 v31, v11;
	v29 =	vadd.f32 v29, v37;
	v54 =	vperm.xlane v24, v4  }
0xba: {  	v46 =	vld [tilespmem:s30+$0x330];
	v25 =	vadd.f32 v25, v51;
	v23 =	vadd.f32 v23, v52;
	v51 =	vmul.f32 v42, v15  }
0xbb: {  	v47 =	vld [tilespmem:s30+$0x200];
	v26 =	vadd.f32 v26, v53;
	v53 =	vmul.f32 v55, v15;
	v55 =	vmul.f32 v61, v18  }
0xbc: {  	v39 =	vld [tilespmem:s30+$0x250];
	v21 =	vsel vm5, v21, v28;
	v27 =	vmul.f32 v27, v13;
	v31 =	vadd.f32 v33, v31  }
0xbd: {  	v42 =	vld [tilespmem:s30+$0x230];
	v24 =	vadd.f32 v24, v54;
	v22 =	vperm.xlane v25, v7;
	v60 =	vperm.xlane v23, v6  }
0xbe: {  	v52 =	vld [tilespmem:s30+$0x240];
	v62 =	vperm.xlane v26, v5;
	v32 =	vadd.f32 v36, v51;
	v30 =	vadd.f32 v30, v53  }
0xbf: {  	v33 =	vld [tilespmem:s30+$0x290];
	v34 =	vadd.f32 v55, v34;
	v51 =	vmul.f32 v43, v13;
	v27 =	vadd.f32 v38, v27  }
0xc0: {  	v54 =	vld [tilespmem:s30+$0x270];
	v53 =	vmul.f32 v40, v17;
	v22 =	vadd.f32 v25, v22;
	v23 =	vadd.f32 v23, v60  }
0xc1: {  	v36 =	vld [tilespmem:s30+$0x2A0];
	v39 =	vmul.f32 v39, v16;
	v26 =	vadd.f32 v26, v62;
	v25 =	vadd.f32 v49, v48  }
0xc2: {  	v43 =	vld [tilespmem:s30+$0x320];
	v63 =	vperm.xlane v24, v5;
	v29 =	vadd.f32 v29, v32;
	v58 =	vadd.f32 v34, v30  }
0xc3: {  	v55 =	vld [tilespmem:s30+$0x340];
	v49 =	vmul.f32 v47, v11;
	v27 =	vadd.f32 v27, v31;
	v42 =	vmul.f32 v42, v14  }
0xc4: {  	v32 =	vld [tilespmem:s30+$0x2B0];
	v52 =	vmul.f32 v52, v15;
	v24 =	vadd.f32 v24, v63;
	v56 =	vperm.xlane v26, v6  }
0xc5: {  	v30 =	vld [tilespmem:s30+$0x2C0];
	v25 =	vadd.f32 v35, v25;
	v22 =	vperm.xlane v22, v8;
	v59 =	vperm.xlane v23, v7  }
0xc6: {  	v60 =	vld [tilespmem:s30+$0x2E0];
	v33 =	vmul.f32 v33, v12;
	v27 =	vadd.f32 v58, v27;
	v54 =	vmul.f32 v54, v18  }
0xc7: {  	v62 =	vld [tilespmem:s30+$0x2F0];
	v36 =	vmul.f32 v36, v13;
	v34 =	vadd.f32 v39, v52;
	v52 =	vmul.f32 v43, v13  }
0xc8: {  	v55 =	vmul.f32 v55, v15;
	v57 =	vperm.xlane v24, v6;
	v26 =	vadd.f32 v26, v56  }
0xc9: {  	v38 =	vld [tilespmem:s30+$0x300];
	v25 =	vadd.f32 v29, v25;
	v21 =	vsel vm6, v21, v22;
	v56 =	vmul.f32 v45, v11  }
0xca: {  	v31 =	vld [tilespmem:s30+$0x2D0];
	v23 =	vadd.f32 v23, v59;
	v48 =	vperm.xlane v27, v4;
	v32 =	vmul.f32 v32, v14  }
0xcb: {  	v58 =	vld [tilespmem:s30+$0x360];
	v29 =	vadd.f32 v42, v51;
	v30 =	vmul.f32 v30, v15;
	v28 =	vmul.f32 v60, v17  }
0xcc: {  	v39 =	vld [tilespmem:s30+$0x370];
	v37 =	vadd.f32 v54, v53;
	v35 =	vmul.f32 v62, v18;
	v53 =	vmul.f32 v46, v14  }
0xcd: {  	v59 =	vld [tilespmem:s30+$0x380];
	v24 =	vadd.f32 v24, v57;
	v22 =	vperm.xlane v26, v7;
	v33 =	vadd.f32 v33, v56  }
0xce: {  	v51 =	vld [tilespmem:s30+$0x3D0];
	v63 =	vperm.xlane v25, v4;
	v27 =	vadd.f32 v27, v48;
	v32 =	vadd.f32 v32, v36  }
0xcf: {  	v60 =	vld [tilespmem:s30+$0x390];
	v31 =	vmul.f32 v31, v16;
	v28 =	vadd.f32 v35, v28;
	v62 =	vadd.f32 v37, v34  }
0xd0: {  	v57 =	vld [tilespmem:s30+$0x350];
	v23 =	vperm.xlane v23, v8;
	v22 =	vadd.f32 v26, v22;
	v25 =	vadd.f32 v25, v63  }
0xd1: {  	v54 =	vld [tilespmem:s30+$0x3E0];
	v61 =	vperm.xlane v24, v7;
	v26 =	vadd.f32 v41, v49;
	v30 =	vadd.f32 v31, v30  }
0xd2: {  	v48 =	vld [tilespmem:s30+$0x3C0];
	v21 =	vsel vm7, v21, v23;
	v49 =	vmul.f32 v38, v11;
	v58 =	vmul.f32 v58, v17  }
0xd3: {  	v63 =	vld [tilespmem:s30+$0x3B0];
	v39 =	vmul.f32 v39, v18;
	v59 =	vmul.f32 v59, v11;
	v24 =	vadd.f32 v24, v61  }
0xd4: {  	v22 =	vperm.xlane v22, v8;
	v61 =	vld [tilespmem:s30+$0x3A0];
	v23 =	vadd.f32 v29, v26;
	v28 =	vadd.f32 v28, v30  }
0xd5: {  	v26 =	vadd.f32 v50, v49;
	v36 =	vmul.f32 v60, v12;
	v56 =	vmul.f32 v57, v16;
	v57 =	vld [tilespmem:s30+$0x3F0]  }
0xd6: {  	v34 =	vadd.f32 v39, v58;
	v35 =	vmul.f32 v54, v17;
	v39 =	vperm.xlane v27, v5  }
0xd7: {  	v21 =	vsel vm8, v21, v22;
	v22 =	vadd.f32 v32, v33;
	v23 =	vadd.f32 v62, v23  }
0xd8: {  	v30 =	vmul.f32 v48, v15;
	v33 =	vmul.f32 v51, v16;
	v36 =	vadd.f32 v36, v59  }
0xd9: {  	v27 =	vadd.f32 v27, v39;
	v37 =	vadd.f32 v56, v55;
	v29 =	vmul.f32 v63, v14  }
0xda: {  	v22 =	vadd.f32 v28, v22;
	v31 =	vmul.f32 v61, v13;
	v32 =	vmul.f32 v57, v18  }
0xdb: {  	v24 =	vperm.xlane v24, v8;
	v28 =	vadd.f32 v53, v52;
	v30 =	vadd.f32 v33, v30  }
0xdc: {  	v60 =	vmov s31;
	v29 =	vadd.f32 v29, v31;
	v32 =	vadd.f32 v32, v35  }
0xdd: {  	v21 =	vsel vm9, v21, v24;
	v62 =	vadd.f32 v34, v37;
	v26 =	vadd.f32 v28, v26  }
0xde: {  	v38 =	vperm.xlane v23, v4;
	v63 =	vadd.f32 v29, v36;
	v36 =	vadd.f32 v32, v30  }
0xdf: {  	v43 =	vperm.xlane v27, v6;
	v61 =	vshll.u32 v60, $0x8;
	v26 =	vadd.f32 v62, v26  }
0xe0: {  	v37 =	vperm.xlane v25, v5;
	v40 =	vperm.xlane v22, v4;
	v24 =	vadd.f32 v36, v63  }
0xe1: {  	v23 =	vadd.f32 v23, v38;
	v27 =	vadd.f32 v27, v43;
	v41 =	vperm.xlane v26, v4  }
0xe2: {  	v31 =	vor.u32 v2, v61;
	v22 =	vadd.f32 v22, v40;
	v42 =	vperm.xlane v24, v4  }
0xe3: {  	v25 =	vadd.f32 v25, v37;
	v32 =	vperm.xlane v23, v5;
	v26 =	vadd.f32 v26, v41  }
0xe4: {  	v31 =	vand.u32 $0x7800, v31;
	v33 =	vperm.xlane v22, v5;
	v24 =	vadd.f32 v24, v42  }
0xe5: {  	v30 =	vperm.xlane v25, v6;
	v23 =	vadd.f32 v23, v32;
	v44 =	vperm.xlane v26, v5  }
0xe6: {  	v46 =	vperm.xlane v27, v7;
	v22 =	vadd.f32 v22, v33;
	v45 =	vperm.xlane v24, v5  }
0xe7: {  	v25 =	vadd.f32 v25, v30;
	v32 =	vperm.xlane v23, v6;
	v26 =	vadd.f32 v26, v44  }
0xe8: {  	v48 =	vor.u32 v9, v31;
	v33 =	vperm.xlane v22, v6;
	v24 =	vadd.f32 v24, v45  }
0xe9: {  	v30 =	vperm.xlane v25, v7;
	v23 =	vadd.f32 v23, v32;
	v47 =	vperm.xlane v26, v6  }
0xea: {  	v51 =	vor.u32 v3, v31;
	v22 =	vadd.f32 v22, v33;
	v49 =	vperm.xlane v24, v6  }
0xeb: {  	v25 =	vadd.f32 v25, v30;
	v50 =	vperm.xlane v23, v7;
	v26 =	vadd.f32 v26, v47  }
0xec: {  	v27 =	vadd.f32 v27, v46;
	v52 =	vperm.xlane v22, v7;
	v24 =	vadd.f32 v24, v49  }
0xed: {  	v25 =	vperm.xlane v25, v8;
	v23 =	vadd.f32 v23, v50;
	v53 =	vperm.xlane v26, v7  }
0xee: {  	v27 =	vperm.xlane v27, v8;
	v55 =	vld.idx.msk [tilespmem:v48+s3+$0x0], $0xffff;
	v22 =	vadd.f32 v22, v52;
	v54 =	vperm.xlane v24, v7  }
0xef: {  	v21 =	vsel vm10, v21, v25;
	v23 =	vperm.xlane v23, v8;
	v56 =	vadd.f32 v26, v53  }
0xf0: {  	v21 =	vsel vm11, v21, v27;
	v22 =	vperm.xlane v22, v8;
	v24 =	vadd.f32 v24, v54  }
0xf1: {  	v21 =	vsel vm12, v21, v23;
	v23 =	vperm.xlane v56, v8  }
0xf2: {  	v57 =	vld.idx.msk [tilespmem:v51+s3+$0x0], $0xffff;
	v21 =	vsel vm13, v21, v22;
	v22 =	vperm.xlane v24, v8  }
0xf3: {  	v21 =	vsel vm14, v21, v23;
	v23 =	vmul.f32 v55, v20  }
0xf4: {  	v21 =	vsel vm3, v21, v22  }
0xf5: {  	v21 =	vadd.f32 v23, v21;
	_ =	sdelay $0x1  }
0xf6: {  	v22 =	vtrunc.f32 v57;
	v21 =	vadd.f32 v21, v19  }
0xf7: {  	v22 =	vcvt.f32.s32 v22  }
0xf8: {  	v21 =	vmax.f32 v21, $0.0e+00  }
0xf9: {  	v58 =	vperm.xlane v22, v4;
	v23 =	vperm.xlane v21, v4  }
0xfa: {  	vm2 =	vmmov vm15  }
0xfb: {  	v59 =	vperm.xlane v22, v10;
	vm15 =	veq.s32 v58, v22;
	v23 =	vmax.f32 v21, v23  }
0xfc: {  	v21 =	vsel vm15, v23, v21  }
0xfd: {  	v60 =	vperm.xlane v22, v5;
	vm15 =	vne.s32 v59, v22;
	v23 =	vperm.xlane v21, v5  }
0xfe: {  	vm15 =	vmor vm15, vm4  }
0xff: {  	vm1 =	vmmov vm0;
	vm0 =	veq.s32 v60, v22;
	v23 =	vmax.f32 v21, v23  }
0x100: {  	v21 =	vsel vm0, v23, v21  }
0x101: {  	v61 =	vperm.xlane v22, v6;
	v23 =	vperm.xlane v21, v6;
	_ =	sdelay $0x1  }
0x102: {  	vm0 =	veq.s32 v61, v22;
	v23 =	vmax.f32 v21, v23  }
0x103: {  	v21 =	vsel vm0, v23, v21;
	v23 =	vld.idx.msk [tilespmem:v22+s16+$0x0], vm15  }
0x104: {  	p0 =	sne.s32 s31, $0x40;
	v63 =	vperm.xlane v22, v7;
	v62 =	vperm.xlane v21, v7  }
.Ltmp1:
0x105: {  	_ = 	snop;
	(pc) =	sbr.rel @p0 .LBB2_5-.Ltmp1, $4  }
0x106: {  	vm0 =	veq.s32 v63, v22;
	v24 =	vmax.f32 v21, v62  }
0x107: {  	v21 =	vsel vm0, v24, v21  }
0x108: {  	v21 =	vmax.f32 v23, v21  }
0x109: {  	s31 =	sadd.s32 $0x10, s31;
	s30 =	sadd.s32 $0x1000, s30;
	vm0 =	vmmov vm1;
	[tilespmem:v22+s16+$0x0] =	vst.idx.msk vm15, v21;
	vm15 =	vmmov vm2  }
0x10a: {  	s29 =	sadd.s32 s29, s7  }
0x10b: {  	s29 =	sshll.u32 s29, $0x5  }
0x10c: {  	s30 =	sadd.s32 s4, s29;
	s29 =	simm.s32 $0x0  }
0x10d: {  	[tilespmem:s29], [sflag:$0x1] =	stream.linear.gather [hbm4b:s30+s29], $0x5000, $0x38;
	[tilespmem:$0x11B80] =	vst v63  }
0x10e: {  	_ =	swait.ge [sflag:s17], $0x5000  }
0x10f: {  	[sflag:s17] =	ssyncset.done $0x0  }
0x110: {  	s30 =	simm.s32 $0x5800;
	[sflag:s17] =	ssyncadd.s32 $0xFFFFB000  }
.LBB2_7:
0x111: {  	v21 =	vld [tilespmem:s30+$0xFFFFF800]  }
0x112: {  	v22 =	vld [tilespmem:s30+$0xFFFFF810]  }
0x113: {  	v23 =	vld [tilespmem:s30+$0xFFFFF820]  }
0x114: {  	v24 =	vld [tilespmem:s30+$0xFFFFF830]  }
0x115: {  	v25 =	vld [tilespmem:s30+$0xFFFFF840]  }
0x116: {  	v26 =	vld [tilespmem:s30+$0xFFFFF850]  }
0x117: {  	v27 =	vld [tilespmem:s30+$0xFFFFF860]  }
0x118: {  	v28 =	vld [tilespmem:s30+$0xFFFFF870]  }
0x119: {  	v29 =	vld [tilespmem:s30+$0xFFFFF880]  }
0x11a: {  	v30 =	vld [tilespmem:s30+$0xFFFFF890]  }
0x11b: {  	v31 =	vld [tilespmem:s30+$0xFFFFF8A0]  }
0x11c: {  	v32 =	vld [tilespmem:s30+$0xFFFFF8B0]  }
0x11d: {  	v33 =	vld [tilespmem:s30+$0xFFFFF8C0]  }
0x11e: {  	v34 =	vld [tilespmem:s30+$0xFFFFF8D0]  }
0x11f: {  	v35 =	vld [tilespmem:s30+$0xFFFFF8E0]  }
0x120: {  	v36 =	vld [tilespmem:s30+$0xFFFFF8F0]  }
0x121: {  	v37 =	vld [tilespmem:s30+$0xFFFFF900]  }
0x122: {  	v61 =	vld [tilespmem:s30+$0xFFFFF920]  }
0x123: {  	v63 =	vld [tilespmem:s30+$0xFFFFF930]  }
0x124: {  	v44 =	vld [tilespmem:s30+$0xFFFFF940]  }
0x125: {  	v47 =	vld [tilespmem:s30+$0xFFFFF950]  }
0x126: {  	v50 =	vld [tilespmem:s30+$0xFFFFF960];
	v21 =	vmul.f32 v21, v11  }
0x127: {  	v51 =	vld [tilespmem:s30+$0xFFFFF970];
	v22 =	vmul.f32 v22, v12;
	v23 =	vmul.f32 v23, v13  }
0x128: {  	v53 =	vld [tilespmem:s30+$0xFFFFF980];
	v24 =	vmul.f32 v24, v14;
	v25 =	vmul.f32 v25, v15  }
0x129: {  	v55 =	vld [tilespmem:s30+$0xFFFFF990];
	v26 =	vmul.f32 v26, v16;
	v27 =	vmul.f32 v27, v17  }
0x12a: {  	v56 =	vld [tilespmem:s30+$0xFFFFF9A0];
	v28 =	vmul.f32 v28, v18;
	v62 =	vmul.f32 v30, v12  }
0x12b: {  	v57 =	vld [tilespmem:s30+$0xFFFFF9B0];
	v42 =	vmul.f32 v31, v13;
	v43 =	vmul.f32 v32, v14  }
0x12c: {  	v40 =	vld [tilespmem:s30+$0xFFFFF9F0];
	v45 =	vmul.f32 v33, v15;
	v46 =	vmul.f32 v34, v16  }
0x12d: {  	v58 =	vld [tilespmem:s30+$0xFFFFF9C0];
	v48 =	vmul.f32 v35, v17;
	v49 =	vmul.f32 v36, v18  }
0x12e: {  	v39 =	vld [tilespmem:s30+$0xFFFFF9E0];
	v37 =	vmul.f32 v37, v11;
	v30 =	vmul.f32 v44, v15  }
0x12f: {  	v33 =	vmul.f32 v47, v16;
	v21 =	vadd.f32 v22, v21;
	v22 =	vadd.f32 v24, v23;
	v23 =	vld [tilespmem:s30+$0xFFFFF910]  }
0x130: {  	v35 =	vmul.f32 v50, v17;
	v59 =	vadd.f32 v26, v25;
	v26 =	vmul.f32 v61, v13;
	v61 =	vld [tilespmem:s30+$0xFFFFFA10]  }
0x131: {  	v31 =	vmul.f32 v53, v11;
	v47 =	vmul.f32 v40, v18;
	v52 =	vadd.f32 v46, v45;
	v45 =	vld [tilespmem:s30+$0xFFFFFA50]  }
0x132: {  	v60 =	vadd.f32 v28, v27;
	v28 =	vmul.f32 v63, v14;
	v30 =	vadd.f32 v33, v30;
	v33 =	vld [tilespmem:s30+$0xFFFFFA90]  }
0x133: {  	v25 =	vadd.f32 v43, v42;
	v27 =	vmul.f32 v51, v18;
	v63 =	vmul.f32 v55, v12;
	v55 =	vld [tilespmem:s30+$0xFFFFFAA0]  }
0x134: {  	v46 =	vmul.f32 v39, v17;
	v39 =	vld [tilespmem:s30+$0xFFFFFB60];
	v21 =	vadd.f32 v22, v21;
	v24 =	vadd.f32 v60, v59  }
0x135: {  	v43 =	vld [tilespmem:s30+$0xFFFFFA40];
	v22 =	vmul.f32 v29, v11;
	v26 =	vadd.f32 v28, v26;
	v27 =	vadd.f32 v27, v35  }
0x136: {  	v59 =	vld [tilespmem:s30+$0xFFFFF9D0];
	v29 =	vmul.f32 v57, v14;
	v31 =	vadd.f32 v63, v31;
	v50 =	vadd.f32 v47, v46  }
0x137: {  	v60 =	vld [tilespmem:s30+$0xFFFFFA00];
	v21 =	vadd.f32 v24, v21;
	v22 =	vadd.f32 v62, v22;
	v23 =	vmul.f32 v23, v12  }
0x138: {  	v42 =	vld [tilespmem:s30+$0xFFFFFA30];
	v24 =	vadd.f32 v49, v48;
	v57 =	vmul.f32 v45, v16;
	v33 =	vmul.f32 v33, v12  }
0x139: {  	v62 =	vld [tilespmem:s30+$0xFFFFFA20];
	v27 =	vadd.f32 v27, v30;
	v34 =	vmul.f32 v55, v13;
	v39 =	vmul.f32 v39, v17  }
0x13a: {  	v30 =	vld [tilespmem:s30+$0xFFFFFA80];
	v54 =	vperm.xlane v21, v4;
	v22 =	vadd.f32 v25, v22;
	v25 =	vmul.f32 v56, v13  }
0x13b: {  	v40 =	vld [tilespmem:s30+$0x260];
	v24 =	vadd.f32 v24, v52;
	v52 =	vmul.f32 v61, v12;
	v56 =	vmul.f32 v43, v15  }
0x13c: {  	v47 =	vld [tilespmem:s30+$0xFFFFFAF0];
	v23 =	vadd.f32 v23, v37;
	v44 =	vmul.f32 v59, v16;
	v51 =	vmul.f32 v60, v11  }
0x13d: {  	v48 =	vld [tilespmem:s30+$0xFFFFFA60];
	v21 =	vadd.f32 v21, v54;
	v22 =	vadd.f32 v24, v22;
	v24 =	vmul.f32 v58, v15  }
0x13e: {  	v49 =	vld [tilespmem:s30+$0xFFFFFA70];
	v25 =	vadd.f32 v29, v25;
	v54 =	vmul.f32 v42, v14;
	v23 =	vadd.f32 v26, v23  }
0x13f: {  	v60 =	vld [tilespmem:s30+$0xFFFFFAC0];
	v53 =	vmul.f32 v62, v13;
	v30 =	vmul.f32 v30, v11;
	v24 =	vadd.f32 v44, v24  }
0x140: {  	v58 =	vld [tilespmem:s30+$0xFFFFFAB0];
	v32 =	vperm.xlane v21, v5;
	v25 =	vadd.f32 v25, v31;
	v31 =	vadd.f32 v52, v51  }
0x141: {  	v63 =	vld [tilespmem:s30+$0xFFFFFAE0];
	v38 =	vperm.xlane v22, v4;
	v23 =	vadd.f32 v27, v23;
	v26 =	vadd.f32 v54, v53  }
0x142: {  	v59 =	vmul.f32 v48, v17;
	v62 =	vld [tilespmem:s30+$0xFFFFFAD0];
	v27 =	vadd.f32 v57, v56;
	v30 =	vadd.f32 v33, v30  }
0x143: {  	v42 =	vld [tilespmem:s30+$0xFFFFFB40];
	v29 =	vmul.f32 v49, v18;
	v21 =	vadd.f32 v21, v32;
	v22 =	vadd.f32 v22, v38  }
0x144: {  	v52 =	vld [tilespmem:s30+$0xFFFFFB30];
	v24 =	vadd.f32 v50, v24;
	v55 =	vmul.f32 v60, v15;
	v38 =	vmul.f32 v47, v18  }
0x145: {  	v54 =	vld [tilespmem:s30+$0xFFFFFB50];
	v46 =	vperm.xlane v23, v4;
	v26 =	vadd.f32 v26, v31;
	v36 =	vmul.f32 v58, v14  }
0x146: {  	v56 =	vld [tilespmem:s30+$0xFFFFFB70];
	v24 =	vadd.f32 v24, v25;
	v61 =	vperm.xlane v21, v6;
	v25 =	vadd.f32 v29, v59  }
0x147: {  	v31 =	vld [tilespmem:s30+$0xFFFFFB10];
	v45 =	vperm.xlane v22, v5;
	v28 =	vmul.f32 v62, v16;
	v23 =	vadd.f32 v23, v46  }
0x148: {  	v58 =	vld [tilespmem:s30+$0xFFFFFBA0];
	v29 =	vmul.f32 v63, v17;
	v57 =	vadd.f32 v36, v34;
	v21 =	vadd.f32 v21, v61  }
0x149: {  	v62 =	vld [tilespmem:s30+$0xFFFFFBC0];
	v48 =	vperm.xlane v24, v4;
	v25 =	vadd.f32 v25, v27;
	v22 =	vadd.f32 v22, v45  }
0x14a: {  	v63 =	vld [tilespmem:s30+$0xFFFFFBD0];
	v28 =	vadd.f32 v28, v55;
	v29 =	vadd.f32 v38, v29;
	v35 =	vmul.f32 v54, v16  }
0x14b: {  	v34 =	vld [tilespmem:s30+$0xFFFFFB90];
	v37 =	vmul.f32 v56, v18;
	v51 =	vperm.xlane v23, v5;
	v30 =	vadd.f32 v57, v30  }
0x14c: {  	v27 =	vld [tilespmem:s30+$0xFFFFFB00];
	v49 =	vperm.xlane v21, v7;
	v24 =	vadd.f32 v24, v48;
	v25 =	vadd.f32 v25, v26  }
0x14d: {  	v61 =	vld [tilespmem:s30+$0xFFFFFBB0];
	v50 =	vperm.xlane v22, v6;
	v28 =	vadd.f32 v29, v28;
	v31 =	vmul.f32 v31, v12  }
0x14e: {  	v46 =	vld [tilespmem:s30+$0x0];
	v32 =	vmul.f32 v58, v13;
	v23 =	vadd.f32 v23, v51;
	v51 =	vmul.f32 v52, v14  }
0x14f: {  	v54 =	vld [tilespmem:s30+$0x30];
	v56 =	vadd.f32 v37, v39;
	v29 =	vmul.f32 v62, v15;
	v33 =	vmul.f32 v63, v16  }
0x150: {  	v26 =	vld [tilespmem:s30+$0xFFFFFB20];
	v21 =	vadd.f32 v21, v49;
	v53 =	vperm.xlane v24, v5;
	v41 =	vperm.xlane v25, v4  }
0x151: {  	v48 =	vld [tilespmem:s30+$0xFFFFFBE0];
	v22 =	vadd.f32 v22, v50;
	v34 =	vmul.f32 v34, v12;
	v59 =	vperm.xlane v23, v6  }
0x152: {  	v39 =	vld [tilespmem:s30+$0x70];
	v28 =	vadd.f32 v28, v30;
	v27 =	vmul.f32 v27, v11;
	v58 =	vmul.f32 v61, v14  }
0x153: {  	v52 =	vld [tilespmem:s30+$0x20];
	v29 =	vadd.f32 v33, v29;
	v24 =	vadd.f32 v24, v53;
	v43 =	vperm.xlane v22, v7  }
0x154: {  	v63 =	vld [tilespmem:s30+$0xB0];
	v25 =	vadd.f32 v25, v41;
	v21 =	vperm.xlane v21, v8;
	v45 =	vperm.xlane v28, v4  }
0x155: {  	v50 =	vld [tilespmem:s30+$0x10];
	v53 =	vmul.f32 v42, v15;
	v23 =	vadd.f32 v23, v59;
	v26 =	vmul.f32 v26, v13  }
0x156: {  	v49 =	vld [tilespmem:s30+$0xFFFFFBF0];
	v27 =	vadd.f32 v31, v27;
	v59 =	vmul.f32 v48, v17;
	v62 =	vadd.f32 v58, v32  }
0x157: {  	v37 =	vld [tilespmem:s30+$0x60];
	v58 =	vmul.f32 v39, v18;
	v22 =	vadd.f32 v22, v43;
	v60 =	vperm.xlane v24, v6  }
0x158: {  	v41 =	vld [tilespmem:s30+$0xFFFFFB80];
	v44 =	vperm.xlane v25, v5;
	v28 =	vadd.f32 v28, v45;
	v52 =	vmul.f32 v52, v13  }
0x159: {  	v31 =	vld [tilespmem:s30+$0x50];
	v32 =	vmul.f32 v63, v14;
	v36 =	vperm.xlane v23, v7;
	v26 =	vadd.f32 v51, v26  }
0x15a: {  	v48 =	vld [tilespmem:s30+$0xC0];
	v50 =	vmul.f32 v50, v12;
	v24 =	vadd.f32 v24, v60;
	v22 =	vperm.xlane v22, v8  }
0x15b: {  	v45 =	vld [tilespmem:s30+$0x40];
	v25 =	vadd.f32 v25, v44;
	v55 =	vperm.xlane v28, v5;
	v60 =	vmul.f32 v49, v18  }
0x15c: {  	v61 =	vld [tilespmem:s30+$0xA0];
	v49 =	vmul.f32 v46, v11;
	v23 =	vadd.f32 v23, v36;
	v26 =	vadd.f32 v26, v27  }
0x15d: {  	v42 =	vld [tilespmem:s30+$0x140];
	v57 =	vmul.f32 v41, v11;
	v38 =	vperm.xlane v24, v7;
	v21 =	vsel vm0, v21, v22  }
0x15e: {  	v43 =	vld [tilespmem:s30+$0x120];
	v22 =	vperm.xlane v25, v6;
	v28 =	vadd.f32 v28, v55;
	v31 =	vmul.f32 v31, v16  }
0x15f: {  	v51 =	vld [tilespmem:s30+$0xD0];
	v27 =	vadd.f32 v50, v49;
	v30 =	vmul.f32 v48, v15;
	v23 =	vperm.xlane v23, v8  }
0x160: {  	v36 =	vld [tilespmem:s30+$0x150];
	v55 =	vmul.f32 v45, v15;
	v24 =	vadd.f32 v24, v38;
	v22 =	vadd.f32 v25, v22  }
0x161: {  	v41 =	vld [tilespmem:s30+$0x80];
	v25 =	vadd.f32 v35, v53;
	v53 =	vmul.f32 v54, v14;
	v50 =	vperm.xlane v28, v6  }
0x162: {  	v38 =	vld [tilespmem:s30+$0x90];
	v21 =	vsel vm15, v21, v23;
	v23 =	vadd.f32 v34, v57;
	v57 =	vmul.f32 v37, v17  }
0x163: {  	v35 =	vld [tilespmem:s30+$0x130];
	v31 =	vadd.f32 v31, v55;
	v25 =	vadd.f32 v56, v25;
	v24 =	vperm.xlane v24, v8  }
0x164: {  	v39 =	vld [tilespmem:s30+$0x100];
	v49 =	vperm.xlane v22, v7;
	v28 =	vadd.f32 v28, v50;
	v50 =	vmul.f32 v43, v13  }
0x165: {  	v56 =	vld [tilespmem:s30+$0xF0];
	v36 =	vmul.f32 v36, v16;
	v23 =	vadd.f32 v62, v23;
	v25 =	vadd.f32 v25, v26  }
0x166: {  	v54 =	vld [tilespmem:s30+$0xE0];
	v26 =	vadd.f32 v60, v59;
	v59 =	vmul.f32 v41, v11;
	v60 =	vmul.f32 v61, v13  }
0x167: {  	v37 =	vld [tilespmem:s30+$0x160];
	v61 =	vmul.f32 v51, v16;
	v22 =	vadd.f32 v22, v49;
	v38 =	vmul.f32 v38, v12  }
0x168: {  	v41 =	vld [tilespmem:s30+$0x110];
	v35 =	vmul.f32 v35, v14;
	v26 =	vadd.f32 v26, v29;
	v29 =	vadd.f32 v53, v52  }
0x169: {  	v47 =	vperm.xlane v25, v4;
	v32 =	vadd.f32 v32, v60;
	v33 =	vadd.f32 v38, v59;
	v38 =	vld [tilespmem:s30+$0x1B0]  }
0x16a: {  	v30 =	vadd.f32 v61, v30;
	v63 =	vmul.f32 v56, v18;
	v56 =	vld [tilespmem:s30+$0x1D0];
	v35 =	vadd.f32 v35, v50  }
0x16b: {  	v62 =	vmul.f32 v54, v17;
	v50 =	vld [tilespmem:s30+$0x310];
	v25 =	vadd.f32 v25, v47;
	v23 =	vadd.f32 v26, v23  }
0x16c: {  	v22 =	vperm.xlane v22, v8;
	v26 =	vadd.f32 v58, v57;
	v27 =	vadd.f32 v29, v27;
	v29 =	vld [tilespmem:s30+$0x170]  }
0x16d: {  	v47 =	vld [tilespmem:$0x1FF30];
	v57 =	vperm.xlane v28, v7;
	v45 =	vadd.f32 v63, v62;
	v48 =	vadd.f32 v32, v33  }
0x16e: {  	v58 =	vld [tilespmem:s30+$0x1E0];
	v44 =	vperm.xlane v25, v5;
	v46 =	vperm.xlane v23, v4;
	v26 =	vadd.f32 v26, v31  }
0x16f: {  	v37 =	vmul.f32 v37, v17;
	v59 =	vld [tilespmem:$0x1FF40];
	v28 =	vadd.f32 v28, v57;
	v30 =	vadd.f32 v45, v30  }
0x170: {  	v33 =	vld [tilespmem:s30+$0x190];
	v49 =	vmul.f32 v41, v12;
	v25 =	vadd.f32 v25, v44;
	v23 =	vadd.f32 v23, v46  }
0x171: {  	v41 =	vld [tilespmem:s30+$0x210];
	v26 =	vadd.f32 v26, v27;
	v38 =	vmul.f32 v38, v14;
	v28 =	vperm.xlane v28, v8  }
0x172: {  	v31 =	vld [tilespmem:s30+$0x180];
	v50 =	vmul.f32 v50, v12;
	vm0 =	vnez.u8 v47;
	v29 =	vmul.f32 v29, v18  }
0x173: {  	v55 =	vld [tilespmem:s30+$0x1C0];
	v34 =	vmul.f32 v58, v17;
	v21 =	vsel vm0, v21, v24;
	v51 =	vperm.xlane v25, v6  }
0x174: {  	v61 =	vld [tilespmem:s30+$0x1F0];
	v24 =	vadd.f32 v30, v48;
	v52 =	vperm.xlane v23, v5;
	v53 =	vperm.xlane v26, v4  }
0x175: {  	v27 =	vld [tilespmem:s30+$0x1A0];
	vm0 =	vnez.u8 v59;
	v48 =	vmul.f32 v39, v11;
	v33 =	vmul.f32 v33, v12  }
0x176: {  	v43 =	vld [tilespmem:s30+$0x220];
	v30 =	vmul.f32 v56, v16;
	v41 =	vmul.f32 v41, v12;
	v21 =	vsel vm0, v21, v22  }
0x177: {  	v45 =	vld [tilespmem:s30+$0x280];
	v31 =	vmul.f32 v31, v11;
	v29 =	vadd.f32 v29, v37;
	v54 =	vperm.xlane v24, v4  }
0x178: {  	v46 =	vld [tilespmem:s30+$0x330];
	v25 =	vadd.f32 v25, v51;
	v23 =	vadd.f32 v23, v52;
	v51 =	vmul.f32 v42, v15  }
0x179: {  	v47 =	vld [tilespmem:s30+$0x200];
	v26 =	vadd.f32 v26, v53;
	v53 =	vmul.f32 v55, v15;
	v55 =	vmul.f32 v61, v18  }
0x17a: {  	v39 =	vld [tilespmem:s30+$0x250];
	v21 =	vsel vm5, v21, v28;
	v27 =	vmul.f32 v27, v13;
	v31 =	vadd.f32 v33, v31  }
0x17b: {  	v42 =	vld [tilespmem:s30+$0x230];
	v24 =	vadd.f32 v24, v54;
	v22 =	vperm.xlane v25, v7;
	v60 =	vperm.xlane v23, v6  }
0x17c: {  	v52 =	vld [tilespmem:s30+$0x240];
	v62 =	vperm.xlane v26, v5;
	v32 =	vadd.f32 v36, v51;
	v30 =	vadd.f32 v30, v53  }
0x17d: {  	v33 =	vld [tilespmem:s30+$0x290];
	v34 =	vadd.f32 v55, v34;
	v51 =	vmul.f32 v43, v13;
	v27 =	vadd.f32 v38, v27  }
0x17e: {  	v54 =	vld [tilespmem:s30+$0x270];
	v53 =	vmul.f32 v40, v17;
	v22 =	vadd.f32 v25, v22;
	v23 =	vadd.f32 v23, v60  }
0x17f: {  	v36 =	vld [tilespmem:s30+$0x2A0];
	v39 =	vmul.f32 v39, v16;
	v26 =	vadd.f32 v26, v62;
	v25 =	vadd.f32 v49, v48  }
0x180: {  	v43 =	vld [tilespmem:s30+$0x320];
	v63 =	vperm.xlane v24, v5;
	v29 =	vadd.f32 v29, v32;
	v58 =	vadd.f32 v34, v30  }
0x181: {  	v55 =	vld [tilespmem:s30+$0x340];
	v49 =	vmul.f32 v47, v11;
	v27 =	vadd.f32 v27, v31;
	v42 =	vmul.f32 v42, v14  }
0x182: {  	v32 =	vld [tilespmem:s30+$0x2B0];
	v52 =	vmul.f32 v52, v15;
	v24 =	vadd.f32 v24, v63;
	v56 =	vperm.xlane v26, v6  }
0x183: {  	v30 =	vld [tilespmem:s30+$0x2C0];
	v25 =	vadd.f32 v35, v25;
	v22 =	vperm.xlane v22, v8;
	v59 =	vperm.xlane v23, v7  }
0x184: {  	v60 =	vld [tilespmem:s30+$0x2E0];
	v33 =	vmul.f32 v33, v12;
	v27 =	vadd.f32 v58, v27;
	v54 =	vmul.f32 v54, v18  }
0x185: {  	v62 =	vld [tilespmem:s30+$0x2F0];
	v36 =	vmul.f32 v36, v13;
	v34 =	vadd.f32 v39, v52;
	v52 =	vmul.f32 v43, v13  }
0x186: {  	v55 =	vmul.f32 v55, v15;
	v57 =	vperm.xlane v24, v6;
	v26 =	vadd.f32 v26, v56  }
0x187: {  	v38 =	vld [tilespmem:s30+$0x300];
	v25 =	vadd.f32 v29, v25;
	v21 =	vsel vm6, v21, v22;
	v56 =	vmul.f32 v45, v11  }
0x188: {  	v31 =	vld [tilespmem:s30+$0x2D0];
	v23 =	vadd.f32 v23, v59;
	v48 =	vperm.xlane v27, v4;
	v32 =	vmul.f32 v32, v14  }
0x189: {  	v58 =	vld [tilespmem:s30+$0x360];
	v29 =	vadd.f32 v42, v51;
	v30 =	vmul.f32 v30, v15;
	v28 =	vmul.f32 v60, v17  }
0x18a: {  	v39 =	vld [tilespmem:s30+$0x370];
	v37 =	vadd.f32 v54, v53;
	v35 =	vmul.f32 v62, v18;
	v53 =	vmul.f32 v46, v14  }
0x18b: {  	v59 =	vld [tilespmem:s30+$0x380];
	v24 =	vadd.f32 v24, v57;
	v22 =	vperm.xlane v26, v7;
	v33 =	vadd.f32 v33, v56  }
0x18c: {  	v51 =	vld [tilespmem:s30+$0x3D0];
	v63 =	vperm.xlane v25, v4;
	v27 =	vadd.f32 v27, v48;
	v32 =	vadd.f32 v32, v36  }
0x18d: {  	v60 =	vld [tilespmem:s30+$0x390];
	v31 =	vmul.f32 v31, v16;
	v28 =	vadd.f32 v35, v28;
	v62 =	vadd.f32 v37, v34  }
0x18e: {  	v57 =	vld [tilespmem:s30+$0x350];
	v23 =	vperm.xlane v23, v8;
	v22 =	vadd.f32 v26, v22;
	v25 =	vadd.f32 v25, v63  }
0x18f: {  	v54 =	vld [tilespmem:s30+$0x3E0];
	v61 =	vperm.xlane v24, v7;
	v26 =	vadd.f32 v41, v49;
	v30 =	vadd.f32 v31, v30  }
0x190: {  	v48 =	vld [tilespmem:s30+$0x3C0];
	v21 =	vsel vm7, v21, v23;
	v49 =	vmul.f32 v38, v11;
	v58 =	vmul.f32 v58, v17  }
0x191: {  	v63 =	vld [tilespmem:s30+$0x3B0];
	v39 =	vmul.f32 v39, v18;
	v59 =	vmul.f32 v59, v11;
	v24 =	vadd.f32 v24, v61  }
0x192: {  	v22 =	vperm.xlane v22, v8;
	v61 =	vld [tilespmem:s30+$0x3A0];
	v23 =	vadd.f32 v29, v26;
	v28 =	vadd.f32 v28, v30  }
0x193: {  	v26 =	vadd.f32 v50, v49;
	v36 =	vmul.f32 v60, v12;
	v56 =	vmul.f32 v57, v16;
	v57 =	vld [tilespmem:s30+$0x3F0]  }
0x194: {  	v34 =	vadd.f32 v39, v58;
	v35 =	vmul.f32 v54, v17;
	v39 =	vperm.xlane v27, v5  }
0x195: {  	v21 =	vsel vm8, v21, v22;
	v22 =	vadd.f32 v32, v33;
	v23 =	vadd.f32 v62, v23  }
0x196: {  	v30 =	vmul.f32 v48, v15;
	v33 =	vmul.f32 v51, v16;
	v36 =	vadd.f32 v36, v59  }
0x197: {  	v27 =	vadd.f32 v27, v39;
	v37 =	vadd.f32 v56, v55;
	v29 =	vmul.f32 v63, v14  }
0x198: {  	v22 =	vadd.f32 v28, v22;
	v31 =	vmul.f32 v61, v13;
	v32 =	vmul.f32 v57, v18  }
0x199: {  	v24 =	vperm.xlane v24, v8;
	v28 =	vadd.f32 v53, v52;
	v30 =	vadd.f32 v33, v30  }
0x19a: {  	v60 =	vmov s29;
	v29 =	vadd.f32 v29, v31;
	v32 =	vadd.f32 v32, v35  }
0x19b: {  	v21 =	vsel vm9, v21, v24;
	v62 =	vadd.f32 v34, v37;
	v26 =	vadd.f32 v28, v26  }
0x19c: {  	v38 =	vperm.xlane v23, v4;
	v63 =	vadd.f32 v29, v36;
	v36 =	vadd.f32 v32, v30  }
0x19d: {  	v43 =	vperm.xlane v27, v6;
	v61 =	vshll.u32 v60, $0x8;
	v26 =	vadd.f32 v62, v26  }
0x19e: {  	v37 =	vperm.xlane v25, v5;
	v40 =	vperm.xlane v22, v4;
	v24 =	vadd.f32 v36, v63  }
0x19f: {  	v23 =	vadd.f32 v23, v38;
	v27 =	vadd.f32 v27, v43;
	v41 =	vperm.xlane v26, v4  }
0x1a0: {  	v31 =	vor.u32 v2, v61;
	v22 =	vadd.f32 v22, v40;
	v42 =	vperm.xlane v24, v4  }
0x1a1: {  	v25 =	vadd.f32 v25, v37;
	v32 =	vperm.xlane v23, v5;
	v26 =	vadd.f32 v26, v41  }
0x1a2: {  	v31 =	vand.u32 $0x7800, v31;
	v33 =	vperm.xlane v22, v5;
	v24 =	vadd.f32 v24, v42  }
0x1a3: {  	v30 =	vperm.xlane v25, v6;
	v23 =	vadd.f32 v23, v32;
	v44 =	vperm.xlane v26, v5  }
0x1a4: {  	v46 =	vperm.xlane v27, v7;
	v22 =	vadd.f32 v22, v33;
	v45 =	vperm.xlane v24, v5  }
0x1a5: {  	v25 =	vadd.f32 v25, v30;
	v32 =	vperm.xlane v23, v6;
	v26 =	vadd.f32 v26, v44  }
0x1a6: {  	v48 =	vor.u32 v9, v31;
	v33 =	vperm.xlane v22, v6;
	v24 =	vadd.f32 v24, v45  }
0x1a7: {  	v30 =	vperm.xlane v25, v7;
	v23 =	vadd.f32 v23, v32;
	v47 =	vperm.xlane v26, v6  }
0x1a8: {  	v51 =	vor.u32 v3, v31;
	v22 =	vadd.f32 v22, v33;
	v49 =	vperm.xlane v24, v6  }
0x1a9: {  	v25 =	vadd.f32 v25, v30;
	v50 =	vperm.xlane v23, v7;
	v26 =	vadd.f32 v26, v47  }
0x1aa: {  	v27 =	vadd.f32 v27, v46;
	v52 =	vperm.xlane v22, v7;
	v24 =	vadd.f32 v24, v49  }
0x1ab: {  	v25 =	vperm.xlane v25, v8;
	v23 =	vadd.f32 v23, v50;
	v53 =	vperm.xlane v26, v7  }
0x1ac: {  	v27 =	vperm.xlane v27, v8;
	v55 =	vld.idx.msk [tilespmem:v48+s14+$0x0], $0xffff;
	v22 =	vadd.f32 v22, v52;
	v54 =	vperm.xlane v24, v7  }
0x1ad: {  	v21 =	vsel vm10, v21, v25;
	v23 =	vperm.xlane v23, v8;
	v56 =	vadd.f32 v26, v53  }
0x1ae: {  	v21 =	vsel vm11, v21, v27;
	v22 =	vperm.xlane v22, v8;
	v24 =	vadd.f32 v24, v54  }
0x1af: {  	v21 =	vsel vm12, v21, v23;
	v23 =	vperm.xlane v56, v8  }
0x1b0: {  	v57 =	vld.idx.msk [tilespmem:v51+s14+$0x0], $0xffff;
	v21 =	vsel vm13, v21, v22;
	v22 =	vperm.xlane v24, v8  }
0x1b1: {  	v21 =	vsel vm14, v21, v23;
	v23 =	vmul.f32 v55, v20  }
0x1b2: {  	v21 =	vsel vm3, v21, v22  }
0x1b3: {  	v21 =	vadd.f32 v23, v21;
	_ =	sdelay $0x1  }
0x1b4: {  	v22 =	vtrunc.f32 v57;
	v21 =	vadd.f32 v21, v19  }
0x1b5: {  	v22 =	vcvt.f32.s32 v22  }
0x1b6: {  	v21 =	vmax.f32 v21, $0.0e+00  }
0x1b7: {  	v58 =	vperm.xlane v22, v4;
	v23 =	vperm.xlane v21, v4;
	_ =	sdelay $0x1  }
0x1b8: {  	v59 =	vperm.xlane v22, v10;
	vm0 =	veq.s32 v58, v22;
	v23 =	vmax.f32 v21, v23  }
0x1b9: {  	v21 =	vsel vm0, v23, v21  }
0x1ba: {  	v60 =	vperm.xlane v22, v5;
	vm0 =	vne.s32 v59, v22;
	v23 =	vperm.xlane v21, v5  }
0x1bb: {  	vm0 =	vmor vm0, vm4  }
0x1bc: {  	vm15 =	veq.s32 v60, v22;
	v23 =	vmax.f32 v21, v23  }
0x1bd: {  	v21 =	vsel vm15, v23, v21  }
0x1be: {  	v61 =	vperm.xlane v22, v6;
	v23 =	vperm.xlane v21, v6;
	_ =	sdelay $0x1  }
0x1bf: {  	vm15 =	veq.s32 v61, v22;
	v23 =	vmax.f32 v21, v23  }
0x1c0: {  	v21 =	vsel vm15, v23, v21;
	v23 =	vld.idx.msk [tilespmem:v22+s16+$0x0], vm0  }
0x1c1: {  	p0 =	sne.s32 s29, $0x40;
	v63 =	vperm.xlane v22, v7;
	v62 =	vperm.xlane v21, v7  }
.Ltmp2:
0x1c2: {  	_ = 	snop;
	(pc) =	sbr.rel @p0 .LBB2_7-.Ltmp2, $4  }
0x1c3: {  	vm15 =	veq.s32 v63, v22;
	v24 =	vmax.f32 v21, v62  }
0x1c4: {  	v21 =	vsel vm15, v24, v21  }
0x1c5: {  	v21 =	vmax.f32 v23, v21  }
0x1c6: {  	s29 =	sadd.s32 $0x10, s29;
	s30 =	sadd.s32 $0x1000, s30;
	vm15 =	vmmov vm2;
	[tilespmem:v22+s16+$0x0] =	vst.idx.msk vm0, v21;
	vm0 =	vmmov vm1  }
0x1c7: {  	s28 =	sadd.s32 $0x1, s28  }
0x1c8: {  	p0 =	sne.s32 s28, $0x3E  }
.Ltmp3:
0x1c9: {  	_ = 	snop;
	(pc) =	sbr.rel @p0 .LBB2_4-.Ltmp3, $1  }
0x1ca: {  	_ =	sdelay $0x3  }
0x1cb: {  	_ =	swait.ge [sflag:s15], $0x5000  }
0x1cc: {  	v21 =	vld [tilespmem:$0x1FF50];
	_ =	sdelay $0x4  }
0x1cd: {  	vm5 =	vnez.u8 v21;
	v21 =	vld [tilespmem:$0x1FF60];
	_ =	sdelay $0x4  }
0x1ce: {  	vm6 =	vnez.u8 v21;
	v21 =	vld [tilespmem:$0x1FF70];
	_ =	sdelay $0x4  }
0x1cf: {  	vm7 =	vnez.u8 v21;
	v21 =	vld [tilespmem:$0x1FF80];
	_ =	sdelay $0x4  }
0x1d0: {  	vm8 =	vnez.u8 v21;
	v21 =	vld [tilespmem:$0x1FF90];
	_ =	sdelay $0x4  }
0x1d1: {  	vm9 =	vnez.u8 v21;
	v21 =	vld [tilespmem:$0x1FFA0];
	_ =	sdelay $0x4  }
0x1d2: {  	vm10 =	vnez.u8 v21;
	v21 =	vld [tilespmem:$0x1FFB0];
	_ =	sdelay $0x4  }
0x1d3: {  	vm11 =	vnez.u8 v21;
	v21 =	vld [tilespmem:$0x1FFC0];
	_ =	sdelay $0x4  }
0x1d4: {  	vm12 =	vnez.u8 v21;
	v21 =	vld [tilespmem:$0x1FFD0];
	_ =	sdelay $0x4  }
0x1d5: {  	vm13 =	vnez.u8 v21;
	v21 =	vld [tilespmem:$0x1FFE0];
	_ =	sdelay $0x4  }
0x1d6: {  	vm14 =	vnez.u8 v21;
	v21 =	vld [tilespmem:$0x1FFF0];
	_ =	sdelay $0x3  }
0x1d7: {  	[sflag:s15] =	ssyncset.done $0x0  }
0x1d8: {  	s26 =	simm.s32 $0x0;
	s28 =	simm.s32 $0x800;
	vm4 =	vcmask $0x3F3C;
	[sflag:s15] =	ssyncadd.s32 $0xFFFFB000;
	vm3 =	vnez.u8 v21  }
.LBB2_10:
0x1d9: {  	v21 =	vld [tilespmem:s28+$0xFFFFF800]  }
0x1da: {  	v22 =	vld [tilespmem:s28+$0xFFFFF810]  }
0x1db: {  	v23 =	vld [tilespmem:s28+$0xFFFFF820]  }
0x1dc: {  	v24 =	vld [tilespmem:s28+$0xFFFFF830]  }
0x1dd: {  	v25 =	vld [tilespmem:s28+$0xFFFFF840]  }
0x1de: {  	v26 =	vld [tilespmem:s28+$0xFFFFF850]  }
0x1df: {  	v27 =	vld [tilespmem:s28+$0xFFFFF860]  }
0x1e0: {  	v28 =	vld [tilespmem:s28+$0xFFFFF870]  }
0x1e1: {  	v29 =	vld [tilespmem:s28+$0xFFFFF880]  }
0x1e2: {  	v30 =	vld [tilespmem:s28+$0xFFFFF890]  }
0x1e3: {  	v31 =	vld [tilespmem:s28+$0xFFFFF8A0]  }
0x1e4: {  	v32 =	vld [tilespmem:s28+$0xFFFFF8B0]  }
0x1e5: {  	v33 =	vld [tilespmem:s28+$0xFFFFF8C0]  }
0x1e6: {  	v34 =	vld [tilespmem:s28+$0xFFFFF8D0]  }
0x1e7: {  	v35 =	vld [tilespmem:s28+$0xFFFFF8E0]  }
0x1e8: {  	v36 =	vld [tilespmem:s28+$0xFFFFF8F0]  }
0x1e9: {  	v37 =	vld [tilespmem:s28+$0xFFFFF900]  }
0x1ea: {  	v61 =	vld [tilespmem:s28+$0xFFFFF920]  }
0x1eb: {  	v63 =	vld [tilespmem:s28+$0xFFFFF930]  }
0x1ec: {  	v44 =	vld [tilespmem:s28+$0xFFFFF940]  }
0x1ed: {  	v47 =	vld [tilespmem:s28+$0xFFFFF950]  }
0x1ee: {  	v50 =	vld [tilespmem:s28+$0xFFFFF960];
	v21 =	vmul.f32 v21, v11  }
0x1ef: {  	v51 =	vld [tilespmem:s28+$0xFFFFF970];
	v22 =	vmul.f32 v22, v12;
	v23 =	vmul.f32 v23, v13  }
0x1f0: {  	v53 =	vld [tilespmem:s28+$0xFFFFF980];
	v24 =	vmul.f32 v24, v14;
	v25 =	vmul.f32 v25, v15  }
0x1f1: {  	v55 =	vld [tilespmem:s28+$0xFFFFF990];
	v26 =	vmul.f32 v26, v16;
	v27 =	vmul.f32 v27, v17  }
0x1f2: {  	v56 =	vld [tilespmem:s28+$0xFFFFF9A0];
	v28 =	vmul.f32 v28, v18;
	v62 =	vmul.f32 v30, v12  }
0x1f3: {  	v57 =	vld [tilespmem:s28+$0xFFFFF9B0];
	v42 =	vmul.f32 v31, v13;
	v43 =	vmul.f32 v32, v14  }
0x1f4: {  	v40 =	vld [tilespmem:s28+$0xFFFFF9F0];
	v45 =	vmul.f32 v33, v15;
	v46 =	vmul.f32 v34, v16  }
0x1f5: {  	v58 =	vld [tilespmem:s28+$0xFFFFF9C0];
	v48 =	vmul.f32 v35, v17;
	v49 =	vmul.f32 v36, v18  }
0x1f6: {  	v39 =	vld [tilespmem:s28+$0xFFFFF9E0];
	v37 =	vmul.f32 v37, v11;
	v30 =	vmul.f32 v44, v15  }
0x1f7: {  	v33 =	vmul.f32 v47, v16;
	v21 =	vadd.f32 v22, v21;
	v22 =	vadd.f32 v24, v23;
	v23 =	vld [tilespmem:s28+$0xFFFFF910]  }
0x1f8: {  	v35 =	vmul.f32 v50, v17;
	v59 =	vadd.f32 v26, v25;
	v26 =	vmul.f32 v61, v13;
	v61 =	vld [tilespmem:s28+$0xFFFFFA10]  }
0x1f9: {  	v31 =	vmul.f32 v53, v11;
	v47 =	vmul.f32 v40, v18;
	v52 =	vadd.f32 v46, v45;
	v45 =	vld [tilespmem:s28+$0xFFFFFA50]  }
0x1fa: {  	v60 =	vadd.f32 v28, v27;
	v28 =	vmul.f32 v63, v14;
	v30 =	vadd.f32 v33, v30;
	v33 =	vld [tilespmem:s28+$0xFFFFFA90]  }
0x1fb: {  	v25 =	vadd.f32 v43, v42;
	v27 =	vmul.f32 v51, v18;
	v63 =	vmul.f32 v55, v12;
	v55 =	vld [tilespmem:s28+$0xFFFFFAA0]  }
0x1fc: {  	v46 =	vmul.f32 v39, v17;
	v39 =	vld [tilespmem:s28+$0xFFFFFB60];
	v21 =	vadd.f32 v22, v21;
	v24 =	vadd.f32 v60, v59  }
0x1fd: {  	v43 =	vld [tilespmem:s28+$0xFFFFFA40];
	v22 =	vmul.f32 v29, v11;
	v26 =	vadd.f32 v28, v26;
	v27 =	vadd.f32 v27, v35  }
0x1fe: {  	v59 =	vld [tilespmem:s28+$0xFFFFF9D0];
	v29 =	vmul.f32 v57, v14;
	v31 =	vadd.f32 v63, v31;
	v50 =	vadd.f32 v47, v46  }
0x1ff: {  	v60 =	vld [tilespmem:s28+$0xFFFFFA00];
	v21 =	vadd.f32 v24, v21;
	v22 =	vadd.f32 v62, v22;
	v23 =	vmul.f32 v23, v12  }
0x200: {  	v42 =	vld [tilespmem:s28+$0xFFFFFA30];
	v24 =	vadd.f32 v49, v48;
	v57 =	vmul.f32 v45, v16;
	v33 =	vmul.f32 v33, v12  }
0x201: {  	v62 =	vld [tilespmem:s28+$0xFFFFFA20];
	v27 =	vadd.f32 v27, v30;
	v34 =	vmul.f32 v55, v13;
	v39 =	vmul.f32 v39, v17  }
0x202: {  	v30 =	vld [tilespmem:s28+$0xFFFFFA80];
	v54 =	vperm.xlane v21, v4;
	v22 =	vadd.f32 v25, v22;
	v25 =	vmul.f32 v56, v13  }
0x203: {  	v40 =	vld [tilespmem:s28+$0x260];
	v24 =	vadd.f32 v24, v52;
	v52 =	vmul.f32 v61, v12;
	v56 =	vmul.f32 v43, v15  }
0x204: {  	v47 =	vld [tilespmem:s28+$0xFFFFFAF0];
	v23 =	vadd.f32 v23, v37;
	v44 =	vmul.f32 v59, v16;
	v51 =	vmul.f32 v60, v11  }
0x205: {  	v48 =	vld [tilespmem:s28+$0xFFFFFA60];
	v21 =	vadd.f32 v21, v54;
	v22 =	vadd.f32 v24, v22;
	v24 =	vmul.f32 v58, v15  }
0x206: {  	v49 =	vld [tilespmem:s28+$0xFFFFFA70];
	v25 =	vadd.f32 v29, v25;
	v54 =	vmul.f32 v42, v14;
	v23 =	vadd.f32 v26, v23  }
0x207: {  	v60 =	vld [tilespmem:s28+$0xFFFFFAC0];
	v53 =	vmul.f32 v62, v13;
	v30 =	vmul.f32 v30, v11;
	v24 =	vadd.f32 v44, v24  }
0x208: {  	v58 =	vld [tilespmem:s28+$0xFFFFFAB0];
	v32 =	vperm.xlane v21, v5;
	v25 =	vadd.f32 v25, v31;
	v31 =	vadd.f32 v52, v51  }
0x209: {  	v63 =	vld [tilespmem:s28+$0xFFFFFAE0];
	v38 =	vperm.xlane v22, v4;
	v23 =	vadd.f32 v27, v23;
	v26 =	vadd.f32 v54, v53  }
0x20a: {  	v59 =	vmul.f32 v48, v17;
	v62 =	vld [tilespmem:s28+$0xFFFFFAD0];
	v27 =	vadd.f32 v57, v56;
	v30 =	vadd.f32 v33, v30  }
0x20b: {  	v42 =	vld [tilespmem:s28+$0xFFFFFB40];
	v29 =	vmul.f32 v49, v18;
	v21 =	vadd.f32 v21, v32;
	v22 =	vadd.f32 v22, v38  }
0x20c: {  	v52 =	vld [tilespmem:s28+$0xFFFFFB30];
	v24 =	vadd.f32 v50, v24;
	v55 =	vmul.f32 v60, v15;
	v38 =	vmul.f32 v47, v18  }
0x20d: {  	v54 =	vld [tilespmem:s28+$0xFFFFFB50];
	v46 =	vperm.xlane v23, v4;
	v26 =	vadd.f32 v26, v31;
	v36 =	vmul.f32 v58, v14  }
0x20e: {  	v56 =	vld [tilespmem:s28+$0xFFFFFB70];
	v24 =	vadd.f32 v24, v25;
	v61 =	vperm.xlane v21, v6;
	v25 =	vadd.f32 v29, v59  }
0x20f: {  	v31 =	vld [tilespmem:s28+$0xFFFFFB10];
	v45 =	vperm.xlane v22, v5;
	v28 =	vmul.f32 v62, v16;
	v23 =	vadd.f32 v23, v46  }
0x210: {  	v58 =	vld [tilespmem:s28+$0xFFFFFBA0];
	v29 =	vmul.f32 v63, v17;
	v57 =	vadd.f32 v36, v34;
	v21 =	vadd.f32 v21, v61  }
0x211: {  	v62 =	vld [tilespmem:s28+$0xFFFFFBC0];
	v48 =	vperm.xlane v24, v4;
	v25 =	vadd.f32 v25, v27;
	v22 =	vadd.f32 v22, v45  }
0x212: {  	v63 =	vld [tilespmem:s28+$0xFFFFFBD0];
	v28 =	vadd.f32 v28, v55;
	v29 =	vadd.f32 v38, v29;
	v35 =	vmul.f32 v54, v16  }
0x213: {  	v34 =	vld [tilespmem:s28+$0xFFFFFB90];
	v37 =	vmul.f32 v56, v18;
	v51 =	vperm.xlane v23, v5;
	v30 =	vadd.f32 v57, v30  }
0x214: {  	v27 =	vld [tilespmem:s28+$0xFFFFFB00];
	v49 =	vperm.xlane v21, v7;
	v24 =	vadd.f32 v24, v48;
	v25 =	vadd.f32 v25, v26  }
0x215: {  	v61 =	vld [tilespmem:s28+$0xFFFFFBB0];
	v50 =	vperm.xlane v22, v6;
	v28 =	vadd.f32 v29, v28;
	v31 =	vmul.f32 v31, v12  }
0x216: {  	v46 =	vld [tilespmem:s28+$0x0];
	v32 =	vmul.f32 v58, v13;
	v23 =	vadd.f32 v23, v51;
	v51 =	vmul.f32 v52, v14  }
0x217: {  	v54 =	vld [tilespmem:s28+$0x30];
	v56 =	vadd.f32 v37, v39;
	v29 =	vmul.f32 v62, v15;
	v33 =	vmul.f32 v63, v16  }
0x218: {  	v26 =	vld [tilespmem:s28+$0xFFFFFB20];
	v21 =	vadd.f32 v21, v49;
	v53 =	vperm.xlane v24, v5;
	v41 =	vperm.xlane v25, v4  }
0x219: {  	v48 =	vld [tilespmem:s28+$0xFFFFFBE0];
	v22 =	vadd.f32 v22, v50;
	v34 =	vmul.f32 v34, v12;
	v59 =	vperm.xlane v23, v6  }
0x21a: {  	v39 =	vld [tilespmem:s28+$0x70];
	v28 =	vadd.f32 v28, v30;
	v27 =	vmul.f32 v27, v11;
	v58 =	vmul.f32 v61, v14  }
0x21b: {  	v52 =	vld [tilespmem:s28+$0x20];
	v29 =	vadd.f32 v33, v29;
	v24 =	vadd.f32 v24, v53;
	v43 =	vperm.xlane v22, v7  }
0x21c: {  	v63 =	vld [tilespmem:s28+$0xB0];
	v25 =	vadd.f32 v25, v41;
	v21 =	vperm.xlane v21, v8;
	v45 =	vperm.xlane v28, v4  }
0x21d: {  	v50 =	vld [tilespmem:s28+$0x10];
	v53 =	vmul.f32 v42, v15;
	v23 =	vadd.f32 v23, v59;
	v26 =	vmul.f32 v26, v13  }
0x21e: {  	v49 =	vld [tilespmem:s28+$0xFFFFFBF0];
	v27 =	vadd.f32 v31, v27;
	v59 =	vmul.f32 v48, v17;
	v62 =	vadd.f32 v58, v32  }
0x21f: {  	v37 =	vld [tilespmem:s28+$0x60];
	v58 =	vmul.f32 v39, v18;
	v22 =	vadd.f32 v22, v43;
	v60 =	vperm.xlane v24, v6  }
0x220: {  	v41 =	vld [tilespmem:s28+$0xFFFFFB80];
	v44 =	vperm.xlane v25, v5;
	v28 =	vadd.f32 v28, v45;
	v52 =	vmul.f32 v52, v13  }
0x221: {  	v31 =	vld [tilespmem:s28+$0x50];
	v32 =	vmul.f32 v63, v14;
	v36 =	vperm.xlane v23, v7;
	v26 =	vadd.f32 v51, v26  }
0x222: {  	v48 =	vld [tilespmem:s28+$0xC0];
	v50 =	vmul.f32 v50, v12;
	v24 =	vadd.f32 v24, v60;
	v22 =	vperm.xlane v22, v8  }
0x223: {  	v45 =	vld [tilespmem:s28+$0x40];
	v25 =	vadd.f32 v25, v44;
	v55 =	vperm.xlane v28, v5;
	v60 =	vmul.f32 v49, v18  }
0x224: {  	v61 =	vld [tilespmem:s28+$0xA0];
	v49 =	vmul.f32 v46, v11;
	v23 =	vadd.f32 v23, v36;
	v26 =	vadd.f32 v26, v27  }
0x225: {  	v42 =	vld [tilespmem:s28+$0x140];
	v57 =	vmul.f32 v41, v11;
	v38 =	vperm.xlane v24, v7;
	v21 =	vsel vm0, v21, v22  }
0x226: {  	v43 =	vld [tilespmem:s28+$0x120];
	v22 =	vperm.xlane v25, v6;
	v28 =	vadd.f32 v28, v55;
	v31 =	vmul.f32 v31, v16  }
0x227: {  	v51 =	vld [tilespmem:s28+$0xD0];
	v27 =	vadd.f32 v50, v49;
	v30 =	vmul.f32 v48, v15;
	v23 =	vperm.xlane v23, v8  }
0x228: {  	v36 =	vld [tilespmem:s28+$0x150];
	v55 =	vmul.f32 v45, v15;
	v24 =	vadd.f32 v24, v38;
	v22 =	vadd.f32 v25, v22  }
0x229: {  	v41 =	vld [tilespmem:s28+$0x80];
	v25 =	vadd.f32 v35, v53;
	v53 =	vmul.f32 v54, v14;
	v50 =	vperm.xlane v28, v6  }
0x22a: {  	v38 =	vld [tilespmem:s28+$0x90];
	v21 =	vsel vm15, v21, v23;
	v23 =	vadd.f32 v34, v57;
	v57 =	vmul.f32 v37, v17  }
0x22b: {  	v35 =	vld [tilespmem:s28+$0x130];
	v31 =	vadd.f32 v31, v55;
	v25 =	vadd.f32 v56, v25;
	v24 =	vperm.xlane v24, v8  }
0x22c: {  	v39 =	vld [tilespmem:s28+$0x100];
	v49 =	vperm.xlane v22, v7;
	v28 =	vadd.f32 v28, v50;
	v50 =	vmul.f32 v43, v13  }
0x22d: {  	v56 =	vld [tilespmem:s28+$0xF0];
	v36 =	vmul.f32 v36, v16;
	v23 =	vadd.f32 v62, v23;
	v25 =	vadd.f32 v25, v26  }
0x22e: {  	v54 =	vld [tilespmem:s28+$0xE0];
	v26 =	vadd.f32 v60, v59;
	v59 =	vmul.f32 v41, v11;
	v60 =	vmul.f32 v61, v13  }
0x22f: {  	v37 =	vld [tilespmem:s28+$0x160];
	v61 =	vmul.f32 v51, v16;
	v22 =	vadd.f32 v22, v49;
	v38 =	vmul.f32 v38, v12  }
0x230: {  	v41 =	vld [tilespmem:s28+$0x110];
	v35 =	vmul.f32 v35, v14;
	v26 =	vadd.f32 v26, v29;
	v29 =	vadd.f32 v53, v52  }
0x231: {  	v47 =	vperm.xlane v25, v4;
	v32 =	vadd.f32 v32, v60;
	v33 =	vadd.f32 v38, v59;
	v38 =	vld [tilespmem:s28+$0x1B0]  }
0x232: {  	v30 =	vadd.f32 v61, v30;
	v63 =	vmul.f32 v56, v18;
	v56 =	vld [tilespmem:s28+$0x1D0];
	v35 =	vadd.f32 v35, v50  }
0x233: {  	v62 =	vmul.f32 v54, v17;
	v50 =	vld [tilespmem:s28+$0x310];
	v25 =	vadd.f32 v25, v47;
	v23 =	vadd.f32 v26, v23  }
0x234: {  	v22 =	vperm.xlane v22, v8;
	v26 =	vadd.f32 v58, v57;
	v27 =	vadd.f32 v29, v27;
	v29 =	vld [tilespmem:s28+$0x170]  }
0x235: {  	v47 =	vld [tilespmem:$0x1FF30];
	v57 =	vperm.xlane v28, v7;
	v45 =	vadd.f32 v63, v62;
	v48 =	vadd.f32 v32, v33  }
0x236: {  	v58 =	vld [tilespmem:s28+$0x1E0];
	v44 =	vperm.xlane v25, v5;
	v46 =	vperm.xlane v23, v4;
	v26 =	vadd.f32 v26, v31  }
0x237: {  	v37 =	vmul.f32 v37, v17;
	v59 =	vld [tilespmem:$0x1FF40];
	v28 =	vadd.f32 v28, v57;
	v30 =	vadd.f32 v45, v30  }
0x238: {  	v33 =	vld [tilespmem:s28+$0x190];
	v49 =	vmul.f32 v41, v12;
	v25 =	vadd.f32 v25, v44;
	v23 =	vadd.f32 v23, v46  }
0x239: {  	v41 =	vld [tilespmem:s28+$0x210];
	v26 =	vadd.f32 v26, v27;
	v38 =	vmul.f32 v38, v14;
	v28 =	vperm.xlane v28, v8  }
0x23a: {  	v31 =	vld [tilespmem:s28+$0x180];
	v50 =	vmul.f32 v50, v12;
	vm0 =	vnez.u8 v47;
	v29 =	vmul.f32 v29, v18  }
0x23b: {  	v55 =	vld [tilespmem:s28+$0x1C0];
	v34 =	vmul.f32 v58, v17;
	v21 =	vsel vm0, v21, v24;
	v51 =	vperm.xlane v25, v6  }
0x23c: {  	v61 =	vld [tilespmem:s28+$0x1F0];
	v24 =	vadd.f32 v30, v48;
	v52 =	vperm.xlane v23, v5;
	v53 =	vperm.xlane v26, v4  }
0x23d: {  	v27 =	vld [tilespmem:s28+$0x1A0];
	vm0 =	vnez.u8 v59;
	v48 =	vmul.f32 v39, v11;
	v33 =	vmul.f32 v33, v12  }
0x23e: {  	v43 =	vld [tilespmem:s28+$0x220];
	v30 =	vmul.f32 v56, v16;
	v41 =	vmul.f32 v41, v12;
	v21 =	vsel vm0, v21, v22  }
0x23f: {  	v45 =	vld [tilespmem:s28+$0x280];
	v31 =	vmul.f32 v31, v11;
	v29 =	vadd.f32 v29, v37;
	v54 =	vperm.xlane v24, v4  }
0x240: {  	v46 =	vld [tilespmem:s28+$0x330];
	v25 =	vadd.f32 v25, v51;
	v23 =	vadd.f32 v23, v52;
	v51 =	vmul.f32 v42, v15  }
0x241: {  	v47 =	vld [tilespmem:s28+$0x200];
	v26 =	vadd.f32 v26, v53;
	v53 =	vmul.f32 v55, v15;
	v55 =	vmul.f32 v61, v18  }
0x242: {  	v39 =	vld [tilespmem:s28+$0x250];
	v21 =	vsel vm5, v21, v28;
	v27 =	vmul.f32 v27, v13;
	v31 =	vadd.f32 v33, v31  }
0x243: {  	v42 =	vld [tilespmem:s28+$0x230];
	v24 =	vadd.f32 v24, v54;
	v22 =	vperm.xlane v25, v7;
	v60 =	vperm.xlane v23, v6  }
0x244: {  	v52 =	vld [tilespmem:s28+$0x240];
	v62 =	vperm.xlane v26, v5;
	v32 =	vadd.f32 v36, v51;
	v30 =	vadd.f32 v30, v53  }
0x245: {  	v33 =	vld [tilespmem:s28+$0x290];
	v34 =	vadd.f32 v55, v34;
	v51 =	vmul.f32 v43, v13;
	v27 =	vadd.f32 v38, v27  }
0x246: {  	v54 =	vld [tilespmem:s28+$0x270];
	v53 =	vmul.f32 v40, v17;
	v22 =	vadd.f32 v25, v22;
	v23 =	vadd.f32 v23, v60  }
0x247: {  	v36 =	vld [tilespmem:s28+$0x2A0];
	v39 =	vmul.f32 v39, v16;
	v26 =	vadd.f32 v26, v62;
	v25 =	vadd.f32 v49, v48  }
0x248: {  	v43 =	vld [tilespmem:s28+$0x320];
	v63 =	vperm.xlane v24, v5;
	v29 =	vadd.f32 v29, v32;
	v58 =	vadd.f32 v34, v30  }
0x249: {  	v55 =	vld [tilespmem:s28+$0x340];
	v49 =	vmul.f32 v47, v11;
	v27 =	vadd.f32 v27, v31;
	v42 =	vmul.f32 v42, v14  }
0x24a: {  	v32 =	vld [tilespmem:s28+$0x2B0];
	v52 =	vmul.f32 v52, v15;
	v24 =	vadd.f32 v24, v63;
	v56 =	vperm.xlane v26, v6  }
0x24b: {  	v30 =	vld [tilespmem:s28+$0x2C0];
	v25 =	vadd.f32 v35, v25;
	v22 =	vperm.xlane v22, v8;
	v59 =	vperm.xlane v23, v7  }
0x24c: {  	v60 =	vld [tilespmem:s28+$0x2E0];
	v33 =	vmul.f32 v33, v12;
	v27 =	vadd.f32 v58, v27;
	v54 =	vmul.f32 v54, v18  }
0x24d: {  	v62 =	vld [tilespmem:s28+$0x2F0];
	v36 =	vmul.f32 v36, v13;
	v34 =	vadd.f32 v39, v52;
	v52 =	vmul.f32 v43, v13  }
0x24e: {  	v55 =	vmul.f32 v55, v15;
	v57 =	vperm.xlane v24, v6;
	v26 =	vadd.f32 v26, v56  }
0x24f: {  	v38 =	vld [tilespmem:s28+$0x300];
	v25 =	vadd.f32 v29, v25;
	v21 =	vsel vm6, v21, v22;
	v56 =	vmul.f32 v45, v11  }
0x250: {  	v31 =	vld [tilespmem:s28+$0x2D0];
	v23 =	vadd.f32 v23, v59;
	v48 =	vperm.xlane v27, v4;
	v32 =	vmul.f32 v32, v14  }
0x251: {  	v58 =	vld [tilespmem:s28+$0x360];
	v29 =	vadd.f32 v42, v51;
	v30 =	vmul.f32 v30, v15;
	v28 =	vmul.f32 v60, v17  }
0x252: {  	v39 =	vld [tilespmem:s28+$0x370];
	v37 =	vadd.f32 v54, v53;
	v35 =	vmul.f32 v62, v18;
	v53 =	vmul.f32 v46, v14  }
0x253: {  	v59 =	vld [tilespmem:s28+$0x380];
	v24 =	vadd.f32 v24, v57;
	v22 =	vperm.xlane v26, v7;
	v33 =	vadd.f32 v33, v56  }
0x254: {  	v51 =	vld [tilespmem:s28+$0x3D0];
	v63 =	vperm.xlane v25, v4;
	v27 =	vadd.f32 v27, v48;
	v32 =	vadd.f32 v32, v36  }
0x255: {  	v60 =	vld [tilespmem:s28+$0x390];
	v31 =	vmul.f32 v31, v16;
	v28 =	vadd.f32 v35, v28;
	v62 =	vadd.f32 v37, v34  }
0x256: {  	v57 =	vld [tilespmem:s28+$0x350];
	v23 =	vperm.xlane v23, v8;
	v22 =	vadd.f32 v26, v22;
	v25 =	vadd.f32 v25, v63  }
0x257: {  	v54 =	vld [tilespmem:s28+$0x3E0];
	v61 =	vperm.xlane v24, v7;
	v26 =	vadd.f32 v41, v49;
	v30 =	vadd.f32 v31, v30  }
0x258: {  	v48 =	vld [tilespmem:s28+$0x3C0];
	v21 =	vsel vm7, v21, v23;
	v49 =	vmul.f32 v38, v11;
	v58 =	vmul.f32 v58, v17  }
0x259: {  	v63 =	vld [tilespmem:s28+$0x3B0];
	v39 =	vmul.f32 v39, v18;
	v59 =	vmul.f32 v59, v11;
	v24 =	vadd.f32 v24, v61  }
0x25a: {  	v22 =	vperm.xlane v22, v8;
	v61 =	vld [tilespmem:s28+$0x3A0];
	v23 =	vadd.f32 v29, v26;
	v28 =	vadd.f32 v28, v30  }
0x25b: {  	v26 =	vadd.f32 v50, v49;
	v36 =	vmul.f32 v60, v12;
	v56 =	vmul.f32 v57, v16;
	v57 =	vld [tilespmem:s28+$0x3F0]  }
0x25c: {  	v34 =	vadd.f32 v39, v58;
	v35 =	vmul.f32 v54, v17;
	v39 =	vperm.xlane v27, v5  }
0x25d: {  	v21 =	vsel vm8, v21, v22;
	v22 =	vadd.f32 v32, v33;
	v23 =	vadd.f32 v62, v23  }
0x25e: {  	v30 =	vmul.f32 v48, v15;
	v33 =	vmul.f32 v51, v16;
	v36 =	vadd.f32 v36, v59  }
0x25f: {  	v27 =	vadd.f32 v27, v39;
	v37 =	vadd.f32 v56, v55;
	v29 =	vmul.f32 v63, v14  }
0x260: {  	v22 =	vadd.f32 v28, v22;
	v31 =	vmul.f32 v61, v13;
	v32 =	vmul.f32 v57, v18  }
0x261: {  	v24 =	vperm.xlane v24, v8;
	v28 =	vadd.f32 v53, v52;
	v30 =	vadd.f32 v33, v30  }
0x262: {  	v60 =	vmov s26;
	v29 =	vadd.f32 v29, v31;
	v32 =	vadd.f32 v32, v35  }
0x263: {  	v21 =	vsel vm9, v21, v24;
	v62 =	vadd.f32 v34, v37;
	v26 =	vadd.f32 v28, v26  }
0x264: {  	v38 =	vperm.xlane v23, v4;
	v63 =	vadd.f32 v29, v36;
	v36 =	vadd.f32 v32, v30  }
0x265: {  	v43 =	vperm.xlane v27, v6;
	v61 =	vshll.u32 v60, $0x8;
	v26 =	vadd.f32 v62, v26  }
0x266: {  	v37 =	vperm.xlane v25, v5;
	v40 =	vperm.xlane v22, v4;
	v24 =	vadd.f32 v36, v63  }
0x267: {  	v23 =	vadd.f32 v23, v38;
	v27 =	vadd.f32 v27, v43;
	v41 =	vperm.xlane v26, v4  }
0x268: {  	v31 =	vor.u32 v2, v61;
	v22 =	vadd.f32 v22, v40;
	v42 =	vperm.xlane v24, v4  }
0x269: {  	v25 =	vadd.f32 v25, v37;
	v32 =	vperm.xlane v23, v5;
	v26 =	vadd.f32 v26, v41  }
0x26a: {  	v31 =	vand.u32 $0x7800, v31;
	v33 =	vperm.xlane v22, v5;
	v24 =	vadd.f32 v24, v42  }
0x26b: {  	v30 =	vperm.xlane v25, v6;
	v23 =	vadd.f32 v23, v32;
	v44 =	vperm.xlane v26, v5  }
0x26c: {  	v46 =	vperm.xlane v27, v7;
	v22 =	vadd.f32 v22, v33;
	v45 =	vperm.xlane v24, v5  }
0x26d: {  	v25 =	vadd.f32 v25, v30;
	v32 =	vperm.xlane v23, v6;
	v26 =	vadd.f32 v26, v44  }
0x26e: {  	v48 =	vor.u32 v9, v31;
	v33 =	vperm.xlane v22, v6;
	v24 =	vadd.f32 v24, v45  }
0x26f: {  	v30 =	vperm.xlane v25, v7;
	v23 =	vadd.f32 v23, v32;
	v47 =	vperm.xlane v26, v6  }
0x270: {  	v51 =	vor.u32 v3, v31;
	v22 =	vadd.f32 v22, v33;
	v49 =	vperm.xlane v24, v6  }
0x271: {  	v25 =	vadd.f32 v25, v30;
	v50 =	vperm.xlane v23, v7;
	v26 =	vadd.f32 v26, v47  }
0x272: {  	v27 =	vadd.f32 v27, v46;
	v52 =	vperm.xlane v22, v7;
	v24 =	vadd.f32 v24, v49  }
0x273: {  	v25 =	vperm.xlane v25, v8;
	v23 =	vadd.f32 v23, v50;
	v53 =	vperm.xlane v26, v7  }
0x274: {  	v27 =	vperm.xlane v27, v8;
	v55 =	vld.idx.msk [tilespmem:v48+s3+$0x0], $0xffff;
	v22 =	vadd.f32 v22, v52;
	v54 =	vperm.xlane v24, v7  }
0x275: {  	v21 =	vsel vm10, v21, v25;
	v23 =	vperm.xlane v23, v8;
	v56 =	vadd.f32 v26, v53  }
0x276: {  	v21 =	vsel vm11, v21, v27;
	v22 =	vperm.xlane v22, v8;
	v24 =	vadd.f32 v24, v54  }
0x277: {  	v21 =	vsel vm12, v21, v23;
	v23 =	vperm.xlane v56, v8  }
0x278: {  	v57 =	vld.idx.msk [tilespmem:v51+s3+$0x0], $0xffff;
	v21 =	vsel vm13, v21, v22;
	v22 =	vperm.xlane v24, v8  }
0x279: {  	v21 =	vsel vm14, v21, v23;
	v23 =	vmul.f32 v55, v20  }
0x27a: {  	v21 =	vsel vm3, v21, v22  }
0x27b: {  	v21 =	vadd.f32 v23, v21;
	_ =	sdelay $0x1  }
0x27c: {  	v22 =	vtrunc.f32 v57;
	v21 =	vadd.f32 v21, v19  }
0x27d: {  	v22 =	vcvt.f32.s32 v22  }
0x27e: {  	v21 =	vmax.f32 v21, $0.0e+00  }
0x27f: {  	v58 =	vperm.xlane v22, v4;
	v23 =	vperm.xlane v21, v4;
	_ =	sdelay $0x1  }
0x280: {  	v59 =	vperm.xlane v22, v10;
	vm0 =	veq.s32 v58, v22;
	v23 =	vmax.f32 v21, v23  }
0x281: {  	v21 =	vsel vm0, v23, v21  }
0x282: {  	v60 =	vperm.xlane v22, v5;
	vm0 =	vne.s32 v59, v22;
	v23 =	vperm.xlane v21, v5  }
0x283: {  	vm0 =	vmor vm0, vm4  }
0x284: {  	vm15 =	veq.s32 v60, v22;
	v23 =	vmax.f32 v21, v23  }
0x285: {  	v21 =	vsel vm15, v23, v21  }
0x286: {  	v61 =	vperm.xlane v22, v6;
	v23 =	vperm.xlane v21, v6;
	_ =	sdelay $0x1  }
0x287: {  	vm15 =	veq.s32 v61, v22;
	v23 =	vmax.f32 v21, v23  }
0x288: {  	v21 =	vsel vm15, v23, v21;
	v23 =	vld.idx.msk [tilespmem:v22+s16+$0x0], vm0  }
0x289: {  	p0 =	sne.s32 s26, $0x40;
	v63 =	vperm.xlane v22, v7;
	v62 =	vperm.xlane v21, v7  }
.Ltmp4:
0x28a: {  	_ = 	snop;
	(pc) =	sbr.rel @p0 .LBB2_10-.Ltmp4, $4  }
0x28b: {  	vm15 =	veq.s32 v63, v22;
	v24 =	vmax.f32 v21, v62  }
0x28c: {  	v21 =	vsel vm15, v24, v21  }
0x28d: {  	v21 =	vmax.f32 v23, v21  }
0x28e: {  	s26 =	sadd.s32 $0x10, s26;
	s28 =	sadd.s32 $0x1000, s28;
	vm15 =	vmmov vm2;
	[tilespmem:v22+s16+$0x0] =	vst.idx.msk vm0, v21;
	vm0 =	vmmov vm1  }
0x28f: {  	[spmem:s8] =	stream.strided.scatter [tilespmem:s16], [sflag:$0x3], $0x2800, s19, s18, $0x38;
	[tilespmem:$0x11B80] =	vst v63  }
0x290: {  	_ =	swait.ge [sflag:s13], $0x2800  }
0x291: {  	[sflag:s13] =	ssyncset.done $0x0  }
0x292: {  	[sflag:s13] =	ssyncadd.s32 $0xFFFFD800  }
0x293: {  	[bflag:$0x0] =	sbarrier.arrive $0xFFFF  }
0x294: {  	[tilespmem:s22], [sflag:$0x3] =	stream.strided.gather [spmem:s9], $0x2800, s21, s20, $0x38;
	[tilespmem:$0x11B80] =	vst v63  }
0x295: {  	s26 =	simm.s32 $0x0;
	_ =	swait.ge [sflag:s13], $0x2800  }
0x296: {  	s28 =	sand.u32 $0x70, s26;
	s26 =	sand.u32 $0x1C00, s26;
	[sflag:s13] =	ssyncset.done $0x0  }
0x297: {  	s26 =	sor.u32 s28, s26;
	[sflag:s13] =	ssyncadd.s32 $0xFFFFD800  }
0x298: {  	v11 =	vld [tilespmem:s26+$0xF180]  }
0x299: {  	v12 =	vld [tilespmem:s26+$0xF100]  }
0x29a: {  	v13 =	vld [tilespmem:s26+$0xF200]  }
0x29b: {  	v14 =	vld [tilespmem:s26+$0xF280]  }
0x29c: {  	v15 =	vld [tilespmem:s26+$0xF300]  }
0x29d: {  	v16 =	vld [tilespmem:s26+$0xF380]  }
0x29e: {  	v54 =	vld [tilespmem:s26+$0xF400];
	v11 =	vmax.f32 v12, v11  }
0x29f: {  	v55 =	vld [tilespmem:s26+$0xF480];
	v11 =	vmax.f32 v11, v13  }
0x2a0: {  	v56 =	vld [tilespmem:s26+$0x10500];
	v11 =	vmax.f32 v11, v14  }
0x2a1: {  	v57 =	vld [tilespmem:s26+$0x10580];
	v11 =	vmax.f32 v11, v15  }
0x2a2: {  	v58 =	vld [tilespmem:s26+$0x10600];
	v11 =	vmax.f32 v11, v16  }
0x2a3: {  	v59 =	vld [tilespmem:s26+$0x10680];
	v11 =	vmax.f32 v11, v54  }
0x2a4: {  	v60 =	vld [tilespmem:s26+$0x10700];
	v11 =	vmax.f32 v11, v55  }
0x2a5: {  	v61 =	vld [tilespmem:s26+$0x10780];
	v11 =	vmax.f32 v11, v56  }
0x2a6: {  	v62 =	vld [tilespmem:s26+$0x10800];
	v11 =	vmax.f32 v11, v57  }
0x2a7: {  	v63 =	vld [tilespmem:s26+$0x10880];
	v11 =	vmax.f32 v11, v58  }
0x2a8: {  	v11 =	vmax.f32 v11, v59  }
0x2a9: {  	v11 =	vmax.f32 v11, v60  }
0x2aa: {  	v11 =	vmax.f32 v11, v61  }
0x2ab: {  	s29 =	simm.s32 $0x80;
	s28 =	simm.s32 $0x10;
	v11 =	vmax.f32 v11, v62  }
0x2ac: {  	s30 =	sand.u32 $0x1C00, s29;
	s28 =	sand.u32 $0x70, s28;
	s26 =	simm.s32 $0x11900;
	v11 =	vmax.f32 v11, v63  }
0x2ad: {  	s28 =	sor.u32 s28, s30;
	s30 =	simm.s32 $0x20;
	[tilespmem:s26+$0x0] =	vst v11  }
.LBB2_12:
0x2ae: {  	p0 =	sne.s32 s30, $0x270;
	v11 =	vld [tilespmem:s28+$0xF180]  }
0x2af: {  	v12 =	vld [tilespmem:s28+$0xF100]  }
0x2b0: {  	v13 =	vld [tilespmem:s28+$0xF200]  }
0x2b1: {  	v14 =	vld [tilespmem:s28+$0xF280]  }
0x2b2: {  	v15 =	vld [tilespmem:s28+$0xF300]  }
0x2b3: {  	v16 =	vld [tilespmem:s28+$0xF380]  }
0x2b4: {  	v11 =	vmax.f32 v12, v11;
	v12 =	vld [tilespmem:s28+$0xF400]  }
0x2b5: {  	v11 =	vmax.f32 v11, v13;
	v13 =	vld [tilespmem:s28+$0xF480]  }
0x2b6: {  	v11 =	vmax.f32 v11, v14;
	v14 =	vld [tilespmem:s28+$0x10500]  }
0x2b7: {  	v11 =	vmax.f32 v11, v15;
	v15 =	vld [tilespmem:s28+$0x10580]  }
0x2b8: {  	v11 =	vmax.f32 v11, v16;
	v16 =	vld [tilespmem:s28+$0x10600]  }
0x2b9: {  	v11 =	vmax.f32 v11, v12;
	v12 =	vld [tilespmem:s28+$0x10680]  }
0x2ba: {  	v11 =	vmax.f32 v11, v13;
	v13 =	vld [tilespmem:s28+$0x10700]  }
0x2bb: {  	v11 =	vmax.f32 v11, v14;
	v14 =	vld [tilespmem:s28+$0x10780]  }
0x2bc: {  	v11 =	vmax.f32 v11, v15;
	v15 =	vld [tilespmem:s28+$0x10800]  }
0x2bd: {  	v11 =	vmax.f32 v11, v16;
	v16 =	vld [tilespmem:s28+$0x10880]  }
0x2be: {  	v11 =	vmax.f32 v11, v12  }
.Ltmp5:
0x2bf: {  	v11 =	vmax.f32 v11, v13;
	(pc) =	sbr.rel @p0 .LBB2_12-.Ltmp5, $4  }
0x2c0: {  	v11 =	vmax.f32 v11, v14  }
0x2c1: {  	s29 =	sadd.s32 $0x80, s29;
	v11 =	vmax.f32 v11, v15  }
0x2c2: {  	s26 =	sadd.s32 $0x10, s26;
	s31 =	sand.u32 $0x1C00, s29;
	s28 =	sand.u32 $0x70, s30;
	v11 =	vmax.f32 v11, v16  }
0x2c3: {  	s30 =	sadd.s32 $0x10, s30;
	s28 =	sor.u32 s28, s31;
	[tilespmem:s26+$0x0] =	vst v11  }
0x2c4: {  	v11 =	vld [tilespmem:s28+$0xF180]  }
0x2c5: {  	v12 =	vld [tilespmem:s28+$0xF100]  }
0x2c6: {  	v13 =	vld [tilespmem:s28+$0xF200]  }
0x2c7: {  	v14 =	vld [tilespmem:s28+$0xF280]  }
0x2c8: {  	v15 =	vld [tilespmem:s28+$0xF300]  }
0x2c9: {  	v16 =	vld [tilespmem:s28+$0xF380]  }
0x2ca: {  	v54 =	vld [tilespmem:s28+$0xF400];
	v11 =	vmax.f32 v12, v11  }
0x2cb: {  	v55 =	vld [tilespmem:s28+$0xF480];
	v11 =	vmax.f32 v11, v13  }
0x2cc: {  	v56 =	vld [tilespmem:s28+$0x10500];
	v11 =	vmax.f32 v11, v14  }
0x2cd: {  	v57 =	vld [tilespmem:s28+$0x10580];
	v11 =	vmax.f32 v11, v15  }
0x2ce: {  	v58 =	vld [tilespmem:s28+$0x10600];
	v11 =	vmax.f32 v11, v16  }
0x2cf: {  	v59 =	vld [tilespmem:s28+$0x10680];
	v11 =	vmax.f32 v11, v54  }
0x2d0: {  	v60 =	vld [tilespmem:s28+$0x10700];
	v11 =	vmax.f32 v11, v55  }
0x2d1: {  	v61 =	vld [tilespmem:s28+$0x10780];
	v11 =	vmax.f32 v11, v56  }
0x2d2: {  	v62 =	vld [tilespmem:s28+$0x10800];
	v11 =	vmax.f32 v11, v57  }
0x2d3: {  	v63 =	vld [tilespmem:s28+$0x10880];
	v11 =	vmax.f32 v11, v58  }
0x2d4: {  	v11 =	vmax.f32 v11, v59  }
0x2d5: {  	v11 =	vmax.f32 v11, v60  }
0x2d6: {  	v11 =	vmax.f32 v11, v61  }
0x2d7: {  	s25 =	sadd.s32 $0x1, s25;
	v11 =	vmax.f32 v11, v62  }
0x2d8: {  	s26 =	sadd.s32 $0x10, s26;
	p0 =	sne.s32 s25, s11;
	v11 =	vmax.f32 v11, v63  }
.Ltmp6:
0x2d9: {  	[tilespmem:s26+$0x0] =	vst v11;
	(pc) =	sbr.rel @p0 .LBB2_1-.Ltmp6, $4  }
0x2da: {  	[hbm4b:s10+s18] =	stream.strided.scatter [tilespmem:s24], [sflag:$0x3], $0x280, s23, s18, $0x38;
	[tilespmem:$0x11B80] =	vst v63  }
0x2db: {  	_ =	swait.ge [sflag:s13], $0x280  }
0x2dc: {  	[sflag:s13] =	ssyncset.done $0x0  }
0x2dd: {  	[sflag:s13] =	ssyncadd.s32 $0xFFFFFD80  }
0x2de: {  	_ =	sfence.sel $0x180000  }
0x2df: {  	[bflag:$0x0] =	sbarrier.arrive $0xFFFF  }
0x2e0: {  	p0 =	sne.s32 s2, $0x0;
	_ =	strace $0x90000047  }
0x2e1: {  	s0 =	sadd.s32 @!p0 $0x100000, s1;
	[bflag:$0x2] =	sbarrier.arrive $0xFFFF  }
0x2e2: {  	[sflag:s0] =	ssyncadd.tile.s32 @!p0 $0x1;
	_ =	shalt  }
.Lfunc_end2:
_tile_overlayer_lowered:
.L_overlay_start_2:
0x2e3: {  	(tag) =	ssettag $0x2  }
0x2e4: {  	s0 =	rddreg [dreg:$0x0];
	s2 =	stileid.u32  }
0x2e5: {  	s1 =	rddreg [dreg:$0x1];
	p0 =	sne.s32 s2, $0x0  }
0x2e6: {  	s3 =	rddreg [dreg:$0x2];
	[bflag:$0x3] =	sbarrier.arrive $0xFFFF;
	s2 =	simm.s32 @!p0 $0x1C03  }
0x2e7: {  	[timem:s3], [sflag:s2] =	dma.local @!p0 [hbm:s0], s1  }
0x2e8: {  	s0 =	simm.s32 @!p0 $0x3  }
0x2e9: {  	_ =	swait.ge @!p0 [sflag:s0], s1  }
0x2ea: {  	s1 =	ssub.s32 @!p0 $0x0, s1;
	[sflag:s0] =	ssyncset.done @!p0 $0x0  }
0x2eb: {  	[sflag:s0] =	ssyncadd.s32 @!p0 s1  }
0x2ec: {  	[bflag:$0x3] =	sbarrier.arrive $0xFFFF  }
0x2ed: {  	_ =	shalt  }

</sc_bundles>
